<compile_context>
chip_gen: v7x
topology: tpu7x:2x2x1
jax: 0.10.2.dev20260603
libtpu: 0.0.44.dev20260713+nightly
codegen_flags: <defaults>
</compile_context>

<pallas_src>
import functools

import jax
import jax.numpy as jnp
from jax import lax
from jax.experimental import pallas as pl
from jax.experimental.pallas import tpu as pltpu
from jax.experimental.pallas import tpu_sc as plsc

_INFO = plsc.get_sparse_core_info()
_NC = _INFO.num_cores
_NS = _INFO.num_subcores
_NW = _NC * _NS
_NBUF = 8
_LANES = 16
_BLKCOLS = 128


@functools.lru_cache(maxsize=None)
def _make_gather(vocab, dim, batch):
    b_per_w = batch // _NW
    blk = b_per_w * dim
    pad = b_per_w + _BLKCOLS + 2 * _LANES
    mesh = plsc.VectorSubcoreMesh(core_axis_name="c", subcore_axis_name="s")
    iota = lambda: lax.iota(jnp.int32, _LANES)

    @functools.partial(
        pl.kernel,
        mesh=mesh,
        compiler_params=pltpu.CompilerParams(needs_layout_passes=False),
        out_type=jax.ShapeDtypeStruct((batch * dim,), jnp.float32),
        scratch_types=[
            pltpu.VMEM((pad,), jnp.int32),
            pltpu.VMEM((pad,), jnp.int32),
            pltpu.VMEM((_NBUF, dim, _BLKCOLS), jnp.float32),
            pltpu.VMEM((blk,), jnp.float32),
            [pltpu.SemaphoreType.DMA] * _NBUF,
        ],
    )
    def gather(table_t_hbm, sidx, out_hbm, sidx_v, fpos_v, blks_v, rows_v, sems):
        wid = lax.axis_index("s") * _NC + lax.axis_index("c")
        pltpu.sync_copy(sidx.at[wid], sidx_v.at[pl.ds(_BLKCOLS, b_per_w)])
        sidx_v[pl.ds(_BLKCOLS - _LANES, _LANES)] = jnp.broadcast_to(-1, (_LANES,))

        def sorted_at(i):
            return sidx_v[pl.ds(i + _BLKCOLS, _LANES)][0]

        def scan_body(g, k):
            cur = sidx_v[pl.ds(g * _LANES + _BLKCOLS, _LANES)]
            prev = sidx_v[pl.ds(g * _LANES + _BLKCOLS - 1, _LANES)]
            chg = (cur >> 7) != (prev >> 7)
            plsc.store_compressed(
                fpos_v.at[pl.ds(k, _LANES)], iota() + g * _LANES, mask=chg
            )
            return k + plsc.all_reduce_population_count(chg)[0]

        nf = lax.fori_loop(0, b_per_w // _LANES, scan_body, 0)
        plsc.store_scatter(
            fpos_v,
            [jnp.broadcast_to(nf, (_LANES,))],
            jnp.broadcast_to(b_per_w, (_LANES,)),
            mask=iota() == 0,
        )

        def fire(f, j):
            @pl.when(f < nf)
            def _():
                pos = fpos_v[pl.ds(f, _LANES)][0]
                base = pl.multiple_of((sorted_at(pos) >> 7) << 7, _BLKCOLS)
                pltpu.async_copy(
                    table_t_hbm.at[:, pl.ds(base, _BLKCOLS)],
                    blks_v.at[j],
                    sems[j],
                )

        def extract_fetch(f, j):
            pos = fpos_v[pl.ds(f, _LANES)][0]
            nxt = fpos_v[pl.ds(f + 1, _LANES)][0]
            tcb = (sorted_at(pos) >> 7) << 7

            def inner(e, carry):
                i = pos + e
                lane = jnp.broadcast_to(sorted_at(i) - tcb, (_LANES,))
                for u in range(dim // _LANES):
                    rows = iota() + (u * _LANES)
                    vals = plsc.load_gather(blks_v.at[j], [rows, lane])
                    rows_v[pl.ds(i * dim + u * _LANES, _LANES)] = vals
                return carry

            lax.fori_loop(0, nxt - pos, inner, 0)

        for j in range(_NBUF):
            fire(j, j)

        def round_body(r, carry):
            f0 = r * _NBUF
            for j in range(_NBUF):
                f = f0 + j

                @pl.when(f < nf)
                def _():
                    pltpu.make_async_copy(
                        table_t_hbm.at[:, pl.ds(0, _BLKCOLS)],
                        blks_v.at[j],
                        sems[j],
                    ).wait()
                    extract_fetch(f, j)

                fire(f + _NBUF, j)
            return carry

        lax.fori_loop(0, (nf + _NBUF - 1) // _NBUF, round_body, 0)
        pltpu.sync_copy(rows_v, out_hbm.at[pl.ds(wid * blk, blk)])

    return gather


def kernel(class_label, table):
    batch = class_label.shape[0]
    vocab, dim = table.shape
    idx32 = class_label.astype(jnp.int32)
    sorted_idx, order = lax.sort(
        (idx32, jnp.arange(batch, dtype=jnp.int32)), num_keys=1
    )
    out = _make_gather(vocab, dim, batch)(
        table.T, sorted_idx.reshape(_NW, batch // _NW)
    )
    rows = out.reshape(batch, dim)
    _, inv = lax.sort(
        (order, jnp.arange(batch, dtype=jnp.int32)), num_keys=1
    )
    return rows[inv].reshape(batch, 1, dim)

# --- scband reference (transcript-rebuilt; emitter-appended) ---
"""Pipeline reference for scband-class-embedder-48060684042689 (READ-ONLY COPY).

The authoritative reference and input builder live on the scoring server;
editing this copy changes nothing except your own understanding.
"""

import jax, jax.numpy as jnp
import numpy as np

N_CLASSES = 1000000
EMBED_DIM = 64
BATCH = 16384


def setup_inputs(seed: int = 0) -> dict:
    key = jax.random.key(seed)
    k1, k2 = jax.random.split(key)
    class_label = jax.random.randint(k1, (BATCH,), 0, N_CLASSES, dtype=jnp.int64)
    # nn.Embedding default init: N(0, 1)
    table = jax.random.normal(k2, (N_CLASSES, EMBED_DIM), dtype=jnp.float32)
    return {"class_label": class_label, "table": table}


def reference(class_label, table):
    # c = batch[key][:, None]  -> [B, 1]
    c = class_label[:, None]
    # c = self.embedding(c)    -> [B, 1, embed_dim]
    out = jnp.take(table, c, axis=0)
    return out

if __name__ == "__main__":
    import jax
    _d = setup_inputs()
    print(jax.jit(kernel)(*tuple(_d.values())))

</pallas_src>

<mosaic_0001>
#map = affine_map<(d0, d1) -> (0, 0)>
#map1 = affine_map<(d0, d1) -> (0)>
module attributes {stable_mosaic.version = 14 : i64} {
  func.func @gather(%arg0: i32, %arg1: i32, %arg2: memref<64x1000000xf32, #tpu.memory_space<hbm>>, %arg3: memref<32x512xi32, #tpu.memory_space<hbm>>, %arg4: memref<1048576xf32, #tpu.memory_space<hbm>>, %arg5: memref<672xi32, #tpu.memory_space<vmem>>, %arg6: memref<672xi32, #tpu.memory_space<vmem>>, %arg7: memref<8x64x128xf32, #tpu.memory_space<vmem>>, %arg8: memref<32768xf32, #tpu.memory_space<vmem>>, %arg9: memref<!tpu.dma_semaphore, #tpu.memory_space<semaphore_mem>>, %arg10: memref<!tpu.dma_semaphore, #tpu.memory_space<semaphore_mem>>, %arg11: memref<!tpu.dma_semaphore, #tpu.memory_space<semaphore_mem>>, %arg12: memref<!tpu.dma_semaphore, #tpu.memory_space<semaphore_mem>>, %arg13: memref<!tpu.dma_semaphore, #tpu.memory_space<semaphore_mem>>, %arg14: memref<!tpu.dma_semaphore, #tpu.memory_space<semaphore_mem>>, %arg15: memref<!tpu.dma_semaphore, #tpu.memory_space<semaphore_mem>>, %arg16: memref<!tpu.dma_semaphore, #tpu.memory_space<semaphore_mem>>) attributes {dimension_semantics = [#tpu.dimension_semantics<core_parallel>, #tpu.dimension_semantics<subcore_parallel>], iteration_bounds = array<i64: 2, 16>, scalar_prefetch = 0 : i64, scratch_operands = 12 : i64, tpu.core_type = #tpu.core_type<sc_vector_subcore>, window_params = [{transform_indices = #map}, {transform_indices = #map}, {transform_indices = #map1}]} {
    %mul3A = arith.constant 2 : i32
    %mul3A_0 = arith.muli %arg1, %mul3A : i32
    %add3A = arith.addi %mul3A_0, %arg0 : i32
    "tpu.region"() ({
      %run_scoped3A = tpu.sem_alloc : memref<!tpu.dma_semaphore, #tpu.memory_space<semaphore_mem>>
      %dma_start3A = arith.constant 128 : i32
      %dma_start3A_82 = tpu.memref_slice %arg5[%dma_start3A] : memref<672xi32, #tpu.memory_space<vmem>> -> memref<512xi32, #tpu.memory_space<vmem>>
      %dma_start3A_83 = arith.constant 0 : i32
      %dma_start3A_84 = tpu.memref_slice %arg3[%add3A, %dma_start3A_83] : memref<32x512xi32, #tpu.memory_space<hbm>> -> memref<1x512xi32, #tpu.memory_space<hbm>>
      %dma_start3A_85 = tpu.memref_squeeze %dma_start3A_84 : memref<1x512xi32, #tpu.memory_space<hbm>> -> memref<512xi32, #tpu.memory_space<hbm>>
      %dma_start3A_86 = arith.constant 128 : i32
      %dma_start3A_87 = tpu.memref_slice %arg5[%dma_start3A_86] : memref<672xi32, #tpu.memory_space<vmem>> -> memref<512xi32, #tpu.memory_space<vmem>>
      %dma_start3A_88 = arith.constant 0 : i32
      %dma_start3A_89 = tpu.memref_slice %arg3[%add3A, %dma_start3A_88] : memref<32x512xi32, #tpu.memory_space<hbm>> -> memref<1x512xi32, #tpu.memory_space<hbm>>
      %dma_start3A_90 = tpu.memref_squeeze %dma_start3A_89 : memref<1x512xi32, #tpu.memory_space<hbm>> -> memref<512xi32, #tpu.memory_space<hbm>>
      tpu.enqueue_dma source(%dma_start3A_90 : memref<512xi32, #tpu.memory_space<hbm>>) target(%dma_start3A_87 : memref<512xi32, #tpu.memory_space<vmem>>) target_semaphore(%run_scoped3A : memref<!tpu.dma_semaphore, #tpu.memory_space<semaphore_mem>>)
      %dma_wait3A = arith.constant 128 : i32
      %dma_wait3A_91 = tpu.memref_slice %arg5[%dma_wait3A] : memref<672xi32, #tpu.memory_space<vmem>> -> memref<512xi32, #tpu.memory_space<vmem>>
      %dma_wait3A_92 = arith.constant 0 : i32
      %dma_wait3A_93 = tpu.memref_slice %arg3[%add3A, %dma_wait3A_92] : memref<32x512xi32, #tpu.memory_space<hbm>> -> memref<1x512xi32, #tpu.memory_space<hbm>>
      %dma_wait3A_94 = tpu.memref_squeeze %dma_wait3A_93 : memref<1x512xi32, #tpu.memory_space<hbm>> -> memref<512xi32, #tpu.memory_space<hbm>>
      %dma_wait3A_95 = arith.constant 128 : i32
      %dma_wait3A_96 = tpu.memref_slice %arg5[%dma_wait3A_95] : memref<672xi32, #tpu.memory_space<vmem>> -> memref<512xi32, #tpu.memory_space<vmem>>
      %dma_wait3A_97 = arith.constant 0 : i32
      %dma_wait3A_98 = tpu.memref_slice %arg3[%add3A, %dma_wait3A_97] : memref<32x512xi32, #tpu.memory_space<hbm>> -> memref<1x512xi32, #tpu.memory_space<hbm>>
      %dma_wait3A_99 = tpu.memref_squeeze %dma_wait3A_98 : memref<1x512xi32, #tpu.memory_space<hbm>> -> memref<512xi32, #tpu.memory_space<hbm>>
      tpu.wait_dma2 semaphore(%run_scoped3A : memref<!tpu.dma_semaphore, #tpu.memory_space<semaphore_mem>>) src(%dma_wait3A_99 : memref<512xi32, #tpu.memory_space<hbm>>) dst(%dma_wait3A_96 : memref<512xi32, #tpu.memory_space<vmem>>)
      tpu.yield
    }) : () -> ()
    %broadcast_in_dim3A = arith.constant -1 : i32
    %broadcast_in_dim3A_1 = vector.broadcast %broadcast_in_dim3A : i32 to vector<16xi32>
    %swap3A = arith.constant 112 : index
    %swap3A_2 = tpu.vector_load %arg5[%swap3A] {strides = array<i32>} : memref<672xi32, #tpu.memory_space<vmem>>, vector<16xi32>,
    tpu.vector_store %arg5[%swap3A], %broadcast_in_dim3A_1 {strides = array<i32>} : memref<672xi32, #tpu.memory_space<vmem>>, vector<16xi32>,
    %scan3A = arith.constant 0 : i32
    %scan3A_3 = arith.constant 0 : i32
    %scan3A_4 = arith.constant 32 : i32
    %scan3A_5 = arith.addi %scan3A_3, %scan3A_4 : i32
    %scan3A_6 = arith.constant 1 : i32
    %scan3A_7 = scf.for %scan3A_82 = %scan3A_3 to %scan3A_5 step %scan3A_6 iter_args(%scan3A_83 = %scan3A) -> (i32)  : i32 {
      %mul3A_84 = arith.constant 16 : i32
      %mul3A_85 = arith.muli %scan3A_82, %mul3A_84 : i32
      %add3A_86 = arith.constant 128 : i32
      %add3A_87 = arith.addi %mul3A_85, %add3A_86 : i32
      %get3A = arith.index_cast %add3A_87 : i32 to index
      %get3A_88 = tpu.vector_load %arg5[%get3A] {strides = array<i32>} : memref<672xi32, #tpu.memory_space<vmem>>, vector<16xi32>,
      %mul3A_89 = arith.constant 16 : i32
      %mul3A_90 = arith.muli %scan3A_82, %mul3A_89 : i32
      %add3A_91 = arith.constant 128 : i32
      %add3A_92 = arith.addi %mul3A_90, %add3A_91 : i32
      %sub3A_93 = arith.constant 1 : i32
      %sub3A_94 = arith.subi %add3A_92, %sub3A_93 : i32
      %get3A_95 = arith.index_cast %sub3A_94 : i32 to index
      %get3A_96 = tpu.vector_load %arg5[%get3A_95] {strides = array<i32>} : memref<672xi32, #tpu.memory_space<vmem>>, vector<16xi32>,
      %shift_right_arithmetic3A = arith.constant 7 : i32
      %shift_right_arithmetic3A_97 = vector.broadcast %shift_right_arithmetic3A : i32 to vector<16xi32>
      %shift_right_arithmetic3A_98 = arith.shrsi %get3A_88, %shift_right_arithmetic3A_97 : vector<16xi32>
      %shift_right_arithmetic3A_99 = arith.constant 7 : i32
      %shift_right_arithmetic3A_100 = vector.broadcast %shift_right_arithmetic3A_99 : i32 to vector<16xi32>
      %shift_right_arithmetic3A_101 = arith.shrsi %get3A_96, %shift_right_arithmetic3A_100 : vector<16xi32>
      %ne3A_102 = arith.cmpi ne, %shift_right_arithmetic3A_98, %shift_right_arithmetic3A_101 : vector<16xi32>
      %iota3A_103 = tpu.iota {dimensions = array<i32: 0>} : vector<16xi32>
      %mul3A_104 = arith.constant 16 : i32
      %mul3A_105 = arith.muli %scan3A_82, %mul3A_104 : i32
      %add3A_106 = vector.broadcast %mul3A_105 : i32 to vector<16xi32>
      %add3A_107 = arith.addi %iota3A_103, %add3A_106 : vector<16xi32>
      %swap3A_108 = arith.index_cast %scan3A_83 : i32 to index
      %swap3A_109 = tpu.vector_load %arg6[%swap3A_108] masked %ne3A_102 {strides = array<i32>} : memref<672xi32, #tpu.memory_space<vmem>>, vector<16xi32>, vector<16xi1>
      tpu.vector_store %arg6[%swap3A_108], %add3A_107 masked %ne3A_102 {strides = array<i32>} : memref<672xi32, #tpu.memory_space<vmem>>, vector<16xi32>, vector<16xi1>
      %all_reduce_population_count3A = tpu.all_reduce %ne3A_102 {dim = 0 : i64, kind = #tpu.reduction_kind<sum>} : vector<16xi1> -> vector<16xi32>
      %slice3A = vector.extract_strided_slice %all_reduce_population_count3A {offsets = [0], sizes = [1], strides = [1]} : vector<16xi32> to vector<1xi32>
      %squeeze3A = vector.extract %slice3A[0] : i32 from vector<1xi32>
      %add3A_110 = arith.addi %scan3A_83, %squeeze3A : i32
      scf.yield %add3A_110 : i32
    }
    %scan3A_8 = arith.constant 32 : i32
    %broadcast_in_dim3A_9 = vector.broadcast %scan3A_7 : i32 to vector<16xi32>
    %broadcast_in_dim3A_10 = arith.constant 512 : i32
    %broadcast_in_dim3A_11 = vector.broadcast %broadcast_in_dim3A_10 : i32 to vector<16xi32>
    %iota3A = tpu.iota {dimensions = array<i32: 0>} : vector<16xi32>
    %eq3A = arith.constant 0 : i32
    %eq3A_12 = vector.broadcast %eq3A : i32 to vector<16xi32>
    %eq3A_13 = arith.cmpi eq, %iota3A, %eq3A_12 : vector<16xi32>
    tpu.vector_store_idx %arg6[%broadcast_in_dim3A_9], %broadcast_in_dim3A_11 masked %eq3A_13 : memref<672xi32, #tpu.memory_space<vmem>>[vector<16xi32>], vector<16xi32>, vector<16xi1>
    %gt3A = arith.constant 0 : i32
    %gt3A_14 = arith.cmpi sgt, %scan3A_7, %gt3A : i32
    %convert_element_type3A = arith.extui %gt3A_14 : i1 to i32
    %cond3A = arith.constant 0 : i32
    %cond3A_15 = arith.cmpi ne, %convert_element_type3A, %cond3A : i32
    scf.if %cond3A_15 {
      %get3A = arith.constant 0 : index
      %get3A_82 = tpu.vector_load %arg6[%get3A] {strides = array<i32>} : memref<672xi32, #tpu.memory_space<vmem>>, vector<16xi32>,
      %slice3A = vector.extract_strided_slice %get3A_82 {offsets = [0], sizes = [1], strides = [1]} : vector<16xi32> to vector<1xi32>
      %squeeze3A = vector.extract %slice3A[0] : i32 from vector<1xi32>
      %add3A_83 = arith.constant 128 : i32
      %add3A_84 = arith.addi %squeeze3A, %add3A_83 : i32
      %get3A_85 = arith.index_cast %add3A_84 : i32 to index
      %get3A_86 = tpu.vector_load %arg5[%get3A_85] {strides = array<i32>} : memref<672xi32, #tpu.memory_space<vmem>>, vector<16xi32>,
      %slice3A_87 = vector.extract_strided_slice %get3A_86 {offsets = [0], sizes = [1], strides = [1]} : vector<16xi32> to vector<1xi32>
      %squeeze3A_88 = vector.extract %slice3A_87[0] : i32 from vector<1xi32>
      %shift_right_arithmetic3A = arith.constant 7 : i32
      %shift_right_arithmetic3A_89 = arith.shrsi %squeeze3A_88, %shift_right_arithmetic3A : i32
      %shift_left3A = arith.constant 7 : i32
      %shift_left3A_90 = arith.shli %shift_right_arithmetic3A_89, %shift_left3A : i32
      %multiple_of3A = tpu.assume_multiple %shift_left3A_90, 128 : i32
      %dma_start3A = arith.constant 0 : i32
      %dma_start3A_91 = arith.constant 0 : i32
      %dma_start3A_92 = arith.constant 0 : i32
      %dma_start3A_93 = tpu.memref_slice %arg7[%dma_start3A, %dma_start3A_91, %dma_start3A_92] : memref<8x64x128xf32, #tpu.memory_space<vmem>> -> memref<1x64x128xf32, #tpu.memory_space<vmem>>
      %dma_start3A_94 = tpu.memref_squeeze %dma_start3A_93 : memref<1x64x128xf32, #tpu.memory_space<vmem>> -> memref<64x128xf32, #tpu.memory_space<vmem>>
      %dma_start3A_95 = arith.constant 0 : i32
      %dma_start3A_96 = tpu.memref_slice %arg2[%dma_start3A_95, %multiple_of3A] : memref<64x1000000xf32, #tpu.memory_space<hbm>> -> memref<64x128xf32, #tpu.memory_space<hbm>>
      %dma_start3A_97 = arith.constant 0 : i32
      %dma_start3A_98 = arith.constant 0 : i32
      %dma_start3A_99 = tpu.memref_slice %arg7[%dma_start3A, %dma_start3A_97, %dma_start3A_98] : memref<8x64x128xf32, #tpu.memory_space<vmem>> -> memref<1x64x128xf32, #tpu.memory_space<vmem>>
      %dma_start3A_100 = tpu.memref_squeeze %dma_start3A_99 : memref<1x64x128xf32, #tpu.memory_space<vmem>> -> memref<64x128xf32, #tpu.memory_space<vmem>>
      %dma_start3A_101 = arith.constant 0 : i32
      %dma_start3A_102 = tpu.memref_slice %arg2[%dma_start3A_101, %multiple_of3A] : memref<64x1000000xf32, #tpu.memory_space<hbm>> -> memref<64x128xf32, #tpu.memory_space<hbm>>
      tpu.enqueue_dma source(%dma_start3A_102 : memref<64x128xf32, #tpu.memory_space<hbm>>) target(%dma_start3A_100 : memref<64x128xf32, #tpu.memory_space<vmem>>) target_semaphore(%arg9 : memref<!tpu.dma_semaphore, #tpu.memory_space<semaphore_mem>>)
    } else {
    }
    %gt3A_16 = arith.constant 1 : i32
    %gt3A_17 = arith.cmpi sgt, %scan3A_7, %gt3A_16 : i32
    %convert_element_type3A_18 = arith.extui %gt3A_17 : i1 to i32
    %cond3A_19 = arith.constant 0 : i32
    %cond3A_20 = arith.cmpi ne, %convert_element_type3A_18, %cond3A_19 : i32
    scf.if %cond3A_20 {
      %get3A = arith.constant 1 : index
      %get3A_82 = tpu.vector_load %arg6[%get3A] {strides = array<i32>} : memref<672xi32, #tpu.memory_space<vmem>>, vector<16xi32>,
      %slice3A = vector.extract_strided_slice %get3A_82 {offsets = [0], sizes = [1], strides = [1]} : vector<16xi32> to vector<1xi32>
      %squeeze3A = vector.extract %slice3A[0] : i32 from vector<1xi32>
      %add3A_83 = arith.constant 128 : i32
      %add3A_84 = arith.addi %squeeze3A, %add3A_83 : i32
      %get3A_85 = arith.index_cast %add3A_84 : i32 to index
      %get3A_86 = tpu.vector_load %arg5[%get3A_85] {strides = array<i32>} : memref<672xi32, #tpu.memory_space<vmem>>, vector<16xi32>,
      %slice3A_87 = vector.extract_strided_slice %get3A_86 {offsets = [0], sizes = [1], strides = [1]} : vector<16xi32> to vector<1xi32>
      %squeeze3A_88 = vector.extract %slice3A_87[0] : i32 from vector<1xi32>
      %shift_right_arithmetic3A = arith.constant 7 : i32
      %shift_right_arithmetic3A_89 = arith.shrsi %squeeze3A_88, %shift_right_arithmetic3A : i32
      %shift_left3A = arith.constant 7 : i32
      %shift_left3A_90 = arith.shli %shift_right_arithmetic3A_89, %shift_left3A : i32
      %multiple_of3A = tpu.assume_multiple %shift_left3A_90, 128 : i32
      %dma_start3A = arith.constant 1 : i32
      %dma_start3A_91 = arith.constant 0 : i32
      %dma_start3A_92 = arith.constant 0 : i32
      %dma_start3A_93 = tpu.memref_slice %arg7[%dma_start3A, %dma_start3A_91, %dma_start3A_92] : memref<8x64x128xf32, #tpu.memory_space<vmem>> -> memref<1x64x128xf32, #tpu.memory_space<vmem>>
      %dma_start3A_94 = tpu.memref_squeeze %dma_start3A_93 : memref<1x64x128xf32, #tpu.memory_space<vmem>> -> memref<64x128xf32, #tpu.memory_space<vmem>>
      %dma_start3A_95 = arith.constant 0 : i32
      %dma_start3A_96 = tpu.memref_slice %arg2[%dma_start3A_95, %multiple_of3A] : memref<64x1000000xf32, #tpu.memory_space<hbm>> -> memref<64x128xf32, #tpu.memory_space<hbm>>
      %dma_start3A_97 = arith.constant 0 : i32
      %dma_start3A_98 = arith.constant 0 : i32
      %dma_start3A_99 = tpu.memref_slice %arg7[%dma_start3A, %dma_start3A_97, %dma_start3A_98] : memref<8x64x128xf32, #tpu.memory_space<vmem>> -> memref<1x64x128xf32, #tpu.memory_space<vmem>>
      %dma_start3A_100 = tpu.memref_squeeze %dma_start3A_99 : memref<1x64x128xf32, #tpu.memory_space<vmem>> -> memref<64x128xf32, #tpu.memory_space<vmem>>
      %dma_start3A_101 = arith.constant 0 : i32
      %dma_start3A_102 = tpu.memref_slice %arg2[%dma_start3A_101, %multiple_of3A] : memref<64x1000000xf32, #tpu.memory_space<hbm>> -> memref<64x128xf32, #tpu.memory_space<hbm>>
      tpu.enqueue_dma source(%dma_start3A_102 : memref<64x128xf32, #tpu.memory_space<hbm>>) target(%dma_start3A_100 : memref<64x128xf32, #tpu.memory_space<vmem>>) target_semaphore(%arg10 : memref<!tpu.dma_semaphore, #tpu.memory_space<semaphore_mem>>)
    } else {
    }
    %gt3A_21 = arith.constant 2 : i32
    %gt3A_22 = arith.cmpi sgt, %scan3A_7, %gt3A_21 : i32
    %convert_element_type3A_23 = arith.extui %gt3A_22 : i1 to i32
    %cond3A_24 = arith.constant 0 : i32
    %cond3A_25 = arith.cmpi ne, %convert_element_type3A_23, %cond3A_24 : i32
    scf.if %cond3A_25 {
      %get3A = arith.constant 2 : index
      %get3A_82 = tpu.vector_load %arg6[%get3A] {strides = array<i32>} : memref<672xi32, #tpu.memory_space<vmem>>, vector<16xi32>,
      %slice3A = vector.extract_strided_slice %get3A_82 {offsets = [0], sizes = [1], strides = [1]} : vector<16xi32> to vector<1xi32>
      %squeeze3A = vector.extract %slice3A[0] : i32 from vector<1xi32>
      %add3A_83 = arith.constant 128 : i32
      %add3A_84 = arith.addi %squeeze3A, %add3A_83 : i32
      %get3A_85 = arith.index_cast %add3A_84 : i32 to index
      %get3A_86 = tpu.vector_load %arg5[%get3A_85] {strides = array<i32>} : memref<672xi32, #tpu.memory_space<vmem>>, vector<16xi32>,
      %slice3A_87 = vector.extract_strided_slice %get3A_86 {offsets = [0], sizes = [1], strides = [1]} : vector<16xi32> to vector<1xi32>
      %squeeze3A_88 = vector.extract %slice3A_87[0] : i32 from vector<1xi32>
      %shift_right_arithmetic3A = arith.constant 7 : i32
      %shift_right_arithmetic3A_89 = arith.shrsi %squeeze3A_88, %shift_right_arithmetic3A : i32
      %shift_left3A = arith.constant 7 : i32
      %shift_left3A_90 = arith.shli %shift_right_arithmetic3A_89, %shift_left3A : i32
      %multiple_of3A = tpu.assume_multiple %shift_left3A_90, 128 : i32
      %dma_start3A = arith.constant 2 : i32
      %dma_start3A_91 = arith.constant 0 : i32
      %dma_start3A_92 = arith.constant 0 : i32
      %dma_start3A_93 = tpu.memref_slice %arg7[%dma_start3A, %dma_start3A_91, %dma_start3A_92] : memref<8x64x128xf32, #tpu.memory_space<vmem>> -> memref<1x64x128xf32, #tpu.memory_space<vmem>>
      %dma_start3A_94 = tpu.memref_squeeze %dma_start3A_93 : memref<1x64x128xf32, #tpu.memory_space<vmem>> -> memref<64x128xf32, #tpu.memory_space<vmem>>
      %dma_start3A_95 = arith.constant 0 : i32
      %dma_start3A_96 = tpu.memref_slice %arg2[%dma_start3A_95, %multiple_of3A] : memref<64x1000000xf32, #tpu.memory_space<hbm>> -> memref<64x128xf32, #tpu.memory_space<hbm>>
      %dma_start3A_97 = arith.constant 0 : i32
      %dma_start3A_98 = arith.constant 0 : i32
      %dma_start3A_99 = tpu.memref_slice %arg7[%dma_start3A, %dma_start3A_97, %dma_start3A_98] : memref<8x64x128xf32, #tpu.memory_space<vmem>> -> memref<1x64x128xf32, #tpu.memory_space<vmem>>
      %dma_start3A_100 = tpu.memref_squeeze %dma_start3A_99 : memref<1x64x128xf32, #tpu.memory_space<vmem>> -> memref<64x128xf32, #tpu.memory_space<vmem>>
      %dma_start3A_101 = arith.constant 0 : i32
      %dma_start3A_102 = tpu.memref_slice %arg2[%dma_start3A_101, %multiple_of3A] : memref<64x1000000xf32, #tpu.memory_space<hbm>> -> memref<64x128xf32, #tpu.memory_space<hbm>>
      tpu.enqueue_dma source(%dma_start3A_102 : memref<64x128xf32, #tpu.memory_space<hbm>>) target(%dma_start3A_100 : memref<64x128xf32, #tpu.memory_space<vmem>>) target_semaphore(%arg11 : memref<!tpu.dma_semaphore, #tpu.memory_space<semaphore_mem>>)
    } else {
    }
    %gt3A_26 = arith.constant 3 : i32
    %gt3A_27 = arith.cmpi sgt, %scan3A_7, %gt3A_26 : i32
    %convert_element_type3A_28 = arith.extui %gt3A_27 : i1 to i32
    %cond3A_29 = arith.constant 0 : i32
    %cond3A_30 = arith.cmpi ne, %convert_element_type3A_28, %cond3A_29 : i32
    scf.if %cond3A_30 {
      %get3A = arith.constant 3 : index
      %get3A_82 = tpu.vector_load %arg6[%get3A] {strides = array<i32>} : memref<672xi32, #tpu.memory_space<vmem>>, vector<16xi32>,
      %slice3A = vector.extract_strided_slice %get3A_82 {offsets = [0], sizes = [1], strides = [1]} : vector<16xi32> to vector<1xi32>
      %squeeze3A = vector.extract %slice3A[0] : i32 from vector<1xi32>
      %add3A_83 = arith.constant 128 : i32
      %add3A_84 = arith.addi %squeeze3A, %add3A_83 : i32
      %get3A_85 = arith.index_cast %add3A_84 : i32 to index
      %get3A_86 = tpu.vector_load %arg5[%get3A_85] {strides = array<i32>} : memref<672xi32, #tpu.memory_space<vmem>>, vector<16xi32>,
      %slice3A_87 = vector.extract_strided_slice %get3A_86 {offsets = [0], sizes = [1], strides = [1]} : vector<16xi32> to vector<1xi32>
      %squeeze3A_88 = vector.extract %slice3A_87[0] : i32 from vector<1xi32>
      %shift_right_arithmetic3A = arith.constant 7 : i32
      %shift_right_arithmetic3A_89 = arith.shrsi %squeeze3A_88, %shift_right_arithmetic3A : i32
      %shift_left3A = arith.constant 7 : i32
      %shift_left3A_90 = arith.shli %shift_right_arithmetic3A_89, %shift_left3A : i32
      %multiple_of3A = tpu.assume_multiple %shift_left3A_90, 128 : i32
      %dma_start3A = arith.constant 3 : i32
      %dma_start3A_91 = arith.constant 0 : i32
      %dma_start3A_92 = arith.constant 0 : i32
      %dma_start3A_93 = tpu.memref_slice %arg7[%dma_start3A, %dma_start3A_91, %dma_start3A_92] : memref<8x64x128xf32, #tpu.memory_space<vmem>> -> memref<1x64x128xf32, #tpu.memory_space<vmem>>
      %dma_start3A_94 = tpu.memref_squeeze %dma_start3A_93 : memref<1x64x128xf32, #tpu.memory_space<vmem>> -> memref<64x128xf32, #tpu.memory_space<vmem>>
      %dma_start3A_95 = arith.constant 0 : i32
      %dma_start3A_96 = tpu.memref_slice %arg2[%dma_start3A_95, %multiple_of3A] : memref<64x1000000xf32, #tpu.memory_space<hbm>> -> memref<64x128xf32, #tpu.memory_space<hbm>>
      %dma_start3A_97 = arith.constant 0 : i32
      %dma_start3A_98 = arith.constant 0 : i32
      %dma_start3A_99 = tpu.memref_slice %arg7[%dma_start3A, %dma_start3A_97, %dma_start3A_98] : memref<8x64x128xf32, #tpu.memory_space<vmem>> -> memref<1x64x128xf32, #tpu.memory_space<vmem>>
      %dma_start3A_100 = tpu.memref_squeeze %dma_start3A_99 : memref<1x64x128xf32, #tpu.memory_space<vmem>> -> memref<64x128xf32, #tpu.memory_space<vmem>>
      %dma_start3A_101 = arith.constant 0 : i32
      %dma_start3A_102 = tpu.memref_slice %arg2[%dma_start3A_101, %multiple_of3A] : memref<64x1000000xf32, #tpu.memory_space<hbm>> -> memref<64x128xf32, #tpu.memory_space<hbm>>
      tpu.enqueue_dma source(%dma_start3A_102 : memref<64x128xf32, #tpu.memory_space<hbm>>) target(%dma_start3A_100 : memref<64x128xf32, #tpu.memory_space<vmem>>) target_semaphore(%arg12 : memref<!tpu.dma_semaphore, #tpu.memory_space<semaphore_mem>>)
    } else {
    }
    %gt3A_31 = arith.constant 4 : i32
    %gt3A_32 = arith.cmpi sgt, %scan3A_7, %gt3A_31 : i32
    %convert_element_type3A_33 = arith.extui %gt3A_32 : i1 to i32
    %cond3A_34 = arith.constant 0 : i32
    %cond3A_35 = arith.cmpi ne, %convert_element_type3A_33, %cond3A_34 : i32
    scf.if %cond3A_35 {
      %get3A = arith.constant 4 : index
      %get3A_82 = tpu.vector_load %arg6[%get3A] {strides = array<i32>} : memref<672xi32, #tpu.memory_space<vmem>>, vector<16xi32>,
      %slice3A = vector.extract_strided_slice %get3A_82 {offsets = [0], sizes = [1], strides = [1]} : vector<16xi32> to vector<1xi32>
      %squeeze3A = vector.extract %slice3A[0] : i32 from vector<1xi32>
      %add3A_83 = arith.constant 128 : i32
      %add3A_84 = arith.addi %squeeze3A, %add3A_83 : i32
      %get3A_85 = arith.index_cast %add3A_84 : i32 to index
      %get3A_86 = tpu.vector_load %arg5[%get3A_85] {strides = array<i32>} : memref<672xi32, #tpu.memory_space<vmem>>, vector<16xi32>,
      %slice3A_87 = vector.extract_strided_slice %get3A_86 {offsets = [0], sizes = [1], strides = [1]} : vector<16xi32> to vector<1xi32>
      %squeeze3A_88 = vector.extract %slice3A_87[0] : i32 from vector<1xi32>
      %shift_right_arithmetic3A = arith.constant 7 : i32
      %shift_right_arithmetic3A_89 = arith.shrsi %squeeze3A_88, %shift_right_arithmetic3A : i32
      %shift_left3A = arith.constant 7 : i32
      %shift_left3A_90 = arith.shli %shift_right_arithmetic3A_89, %shift_left3A : i32
      %multiple_of3A = tpu.assume_multiple %shift_left3A_90, 128 : i32
      %dma_start3A = arith.constant 4 : i32
      %dma_start3A_91 = arith.constant 0 : i32
      %dma_start3A_92 = arith.constant 0 : i32
      %dma_start3A_93 = tpu.memref_slice %arg7[%dma_start3A, %dma_start3A_91, %dma_start3A_92] : memref<8x64x128xf32, #tpu.memory_space<vmem>> -> memref<1x64x128xf32, #tpu.memory_space<vmem>>
      %dma_start3A_94 = tpu.memref_squeeze %dma_start3A_93 : memref<1x64x128xf32, #tpu.memory_space<vmem>> -> memref<64x128xf32, #tpu.memory_space<vmem>>
      %dma_start3A_95 = arith.constant 0 : i32
      %dma_start3A_96 = tpu.memref_slice %arg2[%dma_start3A_95, %multiple_of3A] : memref<64x1000000xf32, #tpu.memory_space<hbm>> -> memref<64x128xf32, #tpu.memory_space<hbm>>
      %dma_start3A_97 = arith.constant 0 : i32
      %dma_start3A_98 = arith.constant 0 : i32
      %dma_start3A_99 = tpu.memref_slice %arg7[%dma_start3A, %dma_start3A_97, %dma_start3A_98] : memref<8x64x128xf32, #tpu.memory_space<vmem>> -> memref<1x64x128xf32, #tpu.memory_space<vmem>>
      %dma_start3A_100 = tpu.memref_squeeze %dma_start3A_99 : memref<1x64x128xf32, #tpu.memory_space<vmem>> -> memref<64x128xf32, #tpu.memory_space<vmem>>
      %dma_start3A_101 = arith.constant 0 : i32
      %dma_start3A_102 = tpu.memref_slice %arg2[%dma_start3A_101, %multiple_of3A] : memref<64x1000000xf32, #tpu.memory_space<hbm>> -> memref<64x128xf32, #tpu.memory_space<hbm>>
      tpu.enqueue_dma source(%dma_start3A_102 : memref<64x128xf32, #tpu.memory_space<hbm>>) target(%dma_start3A_100 : memref<64x128xf32, #tpu.memory_space<vmem>>) target_semaphore(%arg13 : memref<!tpu.dma_semaphore, #tpu.memory_space<semaphore_mem>>)
    } else {
    }
    %gt3A_36 = arith.constant 5 : i32
    %gt3A_37 = arith.cmpi sgt, %scan3A_7, %gt3A_36 : i32
    %convert_element_type3A_38 = arith.extui %gt3A_37 : i1 to i32
    %cond3A_39 = arith.constant 0 : i32
    %cond3A_40 = arith.cmpi ne, %convert_element_type3A_38, %cond3A_39 : i32
    scf.if %cond3A_40 {
      %get3A = arith.constant 5 : index
      %get3A_82 = tpu.vector_load %arg6[%get3A] {strides = array<i32>} : memref<672xi32, #tpu.memory_space<vmem>>, vector<16xi32>,
      %slice3A = vector.extract_strided_slice %get3A_82 {offsets = [0], sizes = [1], strides = [1]} : vector<16xi32> to vector<1xi32>
      %squeeze3A = vector.extract %slice3A[0] : i32 from vector<1xi32>
      %add3A_83 = arith.constant 128 : i32
      %add3A_84 = arith.addi %squeeze3A, %add3A_83 : i32
      %get3A_85 = arith.index_cast %add3A_84 : i32 to index
      %get3A_86 = tpu.vector_load %arg5[%get3A_85] {strides = array<i32>} : memref<672xi32, #tpu.memory_space<vmem>>, vector<16xi32>,
      %slice3A_87 = vector.extract_strided_slice %get3A_86 {offsets = [0], sizes = [1], strides = [1]} : vector<16xi32> to vector<1xi32>
      %squeeze3A_88 = vector.extract %slice3A_87[0] : i32 from vector<1xi32>
      %shift_right_arithmetic3A = arith.constant 7 : i32
      %shift_right_arithmetic3A_89 = arith.shrsi %squeeze3A_88, %shift_right_arithmetic3A : i32
      %shift_left3A = arith.constant 7 : i32
      %shift_left3A_90 = arith.shli %shift_right_arithmetic3A_89, %shift_left3A : i32
      %multiple_of3A = tpu.assume_multiple %shift_left3A_90, 128 : i32
      %dma_start3A = arith.constant 5 : i32
      %dma_start3A_91 = arith.constant 0 : i32
      %dma_start3A_92 = arith.constant 0 : i32
      %dma_start3A_93 = tpu.memref_slice %arg7[%dma_start3A, %dma_start3A_91, %dma_start3A_92] : memref<8x64x128xf32, #tpu.memory_space<vmem>> -> memref<1x64x128xf32, #tpu.memory_space<vmem>>
      %dma_start3A_94 = tpu.memref_squeeze %dma_start3A_93 : memref<1x64x128xf32, #tpu.memory_space<vmem>> -> memref<64x128xf32, #tpu.memory_space<vmem>>
      %dma_start3A_95 = arith.constant 0 : i32
      %dma_start3A_96 = tpu.memref_slice %arg2[%dma_start3A_95, %multiple_of3A] : memref<64x1000000xf32, #tpu.memory_space<hbm>> -> memref<64x128xf32, #tpu.memory_space<hbm>>
      %dma_start3A_97 = arith.constant 0 : i32
      %dma_start3A_98 = arith.constant 0 : i32
      %dma_start3A_99 = tpu.memref_slice %arg7[%dma_start3A, %dma_start3A_97, %dma_start3A_98] : memref<8x64x128xf32, #tpu.memory_space<vmem>> -> memref<1x64x128xf32, #tpu.memory_space<vmem>>
      %dma_start3A_100 = tpu.memref_squeeze %dma_start3A_99 : memref<1x64x128xf32, #tpu.memory_space<vmem>> -> memref<64x128xf32, #tpu.memory_space<vmem>>
      %dma_start3A_101 = arith.constant 0 : i32
      %dma_start3A_102 = tpu.memref_slice %arg2[%dma_start3A_101, %multiple_of3A] : memref<64x1000000xf32, #tpu.memory_space<hbm>> -> memref<64x128xf32, #tpu.memory_space<hbm>>
      tpu.enqueue_dma source(%dma_start3A_102 : memref<64x128xf32, #tpu.memory_space<hbm>>) target(%dma_start3A_100 : memref<64x128xf32, #tpu.memory_space<vmem>>) target_semaphore(%arg14 : memref<!tpu.dma_semaphore, #tpu.memory_space<semaphore_mem>>)
    } else {
    }
    %gt3A_41 = arith.constant 6 : i32
    %gt3A_42 = arith.cmpi sgt, %scan3A_7, %gt3A_41 : i32
    %convert_element_type3A_43 = arith.extui %gt3A_42 : i1 to i32
    %cond3A_44 = arith.constant 0 : i32
    %cond3A_45 = arith.cmpi ne, %convert_element_type3A_43, %cond3A_44 : i32
    scf.if %cond3A_45 {
      %get3A = arith.constant 6 : index
      %get3A_82 = tpu.vector_load %arg6[%get3A] {strides = array<i32>} : memref<672xi32, #tpu.memory_space<vmem>>, vector<16xi32>,
      %slice3A = vector.extract_strided_slice %get3A_82 {offsets = [0], sizes = [1], strides = [1]} : vector<16xi32> to vector<1xi32>
      %squeeze3A = vector.extract %slice3A[0] : i32 from vector<1xi32>
      %add3A_83 = arith.constant 128 : i32
      %add3A_84 = arith.addi %squeeze3A, %add3A_83 : i32
      %get3A_85 = arith.index_cast %add3A_84 : i32 to index
      %get3A_86 = tpu.vector_load %arg5[%get3A_85] {strides = array<i32>} : memref<672xi32, #tpu.memory_space<vmem>>, vector<16xi32>,
      %slice3A_87 = vector.extract_strided_slice %get3A_86 {offsets = [0], sizes = [1], strides = [1]} : vector<16xi32> to vector<1xi32>
      %squeeze3A_88 = vector.extract %slice3A_87[0] : i32 from vector<1xi32>
      %shift_right_arithmetic3A = arith.constant 7 : i32
      %shift_right_arithmetic3A_89 = arith.shrsi %squeeze3A_88, %shift_right_arithmetic3A : i32
      %shift_left3A = arith.constant 7 : i32
      %shift_left3A_90 = arith.shli %shift_right_arithmetic3A_89, %shift_left3A : i32
      %multiple_of3A = tpu.assume_multiple %shift_left3A_90, 128 : i32
      %dma_start3A = arith.constant 6 : i32
      %dma_start3A_91 = arith.constant 0 : i32
      %dma_start3A_92 = arith.constant 0 : i32
      %dma_start3A_93 = tpu.memref_slice %arg7[%dma_start3A, %dma_start3A_91, %dma_start3A_92] : memref<8x64x128xf32, #tpu.memory_space<vmem>> -> memref<1x64x128xf32, #tpu.memory_space<vmem>>
      %dma_start3A_94 = tpu.memref_squeeze %dma_start3A_93 : memref<1x64x128xf32, #tpu.memory_space<vmem>> -> memref<64x128xf32, #tpu.memory_space<vmem>>
      %dma_start3A_95 = arith.constant 0 : i32
      %dma_start3A_96 = tpu.memref_slice %arg2[%dma_start3A_95, %multiple_of3A] : memref<64x1000000xf32, #tpu.memory_space<hbm>> -> memref<64x128xf32, #tpu.memory_space<hbm>>
      %dma_start3A_97 = arith.constant 0 : i32
      %dma_start3A_98 = arith.constant 0 : i32
      %dma_start3A_99 = tpu.memref_slice %arg7[%dma_start3A, %dma_start3A_97, %dma_start3A_98] : memref<8x64x128xf32, #tpu.memory_space<vmem>> -> memref<1x64x128xf32, #tpu.memory_space<vmem>>
      %dma_start3A_100 = tpu.memref_squeeze %dma_start3A_99 : memref<1x64x128xf32, #tpu.memory_space<vmem>> -> memref<64x128xf32, #tpu.memory_space<vmem>>
      %dma_start3A_101 = arith.constant 0 : i32
      %dma_start3A_102 = tpu.memref_slice %arg2[%dma_start3A_101, %multiple_of3A] : memref<64x1000000xf32, #tpu.memory_space<hbm>> -> memref<64x128xf32, #tpu.memory_space<hbm>>
      tpu.enqueue_dma source(%dma_start3A_102 : memref<64x128xf32, #tpu.memory_space<hbm>>) target(%dma_start3A_100 : memref<64x128xf32, #tpu.memory_space<vmem>>) target_semaphore(%arg15 : memref<!tpu.dma_semaphore, #tpu.memory_space<semaphore_mem>>)
    } else {
    }
    %gt3A_46 = arith.constant 7 : i32
    %gt3A_47 = arith.cmpi sgt, %scan3A_7, %gt3A_46 : i32
    %convert_element_type3A_48 = arith.extui %gt3A_47 : i1 to i32
    %cond3A_49 = arith.constant 0 : i32
    %cond3A_50 = arith.cmpi ne, %convert_element_type3A_48, %cond3A_49 : i32
    scf.if %cond3A_50 {
      %get3A = arith.constant 7 : index
      %get3A_82 = tpu.vector_load %arg6[%get3A] {strides = array<i32>} : memref<672xi32, #tpu.memory_space<vmem>>, vector<16xi32>,
      %slice3A = vector.extract_strided_slice %get3A_82 {offsets = [0], sizes = [1], strides = [1]} : vector<16xi32> to vector<1xi32>
      %squeeze3A = vector.extract %slice3A[0] : i32 from vector<1xi32>
      %add3A_83 = arith.constant 128 : i32
      %add3A_84 = arith.addi %squeeze3A, %add3A_83 : i32
      %get3A_85 = arith.index_cast %add3A_84 : i32 to index
      %get3A_86 = tpu.vector_load %arg5[%get3A_85] {strides = array<i32>} : memref<672xi32, #tpu.memory_space<vmem>>, vector<16xi32>,
      %slice3A_87 = vector.extract_strided_slice %get3A_86 {offsets = [0], sizes = [1], strides = [1]} : vector<16xi32> to vector<1xi32>
      %squeeze3A_88 = vector.extract %slice3A_87[0] : i32 from vector<1xi32>
      %shift_right_arithmetic3A = arith.constant 7 : i32
      %shift_right_arithmetic3A_89 = arith.shrsi %squeeze3A_88, %shift_right_arithmetic3A : i32
      %shift_left3A = arith.constant 7 : i32
      %shift_left3A_90 = arith.shli %shift_right_arithmetic3A_89, %shift_left3A : i32
      %multiple_of3A = tpu.assume_multiple %shift_left3A_90, 128 : i32
      %dma_start3A = arith.constant 7 : i32
      %dma_start3A_91 = arith.constant 0 : i32
      %dma_start3A_92 = arith.constant 0 : i32
      %dma_start3A_93 = tpu.memref_slice %arg7[%dma_start3A, %dma_start3A_91, %dma_start3A_92] : memref<8x64x128xf32, #tpu.memory_space<vmem>> -> memref<1x64x128xf32, #tpu.memory_space<vmem>>
      %dma_start3A_94 = tpu.memref_squeeze %dma_start3A_93 : memref<1x64x128xf32, #tpu.memory_space<vmem>> -> memref<64x128xf32, #tpu.memory_space<vmem>>
      %dma_start3A_95 = arith.constant 0 : i32
      %dma_start3A_96 = tpu.memref_slice %arg2[%dma_start3A_95, %multiple_of3A] : memref<64x1000000xf32, #tpu.memory_space<hbm>> -> memref<64x128xf32, #tpu.memory_space<hbm>>
      %dma_start3A_97 = arith.constant 0 : i32
      %dma_start3A_98 = arith.constant 0 : i32
      %dma_start3A_99 = tpu.memref_slice %arg7[%dma_start3A, %dma_start3A_97, %dma_start3A_98] : memref<8x64x128xf32, #tpu.memory_space<vmem>> -> memref<1x64x128xf32, #tpu.memory_space<vmem>>
      %dma_start3A_100 = tpu.memref_squeeze %dma_start3A_99 : memref<1x64x128xf32, #tpu.memory_space<vmem>> -> memref<64x128xf32, #tpu.memory_space<vmem>>
      %dma_start3A_101 = arith.constant 0 : i32
      %dma_start3A_102 = tpu.memref_slice %arg2[%dma_start3A_101, %multiple_of3A] : memref<64x1000000xf32, #tpu.memory_space<hbm>> -> memref<64x128xf32, #tpu.memory_space<hbm>>
      tpu.enqueue_dma source(%dma_start3A_102 : memref<64x128xf32, #tpu.memory_space<hbm>>) target(%dma_start3A_100 : memref<64x128xf32, #tpu.memory_space<vmem>>) target_semaphore(%arg16 : memref<!tpu.dma_semaphore, #tpu.memory_space<semaphore_mem>>)
    } else {
    }
    %add3A_51 = arith.constant 8 : i32
    %add3A_52 = arith.addi %scan3A_7, %add3A_51 : i32
    %sub3A = arith.constant 1 : i32
    %sub3A_53 = arith.subi %add3A_52, %sub3A : i32
    %jit3A = arith.constant 8 : i32
    %div3A = arith.divsi %sub3A_53, %jit3A : i32
    %sign3A = arith.constant 0 : i32
    %sign3A_54 = arith.cmpi sgt, %sub3A_53, %sign3A : i32
    %sign3A_55 = arith.extui %sign3A_54 : i1 to i32
    %sign3A_56 = arith.constant 0 : i32
    %sign3A_57 = arith.cmpi slt, %sub3A_53, %sign3A_56 : i32
    %sign3A_58 = arith.extui %sign3A_57 : i1 to i32
    %sign3A_59 = arith.subi %sign3A_55, %sign3A_58 : i32
    %sign3A_60 = arith.constant 0 : i32
    %sign3A_61 = arith.cmpi sgt, %jit3A, %sign3A_60 : i32
    %sign3A_62 = arith.extui %sign3A_61 : i1 to i32
    %sign3A_63 = arith.constant 0 : i32
    %sign3A_64 = arith.cmpi slt, %jit3A, %sign3A_63 : i32
    %sign3A_65 = arith.extui %sign3A_64 : i1 to i32
    %sign3A_66 = arith.subi %sign3A_62, %sign3A_65 : i32
    %ne3A = arith.cmpi ne, %sign3A_59, %sign3A_66 : i32
    %rem3A = arith.remsi %sub3A_53, %jit3A : i32
    %ne3A_67 = arith.constant 0 : i32
    %ne3A_68 = arith.cmpi ne, %rem3A, %ne3A_67 : i32
    %and3A = arith.andi %ne3A, %ne3A_68 : i1
    %sub3A_69 = arith.constant 1 : i32
    %sub3A_70 = arith.subi %div3A, %sub3A_69 : i32
    %select_n3A = arith.select %and3A, %sub3A_70, %div3A : i32
    %while3A = arith.constant 0 : i32
    %while3A_71 = arith.constant 0 : i32
    %while3A_72 = arith.subi %select_n3A, %while3A_71 : i32
    %while3A_73 = arith.addi %while3A_71, %while3A_72 : i32
    %while3A_74 = arith.constant 1 : i32
    %while3A_75 = arith.divsi %while3A_72, %while3A_74 : i32
    %while3A_76 = arith.muli %while3A_75, %while3A_74 : i32
    %while3A_77 = arith.addi %while3A_71, %while3A_76 : i32
    %while3A_78 = arith.constant 1 : i32
    scf.for %while3A_82 = %while3A_71 to %while3A_77 step %while3A_78  : i32 {
      %mul3A_83 = arith.constant 8 : i32
      %mul3A_84 = arith.muli %while3A_82, %mul3A_83 : i32
      %add3A_85 = arith.constant 0 : i32
      %add3A_86 = arith.addi %mul3A_84, %add3A_85 : i32
      %lt3A = arith.cmpi slt, %add3A_86, %scan3A_7 : i32
      %convert_element_type3A_87 = arith.extui %lt3A : i1 to i32
      %cond3A_88 = arith.constant 0 : i32
      %cond3A_89 = arith.cmpi ne, %convert_element_type3A_87, %cond3A_88 : i32
      scf.if %cond3A_89 {
        %dma_wait3A = arith.constant 0 : i32
        %dma_wait3A_180 = arith.constant 0 : i32
        %dma_wait3A_181 = arith.constant 0 : i32
        %dma_wait3A_182 = tpu.memref_slice %arg7[%dma_wait3A, %dma_wait3A_180, %dma_wait3A_181] : memref<8x64x128xf32, #tpu.memory_space<vmem>> -> memref<1x64x128xf32, #tpu.memory_space<vmem>>
        %dma_wait3A_183 = tpu.memref_squeeze %dma_wait3A_182 : memref<1x64x128xf32, #tpu.memory_space<vmem>> -> memref<64x128xf32, #tpu.memory_space<vmem>>
        %dma_wait3A_184 = arith.constant 0 : i32
        %dma_wait3A_185 = arith.constant 0 : i32
        %dma_wait3A_186 = tpu.memref_slice %arg2[%dma_wait3A_184, %dma_wait3A_185] : memref<64x1000000xf32, #tpu.memory_space<hbm>> -> memref<64x128xf32, #tpu.memory_space<hbm>>
        %dma_wait3A_187 = arith.constant 0 : i32
        %dma_wait3A_188 = arith.constant 0 : i32
        %dma_wait3A_189 = tpu.memref_slice %arg7[%dma_wait3A, %dma_wait3A_187, %dma_wait3A_188] : memref<8x64x128xf32, #tpu.memory_space<vmem>> -> memref<1x64x128xf32, #tpu.memory_space<vmem>>
        %dma_wait3A_190 = tpu.memref_squeeze %dma_wait3A_189 : memref<1x64x128xf32, #tpu.memory_space<vmem>> -> memref<64x128xf32, #tpu.memory_space<vmem>>
        %dma_wait3A_191 = arith.constant 0 : i32
        %dma_wait3A_192 = arith.constant 0 : i32
        %dma_wait3A_193 = tpu.memref_slice %arg2[%dma_wait3A_191, %dma_wait3A_192] : memref<64x1000000xf32, #tpu.memory_space<hbm>> -> memref<64x128xf32, #tpu.memory_space<hbm>>
        tpu.wait_dma2 semaphore(%arg9 : memref<!tpu.dma_semaphore, #tpu.memory_space<semaphore_mem>>) src(%dma_wait3A_193 : memref<64x128xf32, #tpu.memory_space<hbm>>) dst(%dma_wait3A_190 : memref<64x128xf32, #tpu.memory_space<vmem>>)
        %get3A = arith.index_cast %add3A_86 : i32 to index
        %get3A_194 = tpu.vector_load %arg6[%get3A] {strides = array<i32>} : memref<672xi32, #tpu.memory_space<vmem>>, vector<16xi32>,
        %slice3A = vector.extract_strided_slice %get3A_194 {offsets = [0], sizes = [1], strides = [1]} : vector<16xi32> to vector<1xi32>
        %squeeze3A = vector.extract %slice3A[0] : i32 from vector<1xi32>
        %add3A_195 = arith.constant 1 : i32
        %add3A_196 = arith.addi %add3A_86, %add3A_195 : i32
        %get3A_197 = arith.index_cast %add3A_196 : i32 to index
        %get3A_198 = tpu.vector_load %arg6[%get3A_197] {strides = array<i32>} : memref<672xi32, #tpu.memory_space<vmem>>, vector<16xi32>,
        %slice3A_199 = vector.extract_strided_slice %get3A_198 {offsets = [0], sizes = [1], strides = [1]} : vector<16xi32> to vector<1xi32>
        %squeeze3A_200 = vector.extract %slice3A_199[0] : i32 from vector<1xi32>
        %add3A_201 = arith.constant 128 : i32
        %add3A_202 = arith.addi %squeeze3A, %add3A_201 : i32
        %get3A_203 = arith.index_cast %add3A_202 : i32 to index
        %get3A_204 = tpu.vector_load %arg5[%get3A_203] {strides = array<i32>} : memref<672xi32, #tpu.memory_space<vmem>>, vector<16xi32>,
        %slice3A_205 = vector.extract_strided_slice %get3A_204 {offsets = [0], sizes = [1], strides = [1]} : vector<16xi32> to vector<1xi32>
        %squeeze3A_206 = vector.extract %slice3A_205[0] : i32 from vector<1xi32>
        %shift_right_arithmetic3A = arith.constant 7 : i32
        %shift_right_arithmetic3A_207 = arith.shrsi %squeeze3A_206, %shift_right_arithmetic3A : i32
        %shift_left3A = arith.constant 7 : i32
        %shift_left3A_208 = arith.shli %shift_right_arithmetic3A_207, %shift_left3A : i32
        %sub3A_209 = arith.subi %squeeze3A_200, %squeeze3A : i32
        %while3A_210 = arith.constant 0 : i32
        %while3A_211 = arith.constant 0 : i32
        %while3A_212 = arith.subi %sub3A_209, %while3A_211 : i32
        %while3A_213 = arith.addi %while3A_211, %while3A_212 : i32
        %while3A_214 = arith.constant 1 : i32
        %while3A_215 = arith.divsi %while3A_212, %while3A_214 : i32
        %while3A_216 = arith.muli %while3A_215, %while3A_214 : i32
        %while3A_217 = arith.addi %while3A_211, %while3A_216 : i32
        %while3A_218 = arith.constant 1 : i32
        scf.for %while3A_220 = %while3A_211 to %while3A_217 step %while3A_218  : i32 {
          %add3A_221 = arith.addi %squeeze3A, %while3A_220 : i32
          %add3A_222 = arith.constant 128 : i32
          %add3A_223 = arith.addi %add3A_221, %add3A_222 : i32
          %get3A_224 = arith.index_cast %add3A_223 : i32 to index
          %get3A_225 = tpu.vector_load %arg5[%get3A_224] {strides = array<i32>} : memref<672xi32, #tpu.memory_space<vmem>>, vector<16xi32>,
          %slice3A_226 = vector.extract_strided_slice %get3A_225 {offsets = [0], sizes = [1], strides = [1]} : vector<16xi32> to vector<1xi32>
          %squeeze3A_227 = vector.extract %slice3A_226[0] : i32 from vector<1xi32>
          %sub3A_228 = arith.subi %squeeze3A_227, %shift_left3A_208 : i32
          %broadcast_in_dim3A_229 = vector.broadcast %sub3A_228 : i32 to vector<16xi32>
          %iota3A_230 = tpu.iota {dimensions = array<i32: 0>} : vector<16xi32>
          %add3A_231 = arith.constant 0 : i32
          %add3A_232 = vector.broadcast %add3A_231 : i32 to vector<16xi32>
          %add3A_233 = arith.addi %iota3A_230, %add3A_232 : vector<16xi32>
          %gather3A = arith.constant 0 : i32
          %gather3A_234 = arith.constant 0 : i32
          %gather3A_235 = arith.constant 0 : i32
          %gather3A_236 = tpu.memref_slice %arg7[%gather3A, %gather3A_234, %gather3A_235] : memref<8x64x128xf32, #tpu.memory_space<vmem>> -> memref<1x64x128xf32, #tpu.memory_space<vmem>>
          %gather3A_237 = tpu.memref_squeeze %gather3A_236 : memref<1x64x128xf32, #tpu.memory_space<vmem>> -> memref<64x128xf32, #tpu.memory_space<vmem>>
          %gather3A_238 = tpu.vector_load_idx %gather3A_237[%add3A_233, %broadcast_in_dim3A_229] : memref<64x128xf32, #tpu.memory_space<vmem>>[vector<16xi32>, vector<16xi32>], vector<16xf32>,
          %mul3A_239 = arith.constant 64 : i32
          %mul3A_240 = arith.muli %add3A_221, %mul3A_239 : i32
          %add3A_241 = arith.constant 0 : i32
          %add3A_242 = arith.addi %mul3A_240, %add3A_241 : i32
          %swap3A_243 = arith.index_cast %add3A_242 : i32 to index
          %swap3A_244 = tpu.vector_load %arg8[%swap3A_243] {strides = array<i32>} : memref<32768xf32, #tpu.memory_space<vmem>>, vector<16xf32>,
          tpu.vector_store %arg8[%swap3A_243], %gather3A_238 {strides = array<i32>} : memref<32768xf32, #tpu.memory_space<vmem>>, vector<16xf32>,
          %iota3A_245 = tpu.iota {dimensions = array<i32: 0>} : vector<16xi32>
          %add3A_246 = arith.constant 16 : i32
          %add3A_247 = vector.broadcast %add3A_246 : i32 to vector<16xi32>
          %add3A_248 = arith.addi %iota3A_245, %add3A_247 : vector<16xi32>
          %gather3A_249 = arith.constant 0 : i32
          %gather3A_250 = arith.constant 0 : i32
          %gather3A_251 = arith.constant 0 : i32
          %gather3A_252 = tpu.memref_slice %arg7[%gather3A_249, %gather3A_250, %gather3A_251] : memref<8x64x128xf32, #tpu.memory_space<vmem>> -> memref<1x64x128xf32, #tpu.memory_space<vmem>>
          %gather3A_253 = tpu.memref_squeeze %gather3A_252 : memref<1x64x128xf32, #tpu.memory_space<vmem>> -> memref<64x128xf32, #tpu.memory_space<vmem>>
          %gather3A_254 = tpu.vector_load_idx %gather3A_253[%add3A_248, %broadcast_in_dim3A_229] : memref<64x128xf32, #tpu.memory_space<vmem>>[vector<16xi32>, vector<16xi32>], vector<16xf32>,
          %mul3A_255 = arith.constant 64 : i32
          %mul3A_256 = arith.muli %add3A_221, %mul3A_255 : i32
          %add3A_257 = arith.constant 16 : i32
          %add3A_258 = arith.addi %mul3A_256, %add3A_257 : i32
          %swap3A_259 = arith.index_cast %add3A_258 : i32 to index
          %swap3A_260 = tpu.vector_load %arg8[%swap3A_259] {strides = array<i32>} : memref<32768xf32, #tpu.memory_space<vmem>>, vector<16xf32>,
          tpu.vector_store %arg8[%swap3A_259], %gather3A_254 {strides = array<i32>} : memref<32768xf32, #tpu.memory_space<vmem>>, vector<16xf32>,
          %iota3A_261 = tpu.iota {dimensions = array<i32: 0>} : vector<16xi32>
          %add3A_262 = arith.constant 32 : i32
          %add3A_263 = vector.broadcast %add3A_262 : i32 to vector<16xi32>
          %add3A_264 = arith.addi %iota3A_261, %add3A_263 : vector<16xi32>
          %gather3A_265 = arith.constant 0 : i32
          %gather3A_266 = arith.constant 0 : i32
          %gather3A_267 = arith.constant 0 : i32
          %gather3A_268 = tpu.memref_slice %arg7[%gather3A_265, %gather3A_266, %gather3A_267] : memref<8x64x128xf32, #tpu.memory_space<vmem>> -> memref<1x64x128xf32, #tpu.memory_space<vmem>>
          %gather3A_269 = tpu.memref_squeeze %gather3A_268 : memref<1x64x128xf32, #tpu.memory_space<vmem>> -> memref<64x128xf32, #tpu.memory_space<vmem>>
          %gather3A_270 = tpu.vector_load_idx %gather3A_269[%add3A_264, %broadcast_in_dim3A_229] : memref<64x128xf32, #tpu.memory_space<vmem>>[vector<16xi32>, vector<16xi32>], vector<16xf32>,
          %mul3A_271 = arith.constant 64 : i32
          %mul3A_272 = arith.muli %add3A_221, %mul3A_271 : i32
          %add3A_273 = arith.constant 32 : i32
          %add3A_274 = arith.addi %mul3A_272, %add3A_273 : i32
          %swap3A_275 = arith.index_cast %add3A_274 : i32 to index
          %swap3A_276 = tpu.vector_load %arg8[%swap3A_275] {strides = array<i32>} : memref<32768xf32, #tpu.memory_space<vmem>>, vector<16xf32>,
          tpu.vector_store %arg8[%swap3A_275], %gather3A_270 {strides = array<i32>} : memref<32768xf32, #tpu.memory_space<vmem>>, vector<16xf32>,
          %iota3A_277 = tpu.iota {dimensions = array<i32: 0>} : vector<16xi32>
          %add3A_278 = arith.constant 48 : i32
          %add3A_279 = vector.broadcast %add3A_278 : i32 to vector<16xi32>
          %add3A_280 = arith.addi %iota3A_277, %add3A_279 : vector<16xi32>
          %gather3A_281 = arith.constant 0 : i32
          %gather3A_282 = arith.constant 0 : i32
          %gather3A_283 = arith.constant 0 : i32
          %gather3A_284 = tpu.memref_slice %arg7[%gather3A_281, %gather3A_282, %gather3A_283] : memref<8x64x128xf32, #tpu.memory_space<vmem>> -> memref<1x64x128xf32, #tpu.memory_space<vmem>>
          %gather3A_285 = tpu.memref_squeeze %gather3A_284 : memref<1x64x128xf32, #tpu.memory_space<vmem>> -> memref<64x128xf32, #tpu.memory_space<vmem>>
          %gather3A_286 = tpu.vector_load_idx %gather3A_285[%add3A_280, %broadcast_in_dim3A_229] : memref<64x128xf32, #tpu.memory_space<vmem>>[vector<16xi32>, vector<16xi32>], vector<16xf32>,
          %mul3A_287 = arith.constant 64 : i32
          %mul3A_288 = arith.muli %add3A_221, %mul3A_287 : i32
          %add3A_289 = arith.constant 48 : i32
          %add3A_290 = arith.addi %mul3A_288, %add3A_289 : i32
          %swap3A_291 = arith.index_cast %add3A_290 : i32 to index
          %swap3A_292 = tpu.vector_load %arg8[%swap3A_291] {strides = array<i32>} : memref<32768xf32, #tpu.memory_space<vmem>>, vector<16xf32>,
          tpu.vector_store %arg8[%swap3A_291], %gather3A_286 {strides = array<i32>} : memref<32768xf32, #tpu.memory_space<vmem>>, vector<16xf32>,
        }
        %while3A_219 = arith.constant 1 : i32
        scf.for %while3A_220 = %while3A_217 to %while3A_213 step %while3A_219  : i32 {
          %add3A_221 = arith.addi %squeeze3A, %while3A_220 : i32
          %add3A_222 = arith.constant 128 : i32
          %add3A_223 = arith.addi %add3A_221, %add3A_222 : i32
          %get3A_224 = arith.index_cast %add3A_223 : i32 to index
          %get3A_225 = tpu.vector_load %arg5[%get3A_224] {strides = array<i32>} : memref<672xi32, #tpu.memory_space<vmem>>, vector<16xi32>,
          %slice3A_226 = vector.extract_strided_slice %get3A_225 {offsets = [0], sizes = [1], strides = [1]} : vector<16xi32> to vector<1xi32>
          %squeeze3A_227 = vector.extract %slice3A_226[0] : i32 from vector<1xi32>
          %sub3A_228 = arith.subi %squeeze3A_227, %shift_left3A_208 : i32
          %broadcast_in_dim3A_229 = vector.broadcast %sub3A_228 : i32 to vector<16xi32>
          %iota3A_230 = tpu.iota {dimensions = array<i32: 0>} : vector<16xi32>
          %add3A_231 = arith.constant 0 : i32
          %add3A_232 = vector.broadcast %add3A_231 : i32 to vector<16xi32>
          %add3A_233 = arith.addi %iota3A_230, %add3A_232 : vector<16xi32>
          %gather3A = arith.constant 0 : i32
          %gather3A_234 = arith.constant 0 : i32
          %gather3A_235 = arith.constant 0 : i32
          %gather3A_236 = tpu.memref_slice %arg7[%gather3A, %gather3A_234, %gather3A_235] : memref<8x64x128xf32, #tpu.memory_space<vmem>> -> memref<1x64x128xf32, #tpu.memory_space<vmem>>
          %gather3A_237 = tpu.memref_squeeze %gather3A_236 : memref<1x64x128xf32, #tpu.memory_space<vmem>> -> memref<64x128xf32, #tpu.memory_space<vmem>>
          %gather3A_238 = tpu.vector_load_idx %gather3A_237[%add3A_233, %broadcast_in_dim3A_229] : memref<64x128xf32, #tpu.memory_space<vmem>>[vector<16xi32>, vector<16xi32>], vector<16xf32>,
          %mul3A_239 = arith.constant 64 : i32
          %mul3A_240 = arith.muli %add3A_221, %mul3A_239 : i32
          %add3A_241 = arith.constant 0 : i32
          %add3A_242 = arith.addi %mul3A_240, %add3A_241 : i32
          %swap3A_243 = arith.index_cast %add3A_242 : i32 to index
          %swap3A_244 = tpu.vector_load %arg8[%swap3A_243] {strides = array<i32>} : memref<32768xf32, #tpu.memory_space<vmem>>, vector<16xf32>,
          tpu.vector_store %arg8[%swap3A_243], %gather3A_238 {strides = array<i32>} : memref<32768xf32, #tpu.memory_space<vmem>>, vector<16xf32>,
          %iota3A_245 = tpu.iota {dimensions = array<i32: 0>} : vector<16xi32>
          %add3A_246 = arith.constant 16 : i32
          %add3A_247 = vector.broadcast %add3A_246 : i32 to vector<16xi32>
          %add3A_248 = arith.addi %iota3A_245, %add3A_247 : vector<16xi32>
          %gather3A_249 = arith.constant 0 : i32
          %gather3A_250 = arith.constant 0 : i32
          %gather3A_251 = arith.constant 0 : i32
          %gather3A_252 = tpu.memref_slice %arg7[%gather3A_249, %gather3A_250, %gather3A_251] : memref<8x64x128xf32, #tpu.memory_space<vmem>> -> memref<1x64x128xf32, #tpu.memory_space<vmem>>
          %gather3A_253 = tpu.memref_squeeze %gather3A_252 : memref<1x64x128xf32, #tpu.memory_space<vmem>> -> memref<64x128xf32, #tpu.memory_space<vmem>>
          %gather3A_254 = tpu.vector_load_idx %gather3A_253[%add3A_248, %broadcast_in_dim3A_229] : memref<64x128xf32, #tpu.memory_space<vmem>>[vector<16xi32>, vector<16xi32>], vector<16xf32>,
          %mul3A_255 = arith.constant 64 : i32
          %mul3A_256 = arith.muli %add3A_221, %mul3A_255 : i32
          %add3A_257 = arith.constant 16 : i32
          %add3A_258 = arith.addi %mul3A_256, %add3A_257 : i32
          %swap3A_259 = arith.index_cast %add3A_258 : i32 to index
          %swap3A_260 = tpu.vector_load %arg8[%swap3A_259] {strides = array<i32>} : memref<32768xf32, #tpu.memory_space<vmem>>, vector<16xf32>,
          tpu.vector_store %arg8[%swap3A_259], %gather3A_254 {strides = array<i32>} : memref<32768xf32, #tpu.memory_space<vmem>>, vector<16xf32>,
          %iota3A_261 = tpu.iota {dimensions = array<i32: 0>} : vector<16xi32>
          %add3A_262 = arith.constant 32 : i32
          %add3A_263 = vector.broadcast %add3A_262 : i32 to vector<16xi32>
          %add3A_264 = arith.addi %iota3A_261, %add3A_263 : vector<16xi32>
          %gather3A_265 = arith.constant 0 : i32
          %gather3A_266 = arith.constant 0 : i32
          %gather3A_267 = arith.constant 0 : i32
          %gather3A_268 = tpu.memref_slice %arg7[%gather3A_265, %gather3A_266, %gather3A_267] : memref<8x64x128xf32, #tpu.memory_space<vmem>> -> memref<1x64x128xf32, #tpu.memory_space<vmem>>
          %gather3A_269 = tpu.memref_squeeze %gather3A_268 : memref<1x64x128xf32, #tpu.memory_space<vmem>> -> memref<64x128xf32, #tpu.memory_space<vmem>>
          %gather3A_270 = tpu.vector_load_idx %gather3A_269[%add3A_264, %broadcast_in_dim3A_229] : memref<64x128xf32, #tpu.memory_space<vmem>>[vector<16xi32>, vector<16xi32>], vector<16xf32>,
          %mul3A_271 = arith.constant 64 : i32
          %mul3A_272 = arith.muli %add3A_221, %mul3A_271 : i32
          %add3A_273 = arith.constant 32 : i32
          %add3A_274 = arith.addi %mul3A_272, %add3A_273 : i32
          %swap3A_275 = arith.index_cast %add3A_274 : i32 to index
          %swap3A_276 = tpu.vector_load %arg8[%swap3A_275] {strides = array<i32>} : memref<32768xf32, #tpu.memory_space<vmem>>, vector<16xf32>,
          tpu.vector_store %arg8[%swap3A_275], %gather3A_270 {strides = array<i32>} : memref<32768xf32, #tpu.memory_space<vmem>>, vector<16xf32>,
          %iota3A_277 = tpu.iota {dimensions = array<i32: 0>} : vector<16xi32>
          %add3A_278 = arith.constant 48 : i32
          %add3A_279 = vector.broadcast %add3A_278 : i32 to vector<16xi32>
          %add3A_280 = arith.addi %iota3A_277, %add3A_279 : vector<16xi32>
          %gather3A_281 = arith.constant 0 : i32
          %gather3A_282 = arith.constant 0 : i32
          %gather3A_283 = arith.constant 0 : i32
          %gather3A_284 = tpu.memref_slice %arg7[%gather3A_281, %gather3A_282, %gather3A_283] : memref<8x64x128xf32, #tpu.memory_space<vmem>> -> memref<1x64x128xf32, #tpu.memory_space<vmem>>
          %gather3A_285 = tpu.memref_squeeze %gather3A_284 : memref<1x64x128xf32, #tpu.memory_space<vmem>> -> memref<64x128xf32, #tpu.memory_space<vmem>>
          %gather3A_286 = tpu.vector_load_idx %gather3A_285[%add3A_280, %broadcast_in_dim3A_229] : memref<64x128xf32, #tpu.memory_space<vmem>>[vector<16xi32>, vector<16xi32>], vector<16xf32>,
          %mul3A_287 = arith.constant 64 : i32
          %mul3A_288 = arith.muli %add3A_221, %mul3A_287 : i32
          %add3A_289 = arith.constant 48 : i32
          %add3A_290 = arith.addi %mul3A_288, %add3A_289 : i32
          %swap3A_291 = arith.index_cast %add3A_290 : i32 to index
          %swap3A_292 = tpu.vector_load %arg8[%swap3A_291] {strides = array<i32>} : memref<32768xf32, #tpu.memory_space<vmem>>, vector<16xf32>,
          tpu.vector_store %arg8[%swap3A_291], %gather3A_286 {strides = array<i32>} : memref<32768xf32, #tpu.memory_space<vmem>>, vector<16xf32>,
        }
      } else {
      }
      %add3A_90 = arith.constant 8 : i32
      %add3A_91 = arith.addi %add3A_86, %add3A_90 : i32
      %lt3A_92 = arith.cmpi slt, %add3A_91, %scan3A_7 : i32
      %convert_element_type3A_93 = arith.extui %lt3A_92 : i1 to i32
      %cond3A_94 = arith.constant 0 : i32
      %cond3A_95 = arith.cmpi ne, %convert_element_type3A_93, %cond3A_94 : i32
      scf.if %cond3A_95 {
        %get3A = arith.index_cast %add3A_91 : i32 to index
        %get3A_180 = tpu.vector_load %arg6[%get3A] {strides = array<i32>} : memref<672xi32, #tpu.memory_space<vmem>>, vector<16xi32>,
        %slice3A = vector.extract_strided_slice %get3A_180 {offsets = [0], sizes = [1], strides = [1]} : vector<16xi32> to vector<1xi32>
        %squeeze3A = vector.extract %slice3A[0] : i32 from vector<1xi32>
        %add3A_181 = arith.constant 128 : i32
        %add3A_182 = arith.addi %squeeze3A, %add3A_181 : i32
        %get3A_183 = arith.index_cast %add3A_182 : i32 to index
        %get3A_184 = tpu.vector_load %arg5[%get3A_183] {strides = array<i32>} : memref<672xi32, #tpu.memory_space<vmem>>, vector<16xi32>,
        %slice3A_185 = vector.extract_strided_slice %get3A_184 {offsets = [0], sizes = [1], strides = [1]} : vector<16xi32> to vector<1xi32>
        %squeeze3A_186 = vector.extract %slice3A_185[0] : i32 from vector<1xi32>
        %shift_right_arithmetic3A = arith.constant 7 : i32
        %shift_right_arithmetic3A_187 = arith.shrsi %squeeze3A_186, %shift_right_arithmetic3A : i32
        %shift_left3A = arith.constant 7 : i32
        %shift_left3A_188 = arith.shli %shift_right_arithmetic3A_187, %shift_left3A : i32
        %multiple_of3A = tpu.assume_multiple %shift_left3A_188, 128 : i32
        %dma_start3A = arith.constant 0 : i32
        %dma_start3A_189 = arith.constant 0 : i32
        %dma_start3A_190 = arith.constant 0 : i32
        %dma_start3A_191 = tpu.memref_slice %arg7[%dma_start3A, %dma_start3A_189, %dma_start3A_190] : memref<8x64x128xf32, #tpu.memory_space<vmem>> -> memref<1x64x128xf32, #tpu.memory_space<vmem>>
        %dma_start3A_192 = tpu.memref_squeeze %dma_start3A_191 : memref<1x64x128xf32, #tpu.memory_space<vmem>> -> memref<64x128xf32, #tpu.memory_space<vmem>>
        %dma_start3A_193 = arith.constant 0 : i32
        %dma_start3A_194 = tpu.memref_slice %arg2[%dma_start3A_193, %multiple_of3A] : memref<64x1000000xf32, #tpu.memory_space<hbm>> -> memref<64x128xf32, #tpu.memory_space<hbm>>
        %dma_start3A_195 = arith.constant 0 : i32
        %dma_start3A_196 = arith.constant 0 : i32
        %dma_start3A_197 = tpu.memref_slice %arg7[%dma_start3A, %dma_start3A_195, %dma_start3A_196] : memref<8x64x128xf32, #tpu.memory_space<vmem>> -> memref<1x64x128xf32, #tpu.memory_space<vmem>>
        %dma_start3A_198 = tpu.memref_squeeze %dma_start3A_197 : memref<1x64x128xf32, #tpu.memory_space<vmem>> -> memref<64x128xf32, #tpu.memory_space<vmem>>
        %dma_start3A_199 = arith.constant 0 : i32
        %dma_start3A_200 = tpu.memref_slice %arg2[%dma_start3A_199, %multiple_of3A] : memref<64x1000000xf32, #tpu.memory_space<hbm>> -> memref<64x128xf32, #tpu.memory_space<hbm>>
        tpu.enqueue_dma source(%dma_start3A_200 : memref<64x128xf32, #tpu.memory_space<hbm>>) target(%dma_start3A_198 : memref<64x128xf32, #tpu.memory_space<vmem>>) target_semaphore(%arg9 : memref<!tpu.dma_semaphore, #tpu.memory_space<semaphore_mem>>)
      } else {
      }
      %add3A_96 = arith.constant 1 : i32
      %add3A_97 = arith.addi %mul3A_84, %add3A_96 : i32
      %lt3A_98 = arith.cmpi slt, %add3A_97, %scan3A_7 : i32
      %convert_element_type3A_99 = arith.extui %lt3A_98 : i1 to i32
      %cond3A_100 = arith.constant 0 : i32
      %cond3A_101 = arith.cmpi ne, %convert_element_type3A_99, %cond3A_100 : i32
      scf.if %cond3A_101 {
        %dma_wait3A = arith.constant 1 : i32
        %dma_wait3A_180 = arith.constant 0 : i32
        %dma_wait3A_181 = arith.constant 0 : i32
        %dma_wait3A_182 = tpu.memref_slice %arg7[%dma_wait3A, %dma_wait3A_180, %dma_wait3A_181] : memref<8x64x128xf32, #tpu.memory_space<vmem>> -> memref<1x64x128xf32, #tpu.memory_space<vmem>>
        %dma_wait3A_183 = tpu.memref_squeeze %dma_wait3A_182 : memref<1x64x128xf32, #tpu.memory_space<vmem>> -> memref<64x128xf32, #tpu.memory_space<vmem>>
        %dma_wait3A_184 = arith.constant 0 : i32
        %dma_wait3A_185 = arith.constant 0 : i32
        %dma_wait3A_186 = tpu.memref_slice %arg2[%dma_wait3A_184, %dma_wait3A_185] : memref<64x1000000xf32, #tpu.memory_space<hbm>> -> memref<64x128xf32, #tpu.memory_space<hbm>>
        %dma_wait3A_187 = arith.constant 0 : i32
        %dma_wait3A_188 = arith.constant 0 : i32
        %dma_wait3A_189 = tpu.memref_slice %arg7[%dma_wait3A, %dma_wait3A_187, %dma_wait3A_188] : memref<8x64x128xf32, #tpu.memory_space<vmem>> -> memref<1x64x128xf32, #tpu.memory_space<vmem>>
        %dma_wait3A_190 = tpu.memref_squeeze %dma_wait3A_189 : memref<1x64x128xf32, #tpu.memory_space<vmem>> -> memref<64x128xf32, #tpu.memory_space<vmem>>
        %dma_wait3A_191 = arith.constant 0 : i32
        %dma_wait3A_192 = arith.constant 0 : i32
        %dma_wait3A_193 = tpu.memref_slice %arg2[%dma_wait3A_191, %dma_wait3A_192] : memref<64x1000000xf32, #tpu.memory_space<hbm>> -> memref<64x128xf32, #tpu.memory_space<hbm>>
        tpu.wait_dma2 semaphore(%arg10 : memref<!tpu.dma_semaphore, #tpu.memory_space<semaphore_mem>>) src(%dma_wait3A_193 : memref<64x128xf32, #tpu.memory_space<hbm>>) dst(%dma_wait3A_190 : memref<64x128xf32, #tpu.memory_space<vmem>>)
        %get3A = arith.index_cast %add3A_97 : i32 to index
        %get3A_194 = tpu.vector_load %arg6[%get3A] {strides = array<i32>} : memref<672xi32, #tpu.memory_space<vmem>>, vector<16xi32>,
        %slice3A = vector.extract_strided_slice %get3A_194 {offsets = [0], sizes = [1], strides = [1]} : vector<16xi32> to vector<1xi32>
        %squeeze3A = vector.extract %slice3A[0] : i32 from vector<1xi32>
        %add3A_195 = arith.constant 1 : i32
        %add3A_196 = arith.addi %add3A_97, %add3A_195 : i32
        %get3A_197 = arith.index_cast %add3A_196 : i32 to index
        %get3A_198 = tpu.vector_load %arg6[%get3A_197] {strides = array<i32>} : memref<672xi32, #tpu.memory_space<vmem>>, vector<16xi32>,
        %slice3A_199 = vector.extract_strided_slice %get3A_198 {offsets = [0], sizes = [1], strides = [1]} : vector<16xi32> to vector<1xi32>
        %squeeze3A_200 = vector.extract %slice3A_199[0] : i32 from vector<1xi32>
        %add3A_201 = arith.constant 128 : i32
        %add3A_202 = arith.addi %squeeze3A, %add3A_201 : i32
        %get3A_203 = arith.index_cast %add3A_202 : i32 to index
        %get3A_204 = tpu.vector_load %arg5[%get3A_203] {strides = array<i32>} : memref<672xi32, #tpu.memory_space<vmem>>, vector<16xi32>,
        %slice3A_205 = vector.extract_strided_slice %get3A_204 {offsets = [0], sizes = [1], strides = [1]} : vector<16xi32> to vector<1xi32>
        %squeeze3A_206 = vector.extract %slice3A_205[0] : i32 from vector<1xi32>
        %shift_right_arithmetic3A = arith.constant 7 : i32
        %shift_right_arithmetic3A_207 = arith.shrsi %squeeze3A_206, %shift_right_arithmetic3A : i32
        %shift_left3A = arith.constant 7 : i32
        %shift_left3A_208 = arith.shli %shift_right_arithmetic3A_207, %shift_left3A : i32
        %sub3A_209 = arith.subi %squeeze3A_200, %squeeze3A : i32
        %while3A_210 = arith.constant 0 : i32
        %while3A_211 = arith.constant 0 : i32
        %while3A_212 = arith.subi %sub3A_209, %while3A_211 : i32
        %while3A_213 = arith.addi %while3A_211, %while3A_212 : i32
        %while3A_214 = arith.constant 1 : i32
        %while3A_215 = arith.divsi %while3A_212, %while3A_214 : i32
        %while3A_216 = arith.muli %while3A_215, %while3A_214 : i32
        %while3A_217 = arith.addi %while3A_211, %while3A_216 : i32
        %while3A_218 = arith.constant 1 : i32
        scf.for %while3A_220 = %while3A_211 to %while3A_217 step %while3A_218  : i32 {
          %add3A_221 = arith.addi %squeeze3A, %while3A_220 : i32
          %add3A_222 = arith.constant 128 : i32
          %add3A_223 = arith.addi %add3A_221, %add3A_222 : i32
          %get3A_224 = arith.index_cast %add3A_223 : i32 to index
          %get3A_225 = tpu.vector_load %arg5[%get3A_224] {strides = array<i32>} : memref<672xi32, #tpu.memory_space<vmem>>, vector<16xi32>,
          %slice3A_226 = vector.extract_strided_slice %get3A_225 {offsets = [0], sizes = [1], strides = [1]} : vector<16xi32> to vector<1xi32>
          %squeeze3A_227 = vector.extract %slice3A_226[0] : i32 from vector<1xi32>
          %sub3A_228 = arith.subi %squeeze3A_227, %shift_left3A_208 : i32
          %broadcast_in_dim3A_229 = vector.broadcast %sub3A_228 : i32 to vector<16xi32>
          %iota3A_230 = tpu.iota {dimensions = array<i32: 0>} : vector<16xi32>
          %add3A_231 = arith.constant 0 : i32
          %add3A_232 = vector.broadcast %add3A_231 : i32 to vector<16xi32>
          %add3A_233 = arith.addi %iota3A_230, %add3A_232 : vector<16xi32>
          %gather3A = arith.constant 1 : i32
          %gather3A_234 = arith.constant 0 : i32
          %gather3A_235 = arith.constant 0 : i32
          %gather3A_236 = tpu.memref_slice %arg7[%gather3A, %gather3A_234, %gather3A_235] : memref<8x64x128xf32, #tpu.memory_space<vmem>> -> memref<1x64x128xf32, #tpu.memory_space<vmem>>
          %gather3A_237 = tpu.memref_squeeze %gather3A_236 : memref<1x64x128xf32, #tpu.memory_space<vmem>> -> memref<64x128xf32, #tpu.memory_space<vmem>>
          %gather3A_238 = tpu.vector_load_idx %gather3A_237[%add3A_233, %broadcast_in_dim3A_229] : memref<64x128xf32, #tpu.memory_space<vmem>>[vector<16xi32>, vector<16xi32>], vector<16xf32>,
          %mul3A_239 = arith.constant 64 : i32
          %mul3A_240 = arith.muli %add3A_221, %mul3A_239 : i32
          %add3A_241 = arith.constant 0 : i32
          %add3A_242 = arith.addi %mul3A_240, %add3A_241 : i32
          %swap3A_243 = arith.index_cast %add3A_242 : i32 to index
          %swap3A_244 = tpu.vector_load %arg8[%swap3A_243] {strides = array<i32>} : memref<32768xf32, #tpu.memory_space<vmem>>, vector<16xf32>,
          tpu.vector_store %arg8[%swap3A_243], %gather3A_238 {strides = array<i32>} : memref<32768xf32, #tpu.memory_space<vmem>>, vector<16xf32>,
          %iota3A_245 = tpu.iota {dimensions = array<i32: 0>} : vector<16xi32>
          %add3A_246 = arith.constant 16 : i32
          %add3A_247 = vector.broadcast %add3A_246 : i32 to vector<16xi32>
          %add3A_248 = arith.addi %iota3A_245, %add3A_247 : vector<16xi32>
          %gather3A_249 = arith.constant 1 : i32
          %gather3A_250 = arith.constant 0 : i32
          %gather3A_251 = arith.constant 0 : i32
          %gather3A_252 = tpu.memref_slice %arg7[%gather3A_249, %gather3A_250, %gather3A_251] : memref<8x64x128xf32, #tpu.memory_space<vmem>> -> memref<1x64x128xf32, #tpu.memory_space<vmem>>
          %gather3A_253 = tpu.memref_squeeze %gather3A_252 : memref<1x64x128xf32, #tpu.memory_space<vmem>> -> memref<64x128xf32, #tpu.memory_space<vmem>>
          %gather3A_254 = tpu.vector_load_idx %gather3A_253[%add3A_248, %broadcast_in_dim3A_229] : memref<64x128xf32, #tpu.memory_space<vmem>>[vector<16xi32>, vector<16xi32>], vector<16xf32>,
          %mul3A_255 = arith.constant 64 : i32
          %mul3A_256 = arith.muli %add3A_221, %mul3A_255 : i32
          %add3A_257 = arith.constant 16 : i32
          %add3A_258 = arith.addi %mul3A_256, %add3A_257 : i32
          %swap3A_259 = arith.index_cast %add3A_258 : i32 to index
          %swap3A_260 = tpu.vector_load %arg8[%swap3A_259] {strides = array<i32>} : memref<32768xf32, #tpu.memory_space<vmem>>, vector<16xf32>,
          tpu.vector_store %arg8[%swap3A_259], %gather3A_254 {strides = array<i32>} : memref<32768xf32, #tpu.memory_space<vmem>>, vector<16xf32>,
          %iota3A_261 = tpu.iota {dimensions = array<i32: 0>} : vector<16xi32>
          %add3A_262 = arith.constant 32 : i32
          %add3A_263 = vector.broadcast %add3A_262 : i32 to vector<16xi32>
          %add3A_264 = arith.addi %iota3A_261, %add3A_263 : vector<16xi32>
          %gather3A_265 = arith.constant 1 : i32
          %gather3A_266 = arith.constant 0 : i32
          %gather3A_267 = arith.constant 0 : i32
          %gather3A_268 = tpu.memref_slice %arg7[%gather3A_265, %gather3A_266, %gather3A_267] : memref<8x64x128xf32, #tpu.memory_space<vmem>> -> memref<1x64x128xf32, #tpu.memory_space<vmem>>
          %gather3A_269 = tpu.memref_squeeze %gather3A_268 : memref<1x64x128xf32, #tpu.memory_space<vmem>> -> memref<64x128xf32, #tpu.memory_space<vmem>>
          %gather3A_270 = tpu.vector_load_idx %gather3A_269[%add3A_264, %broadcast_in_dim3A_229] : memref<64x128xf32, #tpu.memory_space<vmem>>[vector<16xi32>, vector<16xi32>], vector<16xf32>,
          %mul3A_271 = arith.constant 64 : i32
          %mul3A_272 = arith.muli %add3A_221, %mul3A_271 : i32
          %add3A_273 = arith.constant 32 : i32
          %add3A_274 = arith.addi %mul3A_272, %add3A_273 : i32
          %swap3A_275 = arith.index_cast %add3A_274 : i32 to index
          %swap3A_276 = tpu.vector_load %arg8[%swap3A_275] {strides = array<i32>} : memref<32768xf32, #tpu.memory_space<vmem>>, vector<16xf32>,
          tpu.vector_store %arg8[%swap3A_275], %gather3A_270 {strides = array<i32>} : memref<32768xf32, #tpu.memory_space<vmem>>, vector<16xf32>,
          %iota3A_277 = tpu.iota {dimensions = array<i32: 0>} : vector<16xi32>
          %add3A_278 = arith.constant 48 : i32
          %add3A_279 = vector.broadcast %add3A_278 : i32 to vector<16xi32>
          %add3A_280 = arith.addi %iota3A_277, %add3A_279 : vector<16xi32>
          %gather3A_281 = arith.constant 1 : i32
          %gather3A_282 = arith.constant 0 : i32
          %gather3A_283 = arith.constant 0 : i32
          %gather3A_284 = tpu.memref_slice %arg7[%gather3A_281, %gather3A_282, %gather3A_283] : memref<8x64x128xf32, #tpu.memory_space<vmem>> -> memref<1x64x128xf32, #tpu.memory_space<vmem>>
          %gather3A_285 = tpu.memref_squeeze %gather3A_284 : memref<1x64x128xf32, #tpu.memory_space<vmem>> -> memref<64x128xf32, #tpu.memory_space<vmem>>
          %gather3A_286 = tpu.vector_load_idx %gather3A_285[%add3A_280, %broadcast_in_dim3A_229] : memref<64x128xf32, #tpu.memory_space<vmem>>[vector<16xi32>, vector<16xi32>], vector<16xf32>,
          %mul3A_287 = arith.constant 64 : i32
          %mul3A_288 = arith.muli %add3A_221, %mul3A_287 : i32
          %add3A_289 = arith.constant 48 : i32
          %add3A_290 = arith.addi %mul3A_288, %add3A_289 : i32
          %swap3A_291 = arith.index_cast %add3A_290 : i32 to index
          %swap3A_292 = tpu.vector_load %arg8[%swap3A_291] {strides = array<i32>} : memref<32768xf32, #tpu.memory_space<vmem>>, vector<16xf32>,
          tpu.vector_store %arg8[%swap3A_291], %gather3A_286 {strides = array<i32>} : memref<32768xf32, #tpu.memory_space<vmem>>, vector<16xf32>,
        }
        %while3A_219 = arith.constant 1 : i32
        scf.for %while3A_220 = %while3A_217 to %while3A_213 step %while3A_219  : i32 {
          %add3A_221 = arith.addi %squeeze3A, %while3A_220 : i32
          %add3A_222 = arith.constant 128 : i32
          %add3A_223 = arith.addi %add3A_221, %add3A_222 : i32
          %get3A_224 = arith.index_cast %add3A_223 : i32 to index
          %get3A_225 = tpu.vector_load %arg5[%get3A_224] {strides = array<i32>} : memref<672xi32, #tpu.memory_space<vmem>>, vector<16xi32>,
          %slice3A_226 = vector.extract_strided_slice %get3A_225 {offsets = [0], sizes = [1], strides = [1]} : vector<16xi32> to vector<1xi32>
          %squeeze3A_227 = vector.extract %slice3A_226[0] : i32 from vector<1xi32>
          %sub3A_228 = arith.subi %squeeze3A_227, %shift_left3A_208 : i32
          %broadcast_in_dim3A_229 = vector.broadcast %sub3A_228 : i32 to vector<16xi32>
          %iota3A_230 = tpu.iota {dimensions = array<i32: 0>} : vector<16xi32>
          %add3A_231 = arith.constant 0 : i32
          %add3A_232 = vector.broadcast %add3A_231 : i32 to vector<16xi32>
          %add3A_233 = arith.addi %iota3A_230, %add3A_232 : vector<16xi32>
          %gather3A = arith.constant 1 : i32
          %gather3A_234 = arith.constant 0 : i32
          %gather3A_235 = arith.constant 0 : i32
          %gather3A_236 = tpu.memref_slice %arg7[%gather3A, %gather3A_234, %gather3A_235] : memref<8x64x128xf32, #tpu.memory_space<vmem>> -> memref<1x64x128xf32, #tpu.memory_space<vmem>>
          %gather3A_237 = tpu.memref_squeeze %gather3A_236 : memref<1x64x128xf32, #tpu.memory_space<vmem>> -> memref<64x128xf32, #tpu.memory_space<vmem>>
          %gather3A_238 = tpu.vector_load_idx %gather3A_237[%add3A_233, %broadcast_in_dim3A_229] : memref<64x128xf32, #tpu.memory_space<vmem>>[vector<16xi32>, vector<16xi32>], vector<16xf32>,
          %mul3A_239 = arith.constant 64 : i32
          %mul3A_240 = arith.muli %add3A_221, %mul3A_239 : i32
          %add3A_241 = arith.constant 0 : i32
          %add3A_242 = arith.addi %mul3A_240, %add3A_241 : i32
          %swap3A_243 = arith.index_cast %add3A_242 : i32 to index
          %swap3A_244 = tpu.vector_load %arg8[%swap3A_243] {strides = array<i32>} : memref<32768xf32, #tpu.memory_space<vmem>>, vector<16xf32>,
          tpu.vector_store %arg8[%swap3A_243], %gather3A_238 {strides = array<i32>} : memref<32768xf32, #tpu.memory_space<vmem>>, vector<16xf32>,
          %iota3A_245 = tpu.iota {dimensions = array<i32: 0>} : vector<16xi32>
          %add3A_246 = arith.constant 16 : i32
          %add3A_247 = vector.broadcast %add3A_246 : i32 to vector<16xi32>
          %add3A_248 = arith.addi %iota3A_245, %add3A_247 : vector<16xi32>
          %gather3A_249 = arith.constant 1 : i32
          %gather3A_250 = arith.constant 0 : i32
          %gather3A_251 = arith.constant 0 : i32
          %gather3A_252 = tpu.memref_slice %arg7[%gather3A_249, %gather3A_250, %gather3A_251] : memref<8x64x128xf32, #tpu.memory_space<vmem>> -> memref<1x64x128xf32, #tpu.memory_space<vmem>>
          %gather3A_253 = tpu.memref_squeeze %gather3A_252 : memref<1x64x128xf32, #tpu.memory_space<vmem>> -> memref<64x128xf32, #tpu.memory_space<vmem>>
          %gather3A_254 = tpu.vector_load_idx %gather3A_253[%add3A_248, %broadcast_in_dim3A_229] : memref<64x128xf32, #tpu.memory_space<vmem>>[vector<16xi32>, vector<16xi32>], vector<16xf32>,
          %mul3A_255 = arith.constant 64 : i32
          %mul3A_256 = arith.muli %add3A_221, %mul3A_255 : i32
          %add3A_257 = arith.constant 16 : i32
          %add3A_258 = arith.addi %mul3A_256, %add3A_257 : i32
          %swap3A_259 = arith.index_cast %add3A_258 : i32 to index
          %swap3A_260 = tpu.vector_load %arg8[%swap3A_259] {strides = array<i32>} : memref<32768xf32, #tpu.memory_space<vmem>>, vector<16xf32>,
          tpu.vector_store %arg8[%swap3A_259], %gather3A_254 {strides = array<i32>} : memref<32768xf32, #tpu.memory_space<vmem>>, vector<16xf32>,
          %iota3A_261 = tpu.iota {dimensions = array<i32: 0>} : vector<16xi32>
          %add3A_262 = arith.constant 32 : i32
          %add3A_263 = vector.broadcast %add3A_262 : i32 to vector<16xi32>
          %add3A_264 = arith.addi %iota3A_261, %add3A_263 : vector<16xi32>
          %gather3A_265 = arith.constant 1 : i32
          %gather3A_266 = arith.constant 0 : i32
          %gather3A_267 = arith.constant 0 : i32
          %gather3A_268 = tpu.memref_slice %arg7[%gather3A_265, %gather3A_266, %gather3A_267] : memref<8x64x128xf32, #tpu.memory_space<vmem>> -> memref<1x64x128xf32, #tpu.memory_space<vmem>>
          %gather3A_269 = tpu.memref_squeeze %gather3A_268 : memref<1x64x128xf32, #tpu.memory_space<vmem>> -> memref<64x128xf32, #tpu.memory_space<vmem>>
          %gather3A_270 = tpu.vector_load_idx %gather3A_269[%add3A_264, %broadcast_in_dim3A_229] : memref<64x128xf32, #tpu.memory_space<vmem>>[vector<16xi32>, vector<16xi32>], vector<16xf32>,
          %mul3A_271 = arith.constant 64 : i32
          %mul3A_272 = arith.muli %add3A_221, %mul3A_271 : i32
          %add3A_273 = arith.constant 32 : i32
          %add3A_274 = arith.addi %mul3A_272, %add3A_273 : i32
          %swap3A_275 = arith.index_cast %add3A_274 : i32 to index
          %swap3A_276 = tpu.vector_load %arg8[%swap3A_275] {strides = array<i32>} : memref<32768xf32, #tpu.memory_space<vmem>>, vector<16xf32>,
          tpu.vector_store %arg8[%swap3A_275], %gather3A_270 {strides = array<i32>} : memref<32768xf32, #tpu.memory_space<vmem>>, vector<16xf32>,
          %iota3A_277 = tpu.iota {dimensions = array<i32: 0>} : vector<16xi32>
          %add3A_278 = arith.constant 48 : i32
          %add3A_279 = vector.broadcast %add3A_278 : i32 to vector<16xi32>
          %add3A_280 = arith.addi %iota3A_277, %add3A_279 : vector<16xi32>
          %gather3A_281 = arith.constant 1 : i32
          %gather3A_282 = arith.constant 0 : i32
          %gather3A_283 = arith.constant 0 : i32
          %gather3A_284 = tpu.memref_slice %arg7[%gather3A_281, %gather3A_282, %gather3A_283] : memref<8x64x128xf32, #tpu.memory_space<vmem>> -> memref<1x64x128xf32, #tpu.memory_space<vmem>>
          %gather3A_285 = tpu.memref_squeeze %gather3A_284 : memref<1x64x128xf32, #tpu.memory_space<vmem>> -> memref<64x128xf32, #tpu.memory_space<vmem>>
          %gather3A_286 = tpu.vector_load_idx %gather3A_285[%add3A_280, %broadcast_in_dim3A_229] : memref<64x128xf32, #tpu.memory_space<vmem>>[vector<16xi32>, vector<16xi32>], vector<16xf32>,
          %mul3A_287 = arith.constant 64 : i32
          %mul3A_288 = arith.muli %add3A_221, %mul3A_287 : i32
          %add3A_289 = arith.constant 48 : i32
          %add3A_290 = arith.addi %mul3A_288, %add3A_289 : i32
          %swap3A_291 = arith.index_cast %add3A_290 : i32 to index
          %swap3A_292 = tpu.vector_load %arg8[%swap3A_291] {strides = array<i32>} : memref<32768xf32, #tpu.memory_space<vmem>>, vector<16xf32>,
          tpu.vector_store %arg8[%swap3A_291], %gather3A_286 {strides = array<i32>} : memref<32768xf32, #tpu.memory_space<vmem>>, vector<16xf32>,
        }
      } else {
      }
      %add3A_102 = arith.constant 8 : i32
      %add3A_103 = arith.addi %add3A_97, %add3A_102 : i32
      %lt3A_104 = arith.cmpi slt, %add3A_103, %scan3A_7 : i32
      %convert_element_type3A_105 = arith.extui %lt3A_104 : i1 to i32
      %cond3A_106 = arith.constant 0 : i32
      %cond3A_107 = arith.cmpi ne, %convert_element_type3A_105, %cond3A_106 : i32
      scf.if %cond3A_107 {
        %get3A = arith.index_cast %add3A_103 : i32 to index
        %get3A_180 = tpu.vector_load %arg6[%get3A] {strides = array<i32>} : memref<672xi32, #tpu.memory_space<vmem>>, vector<16xi32>,
        %slice3A = vector.extract_strided_slice %get3A_180 {offsets = [0], sizes = [1], strides = [1]} : vector<16xi32> to vector<1xi32>
        %squeeze3A = vector.extract %slice3A[0] : i32 from vector<1xi32>
        %add3A_181 = arith.constant 128 : i32
        %add3A_182 = arith.addi %squeeze3A, %add3A_181 : i32
        %get3A_183 = arith.index_cast %add3A_182 : i32 to index
        %get3A_184 = tpu.vector_load %arg5[%get3A_183] {strides = array<i32>} : memref<672xi32, #tpu.memory_space<vmem>>, vector<16xi32>,
        %slice3A_185 = vector.extract_strided_slice %get3A_184 {offsets = [0], sizes = [1], strides = [1]} : vector<16xi32> to vector<1xi32>
        %squeeze3A_186 = vector.extract %slice3A_185[0] : i32 from vector<1xi32>
        %shift_right_arithmetic3A = arith.constant 7 : i32
        %shift_right_arithmetic3A_187 = arith.shrsi %squeeze3A_186, %shift_right_arithmetic3A : i32
        %shift_left3A = arith.constant 7 : i32
        %shift_left3A_188 = arith.shli %shift_right_arithmetic3A_187, %shift_left3A : i32
        %multiple_of3A = tpu.assume_multiple %shift_left3A_188, 128 : i32
        %dma_start3A = arith.constant 1 : i32
        %dma_start3A_189 = arith.constant 0 : i32
        %dma_start3A_190 = arith.constant 0 : i32
        %dma_start3A_191 = tpu.memref_slice %arg7[%dma_start3A, %dma_start3A_189, %dma_start3A_190] : memref<8x64x128xf32, #tpu.memory_space<vmem>> -> memref<1x64x128xf32, #tpu.memory_space<vmem>>
        %dma_start3A_192 = tpu.memref_squeeze %dma_start3A_191 : memref<1x64x128xf32, #tpu.memory_space<vmem>> -> memref<64x128xf32, #tpu.memory_space<vmem>>
        %dma_start3A_193 = arith.constant 0 : i32
        %dma_start3A_194 = tpu.memref_slice %arg2[%dma_start3A_193, %multiple_of3A] : memref<64x1000000xf32, #tpu.memory_space<hbm>> -> memref<64x128xf32, #tpu.memory_space<hbm>>
        %dma_start3A_195 = arith.constant 0 : i32
        %dma_start3A_196 = arith.constant 0 : i32
        %dma_start3A_197 = tpu.memref_slice %arg7[%dma_start3A, %dma_start3A_195, %dma_start3A_196] : memref<8x64x128xf32, #tpu.memory_space<vmem>> -> memref<1x64x128xf32, #tpu.memory_space<vmem>>
        %dma_start3A_198 = tpu.memref_squeeze %dma_start3A_197 : memref<1x64x128xf32, #tpu.memory_space<vmem>> -> memref<64x128xf32, #tpu.memory_space<vmem>>
        %dma_start3A_199 = arith.constant 0 : i32
        %dma_start3A_200 = tpu.memref_slice %arg2[%dma_start3A_199, %multiple_of3A] : memref<64x1000000xf32, #tpu.memory_space<hbm>> -> memref<64x128xf32, #tpu.memory_space<hbm>>
        tpu.enqueue_dma source(%dma_start3A_200 : memref<64x128xf32, #tpu.memory_space<hbm>>) target(%dma_start3A_198 : memref<64x128xf32, #tpu.memory_space<vmem>>) target_semaphore(%arg10 : memref<!tpu.dma_semaphore, #tpu.memory_space<semaphore_mem>>)
      } else {
      }
      %add3A_108 = arith.constant 2 : i32
      %add3A_109 = arith.addi %mul3A_84, %add3A_108 : i32
      %lt3A_110 = arith.cmpi slt, %add3A_109, %scan3A_7 : i32
      %convert_element_type3A_111 = arith.extui %lt3A_110 : i1 to i32
      %cond3A_112 = arith.constant 0 : i32
      %cond3A_113 = arith.cmpi ne, %convert_element_type3A_111, %cond3A_112 : i32
      scf.if %cond3A_113 {
        %dma_wait3A = arith.constant 2 : i32
        %dma_wait3A_180 = arith.constant 0 : i32
        %dma_wait3A_181 = arith.constant 0 : i32
        %dma_wait3A_182 = tpu.memref_slice %arg7[%dma_wait3A, %dma_wait3A_180, %dma_wait3A_181] : memref<8x64x128xf32, #tpu.memory_space<vmem>> -> memref<1x64x128xf32, #tpu.memory_space<vmem>>
        %dma_wait3A_183 = tpu.memref_squeeze %dma_wait3A_182 : memref<1x64x128xf32, #tpu.memory_space<vmem>> -> memref<64x128xf32, #tpu.memory_space<vmem>>
        %dma_wait3A_184 = arith.constant 0 : i32
        %dma_wait3A_185 = arith.constant 0 : i32
        %dma_wait3A_186 = tpu.memref_slice %arg2[%dma_wait3A_184, %dma_wait3A_185] : memref<64x1000000xf32, #tpu.memory_space<hbm>> -> memref<64x128xf32, #tpu.memory_space<hbm>>
        %dma_wait3A_187 = arith.constant 0 : i32
        %dma_wait3A_188 = arith.constant 0 : i32
        %dma_wait3A_189 = tpu.memref_slice %arg7[%dma_wait3A, %dma_wait3A_187, %dma_wait3A_188] : memref<8x64x128xf32, #tpu.memory_space<vmem>> -> memref<1x64x128xf32, #tpu.memory_space<vmem>>
        %dma_wait3A_190 = tpu.memref_squeeze %dma_wait3A_189 : memref<1x64x128xf32, #tpu.memory_space<vmem>> -> memref<64x128xf32, #tpu.memory_space<vmem>>
        %dma_wait3A_191 = arith.constant 0 : i32
        %dma_wait3A_192 = arith.constant 0 : i32
        %dma_wait3A_193 = tpu.memref_slice %arg2[%dma_wait3A_191, %dma_wait3A_192] : memref<64x1000000xf32, #tpu.memory_space<hbm>> -> memref<64x128xf32, #tpu.memory_space<hbm>>
        tpu.wait_dma2 semaphore(%arg11 : memref<!tpu.dma_semaphore, #tpu.memory_space<semaphore_mem>>) src(%dma_wait3A_193 : memref<64x128xf32, #tpu.memory_space<hbm>>) dst(%dma_wait3A_190 : memref<64x128xf32, #tpu.memory_space<vmem>>)
        %get3A = arith.index_cast %add3A_109 : i32 to index
        %get3A_194 = tpu.vector_load %arg6[%get3A] {strides = array<i32>} : memref<672xi32, #tpu.memory_space<vmem>>, vector<16xi32>,
        %slice3A = vector.extract_strided_slice %get3A_194 {offsets = [0], sizes = [1], strides = [1]} : vector<16xi32> to vector<1xi32>
        %squeeze3A = vector.extract %slice3A[0] : i32 from vector<1xi32>
        %add3A_195 = arith.constant 1 : i32
        %add3A_196 = arith.addi %add3A_109, %add3A_195 : i32
        %get3A_197 = arith.index_cast %add3A_196 : i32 to index
        %get3A_198 = tpu.vector_load %arg6[%get3A_197] {strides = array<i32>} : memref<672xi32, #tpu.memory_space<vmem>>, vector<16xi32>,
        %slice3A_199 = vector.extract_strided_slice %get3A_198 {offsets = [0], sizes = [1], strides = [1]} : vector<16xi32> to vector<1xi32>
        %squeeze3A_200 = vector.extract %slice3A_199[0] : i32 from vector<1xi32>
        %add3A_201 = arith.constant 128 : i32
        %add3A_202 = arith.addi %squeeze3A, %add3A_201 : i32
        %get3A_203 = arith.index_cast %add3A_202 : i32 to index
        %get3A_204 = tpu.vector_load %arg5[%get3A_203] {strides = array<i32>} : memref<672xi32, #tpu.memory_space<vmem>>, vector<16xi32>,
        %slice3A_205 = vector.extract_strided_slice %get3A_204 {offsets = [0], sizes = [1], strides = [1]} : vector<16xi32> to vector<1xi32>
        %squeeze3A_206 = vector.extract %slice3A_205[0] : i32 from vector<1xi32>
        %shift_right_arithmetic3A = arith.constant 7 : i32
        %shift_right_arithmetic3A_207 = arith.shrsi %squeeze3A_206, %shift_right_arithmetic3A : i32
        %shift_left3A = arith.constant 7 : i32
        %shift_left3A_208 = arith.shli %shift_right_arithmetic3A_207, %shift_left3A : i32
        %sub3A_209 = arith.subi %squeeze3A_200, %squeeze3A : i32
        %while3A_210 = arith.constant 0 : i32
        %while3A_211 = arith.constant 0 : i32
        %while3A_212 = arith.subi %sub3A_209, %while3A_211 : i32
        %while3A_213 = arith.addi %while3A_211, %while3A_212 : i32
        %while3A_214 = arith.constant 1 : i32
        %while3A_215 = arith.divsi %while3A_212, %while3A_214 : i32
        %while3A_216 = arith.muli %while3A_215, %while3A_214 : i32
        %while3A_217 = arith.addi %while3A_211, %while3A_216 : i32
        %while3A_218 = arith.constant 1 : i32
        scf.for %while3A_220 = %while3A_211 to %while3A_217 step %while3A_218  : i32 {
          %add3A_221 = arith.addi %squeeze3A, %while3A_220 : i32
          %add3A_222 = arith.constant 128 : i32
          %add3A_223 = arith.addi %add3A_221, %add3A_222 : i32
          %get3A_224 = arith.index_cast %add3A_223 : i32 to index
          %get3A_225 = tpu.vector_load %arg5[%get3A_224] {strides = array<i32>} : memref<672xi32, #tpu.memory_space<vmem>>, vector<16xi32>,
          %slice3A_226 = vector.extract_strided_slice %get3A_225 {offsets = [0], sizes = [1], strides = [1]} : vector<16xi32> to vector<1xi32>
          %squeeze3A_227 = vector.extract %slice3A_226[0] : i32 from vector<1xi32>
          %sub3A_228 = arith.subi %squeeze3A_227, %shift_left3A_208 : i32
          %broadcast_in_dim3A_229 = vector.broadcast %sub3A_228 : i32 to vector<16xi32>
          %iota3A_230 = tpu.iota {dimensions = array<i32: 0>} : vector<16xi32>
          %add3A_231 = arith.constant 0 : i32
          %add3A_232 = vector.broadcast %add3A_231 : i32 to vector<16xi32>
          %add3A_233 = arith.addi %iota3A_230, %add3A_232 : vector<16xi32>
          %gather3A = arith.constant 2 : i32
          %gather3A_234 = arith.constant 0 : i32
          %gather3A_235 = arith.constant 0 : i32
          %gather3A_236 = tpu.memref_slice %arg7[%gather3A, %gather3A_234, %gather3A_235] : memref<8x64x128xf32, #tpu.memory_space<vmem>> -> memref<1x64x128xf32, #tpu.memory_space<vmem>>
          %gather3A_237 = tpu.memref_squeeze %gather3A_236 : memref<1x64x128xf32, #tpu.memory_space<vmem>> -> memref<64x128xf32, #tpu.memory_space<vmem>>
          %gather3A_238 = tpu.vector_load_idx %gather3A_237[%add3A_233, %broadcast_in_dim3A_229] : memref<64x128xf32, #tpu.memory_space<vmem>>[vector<16xi32>, vector<16xi32>], vector<16xf32>,
          %mul3A_239 = arith.constant 64 : i32
          %mul3A_240 = arith.muli %add3A_221, %mul3A_239 : i32
          %add3A_241 = arith.constant 0 : i32
          %add3A_242 = arith.addi %mul3A_240, %add3A_241 : i32
          %swap3A_243 = arith.index_cast %add3A_242 : i32 to index
          %swap3A_244 = tpu.vector_load %arg8[%swap3A_243] {strides = array<i32>} : memref<32768xf32, #tpu.memory_space<vmem>>, vector<16xf32>,
          tpu.vector_store %arg8[%swap3A_243], %gather3A_238 {strides = array<i32>} : memref<32768xf32, #tpu.memory_space<vmem>>, vector<16xf32>,
          %iota3A_245 = tpu.iota {dimensions = array<i32: 0>} : vector<16xi32>
          %add3A_246 = arith.constant 16 : i32
          %add3A_247 = vector.broadcast %add3A_246 : i32 to vector<16xi32>
          %add3A_248 = arith.addi %iota3A_245, %add3A_247 : vector<16xi32>
          %gather3A_249 = arith.constant 2 : i32
          %gather3A_250 = arith.constant 0 : i32
          %gather3A_251 = arith.constant 0 : i32
          %gather3A_252 = tpu.memref_slice %arg7[%gather3A_249, %gather3A_250, %gather3A_251] : memref<8x64x128xf32, #tpu.memory_space<vmem>> -> memref<1x64x128xf32, #tpu.memory_space<vmem>>
          %gather3A_253 = tpu.memref_squeeze %gather3A_252 : memref<1x64x128xf32, #tpu.memory_space<vmem>> -> memref<64x128xf32, #tpu.memory_space<vmem>>
          %gather3A_254 = tpu.vector_load_idx %gather3A_253[%add3A_248, %broadcast_in_dim3A_229] : memref<64x128xf32, #tpu.memory_space<vmem>>[vector<16xi32>, vector<16xi32>], vector<16xf32>,
          %mul3A_255 = arith.constant 64 : i32
          %mul3A_256 = arith.muli %add3A_221, %mul3A_255 : i32
          %add3A_257 = arith.constant 16 : i32
          %add3A_258 = arith.addi %mul3A_256, %add3A_257 : i32
          %swap3A_259 = arith.index_cast %add3A_258 : i32 to index
          %swap3A_260 = tpu.vector_load %arg8[%swap3A_259] {strides = array<i32>} : memref<32768xf32, #tpu.memory_space<vmem>>, vector<16xf32>,
          tpu.vector_store %arg8[%swap3A_259], %gather3A_254 {strides = array<i32>} : memref<32768xf32, #tpu.memory_space<vmem>>, vector<16xf32>,
          %iota3A_261 = tpu.iota {dimensions = array<i32: 0>} : vector<16xi32>
          %add3A_262 = arith.constant 32 : i32
          %add3A_263 = vector.broadcast %add3A_262 : i32 to vector<16xi32>
          %add3A_264 = arith.addi %iota3A_261, %add3A_263 : vector<16xi32>
          %gather3A_265 = arith.constant 2 : i32
          %gather3A_266 = arith.constant 0 : i32
          %gather3A_267 = arith.constant 0 : i32
          %gather3A_268 = tpu.memref_slice %arg7[%gather3A_265, %gather3A_266, %gather3A_267] : memref<8x64x128xf32, #tpu.memory_space<vmem>> -> memref<1x64x128xf32, #tpu.memory_space<vmem>>
          %gather3A_269 = tpu.memref_squeeze %gather3A_268 : memref<1x64x128xf32, #tpu.memory_space<vmem>> -> memref<64x128xf32, #tpu.memory_space<vmem>>
          %gather3A_270 = tpu.vector_load_idx %gather3A_269[%add3A_264, %broadcast_in_dim3A_229] : memref<64x128xf32, #tpu.memory_space<vmem>>[vector<16xi32>, vector<16xi32>], vector<16xf32>,
          %mul3A_271 = arith.constant 64 : i32
          %mul3A_272 = arith.muli %add3A_221, %mul3A_271 : i32
          %add3A_273 = arith.constant 32 : i32
          %add3A_274 = arith.addi %mul3A_272, %add3A_273 : i32
          %swap3A_275 = arith.index_cast %add3A_274 : i32 to index
          %swap3A_276 = tpu.vector_load %arg8[%swap3A_275] {strides = array<i32>} : memref<32768xf32, #tpu.memory_space<vmem>>, vector<16xf32>,
          tpu.vector_store %arg8[%swap3A_275], %gather3A_270 {strides = array<i32>} : memref<32768xf32, #tpu.memory_space<vmem>>, vector<16xf32>,
          %iota3A_277 = tpu.iota {dimensions = array<i32: 0>} : vector<16xi32>
          %add3A_278 = arith.constant 48 : i32
          %add3A_279 = vector.broadcast %add3A_278 : i32 to vector<16xi32>
          %add3A_280 = arith.addi %iota3A_277, %add3A_279 : vector<16xi32>
          %gather3A_281 = arith.constant 2 : i32
          %gather3A_282 = arith.constant 0 : i32
          %gather3A_283 = arith.constant 0 : i32
          %gather3A_284 = tpu.memref_slice %arg7[%gather3A_281, %gather3A_282, %gather3A_283] : memref<8x64x128xf32, #tpu.memory_space<vmem>> -> memref<1x64x128xf32, #tpu.memory_space<vmem>>
          %gather3A_285 = tpu.memref_squeeze %gather3A_284 : memref<1x64x128xf32, #tpu.memory_space<vmem>> -> memref<64x128xf32, #tpu.memory_space<vmem>>
          %gather3A_286 = tpu.vector_load_idx %gather3A_285[%add3A_280, %broadcast_in_dim3A_229] : memref<64x128xf32, #tpu.memory_space<vmem>>[vector<16xi32>, vector<16xi32>], vector<16xf32>,
          %mul3A_287 = arith.constant 64 : i32
          %mul3A_288 = arith.muli %add3A_221, %mul3A_287 : i32
          %add3A_289 = arith.constant 48 : i32
          %add3A_290 = arith.addi %mul3A_288, %add3A_289 : i32
          %swap3A_291 = arith.index_cast %add3A_290 : i32 to index
          %swap3A_292 = tpu.vector_load %arg8[%swap3A_291] {strides = array<i32>} : memref<32768xf32, #tpu.memory_space<vmem>>, vector<16xf32>,
          tpu.vector_store %arg8[%swap3A_291], %gather3A_286 {strides = array<i32>} : memref<32768xf32, #tpu.memory_space<vmem>>, vector<16xf32>,
        }
        %while3A_219 = arith.constant 1 : i32
        scf.for %while3A_220 = %while3A_217 to %while3A_213 step %while3A_219  : i32 {
          %add3A_221 = arith.addi %squeeze3A, %while3A_220 : i32
          %add3A_222 = arith.constant 128 : i32
          %add3A_223 = arith.addi %add3A_221, %add3A_222 : i32
          %get3A_224 = arith.index_cast %add3A_223 : i32 to index
          %get3A_225 = tpu.vector_load %arg5[%get3A_224] {strides = array<i32>} : memref<672xi32, #tpu.memory_space<vmem>>, vector<16xi32>,
          %slice3A_226 = vector.extract_strided_slice %get3A_225 {offsets = [0], sizes = [1], strides = [1]} : vector<16xi32> to vector<1xi32>
          %squeeze3A_227 = vector.extract %slice3A_226[0] : i32 from vector<1xi32>
          %sub3A_228 = arith.subi %squeeze3A_227, %shift_left3A_208 : i32
          %broadcast_in_dim3A_229 = vector.broadcast %sub3A_228 : i32 to vector<16xi32>
          %iota3A_230 = tpu.iota {dimensions = array<i32: 0>} : vector<16xi32>
          %add3A_231 = arith.constant 0 : i32
          %add3A_232 = vector.broadcast %add3A_231 : i32 to vector<16xi32>
          %add3A_233 = arith.addi %iota3A_230, %add3A_232 : vector<16xi32>
          %gather3A = arith.constant 2 : i32
          %gather3A_234 = arith.constant 0 : i32
          %gather3A_235 = arith.constant 0 : i32
          %gather3A_236 = tpu.memref_slice %arg7[%gather3A, %gather3A_234, %gather3A_235] : memref<8x64x128xf32, #tpu.memory_space<vmem>> -> memref<1x64x128xf32, #tpu.memory_space<vmem>>
          %gather3A_237 = tpu.memref_squeeze %gather3A_236 : memref<1x64x128xf32, #tpu.memory_space<vmem>> -> memref<64x128xf32, #tpu.memory_space<vmem>>
          %gather3A_238 = tpu.vector_load_idx %gather3A_237[%add3A_233, %broadcast_in_dim3A_229] : memref<64x128xf32, #tpu.memory_space<vmem>>[vector<16xi32>, vector<16xi32>], vector<16xf32>,
          %mul3A_239 = arith.constant 64 : i32
          %mul3A_240 = arith.muli %add3A_221, %mul3A_239 : i32
          %add3A_241 = arith.constant 0 : i32
          %add3A_242 = arith.addi %mul3A_240, %add3A_241 : i32
          %swap3A_243 = arith.index_cast %add3A_242 : i32 to index
          %swap3A_244 = tpu.vector_load %arg8[%swap3A_243] {strides = array<i32>} : memref<32768xf32, #tpu.memory_space<vmem>>, vector<16xf32>,
          tpu.vector_store %arg8[%swap3A_243], %gather3A_238 {strides = array<i32>} : memref<32768xf32, #tpu.memory_space<vmem>>, vector<16xf32>,
          %iota3A_245 = tpu.iota {dimensions = array<i32: 0>} : vector<16xi32>
          %add3A_246 = arith.constant 16 : i32
          %add3A_247 = vector.broadcast %add3A_246 : i32 to vector<16xi32>
          %add3A_248 = arith.addi %iota3A_245, %add3A_247 : vector<16xi32>
          %gather3A_249 = arith.constant 2 : i32
          %gather3A_250 = arith.constant 0 : i32
          %gather3A_251 = arith.constant 0 : i32
          %gather3A_252 = tpu.memref_slice %arg7[%gather3A_249, %gather3A_250, %gather3A_251] : memref<8x64x128xf32, #tpu.memory_space<vmem>> -> memref<1x64x128xf32, #tpu.memory_space<vmem>>
          %gather3A_253 = tpu.memref_squeeze %gather3A_252 : memref<1x64x128xf32, #tpu.memory_space<vmem>> -> memref<64x128xf32, #tpu.memory_space<vmem>>
          %gather3A_254 = tpu.vector_load_idx %gather3A_253[%add3A_248, %broadcast_in_dim3A_229] : memref<64x128xf32, #tpu.memory_space<vmem>>[vector<16xi32>, vector<16xi32>], vector<16xf32>,
          %mul3A_255 = arith.constant 64 : i32
          %mul3A_256 = arith.muli %add3A_221, %mul3A_255 : i32
          %add3A_257 = arith.constant 16 : i32
          %add3A_258 = arith.addi %mul3A_256, %add3A_257 : i32
          %swap3A_259 = arith.index_cast %add3A_258 : i32 to index
          %swap3A_260 = tpu.vector_load %arg8[%swap3A_259] {strides = array<i32>} : memref<32768xf32, #tpu.memory_space<vmem>>, vector<16xf32>,
          tpu.vector_store %arg8[%swap3A_259], %gather3A_254 {strides = array<i32>} : memref<32768xf32, #tpu.memory_space<vmem>>, vector<16xf32>,
          %iota3A_261 = tpu.iota {dimensions = array<i32: 0>} : vector<16xi32>
          %add3A_262 = arith.constant 32 : i32
          %add3A_263 = vector.broadcast %add3A_262 : i32 to vector<16xi32>
          %add3A_264 = arith.addi %iota3A_261, %add3A_263 : vector<16xi32>
          %gather3A_265 = arith.constant 2 : i32
          %gather3A_266 = arith.constant 0 : i32
          %gather3A_267 = arith.constant 0 : i32
          %gather3A_268 = tpu.memref_slice %arg7[%gather3A_265, %gather3A_266, %gather3A_267] : memref<8x64x128xf32, #tpu.memory_space<vmem>> -> memref<1x64x128xf32, #tpu.memory_space<vmem>>
          %gather3A_269 = tpu.memref_squeeze %gather3A_268 : memref<1x64x128xf32, #tpu.memory_space<vmem>> -> memref<64x128xf32, #tpu.memory_space<vmem>>
          %gather3A_270 = tpu.vector_load_idx %gather3A_269[%add3A_264, %broadcast_in_dim3A_229] : memref<64x128xf32, #tpu.memory_space<vmem>>[vector<16xi32>, vector<16xi32>], vector<16xf32>,
          %mul3A_271 = arith.constant 64 : i32
          %mul3A_272 = arith.muli %add3A_221, %mul3A_271 : i32
          %add3A_273 = arith.constant 32 : i32
          %add3A_274 = arith.addi %mul3A_272, %add3A_273 : i32
          %swap3A_275 = arith.index_cast %add3A_274 : i32 to index
          %swap3A_276 = tpu.vector_load %arg8[%swap3A_275] {strides = array<i32>} : memref<32768xf32, #tpu.memory_space<vmem>>, vector<16xf32>,
          tpu.vector_store %arg8[%swap3A_275], %gather3A_270 {strides = array<i32>} : memref<32768xf32, #tpu.memory_space<vmem>>, vector<16xf32>,
          %iota3A_277 = tpu.iota {dimensions = array<i32: 0>} : vector<16xi32>
          %add3A_278 = arith.constant 48 : i32
          %add3A_279 = vector.broadcast %add3A_278 : i32 to vector<16xi32>
          %add3A_280 = arith.addi %iota3A_277, %add3A_279 : vector<16xi32>
          %gather3A_281 = arith.constant 2 : i32
          %gather3A_282 = arith.constant 0 : i32
          %gather3A_283 = arith.constant 0 : i32
          %gather3A_284 = tpu.memref_slice %arg7[%gather3A_281, %gather3A_282, %gather3A_283] : memref<8x64x128xf32, #tpu.memory_space<vmem>> -> memref<1x64x128xf32, #tpu.memory_space<vmem>>
          %gather3A_285 = tpu.memref_squeeze %gather3A_284 : memref<1x64x128xf32, #tpu.memory_space<vmem>> -> memref<64x128xf32, #tpu.memory_space<vmem>>
          %gather3A_286 = tpu.vector_load_idx %gather3A_285[%add3A_280, %broadcast_in_dim3A_229] : memref<64x128xf32, #tpu.memory_space<vmem>>[vector<16xi32>, vector<16xi32>], vector<16xf32>,
          %mul3A_287 = arith.constant 64 : i32
          %mul3A_288 = arith.muli %add3A_221, %mul3A_287 : i32
          %add3A_289 = arith.constant 48 : i32
          %add3A_290 = arith.addi %mul3A_288, %add3A_289 : i32
          %swap3A_291 = arith.index_cast %add3A_290 : i32 to index
          %swap3A_292 = tpu.vector_load %arg8[%swap3A_291] {strides = array<i32>} : memref<32768xf32, #tpu.memory_space<vmem>>, vector<16xf32>,
          tpu.vector_store %arg8[%swap3A_291], %gather3A_286 {strides = array<i32>} : memref<32768xf32, #tpu.memory_space<vmem>>, vector<16xf32>,
        }
      } else {
      }
      %add3A_114 = arith.constant 8 : i32
      %add3A_115 = arith.addi %add3A_109, %add3A_114 : i32
      %lt3A_116 = arith.cmpi slt, %add3A_115, %scan3A_7 : i32
      %convert_element_type3A_117 = arith.extui %lt3A_116 : i1 to i32
      %cond3A_118 = arith.constant 0 : i32
      %cond3A_119 = arith.cmpi ne, %convert_element_type3A_117, %cond3A_118 : i32
      scf.if %cond3A_119 {
        %get3A = arith.index_cast %add3A_115 : i32 to index
        %get3A_180 = tpu.vector_load %arg6[%get3A] {strides = array<i32>} : memref<672xi32, #tpu.memory_space<vmem>>, vector<16xi32>,
        %slice3A = vector.extract_strided_slice %get3A_180 {offsets = [0], sizes = [1], strides = [1]} : vector<16xi32> to vector<1xi32>
        %squeeze3A = vector.extract %slice3A[0] : i32 from vector<1xi32>
        %add3A_181 = arith.constant 128 : i32
        %add3A_182 = arith.addi %squeeze3A, %add3A_181 : i32
        %get3A_183 = arith.index_cast %add3A_182 : i32 to index
        %get3A_184 = tpu.vector_load %arg5[%get3A_183] {strides = array<i32>} : memref<672xi32, #tpu.memory_space<vmem>>, vector<16xi32>,
        %slice3A_185 = vector.extract_strided_slice %get3A_184 {offsets = [0], sizes = [1], strides = [1]} : vector<16xi32> to vector<1xi32>
        %squeeze3A_186 = vector.extract %slice3A_185[0] : i32 from vector<1xi32>
        %shift_right_arithmetic3A = arith.constant 7 : i32
        %shift_right_arithmetic3A_187 = arith.shrsi %squeeze3A_186, %shift_right_arithmetic3A : i32
        %shift_left3A = arith.constant 7 : i32
        %shift_left3A_188 = arith.shli %shift_right_arithmetic3A_187, %shift_left3A : i32
        %multiple_of3A = tpu.assume_multiple %shift_left3A_188, 128 : i32
        %dma_start3A = arith.constant 2 : i32
        %dma_start3A_189 = arith.constant 0 : i32
        %dma_start3A_190 = arith.constant 0 : i32
        %dma_start3A_191 = tpu.memref_slice %arg7[%dma_start3A, %dma_start3A_189, %dma_start3A_190] : memref<8x64x128xf32, #tpu.memory_space<vmem>> -> memref<1x64x128xf32, #tpu.memory_space<vmem>>
        %dma_start3A_192 = tpu.memref_squeeze %dma_start3A_191 : memref<1x64x128xf32, #tpu.memory_space<vmem>> -> memref<64x128xf32, #tpu.memory_space<vmem>>
        %dma_start3A_193 = arith.constant 0 : i32
        %dma_start3A_194 = tpu.memref_slice %arg2[%dma_start3A_193, %multiple_of3A] : memref<64x1000000xf32, #tpu.memory_space<hbm>> -> memref<64x128xf32, #tpu.memory_space<hbm>>
        %dma_start3A_195 = arith.constant 0 : i32
        %dma_start3A_196 = arith.constant 0 : i32
        %dma_start3A_197 = tpu.memref_slice %arg7[%dma_start3A, %dma_start3A_195, %dma_start3A_196] : memref<8x64x128xf32, #tpu.memory_space<vmem>> -> memref<1x64x128xf32, #tpu.memory_space<vmem>>
        %dma_start3A_198 = tpu.memref_squeeze %dma_start3A_197 : memref<1x64x128xf32, #tpu.memory_space<vmem>> -> memref<64x128xf32, #tpu.memory_space<vmem>>
        %dma_start3A_199 = arith.constant 0 : i32
        %dma_start3A_200 = tpu.memref_slice %arg2[%dma_start3A_199, %multiple_of3A] : memref<64x1000000xf32, #tpu.memory_space<hbm>> -> memref<64x128xf32, #tpu.memory_space<hbm>>
        tpu.enqueue_dma source(%dma_start3A_200 : memref<64x128xf32, #tpu.memory_space<hbm>>) target(%dma_start3A_198 : memref<64x128xf32, #tpu.memory_space<vmem>>) target_semaphore(%arg11 : memref<!tpu.dma_semaphore, #tpu.memory_space<semaphore_mem>>)
      } else {
      }
      %add3A_120 = arith.constant 3 : i32
      %add3A_121 = arith.addi %mul3A_84, %add3A_120 : i32
      %lt3A_122 = arith.cmpi slt, %add3A_121, %scan3A_7 : i32
      %convert_element_type3A_123 = arith.extui %lt3A_122 : i1 to i32
      %cond3A_124 = arith.constant 0 : i32
      %cond3A_125 = arith.cmpi ne, %convert_element_type3A_123, %cond3A_124 : i32
      scf.if %cond3A_125 {
        %dma_wait3A = arith.constant 3 : i32
        %dma_wait3A_180 = arith.constant 0 : i32
        %dma_wait3A_181 = arith.constant 0 : i32
        %dma_wait3A_182 = tpu.memref_slice %arg7[%dma_wait3A, %dma_wait3A_180, %dma_wait3A_181] : memref<8x64x128xf32, #tpu.memory_space<vmem>> -> memref<1x64x128xf32, #tpu.memory_space<vmem>>
        %dma_wait3A_183 = tpu.memref_squeeze %dma_wait3A_182 : memref<1x64x128xf32, #tpu.memory_space<vmem>> -> memref<64x128xf32, #tpu.memory_space<vmem>>
        %dma_wait3A_184 = arith.constant 0 : i32
        %dma_wait3A_185 = arith.constant 0 : i32
        %dma_wait3A_186 = tpu.memref_slice %arg2[%dma_wait3A_184, %dma_wait3A_185] : memref<64x1000000xf32, #tpu.memory_space<hbm>> -> memref<64x128xf32, #tpu.memory_space<hbm>>
        %dma_wait3A_187 = arith.constant 0 : i32
        %dma_wait3A_188 = arith.constant 0 : i32
        %dma_wait3A_189 = tpu.memref_slice %arg7[%dma_wait3A, %dma_wait3A_187, %dma_wait3A_188] : memref<8x64x128xf32, #tpu.memory_space<vmem>> -> memref<1x64x128xf32, #tpu.memory_space<vmem>>
        %dma_wait3A_190 = tpu.memref_squeeze %dma_wait3A_189 : memref<1x64x128xf32, #tpu.memory_space<vmem>> -> memref<64x128xf32, #tpu.memory_space<vmem>>
        %dma_wait3A_191 = arith.constant 0 : i32
        %dma_wait3A_192 = arith.constant 0 : i32
        %dma_wait3A_193 = tpu.memref_slice %arg2[%dma_wait3A_191, %dma_wait3A_192] : memref<64x1000000xf32, #tpu.memory_space<hbm>> -> memref<64x128xf32, #tpu.memory_space<hbm>>
        tpu.wait_dma2 semaphore(%arg12 : memref<!tpu.dma_semaphore, #tpu.memory_space<semaphore_mem>>) src(%dma_wait3A_193 : memref<64x128xf32, #tpu.memory_space<hbm>>) dst(%dma_wait3A_190 : memref<64x128xf32, #tpu.memory_space<vmem>>)
        %get3A = arith.index_cast %add3A_121 : i32 to index
        %get3A_194 = tpu.vector_load %arg6[%get3A] {strides = array<i32>} : memref<672xi32, #tpu.memory_space<vmem>>, vector<16xi32>,
        %slice3A = vector.extract_strided_slice %get3A_194 {offsets = [0], sizes = [1], strides = [1]} : vector<16xi32> to vector<1xi32>
        %squeeze3A = vector.extract %slice3A[0] : i32 from vector<1xi32>
        %add3A_195 = arith.constant 1 : i32
        %add3A_196 = arith.addi %add3A_121, %add3A_195 : i32
        %get3A_197 = arith.index_cast %add3A_196 : i32 to index
        %get3A_198 = tpu.vector_load %arg6[%get3A_197] {strides = array<i32>} : memref<672xi32, #tpu.memory_space<vmem>>, vector<16xi32>,
        %slice3A_199 = vector.extract_strided_slice %get3A_198 {offsets = [0], sizes = [1], strides = [1]} : vector<16xi32> to vector<1xi32>
        %squeeze3A_200 = vector.extract %slice3A_199[0] : i32 from vector<1xi32>
        %add3A_201 = arith.constant 128 : i32
        %add3A_202 = arith.addi %squeeze3A, %add3A_201 : i32
        %get3A_203 = arith.index_cast %add3A_202 : i32 to index
        %get3A_204 = tpu.vector_load %arg5[%get3A_203] {strides = array<i32>} : memref<672xi32, #tpu.memory_space<vmem>>, vector<16xi32>,
        %slice3A_205 = vector.extract_strided_slice %get3A_204 {offsets = [0], sizes = [1], strides = [1]} : vector<16xi32> to vector<1xi32>
        %squeeze3A_206 = vector.extract %slice3A_205[0] : i32 from vector<1xi32>
        %shift_right_arithmetic3A = arith.constant 7 : i32
        %shift_right_arithmetic3A_207 = arith.shrsi %squeeze3A_206, %shift_right_arithmetic3A : i32
        %shift_left3A = arith.constant 7 : i32
        %shift_left3A_208 = arith.shli %shift_right_arithmetic3A_207, %shift_left3A : i32
        %sub3A_209 = arith.subi %squeeze3A_200, %squeeze3A : i32
        %while3A_210 = arith.constant 0 : i32
        %while3A_211 = arith.constant 0 : i32
        %while3A_212 = arith.subi %sub3A_209, %while3A_211 : i32
        %while3A_213 = arith.addi %while3A_211, %while3A_212 : i32
        %while3A_214 = arith.constant 1 : i32
        %while3A_215 = arith.divsi %while3A_212, %while3A_214 : i32
        %while3A_216 = arith.muli %while3A_215, %while3A_214 : i32
        %while3A_217 = arith.addi %while3A_211, %while3A_216 : i32
        %while3A_218 = arith.constant 1 : i32
        scf.for %while3A_220 = %while3A_211 to %while3A_217 step %while3A_218  : i32 {
          %add3A_221 = arith.addi %squeeze3A, %while3A_220 : i32
          %add3A_222 = arith.constant 128 : i32
          %add3A_223 = arith.addi %add3A_221, %add3A_222 : i32
          %get3A_224 = arith.index_cast %add3A_223 : i32 to index
          %get3A_225 = tpu.vector_load %arg5[%get3A_224] {strides = array<i32>} : memref<672xi32, #tpu.memory_space<vmem>>, vector<16xi32>,
          %slice3A_226 = vector.extract_strided_slice %get3A_225 {offsets = [0], sizes = [1], strides = [1]} : vector<16xi32> to vector<1xi32>
          %squeeze3A_227 = vector.extract %slice3A_226[0] : i32 from vector<1xi32>
          %sub3A_228 = arith.subi %squeeze3A_227, %shift_left3A_208 : i32
          %broadcast_in_dim3A_229 = vector.broadcast %sub3A_228 : i32 to vector<16xi32>
          %iota3A_230 = tpu.iota {dimensions = array<i32: 0>} : vector<16xi32>
          %add3A_231 = arith.constant 0 : i32
          %add3A_232 = vector.broadcast %add3A_231 : i32 to vector<16xi32>
          %add3A_233 = arith.addi %iota3A_230, %add3A_232 : vector<16xi32>
          %gather3A = arith.constant 3 : i32
          %gather3A_234 = arith.constant 0 : i32
          %gather3A_235 = arith.constant 0 : i32
          %gather3A_236 = tpu.memref_slice %arg7[%gather3A, %gather3A_234, %gather3A_235] : memref<8x64x128xf32, #tpu.memory_space<vmem>> -> memref<1x64x128xf32, #tpu.memory_space<vmem>>
          %gather3A_237 = tpu.memref_squeeze %gather3A_236 : memref<1x64x128xf32, #tpu.memory_space<vmem>> -> memref<64x128xf32, #tpu.memory_space<vmem>>
          %gather3A_238 = tpu.vector_load_idx %gather3A_237[%add3A_233, %broadcast_in_dim3A_229] : memref<64x128xf32, #tpu.memory_space<vmem>>[vector<16xi32>, vector<16xi32>], vector<16xf32>,
          %mul3A_239 = arith.constant 64 : i32
          %mul3A_240 = arith.muli %add3A_221, %mul3A_239 : i32
          %add3A_241 = arith.constant 0 : i32
          %add3A_242 = arith.addi %mul3A_240, %add3A_241 : i32
          %swap3A_243 = arith.index_cast %add3A_242 : i32 to index
          %swap3A_244 = tpu.vector_load %arg8[%swap3A_243] {strides = array<i32>} : memref<32768xf32, #tpu.memory_space<vmem>>, vector<16xf32>,
          tpu.vector_store %arg8[%swap3A_243], %gather3A_238 {strides = array<i32>} : memref<32768xf32, #tpu.memory_space<vmem>>, vector<16xf32>,
          %iota3A_245 = tpu.iota {dimensions = array<i32: 0>} : vector<16xi32>
          %add3A_246 = arith.constant 16 : i32
          %add3A_247 = vector.broadcast %add3A_246 : i32 to vector<16xi32>
          %add3A_248 = arith.addi %iota3A_245, %add3A_247 : vector<16xi32>
          %gather3A_249 = arith.constant 3 : i32
          %gather3A_250 = arith.constant 0 : i32
          %gather3A_251 = arith.constant 0 : i32
          %gather3A_252 = tpu.memref_slice %arg7[%gather3A_249, %gather3A_250, %gather3A_251] : memref<8x64x128xf32, #tpu.memory_space<vmem>> -> memref<1x64x128xf32, #tpu.memory_space<vmem>>
          %gather3A_253 = tpu.memref_squeeze %gather3A_252 : memref<1x64x128xf32, #tpu.memory_space<vmem>> -> memref<64x128xf32, #tpu.memory_space<vmem>>
          %gather3A_254 = tpu.vector_load_idx %gather3A_253[%add3A_248, %broadcast_in_dim3A_229] : memref<64x128xf32, #tpu.memory_space<vmem>>[vector<16xi32>, vector<16xi32>], vector<16xf32>,
          %mul3A_255 = arith.constant 64 : i32
          %mul3A_256 = arith.muli %add3A_221, %mul3A_255 : i32
          %add3A_257 = arith.constant 16 : i32
          %add3A_258 = arith.addi %mul3A_256, %add3A_257 : i32
          %swap3A_259 = arith.index_cast %add3A_258 : i32 to index
          %swap3A_260 = tpu.vector_load %arg8[%swap3A_259] {strides = array<i32>} : memref<32768xf32, #tpu.memory_space<vmem>>, vector<16xf32>,
          tpu.vector_store %arg8[%swap3A_259], %gather3A_254 {strides = array<i32>} : memref<32768xf32, #tpu.memory_space<vmem>>, vector<16xf32>,
          %iota3A_261 = tpu.iota {dimensions = array<i32: 0>} : vector<16xi32>
          %add3A_262 = arith.constant 32 : i32
          %add3A_263 = vector.broadcast %add3A_262 : i32 to vector<16xi32>
          %add3A_264 = arith.addi %iota3A_261, %add3A_263 : vector<16xi32>
          %gather3A_265 = arith.constant 3 : i32
          %gather3A_266 = arith.constant 0 : i32
          %gather3A_267 = arith.constant 0 : i32
          %gather3A_268 = tpu.memref_slice %arg7[%gather3A_265, %gather3A_266, %gather3A_267] : memref<8x64x128xf32, #tpu.memory_space<vmem>> -> memref<1x64x128xf32, #tpu.memory_space<vmem>>
          %gather3A_269 = tpu.memref_squeeze %gather3A_268 : memref<1x64x128xf32, #tpu.memory_space<vmem>> -> memref<64x128xf32, #tpu.memory_space<vmem>>
          %gather3A_270 = tpu.vector_load_idx %gather3A_269[%add3A_264, %broadcast_in_dim3A_229] : memref<64x128xf32, #tpu.memory_space<vmem>>[vector<16xi32>, vector<16xi32>], vector<16xf32>,
          %mul3A_271 = arith.constant 64 : i32
          %mul3A_272 = arith.muli %add3A_221, %mul3A_271 : i32
          %add3A_273 = arith.constant 32 : i32
          %add3A_274 = arith.addi %mul3A_272, %add3A_273 : i32
          %swap3A_275 = arith.index_cast %add3A_274 : i32 to index
          %swap3A_276 = tpu.vector_load %arg8[%swap3A_275] {strides = array<i32>} : memref<32768xf32, #tpu.memory_space<vmem>>, vector<16xf32>,
          tpu.vector_store %arg8[%swap3A_275], %gather3A_270 {strides = array<i32>} : memref<32768xf32, #tpu.memory_space<vmem>>, vector<16xf32>,
          %iota3A_277 = tpu.iota {dimensions = array<i32: 0>} : vector<16xi32>
          %add3A_278 = arith.constant 48 : i32
          %add3A_279 = vector.broadcast %add3A_278 : i32 to vector<16xi32>
          %add3A_280 = arith.addi %iota3A_277, %add3A_279 : vector<16xi32>
          %gather3A_281 = arith.constant 3 : i32
          %gather3A_282 = arith.constant 0 : i32
          %gather3A_283 = arith.constant 0 : i32
          %gather3A_284 = tpu.memref_slice %arg7[%gather3A_281, %gather3A_282, %gather3A_283] : memref<8x64x128xf32, #tpu.memory_space<vmem>> -> memref<1x64x128xf32, #tpu.memory_space<vmem>>
          %gather3A_285 = tpu.memref_squeeze %gather3A_284 : memref<1x64x128xf32, #tpu.memory_space<vmem>> -> memref<64x128xf32, #tpu.memory_space<vmem>>
          %gather3A_286 = tpu.vector_load_idx %gather3A_285[%add3A_280, %broadcast_in_dim3A_229] : memref<64x128xf32, #tpu.memory_space<vmem>>[vector<16xi32>, vector<16xi32>], vector<16xf32>,
          %mul3A_287 = arith.constant 64 : i32
          %mul3A_288 = arith.muli %add3A_221, %mul3A_287 : i32
          %add3A_289 = arith.constant 48 : i32
          %add3A_290 = arith.addi %mul3A_288, %add3A_289 : i32
          %swap3A_291 = arith.index_cast %add3A_290 : i32 to index
          %swap3A_292 = tpu.vector_load %arg8[%swap3A_291] {strides = array<i32>} : memref<32768xf32, #tpu.memory_space<vmem>>, vector<16xf32>,
          tpu.vector_store %arg8[%swap3A_291], %gather3A_286 {strides = array<i32>} : memref<32768xf32, #tpu.memory_space<vmem>>, vector<16xf32>,
        }
        %while3A_219 = arith.constant 1 : i32
        scf.for %while3A_220 = %while3A_217 to %while3A_213 step %while3A_219  : i32 {
          %add3A_221 = arith.addi %squeeze3A, %while3A_220 : i32
          %add3A_222 = arith.constant 128 : i32
          %add3A_223 = arith.addi %add3A_221, %add3A_222 : i32
          %get3A_224 = arith.index_cast %add3A_223 : i32 to index
          %get3A_225 = tpu.vector_load %arg5[%get3A_224] {strides = array<i32>} : memref<672xi32, #tpu.memory_space<vmem>>, vector<16xi32>,
          %slice3A_226 = vector.extract_strided_slice %get3A_225 {offsets = [0], sizes = [1], strides = [1]} : vector<16xi32> to vector<1xi32>
          %squeeze3A_227 = vector.extract %slice3A_226[0] : i32 from vector<1xi32>
          %sub3A_228 = arith.subi %squeeze3A_227, %shift_left3A_208 : i32
          %broadcast_in_dim3A_229 = vector.broadcast %sub3A_228 : i32 to vector<16xi32>
          %iota3A_230 = tpu.iota {dimensions = array<i32: 0>} : vector<16xi32>
          %add3A_231 = arith.constant 0 : i32
          %add3A_232 = vector.broadcast %add3A_231 : i32 to vector<16xi32>
          %add3A_233 = arith.addi %iota3A_230, %add3A_232 : vector<16xi32>
          %gather3A = arith.constant 3 : i32
          %gather3A_234 = arith.constant 0 : i32
          %gather3A_235 = arith.constant 0 : i32
          %gather3A_236 = tpu.memref_slice %arg7[%gather3A, %gather3A_234, %gather3A_235] : memref<8x64x128xf32, #tpu.memory_space<vmem>> -> memref<1x64x128xf32, #tpu.memory_space<vmem>>
          %gather3A_237 = tpu.memref_squeeze %gather3A_236 : memref<1x64x128xf32, #tpu.memory_space<vmem>> -> memref<64x128xf32, #tpu.memory_space<vmem>>
          %gather3A_238 = tpu.vector_load_idx %gather3A_237[%add3A_233, %broadcast_in_dim3A_229] : memref<64x128xf32, #tpu.memory_space<vmem>>[vector<16xi32>, vector<16xi32>], vector<16xf32>,
          %mul3A_239 = arith.constant 64 : i32
          %mul3A_240 = arith.muli %add3A_221, %mul3A_239 : i32
          %add3A_241 = arith.constant 0 : i32
          %add3A_242 = arith.addi %mul3A_240, %add3A_241 : i32
          %swap3A_243 = arith.index_cast %add3A_242 : i32 to index
          %swap3A_244 = tpu.vector_load %arg8[%swap3A_243] {strides = array<i32>} : memref<32768xf32, #tpu.memory_space<vmem>>, vector<16xf32>,
          tpu.vector_store %arg8[%swap3A_243], %gather3A_238 {strides = array<i32>} : memref<32768xf32, #tpu.memory_space<vmem>>, vector<16xf32>,
          %iota3A_245 = tpu.iota {dimensions = array<i32: 0>} : vector<16xi32>
          %add3A_246 = arith.constant 16 : i32
          %add3A_247 = vector.broadcast %add3A_246 : i32 to vector<16xi32>
          %add3A_248 = arith.addi %iota3A_245, %add3A_247 : vector<16xi32>
          %gather3A_249 = arith.constant 3 : i32
          %gather3A_250 = arith.constant 0 : i32
          %gather3A_251 = arith.constant 0 : i32
          %gather3A_252 = tpu.memref_slice %arg7[%gather3A_249, %gather3A_250, %gather3A_251] : memref<8x64x128xf32, #tpu.memory_space<vmem>> -> memref<1x64x128xf32, #tpu.memory_space<vmem>>
          %gather3A_253 = tpu.memref_squeeze %gather3A_252 : memref<1x64x128xf32, #tpu.memory_space<vmem>> -> memref<64x128xf32, #tpu.memory_space<vmem>>
          %gather3A_254 = tpu.vector_load_idx %gather3A_253[%add3A_248, %broadcast_in_dim3A_229] : memref<64x128xf32, #tpu.memory_space<vmem>>[vector<16xi32>, vector<16xi32>], vector<16xf32>,
          %mul3A_255 = arith.constant 64 : i32
          %mul3A_256 = arith.muli %add3A_221, %mul3A_255 : i32
          %add3A_257 = arith.constant 16 : i32
          %add3A_258 = arith.addi %mul3A_256, %add3A_257 : i32
          %swap3A_259 = arith.index_cast %add3A_258 : i32 to index
          %swap3A_260 = tpu.vector_load %arg8[%swap3A_259] {strides = array<i32>} : memref<32768xf32, #tpu.memory_space<vmem>>, vector<16xf32>,
          tpu.vector_store %arg8[%swap3A_259], %gather3A_254 {strides = array<i32>} : memref<32768xf32, #tpu.memory_space<vmem>>, vector<16xf32>,
          %iota3A_261 = tpu.iota {dimensions = array<i32: 0>} : vector<16xi32>
          %add3A_262 = arith.constant 32 : i32
          %add3A_263 = vector.broadcast %add3A_262 : i32 to vector<16xi32>
          %add3A_264 = arith.addi %iota3A_261, %add3A_263 : vector<16xi32>
          %gather3A_265 = arith.constant 3 : i32
          %gather3A_266 = arith.constant 0 : i32
          %gather3A_267 = arith.constant 0 : i32
          %gather3A_268 = tpu.memref_slice %arg7[%gather3A_265, %gather3A_266, %gather3A_267] : memref<8x64x128xf32, #tpu.memory_space<vmem>> -> memref<1x64x128xf32, #tpu.memory_space<vmem>>
          %gather3A_269 = tpu.memref_squeeze %gather3A_268 : memref<1x64x128xf32, #tpu.memory_space<vmem>> -> memref<64x128xf32, #tpu.memory_space<vmem>>
          %gather3A_270 = tpu.vector_load_idx %gather3A_269[%add3A_264, %broadcast_in_dim3A_229] : memref<64x128xf32, #tpu.memory_space<vmem>>[vector<16xi32>, vector<16xi32>], vector<16xf32>,
          %mul3A_271 = arith.constant 64 : i32
          %mul3A_272 = arith.muli %add3A_221, %mul3A_271 : i32
          %add3A_273 = arith.constant 32 : i32
          %add3A_274 = arith.addi %mul3A_272, %add3A_273 : i32
          %swap3A_275 = arith.index_cast %add3A_274 : i32 to index
          %swap3A_276 = tpu.vector_load %arg8[%swap3A_275] {strides = array<i32>} : memref<32768xf32, #tpu.memory_space<vmem>>, vector<16xf32>,
          tpu.vector_store %arg8[%swap3A_275], %gather3A_270 {strides = array<i32>} : memref<32768xf32, #tpu.memory_space<vmem>>, vector<16xf32>,
          %iota3A_277 = tpu.iota {dimensions = array<i32: 0>} : vector<16xi32>
          %add3A_278 = arith.constant 48 : i32
          %add3A_279 = vector.broadcast %add3A_278 : i32 to vector<16xi32>
          %add3A_280 = arith.addi %iota3A_277, %add3A_279 : vector<16xi32>
          %gather3A_281 = arith.constant 3 : i32
          %gather3A_282 = arith.constant 0 : i32
          %gather3A_283 = arith.constant 0 : i32
          %gather3A_284 = tpu.memref_slice %arg7[%gather3A_281, %gather3A_282, %gather3A_283] : memref<8x64x128xf32, #tpu.memory_space<vmem>> -> memref<1x64x128xf32, #tpu.memory_space<vmem>>
          %gather3A_285 = tpu.memref_squeeze %gather3A_284 : memref<1x64x128xf32, #tpu.memory_space<vmem>> -> memref<64x128xf32, #tpu.memory_space<vmem>>
          %gather3A_286 = tpu.vector_load_idx %gather3A_285[%add3A_280, %broadcast_in_dim3A_229] : memref<64x128xf32, #tpu.memory_space<vmem>>[vector<16xi32>, vector<16xi32>], vector<16xf32>,
          %mul3A_287 = arith.constant 64 : i32
          %mul3A_288 = arith.muli %add3A_221, %mul3A_287 : i32
          %add3A_289 = arith.constant 48 : i32
          %add3A_290 = arith.addi %mul3A_288, %add3A_289 : i32
          %swap3A_291 = arith.index_cast %add3A_290 : i32 to index
          %swap3A_292 = tpu.vector_load %arg8[%swap3A_291] {strides = array<i32>} : memref<32768xf32, #tpu.memory_space<vmem>>, vector<16xf32>,
          tpu.vector_store %arg8[%swap3A_291], %gather3A_286 {strides = array<i32>} : memref<32768xf32, #tpu.memory_space<vmem>>, vector<16xf32>,
        }
      } else {
      }
      %add3A_126 = arith.constant 8 : i32
      %add3A_127 = arith.addi %add3A_121, %add3A_126 : i32
      %lt3A_128 = arith.cmpi slt, %add3A_127, %scan3A_7 : i32
      %convert_element_type3A_129 = arith.extui %lt3A_128 : i1 to i32
      %cond3A_130 = arith.constant 0 : i32
      %cond3A_131 = arith.cmpi ne, %convert_element_type3A_129, %cond3A_130 : i32
      scf.if %cond3A_131 {
        %get3A = arith.index_cast %add3A_127 : i32 to index
        %get3A_180 = tpu.vector_load %arg6[%get3A] {strides = array<i32>} : memref<672xi32, #tpu.memory_space<vmem>>, vector<16xi32>,
        %slice3A = vector.extract_strided_slice %get3A_180 {offsets = [0], sizes = [1], strides = [1]} : vector<16xi32> to vector<1xi32>
        %squeeze3A = vector.extract %slice3A[0] : i32 from vector<1xi32>
        %add3A_181 = arith.constant 128 : i32
        %add3A_182 = arith.addi %squeeze3A, %add3A_181 : i32
        %get3A_183 = arith.index_cast %add3A_182 : i32 to index
        %get3A_184 = tpu.vector_load %arg5[%get3A_183] {strides = array<i32>} : memref<672xi32, #tpu.memory_space<vmem>>, vector<16xi32>,
        %slice3A_185 = vector.extract_strided_slice %get3A_184 {offsets = [0], sizes = [1], strides = [1]} : vector<16xi32> to vector<1xi32>
        %squeeze3A_186 = vector.extract %slice3A_185[0] : i32 from vector<1xi32>
        %shift_right_arithmetic3A = arith.constant 7 : i32
        %shift_right_arithmetic3A_187 = arith.shrsi %squeeze3A_186, %shift_right_arithmetic3A : i32
        %shift_left3A = arith.constant 7 : i32
        %shift_left3A_188 = arith.shli %shift_right_arithmetic3A_187, %shift_left3A : i32
        %multiple_of3A = tpu.assume_multiple %shift_left3A_188, 128 : i32
        %dma_start3A = arith.constant 3 : i32
        %dma_start3A_189 = arith.constant 0 : i32
        %dma_start3A_190 = arith.constant 0 : i32
        %dma_start3A_191 = tpu.memref_slice %arg7[%dma_start3A, %dma_start3A_189, %dma_start3A_190] : memref<8x64x128xf32, #tpu.memory_space<vmem>> -> memref<1x64x128xf32, #tpu.memory_space<vmem>>
        %dma_start3A_192 = tpu.memref_squeeze %dma_start3A_191 : memref<1x64x128xf32, #tpu.memory_space<vmem>> -> memref<64x128xf32, #tpu.memory_space<vmem>>
        %dma_start3A_193 = arith.constant 0 : i32
        %dma_start3A_194 = tpu.memref_slice %arg2[%dma_start3A_193, %multiple_of3A] : memref<64x1000000xf32, #tpu.memory_space<hbm>> -> memref<64x128xf32, #tpu.memory_space<hbm>>
        %dma_start3A_195 = arith.constant 0 : i32
        %dma_start3A_196 = arith.constant 0 : i32
        %dma_start3A_197 = tpu.memref_slice %arg7[%dma_start3A, %dma_start3A_195, %dma_start3A_196] : memref<8x64x128xf32, #tpu.memory_space<vmem>> -> memref<1x64x128xf32, #tpu.memory_space<vmem>>
        %dma_start3A_198 = tpu.memref_squeeze %dma_start3A_197 : memref<1x64x128xf32, #tpu.memory_space<vmem>> -> memref<64x128xf32, #tpu.memory_space<vmem>>
        %dma_start3A_199 = arith.constant 0 : i32
        %dma_start3A_200 = tpu.memref_slice %arg2[%dma_start3A_199, %multiple_of3A] : memref<64x1000000xf32, #tpu.memory_space<hbm>> -> memref<64x128xf32, #tpu.memory_space<hbm>>
        tpu.enqueue_dma source(%dma_start3A_200 : memref<64x128xf32, #tpu.memory_space<hbm>>) target(%dma_start3A_198 : memref<64x128xf32, #tpu.memory_space<vmem>>) target_semaphore(%arg12 : memref<!tpu.dma_semaphore, #tpu.memory_space<semaphore_mem>>)
      } else {
      }
      %add3A_132 = arith.constant 4 : i32
      %add3A_133 = arith.addi %mul3A_84, %add3A_132 : i32
      %lt3A_134 = arith.cmpi slt, %add3A_133, %scan3A_7 : i32
      %convert_element_type3A_135 = arith.extui %lt3A_134 : i1 to i32
      %cond3A_136 = arith.constant 0 : i32
      %cond3A_137 = arith.cmpi ne, %convert_element_type3A_135, %cond3A_136 : i32
      scf.if %cond3A_137 {
        %dma_wait3A = arith.constant 4 : i32
        %dma_wait3A_180 = arith.constant 0 : i32
        %dma_wait3A_181 = arith.constant 0 : i32
        %dma_wait3A_182 = tpu.memref_slice %arg7[%dma_wait3A, %dma_wait3A_180, %dma_wait3A_181] : memref<8x64x128xf32, #tpu.memory_space<vmem>> -> memref<1x64x128xf32, #tpu.memory_space<vmem>>
        %dma_wait3A_183 = tpu.memref_squeeze %dma_wait3A_182 : memref<1x64x128xf32, #tpu.memory_space<vmem>> -> memref<64x128xf32, #tpu.memory_space<vmem>>
        %dma_wait3A_184 = arith.constant 0 : i32
        %dma_wait3A_185 = arith.constant 0 : i32
        %dma_wait3A_186 = tpu.memref_slice %arg2[%dma_wait3A_184, %dma_wait3A_185] : memref<64x1000000xf32, #tpu.memory_space<hbm>> -> memref<64x128xf32, #tpu.memory_space<hbm>>
        %dma_wait3A_187 = arith.constant 0 : i32
        %dma_wait3A_188 = arith.constant 0 : i32
        %dma_wait3A_189 = tpu.memref_slice %arg7[%dma_wait3A, %dma_wait3A_187, %dma_wait3A_188] : memref<8x64x128xf32, #tpu.memory_space<vmem>> -> memref<1x64x128xf32, #tpu.memory_space<vmem>>
        %dma_wait3A_190 = tpu.memref_squeeze %dma_wait3A_189 : memref<1x64x128xf32, #tpu.memory_space<vmem>> -> memref<64x128xf32, #tpu.memory_space<vmem>>
        %dma_wait3A_191 = arith.constant 0 : i32
        %dma_wait3A_192 = arith.constant 0 : i32
        %dma_wait3A_193 = tpu.memref_slice %arg2[%dma_wait3A_191, %dma_wait3A_192] : memref<64x1000000xf32, #tpu.memory_space<hbm>> -> memref<64x128xf32, #tpu.memory_space<hbm>>
        tpu.wait_dma2 semaphore(%arg13 : memref<!tpu.dma_semaphore, #tpu.memory_space<semaphore_mem>>) src(%dma_wait3A_193 : memref<64x128xf32, #tpu.memory_space<hbm>>) dst(%dma_wait3A_190 : memref<64x128xf32, #tpu.memory_space<vmem>>)
        %get3A = arith.index_cast %add3A_133 : i32 to index
        %get3A_194 = tpu.vector_load %arg6[%get3A] {strides = array<i32>} : memref<672xi32, #tpu.memory_space<vmem>>, vector<16xi32>,
        %slice3A = vector.extract_strided_slice %get3A_194 {offsets = [0], sizes = [1], strides = [1]} : vector<16xi32> to vector<1xi32>
        %squeeze3A = vector.extract %slice3A[0] : i32 from vector<1xi32>
        %add3A_195 = arith.constant 1 : i32
        %add3A_196 = arith.addi %add3A_133, %add3A_195 : i32
        %get3A_197 = arith.index_cast %add3A_196 : i32 to index
        %get3A_198 = tpu.vector_load %arg6[%get3A_197] {strides = array<i32>} : memref<672xi32, #tpu.memory_space<vmem>>, vector<16xi32>,
        %slice3A_199 = vector.extract_strided_slice %get3A_198 {offsets = [0], sizes = [1], strides = [1]} : vector<16xi32> to vector<1xi32>
        %squeeze3A_200 = vector.extract %slice3A_199[0] : i32 from vector<1xi32>
        %add3A_201 = arith.constant 128 : i32
        %add3A_202 = arith.addi %squeeze3A, %add3A_201 : i32
        %get3A_203 = arith.index_cast %add3A_202 : i32 to index
        %get3A_204 = tpu.vector_load %arg5[%get3A_203] {strides = array<i32>} : memref<672xi32, #tpu.memory_space<vmem>>, vector<16xi32>,
        %slice3A_205 = vector.extract_strided_slice %get3A_204 {offsets = [0], sizes = [1], strides = [1]} : vector<16xi32> to vector<1xi32>
        %squeeze3A_206 = vector.extract %slice3A_205[0] : i32 from vector<1xi32>
        %shift_right_arithmetic3A = arith.constant 7 : i32
        %shift_right_arithmetic3A_207 = arith.shrsi %squeeze3A_206, %shift_right_arithmetic3A : i32
        %shift_left3A = arith.constant 7 : i32
        %shift_left3A_208 = arith.shli %shift_right_arithmetic3A_207, %shift_left3A : i32
        %sub3A_209 = arith.subi %squeeze3A_200, %squeeze3A : i32
        %while3A_210 = arith.constant 0 : i32
        %while3A_211 = arith.constant 0 : i32
        %while3A_212 = arith.subi %sub3A_209, %while3A_211 : i32
        %while3A_213 = arith.addi %while3A_211, %while3A_212 : i32
        %while3A_214 = arith.constant 1 : i32
        %while3A_215 = arith.divsi %while3A_212, %while3A_214 : i32
        %while3A_216 = arith.muli %while3A_215, %while3A_214 : i32
        %while3A_217 = arith.addi %while3A_211, %while3A_216 : i32
        %while3A_218 = arith.constant 1 : i32
        scf.for %while3A_220 = %while3A_211 to %while3A_217 step %while3A_218  : i32 {
          %add3A_221 = arith.addi %squeeze3A, %while3A_220 : i32
          %add3A_222 = arith.constant 128 : i32
          %add3A_223 = arith.addi %add3A_221, %add3A_222 : i32
          %get3A_224 = arith.index_cast %add3A_223 : i32 to index
          %get3A_225 = tpu.vector_load %arg5[%get3A_224] {strides = array<i32>} : memref<672xi32, #tpu.memory_space<vmem>>, vector<16xi32>,
          %slice3A_226 = vector.extract_strided_slice %get3A_225 {offsets = [0], sizes = [1], strides = [1]} : vector<16xi32> to vector<1xi32>
          %squeeze3A_227 = vector.extract %slice3A_226[0] : i32 from vector<1xi32>
          %sub3A_228 = arith.subi %squeeze3A_227, %shift_left3A_208 : i32
          %broadcast_in_dim3A_229 = vector.broadcast %sub3A_228 : i32 to vector<16xi32>
          %iota3A_230 = tpu.iota {dimensions = array<i32: 0>} : vector<16xi32>
          %add3A_231 = arith.constant 0 : i32
          %add3A_232 = vector.broadcast %add3A_231 : i32 to vector<16xi32>
          %add3A_233 = arith.addi %iota3A_230, %add3A_232 : vector<16xi32>
          %gather3A = arith.constant 4 : i32
          %gather3A_234 = arith.constant 0 : i32
          %gather3A_235 = arith.constant 0 : i32
          %gather3A_236 = tpu.memref_slice %arg7[%gather3A, %gather3A_234, %gather3A_235] : memref<8x64x128xf32, #tpu.memory_space<vmem>> -> memref<1x64x128xf32, #tpu.memory_space<vmem>>
          %gather3A_237 = tpu.memref_squeeze %gather3A_236 : memref<1x64x128xf32, #tpu.memory_space<vmem>> -> memref<64x128xf32, #tpu.memory_space<vmem>>
          %gather3A_238 = tpu.vector_load_idx %gather3A_237[%add3A_233, %broadcast_in_dim3A_229] : memref<64x128xf32, #tpu.memory_space<vmem>>[vector<16xi32>, vector<16xi32>], vector<16xf32>,
          %mul3A_239 = arith.constant 64 : i32
          %mul3A_240 = arith.muli %add3A_221, %mul3A_239 : i32
          %add3A_241 = arith.constant 0 : i32
          %add3A_242 = arith.addi %mul3A_240, %add3A_241 : i32
          %swap3A_243 = arith.index_cast %add3A_242 : i32 to index
          %swap3A_244 = tpu.vector_load %arg8[%swap3A_243] {strides = array<i32>} : memref<32768xf32, #tpu.memory_space<vmem>>, vector<16xf32>,
          tpu.vector_store %arg8[%swap3A_243], %gather3A_238 {strides = array<i32>} : memref<32768xf32, #tpu.memory_space<vmem>>, vector<16xf32>,
          %iota3A_245 = tpu.iota {dimensions = array<i32: 0>} : vector<16xi32>
          %add3A_246 = arith.constant 16 : i32
          %add3A_247 = vector.broadcast %add3A_246 : i32 to vector<16xi32>
          %add3A_248 = arith.addi %iota3A_245, %add3A_247 : vector<16xi32>
          %gather3A_249 = arith.constant 4 : i32
          %gather3A_250 = arith.constant 0 : i32
          %gather3A_251 = arith.constant 0 : i32
          %gather3A_252 = tpu.memref_slice %arg7[%gather3A_249, %gather3A_250, %gather3A_251] : memref<8x64x128xf32, #tpu.memory_space<vmem>> -> memref<1x64x128xf32, #tpu.memory_space<vmem>>
          %gather3A_253 = tpu.memref_squeeze %gather3A_252 : memref<1x64x128xf32, #tpu.memory_space<vmem>> -> memref<64x128xf32, #tpu.memory_space<vmem>>
          %gather3A_254 = tpu.vector_load_idx %gather3A_253[%add3A_248, %broadcast_in_dim3A_229] : memref<64x128xf32, #tpu.memory_space<vmem>>[vector<16xi32>, vector<16xi32>], vector<16xf32>,
          %mul3A_255 = arith.constant 64 : i32
          %mul3A_256 = arith.muli %add3A_221, %mul3A_255 : i32
          %add3A_257 = arith.constant 16 : i32
          %add3A_258 = arith.addi %mul3A_256, %add3A_257 : i32
          %swap3A_259 = arith.index_cast %add3A_258 : i32 to index
          %swap3A_260 = tpu.vector_load %arg8[%swap3A_259] {strides = array<i32>} : memref<32768xf32, #tpu.memory_space<vmem>>, vector<16xf32>,
          tpu.vector_store %arg8[%swap3A_259], %gather3A_254 {strides = array<i32>} : memref<32768xf32, #tpu.memory_space<vmem>>, vector<16xf32>,
          %iota3A_261 = tpu.iota {dimensions = array<i32: 0>} : vector<16xi32>
          %add3A_262 = arith.constant 32 : i32
          %add3A_263 = vector.broadcast %add3A_262 : i32 to vector<16xi32>
          %add3A_264 = arith.addi %iota3A_261, %add3A_263 : vector<16xi32>
          %gather3A_265 = arith.constant 4 : i32
          %gather3A_266 = arith.constant 0 : i32
          %gather3A_267 = arith.constant 0 : i32
          %gather3A_268 = tpu.memref_slice %arg7[%gather3A_265, %gather3A_266, %gather3A_267] : memref<8x64x128xf32, #tpu.memory_space<vmem>> -> memref<1x64x128xf32, #tpu.memory_space<vmem>>
          %gather3A_269 = tpu.memref_squeeze %gather3A_268 : memref<1x64x128xf32, #tpu.memory_space<vmem>> -> memref<64x128xf32, #tpu.memory_space<vmem>>
          %gather3A_270 = tpu.vector_load_idx %gather3A_269[%add3A_264, %broadcast_in_dim3A_229] : memref<64x128xf32, #tpu.memory_space<vmem>>[vector<16xi32>, vector<16xi32>], vector<16xf32>,
          %mul3A_271 = arith.constant 64 : i32
          %mul3A_272 = arith.muli %add3A_221, %mul3A_271 : i32
          %add3A_273 = arith.constant 32 : i32
          %add3A_274 = arith.addi %mul3A_272, %add3A_273 : i32
          %swap3A_275 = arith.index_cast %add3A_274 : i32 to index
          %swap3A_276 = tpu.vector_load %arg8[%swap3A_275] {strides = array<i32>} : memref<32768xf32, #tpu.memory_space<vmem>>, vector<16xf32>,
          tpu.vector_store %arg8[%swap3A_275], %gather3A_270 {strides = array<i32>} : memref<32768xf32, #tpu.memory_space<vmem>>, vector<16xf32>,
          %iota3A_277 = tpu.iota {dimensions = array<i32: 0>} : vector<16xi32>
          %add3A_278 = arith.constant 48 : i32
          %add3A_279 = vector.broadcast %add3A_278 : i32 to vector<16xi32>
          %add3A_280 = arith.addi %iota3A_277, %add3A_279 : vector<16xi32>
          %gather3A_281 = arith.constant 4 : i32
          %gather3A_282 = arith.constant 0 : i32
          %gather3A_283 = arith.constant 0 : i32
          %gather3A_284 = tpu.memref_slice %arg7[%gather3A_281, %gather3A_282, %gather3A_283] : memref<8x64x128xf32, #tpu.memory_space<vmem>> -> memref<1x64x128xf32, #tpu.memory_space<vmem>>
          %gather3A_285 = tpu.memref_squeeze %gather3A_284 : memref<1x64x128xf32, #tpu.memory_space<vmem>> -> memref<64x128xf32, #tpu.memory_space<vmem>>
          %gather3A_286 = tpu.vector_load_idx %gather3A_285[%add3A_280, %broadcast_in_dim3A_229] : memref<64x128xf32, #tpu.memory_space<vmem>>[vector<16xi32>, vector<16xi32>], vector<16xf32>,
          %mul3A_287 = arith.constant 64 : i32
          %mul3A_288 = arith.muli %add3A_221, %mul3A_287 : i32
          %add3A_289 = arith.constant 48 : i32
          %add3A_290 = arith.addi %mul3A_288, %add3A_289 : i32
          %swap3A_291 = arith.index_cast %add3A_290 : i32 to index
          %swap3A_292 = tpu.vector_load %arg8[%swap3A_291] {strides = array<i32>} : memref<32768xf32, #tpu.memory_space<vmem>>, vector<16xf32>,
          tpu.vector_store %arg8[%swap3A_291], %gather3A_286 {strides = array<i32>} : memref<32768xf32, #tpu.memory_space<vmem>>, vector<16xf32>,
        }
        %while3A_219 = arith.constant 1 : i32
        scf.for %while3A_220 = %while3A_217 to %while3A_213 step %while3A_219  : i32 {
          %add3A_221 = arith.addi %squeeze3A, %while3A_220 : i32
          %add3A_222 = arith.constant 128 : i32
          %add3A_223 = arith.addi %add3A_221, %add3A_222 : i32
          %get3A_224 = arith.index_cast %add3A_223 : i32 to index
          %get3A_225 = tpu.vector_load %arg5[%get3A_224] {strides = array<i32>} : memref<672xi32, #tpu.memory_space<vmem>>, vector<16xi32>,
          %slice3A_226 = vector.extract_strided_slice %get3A_225 {offsets = [0], sizes = [1], strides = [1]} : vector<16xi32> to vector<1xi32>
          %squeeze3A_227 = vector.extract %slice3A_226[0] : i32 from vector<1xi32>
          %sub3A_228 = arith.subi %squeeze3A_227, %shift_left3A_208 : i32
          %broadcast_in_dim3A_229 = vector.broadcast %sub3A_228 : i32 to vector<16xi32>
          %iota3A_230 = tpu.iota {dimensions = array<i32: 0>} : vector<16xi32>
          %add3A_231 = arith.constant 0 : i32
          %add3A_232 = vector.broadcast %add3A_231 : i32 to vector<16xi32>
          %add3A_233 = arith.addi %iota3A_230, %add3A_232 : vector<16xi32>
          %gather3A = arith.constant 4 : i32
          %gather3A_234 = arith.constant 0 : i32
          %gather3A_235 = arith.constant 0 : i32
          %gather3A_236 = tpu.memref_slice %arg7[%gather3A, %gather3A_234, %gather3A_235] : memref<8x64x128xf32, #tpu.memory_space<vmem>> -> memref<1x64x128xf32, #tpu.memory_space<vmem>>
          %gather3A_237 = tpu.memref_squeeze %gather3A_236 : memref<1x64x128xf32, #tpu.memory_space<vmem>> -> memref<64x128xf32, #tpu.memory_space<vmem>>
          %gather3A_238 = tpu.vector_load_idx %gather3A_237[%add3A_233, %broadcast_in_dim3A_229] : memref<64x128xf32, #tpu.memory_space<vmem>>[vector<16xi32>, vector<16xi32>], vector<16xf32>,
          %mul3A_239 = arith.constant 64 : i32
          %mul3A_240 = arith.muli %add3A_221, %mul3A_239 : i32
          %add3A_241 = arith.constant 0 : i32
          %add3A_242 = arith.addi %mul3A_240, %add3A_241 : i32
          %swap3A_243 = arith.index_cast %add3A_242 : i32 to index
          %swap3A_244 = tpu.vector_load %arg8[%swap3A_243] {strides = array<i32>} : memref<32768xf32, #tpu.memory_space<vmem>>, vector<16xf32>,
          tpu.vector_store %arg8[%swap3A_243], %gather3A_238 {strides = array<i32>} : memref<32768xf32, #tpu.memory_space<vmem>>, vector<16xf32>,
          %iota3A_245 = tpu.iota {dimensions = array<i32: 0>} : vector<16xi32>
          %add3A_246 = arith.constant 16 : i32
          %add3A_247 = vector.broadcast %add3A_246 : i32 to vector<16xi32>
          %add3A_248 = arith.addi %iota3A_245, %add3A_247 : vector<16xi32>
          %gather3A_249 = arith.constant 4 : i32
          %gather3A_250 = arith.constant 0 : i32
          %gather3A_251 = arith.constant 0 : i32
          %gather3A_252 = tpu.memref_slice %arg7[%gather3A_249, %gather3A_250, %gather3A_251] : memref<8x64x128xf32, #tpu.memory_space<vmem>> -> memref<1x64x128xf32, #tpu.memory_space<vmem>>
          %gather3A_253 = tpu.memref_squeeze %gather3A_252 : memref<1x64x128xf32, #tpu.memory_space<vmem>> -> memref<64x128xf32, #tpu.memory_space<vmem>>
          %gather3A_254 = tpu.vector_load_idx %gather3A_253[%add3A_248, %broadcast_in_dim3A_229] : memref<64x128xf32, #tpu.memory_space<vmem>>[vector<16xi32>, vector<16xi32>], vector<16xf32>,
          %mul3A_255 = arith.constant 64 : i32
          %mul3A_256 = arith.muli %add3A_221, %mul3A_255 : i32
          %add3A_257 = arith.constant 16 : i32
          %add3A_258 = arith.addi %mul3A_256, %add3A_257 : i32
          %swap3A_259 = arith.index_cast %add3A_258 : i32 to index
          %swap3A_260 = tpu.vector_load %arg8[%swap3A_259] {strides = array<i32>} : memref<32768xf32, #tpu.memory_space<vmem>>, vector<16xf32>,
          tpu.vector_store %arg8[%swap3A_259], %gather3A_254 {strides = array<i32>} : memref<32768xf32, #tpu.memory_space<vmem>>, vector<16xf32>,
          %iota3A_261 = tpu.iota {dimensions = array<i32: 0>} : vector<16xi32>
          %add3A_262 = arith.constant 32 : i32
          %add3A_263 = vector.broadcast %add3A_262 : i32 to vector<16xi32>
          %add3A_264 = arith.addi %iota3A_261, %add3A_263 : vector<16xi32>
          %gather3A_265 = arith.constant 4 : i32
          %gather3A_266 = arith.constant 0 : i32
          %gather3A_267 = arith.constant 0 : i32
          %gather3A_268 = tpu.memref_slice %arg7[%gather3A_265, %gather3A_266, %gather3A_267] : memref<8x64x128xf32, #tpu.memory_space<vmem>> -> memref<1x64x128xf32, #tpu.memory_space<vmem>>
          %gather3A_269 = tpu.memref_squeeze %gather3A_268 : memref<1x64x128xf32, #tpu.memory_space<vmem>> -> memref<64x128xf32, #tpu.memory_space<vmem>>
          %gather3A_270 = tpu.vector_load_idx %gather3A_269[%add3A_264, %broadcast_in_dim3A_229] : memref<64x128xf32, #tpu.memory_space<vmem>>[vector<16xi32>, vector<16xi32>], vector<16xf32>,
          %mul3A_271 = arith.constant 64 : i32
          %mul3A_272 = arith.muli %add3A_221, %mul3A_271 : i32
          %add3A_273 = arith.constant 32 : i32
          %add3A_274 = arith.addi %mul3A_272, %add3A_273 : i32
          %swap3A_275 = arith.index_cast %add3A_274 : i32 to index
          %swap3A_276 = tpu.vector_load %arg8[%swap3A_275] {strides = array<i32>} : memref<32768xf32, #tpu.memory_space<vmem>>, vector<16xf32>,
          tpu.vector_store %arg8[%swap3A_275], %gather3A_270 {strides = array<i32>} : memref<32768xf32, #tpu.memory_space<vmem>>, vector<16xf32>,
          %iota3A_277 = tpu.iota {dimensions = array<i32: 0>} : vector<16xi32>
          %add3A_278 = arith.constant 48 : i32
          %add3A_279 = vector.broadcast %add3A_278 : i32 to vector<16xi32>
          %add3A_280 = arith.addi %iota3A_277, %add3A_279 : vector<16xi32>
          %gather3A_281 = arith.constant 4 : i32
          %gather3A_282 = arith.constant 0 : i32
          %gather3A_283 = arith.constant 0 : i32
          %gather3A_284 = tpu.memref_slice %arg7[%gather3A_281, %gather3A_282, %gather3A_283] : memref<8x64x128xf32, #tpu.memory_space<vmem>> -> memref<1x64x128xf32, #tpu.memory_space<vmem>>
          %gather3A_285 = tpu.memref_squeeze %gather3A_284 : memref<1x64x128xf32, #tpu.memory_space<vmem>> -> memref<64x128xf32, #tpu.memory_space<vmem>>
          %gather3A_286 = tpu.vector_load_idx %gather3A_285[%add3A_280, %broadcast_in_dim3A_229] : memref<64x128xf32, #tpu.memory_space<vmem>>[vector<16xi32>, vector<16xi32>], vector<16xf32>,
          %mul3A_287 = arith.constant 64 : i32
          %mul3A_288 = arith.muli %add3A_221, %mul3A_287 : i32
          %add3A_289 = arith.constant 48 : i32
          %add3A_290 = arith.addi %mul3A_288, %add3A_289 : i32
          %swap3A_291 = arith.index_cast %add3A_290 : i32 to index
          %swap3A_292 = tpu.vector_load %arg8[%swap3A_291] {strides = array<i32>} : memref<32768xf32, #tpu.memory_space<vmem>>, vector<16xf32>,
          tpu.vector_store %arg8[%swap3A_291], %gather3A_286 {strides = array<i32>} : memref<32768xf32, #tpu.memory_space<vmem>>, vector<16xf32>,
        }
      } else {
      }
      %add3A_138 = arith.constant 8 : i32
      %add3A_139 = arith.addi %add3A_133, %add3A_138 : i32
      %lt3A_140 = arith.cmpi slt, %add3A_139, %scan3A_7 : i32
      %convert_element_type3A_141 = arith.extui %lt3A_140 : i1 to i32
      %cond3A_142 = arith.constant 0 : i32
      %cond3A_143 = arith.cmpi ne, %convert_element_type3A_141, %cond3A_142 : i32
      scf.if %cond3A_143 {
        %get3A = arith.index_cast %add3A_139 : i32 to index
        %get3A_180 = tpu.vector_load %arg6[%get3A] {strides = array<i32>} : memref<672xi32, #tpu.memory_space<vmem>>, vector<16xi32>,
        %slice3A = vector.extract_strided_slice %get3A_180 {offsets = [0], sizes = [1], strides = [1]} : vector<16xi32> to vector<1xi32>
        %squeeze3A = vector.extract %slice3A[0] : i32 from vector<1xi32>
        %add3A_181 = arith.constant 128 : i32
        %add3A_182 = arith.addi %squeeze3A, %add3A_181 : i32
        %get3A_183 = arith.index_cast %add3A_182 : i32 to index
        %get3A_184 = tpu.vector_load %arg5[%get3A_183] {strides = array<i32>} : memref<672xi32, #tpu.memory_space<vmem>>, vector<16xi32>,
        %slice3A_185 = vector.extract_strided_slice %get3A_184 {offsets = [0], sizes = [1], strides = [1]} : vector<16xi32> to vector<1xi32>
        %squeeze3A_186 = vector.extract %slice3A_185[0] : i32 from vector<1xi32>
        %shift_right_arithmetic3A = arith.constant 7 : i32
        %shift_right_arithmetic3A_187 = arith.shrsi %squeeze3A_186, %shift_right_arithmetic3A : i32
        %shift_left3A = arith.constant 7 : i32
        %shift_left3A_188 = arith.shli %shift_right_arithmetic3A_187, %shift_left3A : i32
        %multiple_of3A = tpu.assume_multiple %shift_left3A_188, 128 : i32
        %dma_start3A = arith.constant 4 : i32
        %dma_start3A_189 = arith.constant 0 : i32
        %dma_start3A_190 = arith.constant 0 : i32
        %dma_start3A_191 = tpu.memref_slice %arg7[%dma_start3A, %dma_start3A_189, %dma_start3A_190] : memref<8x64x128xf32, #tpu.memory_space<vmem>> -> memref<1x64x128xf32, #tpu.memory_space<vmem>>
        %dma_start3A_192 = tpu.memref_squeeze %dma_start3A_191 : memref<1x64x128xf32, #tpu.memory_space<vmem>> -> memref<64x128xf32, #tpu.memory_space<vmem>>
        %dma_start3A_193 = arith.constant 0 : i32
        %dma_start3A_194 = tpu.memref_slice %arg2[%dma_start3A_193, %multiple_of3A] : memref<64x1000000xf32, #tpu.memory_space<hbm>> -> memref<64x128xf32, #tpu.memory_space<hbm>>
        %dma_start3A_195 = arith.constant 0 : i32
        %dma_start3A_196 = arith.constant 0 : i32
        %dma_start3A_197 = tpu.memref_slice %arg7[%dma_start3A, %dma_start3A_195, %dma_start3A_196] : memref<8x64x128xf32, #tpu.memory_space<vmem>> -> memref<1x64x128xf32, #tpu.memory_space<vmem>>
        %dma_start3A_198 = tpu.memref_squeeze %dma_start3A_197 : memref<1x64x128xf32, #tpu.memory_space<vmem>> -> memref<64x128xf32, #tpu.memory_space<vmem>>
        %dma_start3A_199 = arith.constant 0 : i32
        %dma_start3A_200 = tpu.memref_slice %arg2[%dma_start3A_199, %multiple_of3A] : memref<64x1000000xf32, #tpu.memory_space<hbm>> -> memref<64x128xf32, #tpu.memory_space<hbm>>
        tpu.enqueue_dma source(%dma_start3A_200 : memref<64x128xf32, #tpu.memory_space<hbm>>) target(%dma_start3A_198 : memref<64x128xf32, #tpu.memory_space<vmem>>) target_semaphore(%arg13 : memref<!tpu.dma_semaphore, #tpu.memory_space<semaphore_mem>>)
      } else {
      }
      %add3A_144 = arith.constant 5 : i32
      %add3A_145 = arith.addi %mul3A_84, %add3A_144 : i32
      %lt3A_146 = arith.cmpi slt, %add3A_145, %scan3A_7 : i32
      %convert_element_type3A_147 = arith.extui %lt3A_146 : i1 to i32
      %cond3A_148 = arith.constant 0 : i32
      %cond3A_149 = arith.cmpi ne, %convert_element_type3A_147, %cond3A_148 : i32
      scf.if %cond3A_149 {
        %dma_wait3A = arith.constant 5 : i32
        %dma_wait3A_180 = arith.constant 0 : i32
        %dma_wait3A_181 = arith.constant 0 : i32
        %dma_wait3A_182 = tpu.memref_slice %arg7[%dma_wait3A, %dma_wait3A_180, %dma_wait3A_181] : memref<8x64x128xf32, #tpu.memory_space<vmem>> -> memref<1x64x128xf32, #tpu.memory_space<vmem>>
        %dma_wait3A_183 = tpu.memref_squeeze %dma_wait3A_182 : memref<1x64x128xf32, #tpu.memory_space<vmem>> -> memref<64x128xf32, #tpu.memory_space<vmem>>
        %dma_wait3A_184 = arith.constant 0 : i32
        %dma_wait3A_185 = arith.constant 0 : i32
        %dma_wait3A_186 = tpu.memref_slice %arg2[%dma_wait3A_184, %dma_wait3A_185] : memref<64x1000000xf32, #tpu.memory_space<hbm>> -> memref<64x128xf32, #tpu.memory_space<hbm>>
        %dma_wait3A_187 = arith.constant 0 : i32
        %dma_wait3A_188 = arith.constant 0 : i32
        %dma_wait3A_189 = tpu.memref_slice %arg7[%dma_wait3A, %dma_wait3A_187, %dma_wait3A_188] : memref<8x64x128xf32, #tpu.memory_space<vmem>> -> memref<1x64x128xf32, #tpu.memory_space<vmem>>
        %dma_wait3A_190 = tpu.memref_squeeze %dma_wait3A_189 : memref<1x64x128xf32, #tpu.memory_space<vmem>> -> memref<64x128xf32, #tpu.memory_space<vmem>>
        %dma_wait3A_191 = arith.constant 0 : i32
        %dma_wait3A_192 = arith.constant 0 : i32
        %dma_wait3A_193 = tpu.memref_slice %arg2[%dma_wait3A_191, %dma_wait3A_192] : memref<64x1000000xf32, #tpu.memory_space<hbm>> -> memref<64x128xf32, #tpu.memory_space<hbm>>
        tpu.wait_dma2 semaphore(%arg14 : memref<!tpu.dma_semaphore, #tpu.memory_space<semaphore_mem>>) src(%dma_wait3A_193 : memref<64x128xf32, #tpu.memory_space<hbm>>) dst(%dma_wait3A_190 : memref<64x128xf32, #tpu.memory_space<vmem>>)
        %get3A = arith.index_cast %add3A_145 : i32 to index
        %get3A_194 = tpu.vector_load %arg6[%get3A] {strides = array<i32>} : memref<672xi32, #tpu.memory_space<vmem>>, vector<16xi32>,
        %slice3A = vector.extract_strided_slice %get3A_194 {offsets = [0], sizes = [1], strides = [1]} : vector<16xi32> to vector<1xi32>
        %squeeze3A = vector.extract %slice3A[0] : i32 from vector<1xi32>
        %add3A_195 = arith.constant 1 : i32
        %add3A_196 = arith.addi %add3A_145, %add3A_195 : i32
        %get3A_197 = arith.index_cast %add3A_196 : i32 to index
        %get3A_198 = tpu.vector_load %arg6[%get3A_197] {strides = array<i32>} : memref<672xi32, #tpu.memory_space<vmem>>, vector<16xi32>,
        %slice3A_199 = vector.extract_strided_slice %get3A_198 {offsets = [0], sizes = [1], strides = [1]} : vector<16xi32> to vector<1xi32>
        %squeeze3A_200 = vector.extract %slice3A_199[0] : i32 from vector<1xi32>
        %add3A_201 = arith.constant 128 : i32
        %add3A_202 = arith.addi %squeeze3A, %add3A_201 : i32
        %get3A_203 = arith.index_cast %add3A_202 : i32 to index
        %get3A_204 = tpu.vector_load %arg5[%get3A_203] {strides = array<i32>} : memref<672xi32, #tpu.memory_space<vmem>>, vector<16xi32>,
        %slice3A_205 = vector.extract_strided_slice %get3A_204 {offsets = [0], sizes = [1], strides = [1]} : vector<16xi32> to vector<1xi32>
        %squeeze3A_206 = vector.extract %slice3A_205[0] : i32 from vector<1xi32>
        %shift_right_arithmetic3A = arith.constant 7 : i32
        %shift_right_arithmetic3A_207 = arith.shrsi %squeeze3A_206, %shift_right_arithmetic3A : i32
        %shift_left3A = arith.constant 7 : i32
        %shift_left3A_208 = arith.shli %shift_right_arithmetic3A_207, %shift_left3A : i32
        %sub3A_209 = arith.subi %squeeze3A_200, %squeeze3A : i32
        %while3A_210 = arith.constant 0 : i32
        %while3A_211 = arith.constant 0 : i32
        %while3A_212 = arith.subi %sub3A_209, %while3A_211 : i32
        %while3A_213 = arith.addi %while3A_211, %while3A_212 : i32
        %while3A_214 = arith.constant 1 : i32
        %while3A_215 = arith.divsi %while3A_212, %while3A_214 : i32
        %while3A_216 = arith.muli %while3A_215, %while3A_214 : i32
        %while3A_217 = arith.addi %while3A_211, %while3A_216 : i32
        %while3A_218 = arith.constant 1 : i32
        scf.for %while3A_220 = %while3A_211 to %while3A_217 step %while3A_218  : i32 {
          %add3A_221 = arith.addi %squeeze3A, %while3A_220 : i32
          %add3A_222 = arith.constant 128 : i32
          %add3A_223 = arith.addi %add3A_221, %add3A_222 : i32
          %get3A_224 = arith.index_cast %add3A_223 : i32 to index
          %get3A_225 = tpu.vector_load %arg5[%get3A_224] {strides = array<i32>} : memref<672xi32, #tpu.memory_space<vmem>>, vector<16xi32>,
          %slice3A_226 = vector.extract_strided_slice %get3A_225 {offsets = [0], sizes = [1], strides = [1]} : vector<16xi32> to vector<1xi32>
          %squeeze3A_227 = vector.extract %slice3A_226[0] : i32 from vector<1xi32>
          %sub3A_228 = arith.subi %squeeze3A_227, %shift_left3A_208 : i32
          %broadcast_in_dim3A_229 = vector.broadcast %sub3A_228 : i32 to vector<16xi32>
          %iota3A_230 = tpu.iota {dimensions = array<i32: 0>} : vector<16xi32>
          %add3A_231 = arith.constant 0 : i32
          %add3A_232 = vector.broadcast %add3A_231 : i32 to vector<16xi32>
          %add3A_233 = arith.addi %iota3A_230, %add3A_232 : vector<16xi32>
          %gather3A = arith.constant 5 : i32
          %gather3A_234 = arith.constant 0 : i32
          %gather3A_235 = arith.constant 0 : i32
          %gather3A_236 = tpu.memref_slice %arg7[%gather3A, %gather3A_234, %gather3A_235] : memref<8x64x128xf32, #tpu.memory_space<vmem>> -> memref<1x64x128xf32, #tpu.memory_space<vmem>>
          %gather3A_237 = tpu.memref_squeeze %gather3A_236 : memref<1x64x128xf32, #tpu.memory_space<vmem>> -> memref<64x128xf32, #tpu.memory_space<vmem>>
          %gather3A_238 = tpu.vector_load_idx %gather3A_237[%add3A_233, %broadcast_in_dim3A_229] : memref<64x128xf32, #tpu.memory_space<vmem>>[vector<16xi32>, vector<16xi32>], vector<16xf32>,
          %mul3A_239 = arith.constant 64 : i32
          %mul3A_240 = arith.muli %add3A_221, %mul3A_239 : i32
          %add3A_241 = arith.constant 0 : i32
          %add3A_242 = arith.addi %mul3A_240, %add3A_241 : i32
          %swap3A_243 = arith.index_cast %add3A_242 : i32 to index
          %swap3A_244 = tpu.vector_load %arg8[%swap3A_243] {strides = array<i32>} : memref<32768xf32, #tpu.memory_space<vmem>>, vector<16xf32>,
          tpu.vector_store %arg8[%swap3A_243], %gather3A_238 {strides = array<i32>} : memref<32768xf32, #tpu.memory_space<vmem>>, vector<16xf32>,
          %iota3A_245 = tpu.iota {dimensions = array<i32: 0>} : vector<16xi32>
          %add3A_246 = arith.constant 16 : i32
          %add3A_247 = vector.broadcast %add3A_246 : i32 to vector<16xi32>
          %add3A_248 = arith.addi %iota3A_245, %add3A_247 : vector<16xi32>
          %gather3A_249 = arith.constant 5 : i32
          %gather3A_250 = arith.constant 0 : i32
          %gather3A_251 = arith.constant 0 : i32
          %gather3A_252 = tpu.memref_slice %arg7[%gather3A_249, %gather3A_250, %gather3A_251] : memref<8x64x128xf32, #tpu.memory_space<vmem>> -> memref<1x64x128xf32, #tpu.memory_space<vmem>>
          %gather3A_253 = tpu.memref_squeeze %gather3A_252 : memref<1x64x128xf32, #tpu.memory_space<vmem>> -> memref<64x128xf32, #tpu.memory_space<vmem>>
          %gather3A_254 = tpu.vector_load_idx %gather3A_253[%add3A_248, %broadcast_in_dim3A_229] : memref<64x128xf32, #tpu.memory_space<vmem>>[vector<16xi32>, vector<16xi32>], vector<16xf32>,
          %mul3A_255 = arith.constant 64 : i32
          %mul3A_256 = arith.muli %add3A_221, %mul3A_255 : i32
          %add3A_257 = arith.constant 16 : i32
          %add3A_258 = arith.addi %mul3A_256, %add3A_257 : i32
          %swap3A_259 = arith.index_cast %add3A_258 : i32 to index
          %swap3A_260 = tpu.vector_load %arg8[%swap3A_259] {strides = array<i32>} : memref<32768xf32, #tpu.memory_space<vmem>>, vector<16xf32>,
          tpu.vector_store %arg8[%swap3A_259], %gather3A_254 {strides = array<i32>} : memref<32768xf32, #tpu.memory_space<vmem>>, vector<16xf32>,
          %iota3A_261 = tpu.iota {dimensions = array<i32: 0>} : vector<16xi32>
          %add3A_262 = arith.constant 32 : i32
          %add3A_263 = vector.broadcast %add3A_262 : i32 to vector<16xi32>
          %add3A_264 = arith.addi %iota3A_261, %add3A_263 : vector<16xi32>
          %gather3A_265 = arith.constant 5 : i32
          %gather3A_266 = arith.constant 0 : i32
          %gather3A_267 = arith.constant 0 : i32
          %gather3A_268 = tpu.memref_slice %arg7[%gather3A_265, %gather3A_266, %gather3A_267] : memref<8x64x128xf32, #tpu.memory_space<vmem>> -> memref<1x64x128xf32, #tpu.memory_space<vmem>>
          %gather3A_269 = tpu.memref_squeeze %gather3A_268 : memref<1x64x128xf32, #tpu.memory_space<vmem>> -> memref<64x128xf32, #tpu.memory_space<vmem>>
          %gather3A_270 = tpu.vector_load_idx %gather3A_269[%add3A_264, %broadcast_in_dim3A_229] : memref<64x128xf32, #tpu.memory_space<vmem>>[vector<16xi32>, vector<16xi32>], vector<16xf32>,
          %mul3A_271 = arith.constant 64 : i32
          %mul3A_272 = arith.muli %add3A_221, %mul3A_271 : i32
          %add3A_273 = arith.constant 32 : i32
          %add3A_274 = arith.addi %mul3A_272, %add3A_273 : i32
          %swap3A_275 = arith.index_cast %add3A_274 : i32 to index
          %swap3A_276 = tpu.vector_load %arg8[%swap3A_275] {strides = array<i32>} : memref<32768xf32, #tpu.memory_space<vmem>>, vector<16xf32>,
          tpu.vector_store %arg8[%swap3A_275], %gather3A_270 {strides = array<i32>} : memref<32768xf32, #tpu.memory_space<vmem>>, vector<16xf32>,
          %iota3A_277 = tpu.iota {dimensions = array<i32: 0>} : vector<16xi32>
          %add3A_278 = arith.constant 48 : i32
          %add3A_279 = vector.broadcast %add3A_278 : i32 to vector<16xi32>
          %add3A_280 = arith.addi %iota3A_277, %add3A_279 : vector<16xi32>
          %gather3A_281 = arith.constant 5 : i32
          %gather3A_282 = arith.constant 0 : i32
          %gather3A_283 = arith.constant 0 : i32
          %gather3A_284 = tpu.memref_slice %arg7[%gather3A_281, %gather3A_282, %gather3A_283] : memref<8x64x128xf32, #tpu.memory_space<vmem>> -> memref<1x64x128xf32, #tpu.memory_space<vmem>>
          %gather3A_285 = tpu.memref_squeeze %gather3A_284 : memref<1x64x128xf32, #tpu.memory_space<vmem>> -> memref<64x128xf32, #tpu.memory_space<vmem>>
          %gather3A_286 = tpu.vector_load_idx %gather3A_285[%add3A_280, %broadcast_in_dim3A_229] : memref<64x128xf32, #tpu.memory_space<vmem>>[vector<16xi32>, vector<16xi32>], vector<16xf32>,
          %mul3A_287 = arith.constant 64 : i32
          %mul3A_288 = arith.muli %add3A_221, %mul3A_287 : i32
          %add3A_289 = arith.constant 48 : i32
          %add3A_290 = arith.addi %mul3A_288, %add3A_289 : i32
          %swap3A_291 = arith.index_cast %add3A_290 : i32 to index
          %swap3A_292 = tpu.vector_load %arg8[%swap3A_291] {strides = array<i32>} : memref<32768xf32, #tpu.memory_space<vmem>>, vector<16xf32>,
          tpu.vector_store %arg8[%swap3A_291], %gather3A_286 {strides = array<i32>} : memref<32768xf32, #tpu.memory_space<vmem>>, vector<16xf32>,
        }
        %while3A_219 = arith.constant 1 : i32
        scf.for %while3A_220 = %while3A_217 to %while3A_213 step %while3A_219  : i32 {
          %add3A_221 = arith.addi %squeeze3A, %while3A_220 : i32
          %add3A_222 = arith.constant 128 : i32
          %add3A_223 = arith.addi %add3A_221, %add3A_222 : i32
          %get3A_224 = arith.index_cast %add3A_223 : i32 to index
          %get3A_225 = tpu.vector_load %arg5[%get3A_224] {strides = array<i32>} : memref<672xi32, #tpu.memory_space<vmem>>, vector<16xi32>,
          %slice3A_226 = vector.extract_strided_slice %get3A_225 {offsets = [0], sizes = [1], strides = [1]} : vector<16xi32> to vector<1xi32>
          %squeeze3A_227 = vector.extract %slice3A_226[0] : i32 from vector<1xi32>
          %sub3A_228 = arith.subi %squeeze3A_227, %shift_left3A_208 : i32
          %broadcast_in_dim3A_229 = vector.broadcast %sub3A_228 : i32 to vector<16xi32>
          %iota3A_230 = tpu.iota {dimensions = array<i32: 0>} : vector<16xi32>
          %add3A_231 = arith.constant 0 : i32
          %add3A_232 = vector.broadcast %add3A_231 : i32 to vector<16xi32>
          %add3A_233 = arith.addi %iota3A_230, %add3A_232 : vector<16xi32>
          %gather3A = arith.constant 5 : i32
          %gather3A_234 = arith.constant 0 : i32
          %gather3A_235 = arith.constant 0 : i32
          %gather3A_236 = tpu.memref_slice %arg7[%gather3A, %gather3A_234, %gather3A_235] : memref<8x64x128xf32, #tpu.memory_space<vmem>> -> memref<1x64x128xf32, #tpu.memory_space<vmem>>
          %gather3A_237 = tpu.memref_squeeze %gather3A_236 : memref<1x64x128xf32, #tpu.memory_space<vmem>> -> memref<64x128xf32, #tpu.memory_space<vmem>>
          %gather3A_238 = tpu.vector_load_idx %gather3A_237[%add3A_233, %broadcast_in_dim3A_229] : memref<64x128xf32, #tpu.memory_space<vmem>>[vector<16xi32>, vector<16xi32>], vector<16xf32>,
          %mul3A_239 = arith.constant 64 : i32
          %mul3A_240 = arith.muli %add3A_221, %mul3A_239 : i32
          %add3A_241 = arith.constant 0 : i32
          %add3A_242 = arith.addi %mul3A_240, %add3A_241 : i32
          %swap3A_243 = arith.index_cast %add3A_242 : i32 to index
          %swap3A_244 = tpu.vector_load %arg8[%swap3A_243] {strides = array<i32>} : memref<32768xf32, #tpu.memory_space<vmem>>, vector<16xf32>,
          tpu.vector_store %arg8[%swap3A_243], %gather3A_238 {strides = array<i32>} : memref<32768xf32, #tpu.memory_space<vmem>>, vector<16xf32>,
          %iota3A_245 = tpu.iota {dimensions = array<i32: 0>} : vector<16xi32>
          %add3A_246 = arith.constant 16 : i32
          %add3A_247 = vector.broadcast %add3A_246 : i32 to vector<16xi32>
          %add3A_248 = arith.addi %iota3A_245, %add3A_247 : vector<16xi32>
          %gather3A_249 = arith.constant 5 : i32
          %gather3A_250 = arith.constant 0 : i32
          %gather3A_251 = arith.constant 0 : i32
          %gather3A_252 = tpu.memref_slice %arg7[%gather3A_249, %gather3A_250, %gather3A_251] : memref<8x64x128xf32, #tpu.memory_space<vmem>> -> memref<1x64x128xf32, #tpu.memory_space<vmem>>
          %gather3A_253 = tpu.memref_squeeze %gather3A_252 : memref<1x64x128xf32, #tpu.memory_space<vmem>> -> memref<64x128xf32, #tpu.memory_space<vmem>>
          %gather3A_254 = tpu.vector_load_idx %gather3A_253[%add3A_248, %broadcast_in_dim3A_229] : memref<64x128xf32, #tpu.memory_space<vmem>>[vector<16xi32>, vector<16xi32>], vector<16xf32>,
          %mul3A_255 = arith.constant 64 : i32
          %mul3A_256 = arith.muli %add3A_221, %mul3A_255 : i32
          %add3A_257 = arith.constant 16 : i32
          %add3A_258 = arith.addi %mul3A_256, %add3A_257 : i32
          %swap3A_259 = arith.index_cast %add3A_258 : i32 to index
          %swap3A_260 = tpu.vector_load %arg8[%swap3A_259] {strides = array<i32>} : memref<32768xf32, #tpu.memory_space<vmem>>, vector<16xf32>,
          tpu.vector_store %arg8[%swap3A_259], %gather3A_254 {strides = array<i32>} : memref<32768xf32, #tpu.memory_space<vmem>>, vector<16xf32>,
          %iota3A_261 = tpu.iota {dimensions = array<i32: 0>} : vector<16xi32>
          %add3A_262 = arith.constant 32 : i32
          %add3A_263 = vector.broadcast %add3A_262 : i32 to vector<16xi32>
          %add3A_264 = arith.addi %iota3A_261, %add3A_263 : vector<16xi32>
          %gather3A_265 = arith.constant 5 : i32
          %gather3A_266 = arith.constant 0 : i32
          %gather3A_267 = arith.constant 0 : i32
          %gather3A_268 = tpu.memref_slice %arg7[%gather3A_265, %gather3A_266, %gather3A_267] : memref<8x64x128xf32, #tpu.memory_space<vmem>> -> memref<1x64x128xf32, #tpu.memory_space<vmem>>
          %gather3A_269 = tpu.memref_squeeze %gather3A_268 : memref<1x64x128xf32, #tpu.memory_space<vmem>> -> memref<64x128xf32, #tpu.memory_space<vmem>>
          %gather3A_270 = tpu.vector_load_idx %gather3A_269[%add3A_264, %broadcast_in_dim3A_229] : memref<64x128xf32, #tpu.memory_space<vmem>>[vector<16xi32>, vector<16xi32>], vector<16xf32>,
          %mul3A_271 = arith.constant 64 : i32
          %mul3A_272 = arith.muli %add3A_221, %mul3A_271 : i32
          %add3A_273 = arith.constant 32 : i32
          %add3A_274 = arith.addi %mul3A_272, %add3A_273 : i32
          %swap3A_275 = arith.index_cast %add3A_274 : i32 to index
          %swap3A_276 = tpu.vector_load %arg8[%swap3A_275] {strides = array<i32>} : memref<32768xf32, #tpu.memory_space<vmem>>, vector<16xf32>,
          tpu.vector_store %arg8[%swap3A_275], %gather3A_270 {strides = array<i32>} : memref<32768xf32, #tpu.memory_space<vmem>>, vector<16xf32>,
          %iota3A_277 = tpu.iota {dimensions = array<i32: 0>} : vector<16xi32>
          %add3A_278 = arith.constant 48 : i32
          %add3A_279 = vector.broadcast %add3A_278 : i32 to vector<16xi32>
          %add3A_280 = arith.addi %iota3A_277, %add3A_279 : vector<16xi32>
          %gather3A_281 = arith.constant 5 : i32
          %gather3A_282 = arith.constant 0 : i32
          %gather3A_283 = arith.constant 0 : i32
          %gather3A_284 = tpu.memref_slice %arg7[%gather3A_281, %gather3A_282, %gather3A_283] : memref<8x64x128xf32, #tpu.memory_space<vmem>> -> memref<1x64x128xf32, #tpu.memory_space<vmem>>
          %gather3A_285 = tpu.memref_squeeze %gather3A_284 : memref<1x64x128xf32, #tpu.memory_space<vmem>> -> memref<64x128xf32, #tpu.memory_space<vmem>>
          %gather3A_286 = tpu.vector_load_idx %gather3A_285[%add3A_280, %broadcast_in_dim3A_229] : memref<64x128xf32, #tpu.memory_space<vmem>>[vector<16xi32>, vector<16xi32>], vector<16xf32>,
          %mul3A_287 = arith.constant 64 : i32
          %mul3A_288 = arith.muli %add3A_221, %mul3A_287 : i32
          %add3A_289 = arith.constant 48 : i32
          %add3A_290 = arith.addi %mul3A_288, %add3A_289 : i32
          %swap3A_291 = arith.index_cast %add3A_290 : i32 to index
          %swap3A_292 = tpu.vector_load %arg8[%swap3A_291] {strides = array<i32>} : memref<32768xf32, #tpu.memory_space<vmem>>, vector<16xf32>,
          tpu.vector_store %arg8[%swap3A_291], %gather3A_286 {strides = array<i32>} : memref<32768xf32, #tpu.memory_space<vmem>>, vector<16xf32>,
        }
      } else {
      }
      %add3A_150 = arith.constant 8 : i32
      %add3A_151 = arith.addi %add3A_145, %add3A_150 : i32
      %lt3A_152 = arith.cmpi slt, %add3A_151, %scan3A_7 : i32
      %convert_element_type3A_153 = arith.extui %lt3A_152 : i1 to i32
      %cond3A_154 = arith.constant 0 : i32
      %cond3A_155 = arith.cmpi ne, %convert_element_type3A_153, %cond3A_154 : i32
      scf.if %cond3A_155 {
        %get3A = arith.index_cast %add3A_151 : i32 to index
        %get3A_180 = tpu.vector_load %arg6[%get3A] {strides = array<i32>} : memref<672xi32, #tpu.memory_space<vmem>>, vector<16xi32>,
        %slice3A = vector.extract_strided_slice %get3A_180 {offsets = [0], sizes = [1], strides = [1]} : vector<16xi32> to vector<1xi32>
        %squeeze3A = vector.extract %slice3A[0] : i32 from vector<1xi32>
        %add3A_181 = arith.constant 128 : i32
        %add3A_182 = arith.addi %squeeze3A, %add3A_181 : i32
        %get3A_183 = arith.index_cast %add3A_182 : i32 to index
        %get3A_184 = tpu.vector_load %arg5[%get3A_183] {strides = array<i32>} : memref<672xi32, #tpu.memory_space<vmem>>, vector<16xi32>,
        %slice3A_185 = vector.extract_strided_slice %get3A_184 {offsets = [0], sizes = [1], strides = [1]} : vector<16xi32> to vector<1xi32>
        %squeeze3A_186 = vector.extract %slice3A_185[0] : i32 from vector<1xi32>
        %shift_right_arithmetic3A = arith.constant 7 : i32
        %shift_right_arithmetic3A_187 = arith.shrsi %squeeze3A_186, %shift_right_arithmetic3A : i32
        %shift_left3A = arith.constant 7 : i32
        %shift_left3A_188 = arith.shli %shift_right_arithmetic3A_187, %shift_left3A : i32
        %multiple_of3A = tpu.assume_multiple %shift_left3A_188, 128 : i32
        %dma_start3A = arith.constant 5 : i32
        %dma_start3A_189 = arith.constant 0 : i32
        %dma_start3A_190 = arith.constant 0 : i32
        %dma_start3A_191 = tpu.memref_slice %arg7[%dma_start3A, %dma_start3A_189, %dma_start3A_190] : memref<8x64x128xf32, #tpu.memory_space<vmem>> -> memref<1x64x128xf32, #tpu.memory_space<vmem>>
        %dma_start3A_192 = tpu.memref_squeeze %dma_start3A_191 : memref<1x64x128xf32, #tpu.memory_space<vmem>> -> memref<64x128xf32, #tpu.memory_space<vmem>>
        %dma_start3A_193 = arith.constant 0 : i32
        %dma_start3A_194 = tpu.memref_slice %arg2[%dma_start3A_193, %multiple_of3A] : memref<64x1000000xf32, #tpu.memory_space<hbm>> -> memref<64x128xf32, #tpu.memory_space<hbm>>
        %dma_start3A_195 = arith.constant 0 : i32
        %dma_start3A_196 = arith.constant 0 : i32
        %dma_start3A_197 = tpu.memref_slice %arg7[%dma_start3A, %dma_start3A_195, %dma_start3A_196] : memref<8x64x128xf32, #tpu.memory_space<vmem>> -> memref<1x64x128xf32, #tpu.memory_space<vmem>>
        %dma_start3A_198 = tpu.memref_squeeze %dma_start3A_197 : memref<1x64x128xf32, #tpu.memory_space<vmem>> -> memref<64x128xf32, #tpu.memory_space<vmem>>
        %dma_start3A_199 = arith.constant 0 : i32
        %dma_start3A_200 = tpu.memref_slice %arg2[%dma_start3A_199, %multiple_of3A] : memref<64x1000000xf32, #tpu.memory_space<hbm>> -> memref<64x128xf32, #tpu.memory_space<hbm>>
        tpu.enqueue_dma source(%dma_start3A_200 : memref<64x128xf32, #tpu.memory_space<hbm>>) target(%dma_start3A_198 : memref<64x128xf32, #tpu.memory_space<vmem>>) target_semaphore(%arg14 : memref<!tpu.dma_semaphore, #tpu.memory_space<semaphore_mem>>)
      } else {
      }
      %add3A_156 = arith.constant 6 : i32
      %add3A_157 = arith.addi %mul3A_84, %add3A_156 : i32
      %lt3A_158 = arith.cmpi slt, %add3A_157, %scan3A_7 : i32
      %convert_element_type3A_159 = arith.extui %lt3A_158 : i1 to i32
      %cond3A_160 = arith.constant 0 : i32
      %cond3A_161 = arith.cmpi ne, %convert_element_type3A_159, %cond3A_160 : i32
      scf.if %cond3A_161 {
        %dma_wait3A = arith.constant 6 : i32
        %dma_wait3A_180 = arith.constant 0 : i32
        %dma_wait3A_181 = arith.constant 0 : i32
        %dma_wait3A_182 = tpu.memref_slice %arg7[%dma_wait3A, %dma_wait3A_180, %dma_wait3A_181] : memref<8x64x128xf32, #tpu.memory_space<vmem>> -> memref<1x64x128xf32, #tpu.memory_space<vmem>>
        %dma_wait3A_183 = tpu.memref_squeeze %dma_wait3A_182 : memref<1x64x128xf32, #tpu.memory_space<vmem>> -> memref<64x128xf32, #tpu.memory_space<vmem>>
        %dma_wait3A_184 = arith.constant 0 : i32
        %dma_wait3A_185 = arith.constant 0 : i32
        %dma_wait3A_186 = tpu.memref_slice %arg2[%dma_wait3A_184, %dma_wait3A_185] : memref<64x1000000xf32, #tpu.memory_space<hbm>> -> memref<64x128xf32, #tpu.memory_space<hbm>>
        %dma_wait3A_187 = arith.constant 0 : i32
        %dma_wait3A_188 = arith.constant 0 : i32
        %dma_wait3A_189 = tpu.memref_slice %arg7[%dma_wait3A, %dma_wait3A_187, %dma_wait3A_188] : memref<8x64x128xf32, #tpu.memory_space<vmem>> -> memref<1x64x128xf32, #tpu.memory_space<vmem>>
        %dma_wait3A_190 = tpu.memref_squeeze %dma_wait3A_189 : memref<1x64x128xf32, #tpu.memory_space<vmem>> -> memref<64x128xf32, #tpu.memory_space<vmem>>
        %dma_wait3A_191 = arith.constant 0 : i32
        %dma_wait3A_192 = arith.constant 0 : i32
        %dma_wait3A_193 = tpu.memref_slice %arg2[%dma_wait3A_191, %dma_wait3A_192] : memref<64x1000000xf32, #tpu.memory_space<hbm>> -> memref<64x128xf32, #tpu.memory_space<hbm>>
        tpu.wait_dma2 semaphore(%arg15 : memref<!tpu.dma_semaphore, #tpu.memory_space<semaphore_mem>>) src(%dma_wait3A_193 : memref<64x128xf32, #tpu.memory_space<hbm>>) dst(%dma_wait3A_190 : memref<64x128xf32, #tpu.memory_space<vmem>>)
        %get3A = arith.index_cast %add3A_157 : i32 to index
        %get3A_194 = tpu.vector_load %arg6[%get3A] {strides = array<i32>} : memref<672xi32, #tpu.memory_space<vmem>>, vector<16xi32>,
        %slice3A = vector.extract_strided_slice %get3A_194 {offsets = [0], sizes = [1], strides = [1]} : vector<16xi32> to vector<1xi32>
        %squeeze3A = vector.extract %slice3A[0] : i32 from vector<1xi32>
        %add3A_195 = arith.constant 1 : i32
        %add3A_196 = arith.addi %add3A_157, %add3A_195 : i32
        %get3A_197 = arith.index_cast %add3A_196 : i32 to index
        %get3A_198 = tpu.vector_load %arg6[%get3A_197] {strides = array<i32>} : memref<672xi32, #tpu.memory_space<vmem>>, vector<16xi32>,
        %slice3A_199 = vector.extract_strided_slice %get3A_198 {offsets = [0], sizes = [1], strides = [1]} : vector<16xi32> to vector<1xi32>
        %squeeze3A_200 = vector.extract %slice3A_199[0] : i32 from vector<1xi32>
        %add3A_201 = arith.constant 128 : i32
        %add3A_202 = arith.addi %squeeze3A, %add3A_201 : i32
        %get3A_203 = arith.index_cast %add3A_202 : i32 to index
        %get3A_204 = tpu.vector_load %arg5[%get3A_203] {strides = array<i32>} : memref<672xi32, #tpu.memory_space<vmem>>, vector<16xi32>,
        %slice3A_205 = vector.extract_strided_slice %get3A_204 {offsets = [0], sizes = [1], strides = [1]} : vector<16xi32> to vector<1xi32>
        %squeeze3A_206 = vector.extract %slice3A_205[0] : i32 from vector<1xi32>
        %shift_right_arithmetic3A = arith.constant 7 : i32
        %shift_right_arithmetic3A_207 = arith.shrsi %squeeze3A_206, %shift_right_arithmetic3A : i32
        %shift_left3A = arith.constant 7 : i32
        %shift_left3A_208 = arith.shli %shift_right_arithmetic3A_207, %shift_left3A : i32
        %sub3A_209 = arith.subi %squeeze3A_200, %squeeze3A : i32
        %while3A_210 = arith.constant 0 : i32
        %while3A_211 = arith.constant 0 : i32
        %while3A_212 = arith.subi %sub3A_209, %while3A_211 : i32
        %while3A_213 = arith.addi %while3A_211, %while3A_212 : i32
        %while3A_214 = arith.constant 1 : i32
        %while3A_215 = arith.divsi %while3A_212, %while3A_214 : i32
        %while3A_216 = arith.muli %while3A_215, %while3A_214 : i32
        %while3A_217 = arith.addi %while3A_211, %while3A_216 : i32
        %while3A_218 = arith.constant 1 : i32
        scf.for %while3A_220 = %while3A_211 to %while3A_217 step %while3A_218  : i32 {
          %add3A_221 = arith.addi %squeeze3A, %while3A_220 : i32
          %add3A_222 = arith.constant 128 : i32
          %add3A_223 = arith.addi %add3A_221, %add3A_222 : i32
          %get3A_224 = arith.index_cast %add3A_223 : i32 to index
          %get3A_225 = tpu.vector_load %arg5[%get3A_224] {strides = array<i32>} : memref<672xi32, #tpu.memory_space<vmem>>, vector<16xi32>,
          %slice3A_226 = vector.extract_strided_slice %get3A_225 {offsets = [0], sizes = [1], strides = [1]} : vector<16xi32> to vector<1xi32>
          %squeeze3A_227 = vector.extract %slice3A_226[0] : i32 from vector<1xi32>
          %sub3A_228 = arith.subi %squeeze3A_227, %shift_left3A_208 : i32
          %broadcast_in_dim3A_229 = vector.broadcast %sub3A_228 : i32 to vector<16xi32>
          %iota3A_230 = tpu.iota {dimensions = array<i32: 0>} : vector<16xi32>
          %add3A_231 = arith.constant 0 : i32
          %add3A_232 = vector.broadcast %add3A_231 : i32 to vector<16xi32>
          %add3A_233 = arith.addi %iota3A_230, %add3A_232 : vector<16xi32>
          %gather3A = arith.constant 6 : i32
          %gather3A_234 = arith.constant 0 : i32
          %gather3A_235 = arith.constant 0 : i32
          %gather3A_236 = tpu.memref_slice %arg7[%gather3A, %gather3A_234, %gather3A_235] : memref<8x64x128xf32, #tpu.memory_space<vmem>> -> memref<1x64x128xf32, #tpu.memory_space<vmem>>
          %gather3A_237 = tpu.memref_squeeze %gather3A_236 : memref<1x64x128xf32, #tpu.memory_space<vmem>> -> memref<64x128xf32, #tpu.memory_space<vmem>>
          %gather3A_238 = tpu.vector_load_idx %gather3A_237[%add3A_233, %broadcast_in_dim3A_229] : memref<64x128xf32, #tpu.memory_space<vmem>>[vector<16xi32>, vector<16xi32>], vector<16xf32>,
          %mul3A_239 = arith.constant 64 : i32
          %mul3A_240 = arith.muli %add3A_221, %mul3A_239 : i32
          %add3A_241 = arith.constant 0 : i32
          %add3A_242 = arith.addi %mul3A_240, %add3A_241 : i32
          %swap3A_243 = arith.index_cast %add3A_242 : i32 to index
          %swap3A_244 = tpu.vector_load %arg8[%swap3A_243] {strides = array<i32>} : memref<32768xf32, #tpu.memory_space<vmem>>, vector<16xf32>,
          tpu.vector_store %arg8[%swap3A_243], %gather3A_238 {strides = array<i32>} : memref<32768xf32, #tpu.memory_space<vmem>>, vector<16xf32>,
          %iota3A_245 = tpu.iota {dimensions = array<i32: 0>} : vector<16xi32>
          %add3A_246 = arith.constant 16 : i32
          %add3A_247 = vector.broadcast %add3A_246 : i32 to vector<16xi32>
          %add3A_248 = arith.addi %iota3A_245, %add3A_247 : vector<16xi32>
          %gather3A_249 = arith.constant 6 : i32
          %gather3A_250 = arith.constant 0 : i32
          %gather3A_251 = arith.constant 0 : i32
          %gather3A_252 = tpu.memref_slice %arg7[%gather3A_249, %gather3A_250, %gather3A_251] : memref<8x64x128xf32, #tpu.memory_space<vmem>> -> memref<1x64x128xf32, #tpu.memory_space<vmem>>
          %gather3A_253 = tpu.memref_squeeze %gather3A_252 : memref<1x64x128xf32, #tpu.memory_space<vmem>> -> memref<64x128xf32, #tpu.memory_space<vmem>>
          %gather3A_254 = tpu.vector_load_idx %gather3A_253[%add3A_248, %broadcast_in_dim3A_229] : memref<64x128xf32, #tpu.memory_space<vmem>>[vector<16xi32>, vector<16xi32>], vector<16xf32>,
          %mul3A_255 = arith.constant 64 : i32
          %mul3A_256 = arith.muli %add3A_221, %mul3A_255 : i32
          %add3A_257 = arith.constant 16 : i32
          %add3A_258 = arith.addi %mul3A_256, %add3A_257 : i32
          %swap3A_259 = arith.index_cast %add3A_258 : i32 to index
          %swap3A_260 = tpu.vector_load %arg8[%swap3A_259] {strides = array<i32>} : memref<32768xf32, #tpu.memory_space<vmem>>, vector<16xf32>,
          tpu.vector_store %arg8[%swap3A_259], %gather3A_254 {strides = array<i32>} : memref<32768xf32, #tpu.memory_space<vmem>>, vector<16xf32>,
          %iota3A_261 = tpu.iota {dimensions = array<i32: 0>} : vector<16xi32>
          %add3A_262 = arith.constant 32 : i32
          %add3A_263 = vector.broadcast %add3A_262 : i32 to vector<16xi32>
          %add3A_264 = arith.addi %iota3A_261, %add3A_263 : vector<16xi32>
          %gather3A_265 = arith.constant 6 : i32
          %gather3A_266 = arith.constant 0 : i32
          %gather3A_267 = arith.constant 0 : i32
          %gather3A_268 = tpu.memref_slice %arg7[%gather3A_265, %gather3A_266, %gather3A_267] : memref<8x64x128xf32, #tpu.memory_space<vmem>> -> memref<1x64x128xf32, #tpu.memory_space<vmem>>
          %gather3A_269 = tpu.memref_squeeze %gather3A_268 : memref<1x64x128xf32, #tpu.memory_space<vmem>> -> memref<64x128xf32, #tpu.memory_space<vmem>>
          %gather3A_270 = tpu.vector_load_idx %gather3A_269[%add3A_264, %broadcast_in_dim3A_229] : memref<64x128xf32, #tpu.memory_space<vmem>>[vector<16xi32>, vector<16xi32>], vector<16xf32>,
          %mul3A_271 = arith.constant 64 : i32
          %mul3A_272 = arith.muli %add3A_221, %mul3A_271 : i32
          %add3A_273 = arith.constant 32 : i32
          %add3A_274 = arith.addi %mul3A_272, %add3A_273 : i32
          %swap3A_275 = arith.index_cast %add3A_274 : i32 to index
          %swap3A_276 = tpu.vector_load %arg8[%swap3A_275] {strides = array<i32>} : memref<32768xf32, #tpu.memory_space<vmem>>, vector<16xf32>,
          tpu.vector_store %arg8[%swap3A_275], %gather3A_270 {strides = array<i32>} : memref<32768xf32, #tpu.memory_space<vmem>>, vector<16xf32>,
          %iota3A_277 = tpu.iota {dimensions = array<i32: 0>} : vector<16xi32>
          %add3A_278 = arith.constant 48 : i32
          %add3A_279 = vector.broadcast %add3A_278 : i32 to vector<16xi32>
          %add3A_280 = arith.addi %iota3A_277, %add3A_279 : vector<16xi32>
          %gather3A_281 = arith.constant 6 : i32
          %gather3A_282 = arith.constant 0 : i32
          %gather3A_283 = arith.constant 0 : i32
          %gather3A_284 = tpu.memref_slice %arg7[%gather3A_281, %gather3A_282, %gather3A_283] : memref<8x64x128xf32, #tpu.memory_space<vmem>> -> memref<1x64x128xf32, #tpu.memory_space<vmem>>
          %gather3A_285 = tpu.memref_squeeze %gather3A_284 : memref<1x64x128xf32, #tpu.memory_space<vmem>> -> memref<64x128xf32, #tpu.memory_space<vmem>>
          %gather3A_286 = tpu.vector_load_idx %gather3A_285[%add3A_280, %broadcast_in_dim3A_229] : memref<64x128xf32, #tpu.memory_space<vmem>>[vector<16xi32>, vector<16xi32>], vector<16xf32>,
          %mul3A_287 = arith.constant 64 : i32
          %mul3A_288 = arith.muli %add3A_221, %mul3A_287 : i32
          %add3A_289 = arith.constant 48 : i32
          %add3A_290 = arith.addi %mul3A_288, %add3A_289 : i32
          %swap3A_291 = arith.index_cast %add3A_290 : i32 to index
          %swap3A_292 = tpu.vector_load %arg8[%swap3A_291] {strides = array<i32>} : memref<32768xf32, #tpu.memory_space<vmem>>, vector<16xf32>,
          tpu.vector_store %arg8[%swap3A_291], %gather3A_286 {strides = array<i32>} : memref<32768xf32, #tpu.memory_space<vmem>>, vector<16xf32>,
        }
        %while3A_219 = arith.constant 1 : i32
        scf.for %while3A_220 = %while3A_217 to %while3A_213 step %while3A_219  : i32 {
          %add3A_221 = arith.addi %squeeze3A, %while3A_220 : i32
          %add3A_222 = arith.constant 128 : i32
          %add3A_223 = arith.addi %add3A_221, %add3A_222 : i32
          %get3A_224 = arith.index_cast %add3A_223 : i32 to index
          %get3A_225 = tpu.vector_load %arg5[%get3A_224] {strides = array<i32>} : memref<672xi32, #tpu.memory_space<vmem>>, vector<16xi32>,
          %slice3A_226 = vector.extract_strided_slice %get3A_225 {offsets = [0], sizes = [1], strides = [1]} : vector<16xi32> to vector<1xi32>
          %squeeze3A_227 = vector.extract %slice3A_226[0] : i32 from vector<1xi32>
          %sub3A_228 = arith.subi %squeeze3A_227, %shift_left3A_208 : i32
          %broadcast_in_dim3A_229 = vector.broadcast %sub3A_228 : i32 to vector<16xi32>
          %iota3A_230 = tpu.iota {dimensions = array<i32: 0>} : vector<16xi32>
          %add3A_231 = arith.constant 0 : i32
          %add3A_232 = vector.broadcast %add3A_231 : i32 to vector<16xi32>
          %add3A_233 = arith.addi %iota3A_230, %add3A_232 : vector<16xi32>
          %gather3A = arith.constant 6 : i32
          %gather3A_234 = arith.constant 0 : i32
          %gather3A_235 = arith.constant 0 : i32
          %gather3A_236 = tpu.memref_slice %arg7[%gather3A, %gather3A_234, %gather3A_235] : memref<8x64x128xf32, #tpu.memory_space<vmem>> -> memref<1x64x128xf32, #tpu.memory_space<vmem>>
          %gather3A_237 = tpu.memref_squeeze %gather3A_236 : memref<1x64x128xf32, #tpu.memory_space<vmem>> -> memref<64x128xf32, #tpu.memory_space<vmem>>
          %gather3A_238 = tpu.vector_load_idx %gather3A_237[%add3A_233, %broadcast_in_dim3A_229] : memref<64x128xf32, #tpu.memory_space<vmem>>[vector<16xi32>, vector<16xi32>], vector<16xf32>,
          %mul3A_239 = arith.constant 64 : i32
          %mul3A_240 = arith.muli %add3A_221, %mul3A_239 : i32
          %add3A_241 = arith.constant 0 : i32
          %add3A_242 = arith.addi %mul3A_240, %add3A_241 : i32
          %swap3A_243 = arith.index_cast %add3A_242 : i32 to index
          %swap3A_244 = tpu.vector_load %arg8[%swap3A_243] {strides = array<i32>} : memref<32768xf32, #tpu.memory_space<vmem>>, vector<16xf32>,
          tpu.vector_store %arg8[%swap3A_243], %gather3A_238 {strides = array<i32>} : memref<32768xf32, #tpu.memory_space<vmem>>, vector<16xf32>,
          %iota3A_245 = tpu.iota {dimensions = array<i32: 0>} : vector<16xi32>
          %add3A_246 = arith.constant 16 : i32
          %add3A_247 = vector.broadcast %add3A_246 : i32 to vector<16xi32>
          %add3A_248 = arith.addi %iota3A_245, %add3A_247 : vector<16xi32>
          %gather3A_249 = arith.constant 6 : i32
          %gather3A_250 = arith.constant 0 : i32
          %gather3A_251 = arith.constant 0 : i32
          %gather3A_252 = tpu.memref_slice %arg7[%gather3A_249, %gather3A_250, %gather3A_251] : memref<8x64x128xf32, #tpu.memory_space<vmem>> -> memref<1x64x128xf32, #tpu.memory_space<vmem>>
          %gather3A_253 = tpu.memref_squeeze %gather3A_252 : memref<1x64x128xf32, #tpu.memory_space<vmem>> -> memref<64x128xf32, #tpu.memory_space<vmem>>
          %gather3A_254 = tpu.vector_load_idx %gather3A_253[%add3A_248, %broadcast_in_dim3A_229] : memref<64x128xf32, #tpu.memory_space<vmem>>[vector<16xi32>, vector<16xi32>], vector<16xf32>,
          %mul3A_255 = arith.constant 64 : i32
          %mul3A_256 = arith.muli %add3A_221, %mul3A_255 : i32
          %add3A_257 = arith.constant 16 : i32
          %add3A_258 = arith.addi %mul3A_256, %add3A_257 : i32
          %swap3A_259 = arith.index_cast %add3A_258 : i32 to index
          %swap3A_260 = tpu.vector_load %arg8[%swap3A_259] {strides = array<i32>} : memref<32768xf32, #tpu.memory_space<vmem>>, vector<16xf32>,
          tpu.vector_store %arg8[%swap3A_259], %gather3A_254 {strides = array<i32>} : memref<32768xf32, #tpu.memory_space<vmem>>, vector<16xf32>,
          %iota3A_261 = tpu.iota {dimensions = array<i32: 0>} : vector<16xi32>
          %add3A_262 = arith.constant 32 : i32
          %add3A_263 = vector.broadcast %add3A_262 : i32 to vector<16xi32>
          %add3A_264 = arith.addi %iota3A_261, %add3A_263 : vector<16xi32>
          %gather3A_265 = arith.constant 6 : i32
          %gather3A_266 = arith.constant 0 : i32
          %gather3A_267 = arith.constant 0 : i32
          %gather3A_268 = tpu.memref_slice %arg7[%gather3A_265, %gather3A_266, %gather3A_267] : memref<8x64x128xf32, #tpu.memory_space<vmem>> -> memref<1x64x128xf32, #tpu.memory_space<vmem>>
          %gather3A_269 = tpu.memref_squeeze %gather3A_268 : memref<1x64x128xf32, #tpu.memory_space<vmem>> -> memref<64x128xf32, #tpu.memory_space<vmem>>
          %gather3A_270 = tpu.vector_load_idx %gather3A_269[%add3A_264, %broadcast_in_dim3A_229] : memref<64x128xf32, #tpu.memory_space<vmem>>[vector<16xi32>, vector<16xi32>], vector<16xf32>,
          %mul3A_271 = arith.constant 64 : i32
          %mul3A_272 = arith.muli %add3A_221, %mul3A_271 : i32
          %add3A_273 = arith.constant 32 : i32
          %add3A_274 = arith.addi %mul3A_272, %add3A_273 : i32
          %swap3A_275 = arith.index_cast %add3A_274 : i32 to index
          %swap3A_276 = tpu.vector_load %arg8[%swap3A_275] {strides = array<i32>} : memref<32768xf32, #tpu.memory_space<vmem>>, vector<16xf32>,
          tpu.vector_store %arg8[%swap3A_275], %gather3A_270 {strides = array<i32>} : memref<32768xf32, #tpu.memory_space<vmem>>, vector<16xf32>,
          %iota3A_277 = tpu.iota {dimensions = array<i32: 0>} : vector<16xi32>
          %add3A_278 = arith.constant 48 : i32
          %add3A_279 = vector.broadcast %add3A_278 : i32 to vector<16xi32>
          %add3A_280 = arith.addi %iota3A_277, %add3A_279 : vector<16xi32>
          %gather3A_281 = arith.constant 6 : i32
          %gather3A_282 = arith.constant 0 : i32
          %gather3A_283 = arith.constant 0 : i32
          %gather3A_284 = tpu.memref_slice %arg7[%gather3A_281, %gather3A_282, %gather3A_283] : memref<8x64x128xf32, #tpu.memory_space<vmem>> -> memref<1x64x128xf32, #tpu.memory_space<vmem>>
          %gather3A_285 = tpu.memref_squeeze %gather3A_284 : memref<1x64x128xf32, #tpu.memory_space<vmem>> -> memref<64x128xf32, #tpu.memory_space<vmem>>
          %gather3A_286 = tpu.vector_load_idx %gather3A_285[%add3A_280, %broadcast_in_dim3A_229] : memref<64x128xf32, #tpu.memory_space<vmem>>[vector<16xi32>, vector<16xi32>], vector<16xf32>,
          %mul3A_287 = arith.constant 64 : i32
          %mul3A_288 = arith.muli %add3A_221, %mul3A_287 : i32
          %add3A_289 = arith.constant 48 : i32
          %add3A_290 = arith.addi %mul3A_288, %add3A_289 : i32
          %swap3A_291 = arith.index_cast %add3A_290 : i32 to index
          %swap3A_292 = tpu.vector_load %arg8[%swap3A_291] {strides = array<i32>} : memref<32768xf32, #tpu.memory_space<vmem>>, vector<16xf32>,
          tpu.vector_store %arg8[%swap3A_291], %gather3A_286 {strides = array<i32>} : memref<32768xf32, #tpu.memory_space<vmem>>, vector<16xf32>,
        }
      } else {
      }
      %add3A_162 = arith.constant 8 : i32
      %add3A_163 = arith.addi %add3A_157, %add3A_162 : i32
      %lt3A_164 = arith.cmpi slt, %add3A_163, %scan3A_7 : i32
      %convert_element_type3A_165 = arith.extui %lt3A_164 : i1 to i32
      %cond3A_166 = arith.constant 0 : i32
      %cond3A_167 = arith.cmpi ne, %convert_element_type3A_165, %cond3A_166 : i32
      scf.if %cond3A_167 {
        %get3A = arith.index_cast %add3A_163 : i32 to index
        %get3A_180 = tpu.vector_load %arg6[%get3A] {strides = array<i32>} : memref<672xi32, #tpu.memory_space<vmem>>, vector<16xi32>,
        %slice3A = vector.extract_strided_slice %get3A_180 {offsets = [0], sizes = [1], strides = [1]} : vector<16xi32> to vector<1xi32>
        %squeeze3A = vector.extract %slice3A[0] : i32 from vector<1xi32>
        %add3A_181 = arith.constant 128 : i32
        %add3A_182 = arith.addi %squeeze3A, %add3A_181 : i32
        %get3A_183 = arith.index_cast %add3A_182 : i32 to index
        %get3A_184 = tpu.vector_load %arg5[%get3A_183] {strides = array<i32>} : memref<672xi32, #tpu.memory_space<vmem>>, vector<16xi32>,
        %slice3A_185 = vector.extract_strided_slice %get3A_184 {offsets = [0], sizes = [1], strides = [1]} : vector<16xi32> to vector<1xi32>
        %squeeze3A_186 = vector.extract %slice3A_185[0] : i32 from vector<1xi32>
        %shift_right_arithmetic3A = arith.constant 7 : i32
        %shift_right_arithmetic3A_187 = arith.shrsi %squeeze3A_186, %shift_right_arithmetic3A : i32
        %shift_left3A = arith.constant 7 : i32
        %shift_left3A_188 = arith.shli %shift_right_arithmetic3A_187, %shift_left3A : i32
        %multiple_of3A = tpu.assume_multiple %shift_left3A_188, 128 : i32
        %dma_start3A = arith.constant 6 : i32
        %dma_start3A_189 = arith.constant 0 : i32
        %dma_start3A_190 = arith.constant 0 : i32
        %dma_start3A_191 = tpu.memref_slice %arg7[%dma_start3A, %dma_start3A_189, %dma_start3A_190] : memref<8x64x128xf32, #tpu.memory_space<vmem>> -> memref<1x64x128xf32, #tpu.memory_space<vmem>>
        %dma_start3A_192 = tpu.memref_squeeze %dma_start3A_191 : memref<1x64x128xf32, #tpu.memory_space<vmem>> -> memref<64x128xf32, #tpu.memory_space<vmem>>
        %dma_start3A_193 = arith.constant 0 : i32
        %dma_start3A_194 = tpu.memref_slice %arg2[%dma_start3A_193, %multiple_of3A] : memref<64x1000000xf32, #tpu.memory_space<hbm>> -> memref<64x128xf32, #tpu.memory_space<hbm>>
        %dma_start3A_195 = arith.constant 0 : i32
        %dma_start3A_196 = arith.constant 0 : i32
        %dma_start3A_197 = tpu.memref_slice %arg7[%dma_start3A, %dma_start3A_195, %dma_start3A_196] : memref<8x64x128xf32, #tpu.memory_space<vmem>> -> memref<1x64x128xf32, #tpu.memory_space<vmem>>
        %dma_start3A_198 = tpu.memref_squeeze %dma_start3A_197 : memref<1x64x128xf32, #tpu.memory_space<vmem>> -> memref<64x128xf32, #tpu.memory_space<vmem>>
        %dma_start3A_199 = arith.constant 0 : i32
        %dma_start3A_200 = tpu.memref_slice %arg2[%dma_start3A_199, %multiple_of3A] : memref<64x1000000xf32, #tpu.memory_space<hbm>> -> memref<64x128xf32, #tpu.memory_space<hbm>>
        tpu.enqueue_dma source(%dma_start3A_200 : memref<64x128xf32, #tpu.memory_space<hbm>>) target(%dma_start3A_198 : memref<64x128xf32, #tpu.memory_space<vmem>>) target_semaphore(%arg15 : memref<!tpu.dma_semaphore, #tpu.memory_space<semaphore_mem>>)
      } else {
      }
      %add3A_168 = arith.constant 7 : i32
      %add3A_169 = arith.addi %mul3A_84, %add3A_168 : i32
      %lt3A_170 = arith.cmpi slt, %add3A_169, %scan3A_7 : i32
      %convert_element_type3A_171 = arith.extui %lt3A_170 : i1 to i32
      %cond3A_172 = arith.constant 0 : i32
      %cond3A_173 = arith.cmpi ne, %convert_element_type3A_171, %cond3A_172 : i32
      scf.if %cond3A_173 {
        %dma_wait3A = arith.constant 7 : i32
        %dma_wait3A_180 = arith.constant 0 : i32
        %dma_wait3A_181 = arith.constant 0 : i32
        %dma_wait3A_182 = tpu.memref_slice %arg7[%dma_wait3A, %dma_wait3A_180, %dma_wait3A_181] : memref<8x64x128xf32, #tpu.memory_space<vmem>> -> memref<1x64x128xf32, #tpu.memory_space<vmem>>
        %dma_wait3A_183 = tpu.memref_squeeze %dma_wait3A_182 : memref<1x64x128xf32, #tpu.memory_space<vmem>> -> memref<64x128xf32, #tpu.memory_space<vmem>>
        %dma_wait3A_184 = arith.constant 0 : i32
        %dma_wait3A_185 = arith.constant 0 : i32
        %dma_wait3A_186 = tpu.memref_slice %arg2[%dma_wait3A_184, %dma_wait3A_185] : memref<64x1000000xf32, #tpu.memory_space<hbm>> -> memref<64x128xf32, #tpu.memory_space<hbm>>
        %dma_wait3A_187 = arith.constant 0 : i32
        %dma_wait3A_188 = arith.constant 0 : i32
        %dma_wait3A_189 = tpu.memref_slice %arg7[%dma_wait3A, %dma_wait3A_187, %dma_wait3A_188] : memref<8x64x128xf32, #tpu.memory_space<vmem>> -> memref<1x64x128xf32, #tpu.memory_space<vmem>>
        %dma_wait3A_190 = tpu.memref_squeeze %dma_wait3A_189 : memref<1x64x128xf32, #tpu.memory_space<vmem>> -> memref<64x128xf32, #tpu.memory_space<vmem>>
        %dma_wait3A_191 = arith.constant 0 : i32
        %dma_wait3A_192 = arith.constant 0 : i32
        %dma_wait3A_193 = tpu.memref_slice %arg2[%dma_wait3A_191, %dma_wait3A_192] : memref<64x1000000xf32, #tpu.memory_space<hbm>> -> memref<64x128xf32, #tpu.memory_space<hbm>>
        tpu.wait_dma2 semaphore(%arg16 : memref<!tpu.dma_semaphore, #tpu.memory_space<semaphore_mem>>) src(%dma_wait3A_193 : memref<64x128xf32, #tpu.memory_space<hbm>>) dst(%dma_wait3A_190 : memref<64x128xf32, #tpu.memory_space<vmem>>)
        %get3A = arith.index_cast %add3A_169 : i32 to index
        %get3A_194 = tpu.vector_load %arg6[%get3A] {strides = array<i32>} : memref<672xi32, #tpu.memory_space<vmem>>, vector<16xi32>,
        %slice3A = vector.extract_strided_slice %get3A_194 {offsets = [0], sizes = [1], strides = [1]} : vector<16xi32> to vector<1xi32>
        %squeeze3A = vector.extract %slice3A[0] : i32 from vector<1xi32>
        %add3A_195 = arith.constant 1 : i32
        %add3A_196 = arith.addi %add3A_169, %add3A_195 : i32
        %get3A_197 = arith.index_cast %add3A_196 : i32 to index
        %get3A_198 = tpu.vector_load %arg6[%get3A_197] {strides = array<i32>} : memref<672xi32, #tpu.memory_space<vmem>>, vector<16xi32>,
        %slice3A_199 = vector.extract_strided_slice %get3A_198 {offsets = [0], sizes = [1], strides = [1]} : vector<16xi32> to vector<1xi32>
        %squeeze3A_200 = vector.extract %slice3A_199[0] : i32 from vector<1xi32>
        %add3A_201 = arith.constant 128 : i32
        %add3A_202 = arith.addi %squeeze3A, %add3A_201 : i32
        %get3A_203 = arith.index_cast %add3A_202 : i32 to index
        %get3A_204 = tpu.vector_load %arg5[%get3A_203] {strides = array<i32>} : memref<672xi32, #tpu.memory_space<vmem>>, vector<16xi32>,
        %slice3A_205 = vector.extract_strided_slice %get3A_204 {offsets = [0], sizes = [1], strides = [1]} : vector<16xi32> to vector<1xi32>
        %squeeze3A_206 = vector.extract %slice3A_205[0] : i32 from vector<1xi32>
        %shift_right_arithmetic3A = arith.constant 7 : i32
        %shift_right_arithmetic3A_207 = arith.shrsi %squeeze3A_206, %shift_right_arithmetic3A : i32
        %shift_left3A = arith.constant 7 : i32
        %shift_left3A_208 = arith.shli %shift_right_arithmetic3A_207, %shift_left3A : i32
        %sub3A_209 = arith.subi %squeeze3A_200, %squeeze3A : i32
        %while3A_210 = arith.constant 0 : i32
        %while3A_211 = arith.constant 0 : i32
        %while3A_212 = arith.subi %sub3A_209, %while3A_211 : i32
        %while3A_213 = arith.addi %while3A_211, %while3A_212 : i32
        %while3A_214 = arith.constant 1 : i32
        %while3A_215 = arith.divsi %while3A_212, %while3A_214 : i32
        %while3A_216 = arith.muli %while3A_215, %while3A_214 : i32
        %while3A_217 = arith.addi %while3A_211, %while3A_216 : i32
        %while3A_218 = arith.constant 1 : i32
        scf.for %while3A_220 = %while3A_211 to %while3A_217 step %while3A_218  : i32 {
          %add3A_221 = arith.addi %squeeze3A, %while3A_220 : i32
          %add3A_222 = arith.constant 128 : i32
          %add3A_223 = arith.addi %add3A_221, %add3A_222 : i32
          %get3A_224 = arith.index_cast %add3A_223 : i32 to index
          %get3A_225 = tpu.vector_load %arg5[%get3A_224] {strides = array<i32>} : memref<672xi32, #tpu.memory_space<vmem>>, vector<16xi32>,
          %slice3A_226 = vector.extract_strided_slice %get3A_225 {offsets = [0], sizes = [1], strides = [1]} : vector<16xi32> to vector<1xi32>
          %squeeze3A_227 = vector.extract %slice3A_226[0] : i32 from vector<1xi32>
          %sub3A_228 = arith.subi %squeeze3A_227, %shift_left3A_208 : i32
          %broadcast_in_dim3A_229 = vector.broadcast %sub3A_228 : i32 to vector<16xi32>
          %iota3A_230 = tpu.iota {dimensions = array<i32: 0>} : vector<16xi32>
          %add3A_231 = arith.constant 0 : i32
          %add3A_232 = vector.broadcast %add3A_231 : i32 to vector<16xi32>
          %add3A_233 = arith.addi %iota3A_230, %add3A_232 : vector<16xi32>
          %gather3A = arith.constant 7 : i32
          %gather3A_234 = arith.constant 0 : i32
          %gather3A_235 = arith.constant 0 : i32
          %gather3A_236 = tpu.memref_slice %arg7[%gather3A, %gather3A_234, %gather3A_235] : memref<8x64x128xf32, #tpu.memory_space<vmem>> -> memref<1x64x128xf32, #tpu.memory_space<vmem>>
          %gather3A_237 = tpu.memref_squeeze %gather3A_236 : memref<1x64x128xf32, #tpu.memory_space<vmem>> -> memref<64x128xf32, #tpu.memory_space<vmem>>
          %gather3A_238 = tpu.vector_load_idx %gather3A_237[%add3A_233, %broadcast_in_dim3A_229] : memref<64x128xf32, #tpu.memory_space<vmem>>[vector<16xi32>, vector<16xi32>], vector<16xf32>,
          %mul3A_239 = arith.constant 64 : i32
          %mul3A_240 = arith.muli %add3A_221, %mul3A_239 : i32
          %add3A_241 = arith.constant 0 : i32
          %add3A_242 = arith.addi %mul3A_240, %add3A_241 : i32
          %swap3A_243 = arith.index_cast %add3A_242 : i32 to index
          %swap3A_244 = tpu.vector_load %arg8[%swap3A_243] {strides = array<i32>} : memref<32768xf32, #tpu.memory_space<vmem>>, vector<16xf32>,
          tpu.vector_store %arg8[%swap3A_243], %gather3A_238 {strides = array<i32>} : memref<32768xf32, #tpu.memory_space<vmem>>, vector<16xf32>,
          %iota3A_245 = tpu.iota {dimensions = array<i32: 0>} : vector<16xi32>
          %add3A_246 = arith.constant 16 : i32
          %add3A_247 = vector.broadcast %add3A_246 : i32 to vector<16xi32>
          %add3A_248 = arith.addi %iota3A_245, %add3A_247 : vector<16xi32>
          %gather3A_249 = arith.constant 7 : i32
          %gather3A_250 = arith.constant 0 : i32
          %gather3A_251 = arith.constant 0 : i32
          %gather3A_252 = tpu.memref_slice %arg7[%gather3A_249, %gather3A_250, %gather3A_251] : memref<8x64x128xf32, #tpu.memory_space<vmem>> -> memref<1x64x128xf32, #tpu.memory_space<vmem>>
          %gather3A_253 = tpu.memref_squeeze %gather3A_252 : memref<1x64x128xf32, #tpu.memory_space<vmem>> -> memref<64x128xf32, #tpu.memory_space<vmem>>
          %gather3A_254 = tpu.vector_load_idx %gather3A_253[%add3A_248, %broadcast_in_dim3A_229] : memref<64x128xf32, #tpu.memory_space<vmem>>[vector<16xi32>, vector<16xi32>], vector<16xf32>,
          %mul3A_255 = arith.constant 64 : i32
          %mul3A_256 = arith.muli %add3A_221, %mul3A_255 : i32
          %add3A_257 = arith.constant 16 : i32
          %add3A_258 = arith.addi %mul3A_256, %add3A_257 : i32
          %swap3A_259 = arith.index_cast %add3A_258 : i32 to index
          %swap3A_260 = tpu.vector_load %arg8[%swap3A_259] {strides = array<i32>} : memref<32768xf32, #tpu.memory_space<vmem>>, vector<16xf32>,
          tpu.vector_store %arg8[%swap3A_259], %gather3A_254 {strides = array<i32>} : memref<32768xf32, #tpu.memory_space<vmem>>, vector<16xf32>,
          %iota3A_261 = tpu.iota {dimensions = array<i32: 0>} : vector<16xi32>
          %add3A_262 = arith.constant 32 : i32
          %add3A_263 = vector.broadcast %add3A_262 : i32 to vector<16xi32>
          %add3A_264 = arith.addi %iota3A_261, %add3A_263 : vector<16xi32>
          %gather3A_265 = arith.constant 7 : i32
          %gather3A_266 = arith.constant 0 : i32
          %gather3A_267 = arith.constant 0 : i32
          %gather3A_268 = tpu.memref_slice %arg7[%gather3A_265, %gather3A_266, %gather3A_267] : memref<8x64x128xf32, #tpu.memory_space<vmem>> -> memref<1x64x128xf32, #tpu.memory_space<vmem>>
          %gather3A_269 = tpu.memref_squeeze %gather3A_268 : memref<1x64x128xf32, #tpu.memory_space<vmem>> -> memref<64x128xf32, #tpu.memory_space<vmem>>
          %gather3A_270 = tpu.vector_load_idx %gather3A_269[%add3A_264, %broadcast_in_dim3A_229] : memref<64x128xf32, #tpu.memory_space<vmem>>[vector<16xi32>, vector<16xi32>], vector<16xf32>,
          %mul3A_271 = arith.constant 64 : i32
          %mul3A_272 = arith.muli %add3A_221, %mul3A_271 : i32
          %add3A_273 = arith.constant 32 : i32
          %add3A_274 = arith.addi %mul3A_272, %add3A_273 : i32
          %swap3A_275 = arith.index_cast %add3A_274 : i32 to index
          %swap3A_276 = tpu.vector_load %arg8[%swap3A_275] {strides = array<i32>} : memref<32768xf32, #tpu.memory_space<vmem>>, vector<16xf32>,
          tpu.vector_store %arg8[%swap3A_275], %gather3A_270 {strides = array<i32>} : memref<32768xf32, #tpu.memory_space<vmem>>, vector<16xf32>,
          %iota3A_277 = tpu.iota {dimensions = array<i32: 0>} : vector<16xi32>
          %add3A_278 = arith.constant 48 : i32
          %add3A_279 = vector.broadcast %add3A_278 : i32 to vector<16xi32>
          %add3A_280 = arith.addi %iota3A_277, %add3A_279 : vector<16xi32>
          %gather3A_281 = arith.constant 7 : i32
          %gather3A_282 = arith.constant 0 : i32
          %gather3A_283 = arith.constant 0 : i32
          %gather3A_284 = tpu.memref_slice %arg7[%gather3A_281, %gather3A_282, %gather3A_283] : memref<8x64x128xf32, #tpu.memory_space<vmem>> -> memref<1x64x128xf32, #tpu.memory_space<vmem>>
          %gather3A_285 = tpu.memref_squeeze %gather3A_284 : memref<1x64x128xf32, #tpu.memory_space<vmem>> -> memref<64x128xf32, #tpu.memory_space<vmem>>
          %gather3A_286 = tpu.vector_load_idx %gather3A_285[%add3A_280, %broadcast_in_dim3A_229] : memref<64x128xf32, #tpu.memory_space<vmem>>[vector<16xi32>, vector<16xi32>], vector<16xf32>,
          %mul3A_287 = arith.constant 64 : i32
          %mul3A_288 = arith.muli %add3A_221, %mul3A_287 : i32
          %add3A_289 = arith.constant 48 : i32
          %add3A_290 = arith.addi %mul3A_288, %add3A_289 : i32
          %swap3A_291 = arith.index_cast %add3A_290 : i32 to index
          %swap3A_292 = tpu.vector_load %arg8[%swap3A_291] {strides = array<i32>} : memref<32768xf32, #tpu.memory_space<vmem>>, vector<16xf32>,
          tpu.vector_store %arg8[%swap3A_291], %gather3A_286 {strides = array<i32>} : memref<32768xf32, #tpu.memory_space<vmem>>, vector<16xf32>,
        }
        %while3A_219 = arith.constant 1 : i32
        scf.for %while3A_220 = %while3A_217 to %while3A_213 step %while3A_219  : i32 {
          %add3A_221 = arith.addi %squeeze3A, %while3A_220 : i32
          %add3A_222 = arith.constant 128 : i32
          %add3A_223 = arith.addi %add3A_221, %add3A_222 : i32
          %get3A_224 = arith.index_cast %add3A_223 : i32 to index
          %get3A_225 = tpu.vector_load %arg5[%get3A_224] {strides = array<i32>} : memref<672xi32, #tpu.memory_space<vmem>>, vector<16xi32>,
          %slice3A_226 = vector.extract_strided_slice %get3A_225 {offsets = [0], sizes = [1], strides = [1]} : vector<16xi32> to vector<1xi32>
          %squeeze3A_227 = vector.extract %slice3A_226[0] : i32 from vector<1xi32>
          %sub3A_228 = arith.subi %squeeze3A_227, %shift_left3A_208 : i32
          %broadcast_in_dim3A_229 = vector.broadcast %sub3A_228 : i32 to vector<16xi32>
          %iota3A_230 = tpu.iota {dimensions = array<i32: 0>} : vector<16xi32>
          %add3A_231 = arith.constant 0 : i32
          %add3A_232 = vector.broadcast %add3A_231 : i32 to vector<16xi32>
          %add3A_233 = arith.addi %iota3A_230, %add3A_232 : vector<16xi32>
          %gather3A = arith.constant 7 : i32
          %gather3A_234 = arith.constant 0 : i32
          %gather3A_235 = arith.constant 0 : i32
          %gather3A_236 = tpu.memref_slice %arg7[%gather3A, %gather3A_234, %gather3A_235] : memref<8x64x128xf32, #tpu.memory_space<vmem>> -> memref<1x64x128xf32, #tpu.memory_space<vmem>>
          %gather3A_237 = tpu.memref_squeeze %gather3A_236 : memref<1x64x128xf32, #tpu.memory_space<vmem>> -> memref<64x128xf32, #tpu.memory_space<vmem>>
          %gather3A_238 = tpu.vector_load_idx %gather3A_237[%add3A_233, %broadcast_in_dim3A_229] : memref<64x128xf32, #tpu.memory_space<vmem>>[vector<16xi32>, vector<16xi32>], vector<16xf32>,
          %mul3A_239 = arith.constant 64 : i32
          %mul3A_240 = arith.muli %add3A_221, %mul3A_239 : i32
          %add3A_241 = arith.constant 0 : i32
          %add3A_242 = arith.addi %mul3A_240, %add3A_241 : i32
          %swap3A_243 = arith.index_cast %add3A_242 : i32 to index
          %swap3A_244 = tpu.vector_load %arg8[%swap3A_243] {strides = array<i32>} : memref<32768xf32, #tpu.memory_space<vmem>>, vector<16xf32>,
          tpu.vector_store %arg8[%swap3A_243], %gather3A_238 {strides = array<i32>} : memref<32768xf32, #tpu.memory_space<vmem>>, vector<16xf32>,
          %iota3A_245 = tpu.iota {dimensions = array<i32: 0>} : vector<16xi32>
          %add3A_246 = arith.constant 16 : i32
          %add3A_247 = vector.broadcast %add3A_246 : i32 to vector<16xi32>
          %add3A_248 = arith.addi %iota3A_245, %add3A_247 : vector<16xi32>
          %gather3A_249 = arith.constant 7 : i32
          %gather3A_250 = arith.constant 0 : i32
          %gather3A_251 = arith.constant 0 : i32
          %gather3A_252 = tpu.memref_slice %arg7[%gather3A_249, %gather3A_250, %gather3A_251] : memref<8x64x128xf32, #tpu.memory_space<vmem>> -> memref<1x64x128xf32, #tpu.memory_space<vmem>>
          %gather3A_253 = tpu.memref_squeeze %gather3A_252 : memref<1x64x128xf32, #tpu.memory_space<vmem>> -> memref<64x128xf32, #tpu.memory_space<vmem>>
          %gather3A_254 = tpu.vector_load_idx %gather3A_253[%add3A_248, %broadcast_in_dim3A_229] : memref<64x128xf32, #tpu.memory_space<vmem>>[vector<16xi32>, vector<16xi32>], vector<16xf32>,
          %mul3A_255 = arith.constant 64 : i32
          %mul3A_256 = arith.muli %add3A_221, %mul3A_255 : i32
          %add3A_257 = arith.constant 16 : i32
          %add3A_258 = arith.addi %mul3A_256, %add3A_257 : i32
          %swap3A_259 = arith.index_cast %add3A_258 : i32 to index
          %swap3A_260 = tpu.vector_load %arg8[%swap3A_259] {strides = array<i32>} : memref<32768xf32, #tpu.memory_space<vmem>>, vector<16xf32>,
          tpu.vector_store %arg8[%swap3A_259], %gather3A_254 {strides = array<i32>} : memref<32768xf32, #tpu.memory_space<vmem>>, vector<16xf32>,
          %iota3A_261 = tpu.iota {dimensions = array<i32: 0>} : vector<16xi32>
          %add3A_262 = arith.constant 32 : i32
          %add3A_263 = vector.broadcast %add3A_262 : i32 to vector<16xi32>
          %add3A_264 = arith.addi %iota3A_261, %add3A_263 : vector<16xi32>
          %gather3A_265 = arith.constant 7 : i32
          %gather3A_266 = arith.constant 0 : i32
          %gather3A_267 = arith.constant 0 : i32
          %gather3A_268 = tpu.memref_slice %arg7[%gather3A_265, %gather3A_266, %gather3A_267] : memref<8x64x128xf32, #tpu.memory_space<vmem>> -> memref<1x64x128xf32, #tpu.memory_space<vmem>>
          %gather3A_269 = tpu.memref_squeeze %gather3A_268 : memref<1x64x128xf32, #tpu.memory_space<vmem>> -> memref<64x128xf32, #tpu.memory_space<vmem>>
          %gather3A_270 = tpu.vector_load_idx %gather3A_269[%add3A_264, %broadcast_in_dim3A_229] : memref<64x128xf32, #tpu.memory_space<vmem>>[vector<16xi32>, vector<16xi32>], vector<16xf32>,
          %mul3A_271 = arith.constant 64 : i32
          %mul3A_272 = arith.muli %add3A_221, %mul3A_271 : i32
          %add3A_273 = arith.constant 32 : i32
          %add3A_274 = arith.addi %mul3A_272, %add3A_273 : i32
          %swap3A_275 = arith.index_cast %add3A_274 : i32 to index
          %swap3A_276 = tpu.vector_load %arg8[%swap3A_275] {strides = array<i32>} : memref<32768xf32, #tpu.memory_space<vmem>>, vector<16xf32>,
          tpu.vector_store %arg8[%swap3A_275], %gather3A_270 {strides = array<i32>} : memref<32768xf32, #tpu.memory_space<vmem>>, vector<16xf32>,
          %iota3A_277 = tpu.iota {dimensions = array<i32: 0>} : vector<16xi32>
          %add3A_278 = arith.constant 48 : i32
          %add3A_279 = vector.broadcast %add3A_278 : i32 to vector<16xi32>
          %add3A_280 = arith.addi %iota3A_277, %add3A_279 : vector<16xi32>
          %gather3A_281 = arith.constant 7 : i32
          %gather3A_282 = arith.constant 0 : i32
          %gather3A_283 = arith.constant 0 : i32
          %gather3A_284 = tpu.memref_slice %arg7[%gather3A_281, %gather3A_282, %gather3A_283] : memref<8x64x128xf32, #tpu.memory_space<vmem>> -> memref<1x64x128xf32, #tpu.memory_space<vmem>>
          %gather3A_285 = tpu.memref_squeeze %gather3A_284 : memref<1x64x128xf32, #tpu.memory_space<vmem>> -> memref<64x128xf32, #tpu.memory_space<vmem>>
          %gather3A_286 = tpu.vector_load_idx %gather3A_285[%add3A_280, %broadcast_in_dim3A_229] : memref<64x128xf32, #tpu.memory_space<vmem>>[vector<16xi32>, vector<16xi32>], vector<16xf32>,
          %mul3A_287 = arith.constant 64 : i32
          %mul3A_288 = arith.muli %add3A_221, %mul3A_287 : i32
          %add3A_289 = arith.constant 48 : i32
          %add3A_290 = arith.addi %mul3A_288, %add3A_289 : i32
          %swap3A_291 = arith.index_cast %add3A_290 : i32 to index
          %swap3A_292 = tpu.vector_load %arg8[%swap3A_291] {strides = array<i32>} : memref<32768xf32, #tpu.memory_space<vmem>>, vector<16xf32>,
          tpu.vector_store %arg8[%swap3A_291], %gather3A_286 {strides = array<i32>} : memref<32768xf32, #tpu.memory_space<vmem>>, vector<16xf32>,
        }
      } else {
      }
      %add3A_174 = arith.constant 8 : i32
      %add3A_175 = arith.addi %add3A_169, %add3A_174 : i32
      %lt3A_176 = arith.cmpi slt, %add3A_175, %scan3A_7 : i32
      %convert_element_type3A_177 = arith.extui %lt3A_176 : i1 to i32
      %cond3A_178 = arith.constant 0 : i32
      %cond3A_179 = arith.cmpi ne, %convert_element_type3A_177, %cond3A_178 : i32
      scf.if %cond3A_179 {
        %get3A = arith.index_cast %add3A_175 : i32 to index
        %get3A_180 = tpu.vector_load %arg6[%get3A] {strides = array<i32>} : memref<672xi32, #tpu.memory_space<vmem>>, vector<16xi32>,
        %slice3A = vector.extract_strided_slice %get3A_180 {offsets = [0], sizes = [1], strides = [1]} : vector<16xi32> to vector<1xi32>
        %squeeze3A = vector.extract %slice3A[0] : i32 from vector<1xi32>
        %add3A_181 = arith.constant 128 : i32
        %add3A_182 = arith.addi %squeeze3A, %add3A_181 : i32
        %get3A_183 = arith.index_cast %add3A_182 : i32 to index
        %get3A_184 = tpu.vector_load %arg5[%get3A_183] {strides = array<i32>} : memref<672xi32, #tpu.memory_space<vmem>>, vector<16xi32>,
        %slice3A_185 = vector.extract_strided_slice %get3A_184 {offsets = [0], sizes = [1], strides = [1]} : vector<16xi32> to vector<1xi32>
        %squeeze3A_186 = vector.extract %slice3A_185[0] : i32 from vector<1xi32>
        %shift_right_arithmetic3A = arith.constant 7 : i32
        %shift_right_arithmetic3A_187 = arith.shrsi %squeeze3A_186, %shift_right_arithmetic3A : i32
        %shift_left3A = arith.constant 7 : i32
        %shift_left3A_188 = arith.shli %shift_right_arithmetic3A_187, %shift_left3A : i32
        %multiple_of3A = tpu.assume_multiple %shift_left3A_188, 128 : i32
        %dma_start3A = arith.constant 7 : i32
        %dma_start3A_189 = arith.constant 0 : i32
        %dma_start3A_190 = arith.constant 0 : i32
        %dma_start3A_191 = tpu.memref_slice %arg7[%dma_start3A, %dma_start3A_189, %dma_start3A_190] : memref<8x64x128xf32, #tpu.memory_space<vmem>> -> memref<1x64x128xf32, #tpu.memory_space<vmem>>
        %dma_start3A_192 = tpu.memref_squeeze %dma_start3A_191 : memref<1x64x128xf32, #tpu.memory_space<vmem>> -> memref<64x128xf32, #tpu.memory_space<vmem>>
        %dma_start3A_193 = arith.constant 0 : i32
        %dma_start3A_194 = tpu.memref_slice %arg2[%dma_start3A_193, %multiple_of3A] : memref<64x1000000xf32, #tpu.memory_space<hbm>> -> memref<64x128xf32, #tpu.memory_space<hbm>>
        %dma_start3A_195 = arith.constant 0 : i32
        %dma_start3A_196 = arith.constant 0 : i32
        %dma_start3A_197 = tpu.memref_slice %arg7[%dma_start3A, %dma_start3A_195, %dma_start3A_196] : memref<8x64x128xf32, #tpu.memory_space<vmem>> -> memref<1x64x128xf32, #tpu.memory_space<vmem>>
        %dma_start3A_198 = tpu.memref_squeeze %dma_start3A_197 : memref<1x64x128xf32, #tpu.memory_space<vmem>> -> memref<64x128xf32, #tpu.memory_space<vmem>>
        %dma_start3A_199 = arith.constant 0 : i32
        %dma_start3A_200 = tpu.memref_slice %arg2[%dma_start3A_199, %multiple_of3A] : memref<64x1000000xf32, #tpu.memory_space<hbm>> -> memref<64x128xf32, #tpu.memory_space<hbm>>
        tpu.enqueue_dma source(%dma_start3A_200 : memref<64x128xf32, #tpu.memory_space<hbm>>) target(%dma_start3A_198 : memref<64x128xf32, #tpu.memory_space<vmem>>) target_semaphore(%arg16 : memref<!tpu.dma_semaphore, #tpu.memory_space<semaphore_mem>>)
      } else {
      }
    }
    %while3A_79 = arith.constant 1 : i32
    scf.for %while3A_82 = %while3A_77 to %while3A_73 step %while3A_79  : i32 {
      %mul3A_83 = arith.constant 8 : i32
      %mul3A_84 = arith.muli %while3A_82, %mul3A_83 : i32
      %add3A_85 = arith.constant 0 : i32
      %add3A_86 = arith.addi %mul3A_84, %add3A_85 : i32
      %lt3A = arith.cmpi slt, %add3A_86, %scan3A_7 : i32
      %convert_element_type3A_87 = arith.extui %lt3A : i1 to i32
      %cond3A_88 = arith.constant 0 : i32
      %cond3A_89 = arith.cmpi ne, %convert_element_type3A_87, %cond3A_88 : i32
      scf.if %cond3A_89 {
        %dma_wait3A = arith.constant 0 : i32
        %dma_wait3A_180 = arith.constant 0 : i32
        %dma_wait3A_181 = arith.constant 0 : i32
        %dma_wait3A_182 = tpu.memref_slice %arg7[%dma_wait3A, %dma_wait3A_180, %dma_wait3A_181] : memref<8x64x128xf32, #tpu.memory_space<vmem>> -> memref<1x64x128xf32, #tpu.memory_space<vmem>>
        %dma_wait3A_183 = tpu.memref_squeeze %dma_wait3A_182 : memref<1x64x128xf32, #tpu.memory_space<vmem>> -> memref<64x128xf32, #tpu.memory_space<vmem>>
        %dma_wait3A_184 = arith.constant 0 : i32
        %dma_wait3A_185 = arith.constant 0 : i32
        %dma_wait3A_186 = tpu.memref_slice %arg2[%dma_wait3A_184, %dma_wait3A_185] : memref<64x1000000xf32, #tpu.memory_space<hbm>> -> memref<64x128xf32, #tpu.memory_space<hbm>>
        %dma_wait3A_187 = arith.constant 0 : i32
        %dma_wait3A_188 = arith.constant 0 : i32
        %dma_wait3A_189 = tpu.memref_slice %arg7[%dma_wait3A, %dma_wait3A_187, %dma_wait3A_188] : memref<8x64x128xf32, #tpu.memory_space<vmem>> -> memref<1x64x128xf32, #tpu.memory_space<vmem>>
        %dma_wait3A_190 = tpu.memref_squeeze %dma_wait3A_189 : memref<1x64x128xf32, #tpu.memory_space<vmem>> -> memref<64x128xf32, #tpu.memory_space<vmem>>
        %dma_wait3A_191 = arith.constant 0 : i32
        %dma_wait3A_192 = arith.constant 0 : i32
        %dma_wait3A_193 = tpu.memref_slice %arg2[%dma_wait3A_191, %dma_wait3A_192] : memref<64x1000000xf32, #tpu.memory_space<hbm>> -> memref<64x128xf32, #tpu.memory_space<hbm>>
        tpu.wait_dma2 semaphore(%arg9 : memref<!tpu.dma_semaphore, #tpu.memory_space<semaphore_mem>>) src(%dma_wait3A_193 : memref<64x128xf32, #tpu.memory_space<hbm>>) dst(%dma_wait3A_190 : memref<64x128xf32, #tpu.memory_space<vmem>>)
        %get3A = arith.index_cast %add3A_86 : i32 to index
        %get3A_194 = tpu.vector_load %arg6[%get3A] {strides = array<i32>} : memref<672xi32, #tpu.memory_space<vmem>>, vector<16xi32>,
        %slice3A = vector.extract_strided_slice %get3A_194 {offsets = [0], sizes = [1], strides = [1]} : vector<16xi32> to vector<1xi32>
        %squeeze3A = vector.extract %slice3A[0] : i32 from vector<1xi32>
        %add3A_195 = arith.constant 1 : i32
        %add3A_196 = arith.addi %add3A_86, %add3A_195 : i32
        %get3A_197 = arith.index_cast %add3A_196 : i32 to index
        %get3A_198 = tpu.vector_load %arg6[%get3A_197] {strides = array<i32>} : memref<672xi32, #tpu.memory_space<vmem>>, vector<16xi32>,
        %slice3A_199 = vector.extract_strided_slice %get3A_198 {offsets = [0], sizes = [1], strides = [1]} : vector<16xi32> to vector<1xi32>
        %squeeze3A_200 = vector.extract %slice3A_199[0] : i32 from vector<1xi32>
        %add3A_201 = arith.constant 128 : i32
        %add3A_202 = arith.addi %squeeze3A, %add3A_201 : i32
        %get3A_203 = arith.index_cast %add3A_202 : i32 to index
        %get3A_204 = tpu.vector_load %arg5[%get3A_203] {strides = array<i32>} : memref<672xi32, #tpu.memory_space<vmem>>, vector<16xi32>,
        %slice3A_205 = vector.extract_strided_slice %get3A_204 {offsets = [0], sizes = [1], strides = [1]} : vector<16xi32> to vector<1xi32>
        %squeeze3A_206 = vector.extract %slice3A_205[0] : i32 from vector<1xi32>
        %shift_right_arithmetic3A = arith.constant 7 : i32
        %shift_right_arithmetic3A_207 = arith.shrsi %squeeze3A_206, %shift_right_arithmetic3A : i32
        %shift_left3A = arith.constant 7 : i32
        %shift_left3A_208 = arith.shli %shift_right_arithmetic3A_207, %shift_left3A : i32
        %sub3A_209 = arith.subi %squeeze3A_200, %squeeze3A : i32
        %while3A_210 = arith.constant 0 : i32
        %while3A_211 = arith.constant 0 : i32
        %while3A_212 = arith.subi %sub3A_209, %while3A_211 : i32
        %while3A_213 = arith.addi %while3A_211, %while3A_212 : i32
        %while3A_214 = arith.constant 1 : i32
        %while3A_215 = arith.divsi %while3A_212, %while3A_214 : i32
        %while3A_216 = arith.muli %while3A_215, %while3A_214 : i32
        %while3A_217 = arith.addi %while3A_211, %while3A_216 : i32
        %while3A_218 = arith.constant 1 : i32
        scf.for %while3A_220 = %while3A_211 to %while3A_217 step %while3A_218  : i32 {
          %add3A_221 = arith.addi %squeeze3A, %while3A_220 : i32
          %add3A_222 = arith.constant 128 : i32
          %add3A_223 = arith.addi %add3A_221, %add3A_222 : i32
          %get3A_224 = arith.index_cast %add3A_223 : i32 to index
          %get3A_225 = tpu.vector_load %arg5[%get3A_224] {strides = array<i32>} : memref<672xi32, #tpu.memory_space<vmem>>, vector<16xi32>,
          %slice3A_226 = vector.extract_strided_slice %get3A_225 {offsets = [0], sizes = [1], strides = [1]} : vector<16xi32> to vector<1xi32>
          %squeeze3A_227 = vector.extract %slice3A_226[0] : i32 from vector<1xi32>
          %sub3A_228 = arith.subi %squeeze3A_227, %shift_left3A_208 : i32
          %broadcast_in_dim3A_229 = vector.broadcast %sub3A_228 : i32 to vector<16xi32>
          %iota3A_230 = tpu.iota {dimensions = array<i32: 0>} : vector<16xi32>
          %add3A_231 = arith.constant 0 : i32
          %add3A_232 = vector.broadcast %add3A_231 : i32 to vector<16xi32>
          %add3A_233 = arith.addi %iota3A_230, %add3A_232 : vector<16xi32>
          %gather3A = arith.constant 0 : i32
          %gather3A_234 = arith.constant 0 : i32
          %gather3A_235 = arith.constant 0 : i32
          %gather3A_236 = tpu.memref_slice %arg7[%gather3A, %gather3A_234, %gather3A_235] : memref<8x64x128xf32, #tpu.memory_space<vmem>> -> memref<1x64x128xf32, #tpu.memory_space<vmem>>
          %gather3A_237 = tpu.memref_squeeze %gather3A_236 : memref<1x64x128xf32, #tpu.memory_space<vmem>> -> memref<64x128xf32, #tpu.memory_space<vmem>>
          %gather3A_238 = tpu.vector_load_idx %gather3A_237[%add3A_233, %broadcast_in_dim3A_229] : memref<64x128xf32, #tpu.memory_space<vmem>>[vector<16xi32>, vector<16xi32>], vector<16xf32>,
          %mul3A_239 = arith.constant 64 : i32
          %mul3A_240 = arith.muli %add3A_221, %mul3A_239 : i32
          %add3A_241 = arith.constant 0 : i32
          %add3A_242 = arith.addi %mul3A_240, %add3A_241 : i32
          %swap3A_243 = arith.index_cast %add3A_242 : i32 to index
          %swap3A_244 = tpu.vector_load %arg8[%swap3A_243] {strides = array<i32>} : memref<32768xf32, #tpu.memory_space<vmem>>, vector<16xf32>,
          tpu.vector_store %arg8[%swap3A_243], %gather3A_238 {strides = array<i32>} : memref<32768xf32, #tpu.memory_space<vmem>>, vector<16xf32>,
          %iota3A_245 = tpu.iota {dimensions = array<i32: 0>} : vector<16xi32>
          %add3A_246 = arith.constant 16 : i32
          %add3A_247 = vector.broadcast %add3A_246 : i32 to vector<16xi32>
          %add3A_248 = arith.addi %iota3A_245, %add3A_247 : vector<16xi32>
          %gather3A_249 = arith.constant 0 : i32
          %gather3A_250 = arith.constant 0 : i32
          %gather3A_251 = arith.constant 0 : i32
          %gather3A_252 = tpu.memref_slice %arg7[%gather3A_249, %gather3A_250, %gather3A_251] : memref<8x64x128xf32, #tpu.memory_space<vmem>> -> memref<1x64x128xf32, #tpu.memory_space<vmem>>
          %gather3A_253 = tpu.memref_squeeze %gather3A_252 : memref<1x64x128xf32, #tpu.memory_space<vmem>> -> memref<64x128xf32, #tpu.memory_space<vmem>>
          %gather3A_254 = tpu.vector_load_idx %gather3A_253[%add3A_248, %broadcast_in_dim3A_229] : memref<64x128xf32, #tpu.memory_space<vmem>>[vector<16xi32>, vector<16xi32>], vector<16xf32>,
          %mul3A_255 = arith.constant 64 : i32
          %mul3A_256 = arith.muli %add3A_221, %mul3A_255 : i32
          %add3A_257 = arith.constant 16 : i32
          %add3A_258 = arith.addi %mul3A_256, %add3A_257 : i32
          %swap3A_259 = arith.index_cast %add3A_258 : i32 to index
          %swap3A_260 = tpu.vector_load %arg8[%swap3A_259] {strides = array<i32>} : memref<32768xf32, #tpu.memory_space<vmem>>, vector<16xf32>,
          tpu.vector_store %arg8[%swap3A_259], %gather3A_254 {strides = array<i32>} : memref<32768xf32, #tpu.memory_space<vmem>>, vector<16xf32>,
          %iota3A_261 = tpu.iota {dimensions = array<i32: 0>} : vector<16xi32>
          %add3A_262 = arith.constant 32 : i32
          %add3A_263 = vector.broadcast %add3A_262 : i32 to vector<16xi32>
          %add3A_264 = arith.addi %iota3A_261, %add3A_263 : vector<16xi32>
          %gather3A_265 = arith.constant 0 : i32
          %gather3A_266 = arith.constant 0 : i32
          %gather3A_267 = arith.constant 0 : i32
          %gather3A_268 = tpu.memref_slice %arg7[%gather3A_265, %gather3A_266, %gather3A_267] : memref<8x64x128xf32, #tpu.memory_space<vmem>> -> memref<1x64x128xf32, #tpu.memory_space<vmem>>
          %gather3A_269 = tpu.memref_squeeze %gather3A_268 : memref<1x64x128xf32, #tpu.memory_space<vmem>> -> memref<64x128xf32, #tpu.memory_space<vmem>>
          %gather3A_270 = tpu.vector_load_idx %gather3A_269[%add3A_264, %broadcast_in_dim3A_229] : memref<64x128xf32, #tpu.memory_space<vmem>>[vector<16xi32>, vector<16xi32>], vector<16xf32>,
          %mul3A_271 = arith.constant 64 : i32
          %mul3A_272 = arith.muli %add3A_221, %mul3A_271 : i32
          %add3A_273 = arith.constant 32 : i32
          %add3A_274 = arith.addi %mul3A_272, %add3A_273 : i32
          %swap3A_275 = arith.index_cast %add3A_274 : i32 to index
          %swap3A_276 = tpu.vector_load %arg8[%swap3A_275] {strides = array<i32>} : memref<32768xf32, #tpu.memory_space<vmem>>, vector<16xf32>,
          tpu.vector_store %arg8[%swap3A_275], %gather3A_270 {strides = array<i32>} : memref<32768xf32, #tpu.memory_space<vmem>>, vector<16xf32>,
          %iota3A_277 = tpu.iota {dimensions = array<i32: 0>} : vector<16xi32>
          %add3A_278 = arith.constant 48 : i32
          %add3A_279 = vector.broadcast %add3A_278 : i32 to vector<16xi32>
          %add3A_280 = arith.addi %iota3A_277, %add3A_279 : vector<16xi32>
          %gather3A_281 = arith.constant 0 : i32
          %gather3A_282 = arith.constant 0 : i32
          %gather3A_283 = arith.constant 0 : i32
          %gather3A_284 = tpu.memref_slice %arg7[%gather3A_281, %gather3A_282, %gather3A_283] : memref<8x64x128xf32, #tpu.memory_space<vmem>> -> memref<1x64x128xf32, #tpu.memory_space<vmem>>
          %gather3A_285 = tpu.memref_squeeze %gather3A_284 : memref<1x64x128xf32, #tpu.memory_space<vmem>> -> memref<64x128xf32, #tpu.memory_space<vmem>>
          %gather3A_286 = tpu.vector_load_idx %gather3A_285[%add3A_280, %broadcast_in_dim3A_229] : memref<64x128xf32, #tpu.memory_space<vmem>>[vector<16xi32>, vector<16xi32>], vector<16xf32>,
          %mul3A_287 = arith.constant 64 : i32
          %mul3A_288 = arith.muli %add3A_221, %mul3A_287 : i32
          %add3A_289 = arith.constant 48 : i32
          %add3A_290 = arith.addi %mul3A_288, %add3A_289 : i32
          %swap3A_291 = arith.index_cast %add3A_290 : i32 to index
          %swap3A_292 = tpu.vector_load %arg8[%swap3A_291] {strides = array<i32>} : memref<32768xf32, #tpu.memory_space<vmem>>, vector<16xf32>,
          tpu.vector_store %arg8[%swap3A_291], %gather3A_286 {strides = array<i32>} : memref<32768xf32, #tpu.memory_space<vmem>>, vector<16xf32>,
        }
        %while3A_219 = arith.constant 1 : i32
        scf.for %while3A_220 = %while3A_217 to %while3A_213 step %while3A_219  : i32 {
          %add3A_221 = arith.addi %squeeze3A, %while3A_220 : i32
          %add3A_222 = arith.constant 128 : i32
          %add3A_223 = arith.addi %add3A_221, %add3A_222 : i32
          %get3A_224 = arith.index_cast %add3A_223 : i32 to index
          %get3A_225 = tpu.vector_load %arg5[%get3A_224] {strides = array<i32>} : memref<672xi32, #tpu.memory_space<vmem>>, vector<16xi32>,
          %slice3A_226 = vector.extract_strided_slice %get3A_225 {offsets = [0], sizes = [1], strides = [1]} : vector<16xi32> to vector<1xi32>
          %squeeze3A_227 = vector.extract %slice3A_226[0] : i32 from vector<1xi32>
          %sub3A_228 = arith.subi %squeeze3A_227, %shift_left3A_208 : i32
          %broadcast_in_dim3A_229 = vector.broadcast %sub3A_228 : i32 to vector<16xi32>
          %iota3A_230 = tpu.iota {dimensions = array<i32: 0>} : vector<16xi32>
          %add3A_231 = arith.constant 0 : i32
          %add3A_232 = vector.broadcast %add3A_231 : i32 to vector<16xi32>
          %add3A_233 = arith.addi %iota3A_230, %add3A_232 : vector<16xi32>
          %gather3A = arith.constant 0 : i32
          %gather3A_234 = arith.constant 0 : i32
          %gather3A_235 = arith.constant 0 : i32
          %gather3A_236 = tpu.memref_slice %arg7[%gather3A, %gather3A_234, %gather3A_235] : memref<8x64x128xf32, #tpu.memory_space<vmem>> -> memref<1x64x128xf32, #tpu.memory_space<vmem>>
          %gather3A_237 = tpu.memref_squeeze %gather3A_236 : memref<1x64x128xf32, #tpu.memory_space<vmem>> -> memref<64x128xf32, #tpu.memory_space<vmem>>
          %gather3A_238 = tpu.vector_load_idx %gather3A_237[%add3A_233, %broadcast_in_dim3A_229] : memref<64x128xf32, #tpu.memory_space<vmem>>[vector<16xi32>, vector<16xi32>], vector<16xf32>,
          %mul3A_239 = arith.constant 64 : i32
          %mul3A_240 = arith.muli %add3A_221, %mul3A_239 : i32
          %add3A_241 = arith.constant 0 : i32
          %add3A_242 = arith.addi %mul3A_240, %add3A_241 : i32
          %swap3A_243 = arith.index_cast %add3A_242 : i32 to index
          %swap3A_244 = tpu.vector_load %arg8[%swap3A_243] {strides = array<i32>} : memref<32768xf32, #tpu.memory_space<vmem>>, vector<16xf32>,
          tpu.vector_store %arg8[%swap3A_243], %gather3A_238 {strides = array<i32>} : memref<32768xf32, #tpu.memory_space<vmem>>, vector<16xf32>,
          %iota3A_245 = tpu.iota {dimensions = array<i32: 0>} : vector<16xi32>
          %add3A_246 = arith.constant 16 : i32
          %add3A_247 = vector.broadcast %add3A_246 : i32 to vector<16xi32>
          %add3A_248 = arith.addi %iota3A_245, %add3A_247 : vector<16xi32>
          %gather3A_249 = arith.constant 0 : i32
          %gather3A_250 = arith.constant 0 : i32
          %gather3A_251 = arith.constant 0 : i32
          %gather3A_252 = tpu.memref_slice %arg7[%gather3A_249, %gather3A_250, %gather3A_251] : memref<8x64x128xf32, #tpu.memory_space<vmem>> -> memref<1x64x128xf32, #tpu.memory_space<vmem>>
          %gather3A_253 = tpu.memref_squeeze %gather3A_252 : memref<1x64x128xf32, #tpu.memory_space<vmem>> -> memref<64x128xf32, #tpu.memory_space<vmem>>
          %gather3A_254 = tpu.vector_load_idx %gather3A_253[%add3A_248, %broadcast_in_dim3A_229] : memref<64x128xf32, #tpu.memory_space<vmem>>[vector<16xi32>, vector<16xi32>], vector<16xf32>,
          %mul3A_255 = arith.constant 64 : i32
          %mul3A_256 = arith.muli %add3A_221, %mul3A_255 : i32
          %add3A_257 = arith.constant 16 : i32
          %add3A_258 = arith.addi %mul3A_256, %add3A_257 : i32
          %swap3A_259 = arith.index_cast %add3A_258 : i32 to index
          %swap3A_260 = tpu.vector_load %arg8[%swap3A_259] {strides = array<i32>} : memref<32768xf32, #tpu.memory_space<vmem>>, vector<16xf32>,
          tpu.vector_store %arg8[%swap3A_259], %gather3A_254 {strides = array<i32>} : memref<32768xf32, #tpu.memory_space<vmem>>, vector<16xf32>,
          %iota3A_261 = tpu.iota {dimensions = array<i32: 0>} : vector<16xi32>
          %add3A_262 = arith.constant 32 : i32
          %add3A_263 = vector.broadcast %add3A_262 : i32 to vector<16xi32>
          %add3A_264 = arith.addi %iota3A_261, %add3A_263 : vector<16xi32>
          %gather3A_265 = arith.constant 0 : i32
          %gather3A_266 = arith.constant 0 : i32
          %gather3A_267 = arith.constant 0 : i32
          %gather3A_268 = tpu.memref_slice %arg7[%gather3A_265, %gather3A_266, %gather3A_267] : memref<8x64x128xf32, #tpu.memory_space<vmem>> -> memref<1x64x128xf32, #tpu.memory_space<vmem>>
          %gather3A_269 = tpu.memref_squeeze %gather3A_268 : memref<1x64x128xf32, #tpu.memory_space<vmem>> -> memref<64x128xf32, #tpu.memory_space<vmem>>
          %gather3A_270 = tpu.vector_load_idx %gather3A_269[%add3A_264, %broadcast_in_dim3A_229] : memref<64x128xf32, #tpu.memory_space<vmem>>[vector<16xi32>, vector<16xi32>], vector<16xf32>,
          %mul3A_271 = arith.constant 64 : i32
          %mul3A_272 = arith.muli %add3A_221, %mul3A_271 : i32
          %add3A_273 = arith.constant 32 : i32
          %add3A_274 = arith.addi %mul3A_272, %add3A_273 : i32
          %swap3A_275 = arith.index_cast %add3A_274 : i32 to index
          %swap3A_276 = tpu.vector_load %arg8[%swap3A_275] {strides = array<i32>} : memref<32768xf32, #tpu.memory_space<vmem>>, vector<16xf32>,
          tpu.vector_store %arg8[%swap3A_275], %gather3A_270 {strides = array<i32>} : memref<32768xf32, #tpu.memory_space<vmem>>, vector<16xf32>,
          %iota3A_277 = tpu.iota {dimensions = array<i32: 0>} : vector<16xi32>
          %add3A_278 = arith.constant 48 : i32
          %add3A_279 = vector.broadcast %add3A_278 : i32 to vector<16xi32>
          %add3A_280 = arith.addi %iota3A_277, %add3A_279 : vector<16xi32>
          %gather3A_281 = arith.constant 0 : i32
          %gather3A_282 = arith.constant 0 : i32
          %gather3A_283 = arith.constant 0 : i32
          %gather3A_284 = tpu.memref_slice %arg7[%gather3A_281, %gather3A_282, %gather3A_283] : memref<8x64x128xf32, #tpu.memory_space<vmem>> -> memref<1x64x128xf32, #tpu.memory_space<vmem>>
          %gather3A_285 = tpu.memref_squeeze %gather3A_284 : memref<1x64x128xf32, #tpu.memory_space<vmem>> -> memref<64x128xf32, #tpu.memory_space<vmem>>
          %gather3A_286 = tpu.vector_load_idx %gather3A_285[%add3A_280, %broadcast_in_dim3A_229] : memref<64x128xf32, #tpu.memory_space<vmem>>[vector<16xi32>, vector<16xi32>], vector<16xf32>,
          %mul3A_287 = arith.constant 64 : i32
          %mul3A_288 = arith.muli %add3A_221, %mul3A_287 : i32
          %add3A_289 = arith.constant 48 : i32
          %add3A_290 = arith.addi %mul3A_288, %add3A_289 : i32
          %swap3A_291 = arith.index_cast %add3A_290 : i32 to index
          %swap3A_292 = tpu.vector_load %arg8[%swap3A_291] {strides = array<i32>} : memref<32768xf32, #tpu.memory_space<vmem>>, vector<16xf32>,
          tpu.vector_store %arg8[%swap3A_291], %gather3A_286 {strides = array<i32>} : memref<32768xf32, #tpu.memory_space<vmem>>, vector<16xf32>,
        }
      } else {
      }
      %add3A_90 = arith.constant 8 : i32
      %add3A_91 = arith.addi %add3A_86, %add3A_90 : i32
      %lt3A_92 = arith.cmpi slt, %add3A_91, %scan3A_7 : i32
      %convert_element_type3A_93 = arith.extui %lt3A_92 : i1 to i32
      %cond3A_94 = arith.constant 0 : i32
      %cond3A_95 = arith.cmpi ne, %convert_element_type3A_93, %cond3A_94 : i32
      scf.if %cond3A_95 {
        %get3A = arith.index_cast %add3A_91 : i32 to index
        %get3A_180 = tpu.vector_load %arg6[%get3A] {strides = array<i32>} : memref<672xi32, #tpu.memory_space<vmem>>, vector<16xi32>,
        %slice3A = vector.extract_strided_slice %get3A_180 {offsets = [0], sizes = [1], strides = [1]} : vector<16xi32> to vector<1xi32>
        %squeeze3A = vector.extract %slice3A[0] : i32 from vector<1xi32>
        %add3A_181 = arith.constant 128 : i32
        %add3A_182 = arith.addi %squeeze3A, %add3A_181 : i32
        %get3A_183 = arith.index_cast %add3A_182 : i32 to index
        %get3A_184 = tpu.vector_load %arg5[%get3A_183] {strides = array<i32>} : memref<672xi32, #tpu.memory_space<vmem>>, vector<16xi32>,
        %slice3A_185 = vector.extract_strided_slice %get3A_184 {offsets = [0], sizes = [1], strides = [1]} : vector<16xi32> to vector<1xi32>
        %squeeze3A_186 = vector.extract %slice3A_185[0] : i32 from vector<1xi32>
        %shift_right_arithmetic3A = arith.constant 7 : i32
        %shift_right_arithmetic3A_187 = arith.shrsi %squeeze3A_186, %shift_right_arithmetic3A : i32
        %shift_left3A = arith.constant 7 : i32
        %shift_left3A_188 = arith.shli %shift_right_arithmetic3A_187, %shift_left3A : i32
        %multiple_of3A = tpu.assume_multiple %shift_left3A_188, 128 : i32
        %dma_start3A = arith.constant 0 : i32
        %dma_start3A_189 = arith.constant 0 : i32
        %dma_start3A_190 = arith.constant 0 : i32
        %dma_start3A_191 = tpu.memref_slice %arg7[%dma_start3A, %dma_start3A_189, %dma_start3A_190] : memref<8x64x128xf32, #tpu.memory_space<vmem>> -> memref<1x64x128xf32, #tpu.memory_space<vmem>>
        %dma_start3A_192 = tpu.memref_squeeze %dma_start3A_191 : memref<1x64x128xf32, #tpu.memory_space<vmem>> -> memref<64x128xf32, #tpu.memory_space<vmem>>
        %dma_start3A_193 = arith.constant 0 : i32
        %dma_start3A_194 = tpu.memref_slice %arg2[%dma_start3A_193, %multiple_of3A] : memref<64x1000000xf32, #tpu.memory_space<hbm>> -> memref<64x128xf32, #tpu.memory_space<hbm>>
        %dma_start3A_195 = arith.constant 0 : i32
        %dma_start3A_196 = arith.constant 0 : i32
        %dma_start3A_197 = tpu.memref_slice %arg7[%dma_start3A, %dma_start3A_195, %dma_start3A_196] : memref<8x64x128xf32, #tpu.memory_space<vmem>> -> memref<1x64x128xf32, #tpu.memory_space<vmem>>
        %dma_start3A_198 = tpu.memref_squeeze %dma_start3A_197 : memref<1x64x128xf32, #tpu.memory_space<vmem>> -> memref<64x128xf32, #tpu.memory_space<vmem>>
        %dma_start3A_199 = arith.constant 0 : i32
        %dma_start3A_200 = tpu.memref_slice %arg2[%dma_start3A_199, %multiple_of3A] : memref<64x1000000xf32, #tpu.memory_space<hbm>> -> memref<64x128xf32, #tpu.memory_space<hbm>>
        tpu.enqueue_dma source(%dma_start3A_200 : memref<64x128xf32, #tpu.memory_space<hbm>>) target(%dma_start3A_198 : memref<64x128xf32, #tpu.memory_space<vmem>>) target_semaphore(%arg9 : memref<!tpu.dma_semaphore, #tpu.memory_space<semaphore_mem>>)
      } else {
      }
      %add3A_96 = arith.constant 1 : i32
      %add3A_97 = arith.addi %mul3A_84, %add3A_96 : i32
      %lt3A_98 = arith.cmpi slt, %add3A_97, %scan3A_7 : i32
      %convert_element_type3A_99 = arith.extui %lt3A_98 : i1 to i32
      %cond3A_100 = arith.constant 0 : i32
      %cond3A_101 = arith.cmpi ne, %convert_element_type3A_99, %cond3A_100 : i32
      scf.if %cond3A_101 {
        %dma_wait3A = arith.constant 1 : i32
        %dma_wait3A_180 = arith.constant 0 : i32
        %dma_wait3A_181 = arith.constant 0 : i32
        %dma_wait3A_182 = tpu.memref_slice %arg7[%dma_wait3A, %dma_wait3A_180, %dma_wait3A_181] : memref<8x64x128xf32, #tpu.memory_space<vmem>> -> memref<1x64x128xf32, #tpu.memory_space<vmem>>
        %dma_wait3A_183 = tpu.memref_squeeze %dma_wait3A_182 : memref<1x64x128xf32, #tpu.memory_space<vmem>> -> memref<64x128xf32, #tpu.memory_space<vmem>>
        %dma_wait3A_184 = arith.constant 0 : i32
        %dma_wait3A_185 = arith.constant 0 : i32
        %dma_wait3A_186 = tpu.memref_slice %arg2[%dma_wait3A_184, %dma_wait3A_185] : memref<64x1000000xf32, #tpu.memory_space<hbm>> -> memref<64x128xf32, #tpu.memory_space<hbm>>
        %dma_wait3A_187 = arith.constant 0 : i32
        %dma_wait3A_188 = arith.constant 0 : i32
        %dma_wait3A_189 = tpu.memref_slice %arg7[%dma_wait3A, %dma_wait3A_187, %dma_wait3A_188] : memref<8x64x128xf32, #tpu.memory_space<vmem>> -> memref<1x64x128xf32, #tpu.memory_space<vmem>>
        %dma_wait3A_190 = tpu.memref_squeeze %dma_wait3A_189 : memref<1x64x128xf32, #tpu.memory_space<vmem>> -> memref<64x128xf32, #tpu.memory_space<vmem>>
        %dma_wait3A_191 = arith.constant 0 : i32
        %dma_wait3A_192 = arith.constant 0 : i32
        %dma_wait3A_193 = tpu.memref_slice %arg2[%dma_wait3A_191, %dma_wait3A_192] : memref<64x1000000xf32, #tpu.memory_space<hbm>> -> memref<64x128xf32, #tpu.memory_space<hbm>>
        tpu.wait_dma2 semaphore(%arg10 : memref<!tpu.dma_semaphore, #tpu.memory_space<semaphore_mem>>) src(%dma_wait3A_193 : memref<64x128xf32, #tpu.memory_space<hbm>>) dst(%dma_wait3A_190 : memref<64x128xf32, #tpu.memory_space<vmem>>)
        %get3A = arith.index_cast %add3A_97 : i32 to index
        %get3A_194 = tpu.vector_load %arg6[%get3A] {strides = array<i32>} : memref<672xi32, #tpu.memory_space<vmem>>, vector<16xi32>,
        %slice3A = vector.extract_strided_slice %get3A_194 {offsets = [0], sizes = [1], strides = [1]} : vector<16xi32> to vector<1xi32>
        %squeeze3A = vector.extract %slice3A[0] : i32 from vector<1xi32>
        %add3A_195 = arith.constant 1 : i32
        %add3A_196 = arith.addi %add3A_97, %add3A_195 : i32
        %get3A_197 = arith.index_cast %add3A_196 : i32 to index
        %get3A_198 = tpu.vector_load %arg6[%get3A_197] {strides = array<i32>} : memref<672xi32, #tpu.memory_space<vmem>>, vector<16xi32>,
        %slice3A_199 = vector.extract_strided_slice %get3A_198 {offsets = [0], sizes = [1], strides = [1]} : vector<16xi32> to vector<1xi32>
        %squeeze3A_200 = vector.extract %slice3A_199[0] : i32 from vector<1xi32>
        %add3A_201 = arith.constant 128 : i32
        %add3A_202 = arith.addi %squeeze3A, %add3A_201 : i32
        %get3A_203 = arith.index_cast %add3A_202 : i32 to index
        %get3A_204 = tpu.vector_load %arg5[%get3A_203] {strides = array<i32>} : memref<672xi32, #tpu.memory_space<vmem>>, vector<16xi32>,
        %slice3A_205 = vector.extract_strided_slice %get3A_204 {offsets = [0], sizes = [1], strides = [1]} : vector<16xi32> to vector<1xi32>
        %squeeze3A_206 = vector.extract %slice3A_205[0] : i32 from vector<1xi32>
        %shift_right_arithmetic3A = arith.constant 7 : i32
        %shift_right_arithmetic3A_207 = arith.shrsi %squeeze3A_206, %shift_right_arithmetic3A : i32
        %shift_left3A = arith.constant 7 : i32
        %shift_left3A_208 = arith.shli %shift_right_arithmetic3A_207, %shift_left3A : i32
        %sub3A_209 = arith.subi %squeeze3A_200, %squeeze3A : i32
        %while3A_210 = arith.constant 0 : i32
        %while3A_211 = arith.constant 0 : i32
        %while3A_212 = arith.subi %sub3A_209, %while3A_211 : i32
        %while3A_213 = arith.addi %while3A_211, %while3A_212 : i32
        %while3A_214 = arith.constant 1 : i32
        %while3A_215 = arith.divsi %while3A_212, %while3A_214 : i32
        %while3A_216 = arith.muli %while3A_215, %while3A_214 : i32
        %while3A_217 = arith.addi %while3A_211, %while3A_216 : i32
        %while3A_218 = arith.constant 1 : i32
        scf.for %while3A_220 = %while3A_211 to %while3A_217 step %while3A_218  : i32 {
          %add3A_221 = arith.addi %squeeze3A, %while3A_220 : i32
          %add3A_222 = arith.constant 128 : i32
          %add3A_223 = arith.addi %add3A_221, %add3A_222 : i32
          %get3A_224 = arith.index_cast %add3A_223 : i32 to index
          %get3A_225 = tpu.vector_load %arg5[%get3A_224] {strides = array<i32>} : memref<672xi32, #tpu.memory_space<vmem>>, vector<16xi32>,
          %slice3A_226 = vector.extract_strided_slice %get3A_225 {offsets = [0], sizes = [1], strides = [1]} : vector<16xi32> to vector<1xi32>
          %squeeze3A_227 = vector.extract %slice3A_226[0] : i32 from vector<1xi32>
          %sub3A_228 = arith.subi %squeeze3A_227, %shift_left3A_208 : i32
          %broadcast_in_dim3A_229 = vector.broadcast %sub3A_228 : i32 to vector<16xi32>
          %iota3A_230 = tpu.iota {dimensions = array<i32: 0>} : vector<16xi32>
          %add3A_231 = arith.constant 0 : i32
          %add3A_232 = vector.broadcast %add3A_231 : i32 to vector<16xi32>
          %add3A_233 = arith.addi %iota3A_230, %add3A_232 : vector<16xi32>
          %gather3A = arith.constant 1 : i32
          %gather3A_234 = arith.constant 0 : i32
          %gather3A_235 = arith.constant 0 : i32
          %gather3A_236 = tpu.memref_slice %arg7[%gather3A, %gather3A_234, %gather3A_235] : memref<8x64x128xf32, #tpu.memory_space<vmem>> -> memref<1x64x128xf32, #tpu.memory_space<vmem>>
          %gather3A_237 = tpu.memref_squeeze %gather3A_236 : memref<1x64x128xf32, #tpu.memory_space<vmem>> -> memref<64x128xf32, #tpu.memory_space<vmem>>
          %gather3A_238 = tpu.vector_load_idx %gather3A_237[%add3A_233, %broadcast_in_dim3A_229] : memref<64x128xf32, #tpu.memory_space<vmem>>[vector<16xi32>, vector<16xi32>], vector<16xf32>,
          %mul3A_239 = arith.constant 64 : i32
          %mul3A_240 = arith.muli %add3A_221, %mul3A_239 : i32
          %add3A_241 = arith.constant 0 : i32
          %add3A_242 = arith.addi %mul3A_240, %add3A_241 : i32
          %swap3A_243 = arith.index_cast %add3A_242 : i32 to index
          %swap3A_244 = tpu.vector_load %arg8[%swap3A_243] {strides = array<i32>} : memref<32768xf32, #tpu.memory_space<vmem>>, vector<16xf32>,
          tpu.vector_store %arg8[%swap3A_243], %gather3A_238 {strides = array<i32>} : memref<32768xf32, #tpu.memory_space<vmem>>, vector<16xf32>,
          %iota3A_245 = tpu.iota {dimensions = array<i32: 0>} : vector<16xi32>
          %add3A_246 = arith.constant 16 : i32
          %add3A_247 = vector.broadcast %add3A_246 : i32 to vector<16xi32>
          %add3A_248 = arith.addi %iota3A_245, %add3A_247 : vector<16xi32>
          %gather3A_249 = arith.constant 1 : i32
          %gather3A_250 = arith.constant 0 : i32
          %gather3A_251 = arith.constant 0 : i32
          %gather3A_252 = tpu.memref_slice %arg7[%gather3A_249, %gather3A_250, %gather3A_251] : memref<8x64x128xf32, #tpu.memory_space<vmem>> -> memref<1x64x128xf32, #tpu.memory_space<vmem>>
          %gather3A_253 = tpu.memref_squeeze %gather3A_252 : memref<1x64x128xf32, #tpu.memory_space<vmem>> -> memref<64x128xf32, #tpu.memory_space<vmem>>
          %gather3A_254 = tpu.vector_load_idx %gather3A_253[%add3A_248, %broadcast_in_dim3A_229] : memref<64x128xf32, #tpu.memory_space<vmem>>[vector<16xi32>, vector<16xi32>], vector<16xf32>,
          %mul3A_255 = arith.constant 64 : i32
          %mul3A_256 = arith.muli %add3A_221, %mul3A_255 : i32
          %add3A_257 = arith.constant 16 : i32
          %add3A_258 = arith.addi %mul3A_256, %add3A_257 : i32
          %swap3A_259 = arith.index_cast %add3A_258 : i32 to index
          %swap3A_260 = tpu.vector_load %arg8[%swap3A_259] {strides = array<i32>} : memref<32768xf32, #tpu.memory_space<vmem>>, vector<16xf32>,
          tpu.vector_store %arg8[%swap3A_259], %gather3A_254 {strides = array<i32>} : memref<32768xf32, #tpu.memory_space<vmem>>, vector<16xf32>,
          %iota3A_261 = tpu.iota {dimensions = array<i32: 0>} : vector<16xi32>
          %add3A_262 = arith.constant 32 : i32
          %add3A_263 = vector.broadcast %add3A_262 : i32 to vector<16xi32>
          %add3A_264 = arith.addi %iota3A_261, %add3A_263 : vector<16xi32>
          %gather3A_265 = arith.constant 1 : i32
          %gather3A_266 = arith.constant 0 : i32
          %gather3A_267 = arith.constant 0 : i32
          %gather3A_268 = tpu.memref_slice %arg7[%gather3A_265, %gather3A_266, %gather3A_267] : memref<8x64x128xf32, #tpu.memory_space<vmem>> -> memref<1x64x128xf32, #tpu.memory_space<vmem>>
          %gather3A_269 = tpu.memref_squeeze %gather3A_268 : memref<1x64x128xf32, #tpu.memory_space<vmem>> -> memref<64x128xf32, #tpu.memory_space<vmem>>
          %gather3A_270 = tpu.vector_load_idx %gather3A_269[%add3A_264, %broadcast_in_dim3A_229] : memref<64x128xf32, #tpu.memory_space<vmem>>[vector<16xi32>, vector<16xi32>], vector<16xf32>,
          %mul3A_271 = arith.constant 64 : i32
          %mul3A_272 = arith.muli %add3A_221, %mul3A_271 : i32
          %add3A_273 = arith.constant 32 : i32
          %add3A_274 = arith.addi %mul3A_272, %add3A_273 : i32
          %swap3A_275 = arith.index_cast %add3A_274 : i32 to index
          %swap3A_276 = tpu.vector_load %arg8[%swap3A_275] {strides = array<i32>} : memref<32768xf32, #tpu.memory_space<vmem>>, vector<16xf32>,
          tpu.vector_store %arg8[%swap3A_275], %gather3A_270 {strides = array<i32>} : memref<32768xf32, #tpu.memory_space<vmem>>, vector<16xf32>,
          %iota3A_277 = tpu.iota {dimensions = array<i32: 0>} : vector<16xi32>
          %add3A_278 = arith.constant 48 : i32
          %add3A_279 = vector.broadcast %add3A_278 : i32 to vector<16xi32>
          %add3A_280 = arith.addi %iota3A_277, %add3A_279 : vector<16xi32>
          %gather3A_281 = arith.constant 1 : i32
          %gather3A_282 = arith.constant 0 : i32
          %gather3A_283 = arith.constant 0 : i32
          %gather3A_284 = tpu.memref_slice %arg7[%gather3A_281, %gather3A_282, %gather3A_283] : memref<8x64x128xf32, #tpu.memory_space<vmem>> -> memref<1x64x128xf32, #tpu.memory_space<vmem>>
          %gather3A_285 = tpu.memref_squeeze %gather3A_284 : memref<1x64x128xf32, #tpu.memory_space<vmem>> -> memref<64x128xf32, #tpu.memory_space<vmem>>
          %gather3A_286 = tpu.vector_load_idx %gather3A_285[%add3A_280, %broadcast_in_dim3A_229] : memref<64x128xf32, #tpu.memory_space<vmem>>[vector<16xi32>, vector<16xi32>], vector<16xf32>,
          %mul3A_287 = arith.constant 64 : i32
          %mul3A_288 = arith.muli %add3A_221, %mul3A_287 : i32
          %add3A_289 = arith.constant 48 : i32
          %add3A_290 = arith.addi %mul3A_288, %add3A_289 : i32
          %swap3A_291 = arith.index_cast %add3A_290 : i32 to index
          %swap3A_292 = tpu.vector_load %arg8[%swap3A_291] {strides = array<i32>} : memref<32768xf32, #tpu.memory_space<vmem>>, vector<16xf32>,
          tpu.vector_store %arg8[%swap3A_291], %gather3A_286 {strides = array<i32>} : memref<32768xf32, #tpu.memory_space<vmem>>, vector<16xf32>,
        }
        %while3A_219 = arith.constant 1 : i32
        scf.for %while3A_220 = %while3A_217 to %while3A_213 step %while3A_219  : i32 {
          %add3A_221 = arith.addi %squeeze3A, %while3A_220 : i32
          %add3A_222 = arith.constant 128 : i32
          %add3A_223 = arith.addi %add3A_221, %add3A_222 : i32
          %get3A_224 = arith.index_cast %add3A_223 : i32 to index
          %get3A_225 = tpu.vector_load %arg5[%get3A_224] {strides = array<i32>} : memref<672xi32, #tpu.memory_space<vmem>>, vector<16xi32>,
          %slice3A_226 = vector.extract_strided_slice %get3A_225 {offsets = [0], sizes = [1], strides = [1]} : vector<16xi32> to vector<1xi32>
          %squeeze3A_227 = vector.extract %slice3A_226[0] : i32 from vector<1xi32>
          %sub3A_228 = arith.subi %squeeze3A_227, %shift_left3A_208 : i32
          %broadcast_in_dim3A_229 = vector.broadcast %sub3A_228 : i32 to vector<16xi32>
          %iota3A_230 = tpu.iota {dimensions = array<i32: 0>} : vector<16xi32>
          %add3A_231 = arith.constant 0 : i32
          %add3A_232 = vector.broadcast %add3A_231 : i32 to vector<16xi32>
          %add3A_233 = arith.addi %iota3A_230, %add3A_232 : vector<16xi32>
          %gather3A = arith.constant 1 : i32
          %gather3A_234 = arith.constant 0 : i32
          %gather3A_235 = arith.constant 0 : i32
          %gather3A_236 = tpu.memref_slice %arg7[%gather3A, %gather3A_234, %gather3A_235] : memref<8x64x128xf32, #tpu.memory_space<vmem>> -> memref<1x64x128xf32, #tpu.memory_space<vmem>>
          %gather3A_237 = tpu.memref_squeeze %gather3A_236 : memref<1x64x128xf32, #tpu.memory_space<vmem>> -> memref<64x128xf32, #tpu.memory_space<vmem>>
          %gather3A_238 = tpu.vector_load_idx %gather3A_237[%add3A_233, %broadcast_in_dim3A_229] : memref<64x128xf32, #tpu.memory_space<vmem>>[vector<16xi32>, vector<16xi32>], vector<16xf32>,
          %mul3A_239 = arith.constant 64 : i32
          %mul3A_240 = arith.muli %add3A_221, %mul3A_239 : i32
          %add3A_241 = arith.constant 0 : i32
          %add3A_242 = arith.addi %mul3A_240, %add3A_241 : i32
          %swap3A_243 = arith.index_cast %add3A_242 : i32 to index
          %swap3A_244 = tpu.vector_load %arg8[%swap3A_243] {strides = array<i32>} : memref<32768xf32, #tpu.memory_space<vmem>>, vector<16xf32>,
          tpu.vector_store %arg8[%swap3A_243], %gather3A_238 {strides = array<i32>} : memref<32768xf32, #tpu.memory_space<vmem>>, vector<16xf32>,
          %iota3A_245 = tpu.iota {dimensions = array<i32: 0>} : vector<16xi32>
          %add3A_246 = arith.constant 16 : i32
          %add3A_247 = vector.broadcast %add3A_246 : i32 to vector<16xi32>
          %add3A_248 = arith.addi %iota3A_245, %add3A_247 : vector<16xi32>
          %gather3A_249 = arith.constant 1 : i32
          %gather3A_250 = arith.constant 0 : i32
          %gather3A_251 = arith.constant 0 : i32
          %gather3A_252 = tpu.memref_slice %arg7[%gather3A_249, %gather3A_250, %gather3A_251] : memref<8x64x128xf32, #tpu.memory_space<vmem>> -> memref<1x64x128xf32, #tpu.memory_space<vmem>>
          %gather3A_253 = tpu.memref_squeeze %gather3A_252 : memref<1x64x128xf32, #tpu.memory_space<vmem>> -> memref<64x128xf32, #tpu.memory_space<vmem>>
          %gather3A_254 = tpu.vector_load_idx %gather3A_253[%add3A_248, %broadcast_in_dim3A_229] : memref<64x128xf32, #tpu.memory_space<vmem>>[vector<16xi32>, vector<16xi32>], vector<16xf32>,
          %mul3A_255 = arith.constant 64 : i32
          %mul3A_256 = arith.muli %add3A_221, %mul3A_255 : i32
          %add3A_257 = arith.constant 16 : i32
          %add3A_258 = arith.addi %mul3A_256, %add3A_257 : i32
          %swap3A_259 = arith.index_cast %add3A_258 : i32 to index
          %swap3A_260 = tpu.vector_load %arg8[%swap3A_259] {strides = array<i32>} : memref<32768xf32, #tpu.memory_space<vmem>>, vector<16xf32>,
          tpu.vector_store %arg8[%swap3A_259], %gather3A_254 {strides = array<i32>} : memref<32768xf32, #tpu.memory_space<vmem>>, vector<16xf32>,
          %iota3A_261 = tpu.iota {dimensions = array<i32: 0>} : vector<16xi32>
          %add3A_262 = arith.constant 32 : i32
          %add3A_263 = vector.broadcast %add3A_262 : i32 to vector<16xi32>
          %add3A_264 = arith.addi %iota3A_261, %add3A_263 : vector<16xi32>
          %gather3A_265 = arith.constant 1 : i32
          %gather3A_266 = arith.constant 0 : i32
          %gather3A_267 = arith.constant 0 : i32
          %gather3A_268 = tpu.memref_slice %arg7[%gather3A_265, %gather3A_266, %gather3A_267] : memref<8x64x128xf32, #tpu.memory_space<vmem>> -> memref<1x64x128xf32, #tpu.memory_space<vmem>>
          %gather3A_269 = tpu.memref_squeeze %gather3A_268 : memref<1x64x128xf32, #tpu.memory_space<vmem>> -> memref<64x128xf32, #tpu.memory_space<vmem>>
          %gather3A_270 = tpu.vector_load_idx %gather3A_269[%add3A_264, %broadcast_in_dim3A_229] : memref<64x128xf32, #tpu.memory_space<vmem>>[vector<16xi32>, vector<16xi32>], vector<16xf32>,
          %mul3A_271 = arith.constant 64 : i32
          %mul3A_272 = arith.muli %add3A_221, %mul3A_271 : i32
          %add3A_273 = arith.constant 32 : i32
          %add3A_274 = arith.addi %mul3A_272, %add3A_273 : i32
          %swap3A_275 = arith.index_cast %add3A_274 : i32 to index
          %swap3A_276 = tpu.vector_load %arg8[%swap3A_275] {strides = array<i32>} : memref<32768xf32, #tpu.memory_space<vmem>>, vector<16xf32>,
          tpu.vector_store %arg8[%swap3A_275], %gather3A_270 {strides = array<i32>} : memref<32768xf32, #tpu.memory_space<vmem>>, vector<16xf32>,
          %iota3A_277 = tpu.iota {dimensions = array<i32: 0>} : vector<16xi32>
          %add3A_278 = arith.constant 48 : i32
          %add3A_279 = vector.broadcast %add3A_278 : i32 to vector<16xi32>
          %add3A_280 = arith.addi %iota3A_277, %add3A_279 : vector<16xi32>
          %gather3A_281 = arith.constant 1 : i32
          %gather3A_282 = arith.constant 0 : i32
          %gather3A_283 = arith.constant 0 : i32
          %gather3A_284 = tpu.memref_slice %arg7[%gather3A_281, %gather3A_282, %gather3A_283] : memref<8x64x128xf32, #tpu.memory_space<vmem>> -> memref<1x64x128xf32, #tpu.memory_space<vmem>>
          %gather3A_285 = tpu.memref_squeeze %gather3A_284 : memref<1x64x128xf32, #tpu.memory_space<vmem>> -> memref<64x128xf32, #tpu.memory_space<vmem>>
          %gather3A_286 = tpu.vector_load_idx %gather3A_285[%add3A_280, %broadcast_in_dim3A_229] : memref<64x128xf32, #tpu.memory_space<vmem>>[vector<16xi32>, vector<16xi32>], vector<16xf32>,
          %mul3A_287 = arith.constant 64 : i32
          %mul3A_288 = arith.muli %add3A_221, %mul3A_287 : i32
          %add3A_289 = arith.constant 48 : i32
          %add3A_290 = arith.addi %mul3A_288, %add3A_289 : i32
          %swap3A_291 = arith.index_cast %add3A_290 : i32 to index
          %swap3A_292 = tpu.vector_load %arg8[%swap3A_291] {strides = array<i32>} : memref<32768xf32, #tpu.memory_space<vmem>>, vector<16xf32>,
          tpu.vector_store %arg8[%swap3A_291], %gather3A_286 {strides = array<i32>} : memref<32768xf32, #tpu.memory_space<vmem>>, vector<16xf32>,
        }
      } else {
      }
      %add3A_102 = arith.constant 8 : i32
      %add3A_103 = arith.addi %add3A_97, %add3A_102 : i32
      %lt3A_104 = arith.cmpi slt, %add3A_103, %scan3A_7 : i32
      %convert_element_type3A_105 = arith.extui %lt3A_104 : i1 to i32
      %cond3A_106 = arith.constant 0 : i32
      %cond3A_107 = arith.cmpi ne, %convert_element_type3A_105, %cond3A_106 : i32
      scf.if %cond3A_107 {
        %get3A = arith.index_cast %add3A_103 : i32 to index
        %get3A_180 = tpu.vector_load %arg6[%get3A] {strides = array<i32>} : memref<672xi32, #tpu.memory_space<vmem>>, vector<16xi32>,
        %slice3A = vector.extract_strided_slice %get3A_180 {offsets = [0], sizes = [1], strides = [1]} : vector<16xi32> to vector<1xi32>
        %squeeze3A = vector.extract %slice3A[0] : i32 from vector<1xi32>
        %add3A_181 = arith.constant 128 : i32
        %add3A_182 = arith.addi %squeeze3A, %add3A_181 : i32
        %get3A_183 = arith.index_cast %add3A_182 : i32 to index
        %get3A_184 = tpu.vector_load %arg5[%get3A_183] {strides = array<i32>} : memref<672xi32, #tpu.memory_space<vmem>>, vector<16xi32>,
        %slice3A_185 = vector.extract_strided_slice %get3A_184 {offsets = [0], sizes = [1], strides = [1]} : vector<16xi32> to vector<1xi32>
        %squeeze3A_186 = vector.extract %slice3A_185[0] : i32 from vector<1xi32>
        %shift_right_arithmetic3A = arith.constant 7 : i32
        %shift_right_arithmetic3A_187 = arith.shrsi %squeeze3A_186, %shift_right_arithmetic3A : i32
        %shift_left3A = arith.constant 7 : i32
        %shift_left3A_188 = arith.shli %shift_right_arithmetic3A_187, %shift_left3A : i32
        %multiple_of3A = tpu.assume_multiple %shift_left3A_188, 128 : i32
        %dma_start3A = arith.constant 1 : i32
        %dma_start3A_189 = arith.constant 0 : i32
        %dma_start3A_190 = arith.constant 0 : i32
        %dma_start3A_191 = tpu.memref_slice %arg7[%dma_start3A, %dma_start3A_189, %dma_start3A_190] : memref<8x64x128xf32, #tpu.memory_space<vmem>> -> memref<1x64x128xf32, #tpu.memory_space<vmem>>
        %dma_start3A_192 = tpu.memref_squeeze %dma_start3A_191 : memref<1x64x128xf32, #tpu.memory_space<vmem>> -> memref<64x128xf32, #tpu.memory_space<vmem>>
        %dma_start3A_193 = arith.constant 0 : i32
        %dma_start3A_194 = tpu.memref_slice %arg2[%dma_start3A_193, %multiple_of3A] : memref<64x1000000xf32, #tpu.memory_space<hbm>> -> memref<64x128xf32, #tpu.memory_space<hbm>>
        %dma_start3A_195 = arith.constant 0 : i32
        %dma_start3A_196 = arith.constant 0 : i32
        %dma_start3A_197 = tpu.memref_slice %arg7[%dma_start3A, %dma_start3A_195, %dma_start3A_196] : memref<8x64x128xf32, #tpu.memory_space<vmem>> -> memref<1x64x128xf32, #tpu.memory_space<vmem>>
        %dma_start3A_198 = tpu.memref_squeeze %dma_start3A_197 : memref<1x64x128xf32, #tpu.memory_space<vmem>> -> memref<64x128xf32, #tpu.memory_space<vmem>>
        %dma_start3A_199 = arith.constant 0 : i32
        %dma_start3A_200 = tpu.memref_slice %arg2[%dma_start3A_199, %multiple_of3A] : memref<64x1000000xf32, #tpu.memory_space<hbm>> -> memref<64x128xf32, #tpu.memory_space<hbm>>
        tpu.enqueue_dma source(%dma_start3A_200 : memref<64x128xf32, #tpu.memory_space<hbm>>) target(%dma_start3A_198 : memref<64x128xf32, #tpu.memory_space<vmem>>) target_semaphore(%arg10 : memref<!tpu.dma_semaphore, #tpu.memory_space<semaphore_mem>>)
      } else {
      }
      %add3A_108 = arith.constant 2 : i32
      %add3A_109 = arith.addi %mul3A_84, %add3A_108 : i32
      %lt3A_110 = arith.cmpi slt, %add3A_109, %scan3A_7 : i32
      %convert_element_type3A_111 = arith.extui %lt3A_110 : i1 to i32
      %cond3A_112 = arith.constant 0 : i32
      %cond3A_113 = arith.cmpi ne, %convert_element_type3A_111, %cond3A_112 : i32
      scf.if %cond3A_113 {
        %dma_wait3A = arith.constant 2 : i32
        %dma_wait3A_180 = arith.constant 0 : i32
        %dma_wait3A_181 = arith.constant 0 : i32
        %dma_wait3A_182 = tpu.memref_slice %arg7[%dma_wait3A, %dma_wait3A_180, %dma_wait3A_181] : memref<8x64x128xf32, #tpu.memory_space<vmem>> -> memref<1x64x128xf32, #tpu.memory_space<vmem>>
        %dma_wait3A_183 = tpu.memref_squeeze %dma_wait3A_182 : memref<1x64x128xf32, #tpu.memory_space<vmem>> -> memref<64x128xf32, #tpu.memory_space<vmem>>
        %dma_wait3A_184 = arith.constant 0 : i32
        %dma_wait3A_185 = arith.constant 0 : i32
        %dma_wait3A_186 = tpu.memref_slice %arg2[%dma_wait3A_184, %dma_wait3A_185] : memref<64x1000000xf32, #tpu.memory_space<hbm>> -> memref<64x128xf32, #tpu.memory_space<hbm>>
        %dma_wait3A_187 = arith.constant 0 : i32
        %dma_wait3A_188 = arith.constant 0 : i32
        %dma_wait3A_189 = tpu.memref_slice %arg7[%dma_wait3A, %dma_wait3A_187, %dma_wait3A_188] : memref<8x64x128xf32, #tpu.memory_space<vmem>> -> memref<1x64x128xf32, #tpu.memory_space<vmem>>
        %dma_wait3A_190 = tpu.memref_squeeze %dma_wait3A_189 : memref<1x64x128xf32, #tpu.memory_space<vmem>> -> memref<64x128xf32, #tpu.memory_space<vmem>>
        %dma_wait3A_191 = arith.constant 0 : i32
        %dma_wait3A_192 = arith.constant 0 : i32
        %dma_wait3A_193 = tpu.memref_slice %arg2[%dma_wait3A_191, %dma_wait3A_192] : memref<64x1000000xf32, #tpu.memory_space<hbm>> -> memref<64x128xf32, #tpu.memory_space<hbm>>
        tpu.wait_dma2 semaphore(%arg11 : memref<!tpu.dma_semaphore, #tpu.memory_space<semaphore_mem>>) src(%dma_wait3A_193 : memref<64x128xf32, #tpu.memory_space<hbm>>) dst(%dma_wait3A_190 : memref<64x128xf32, #tpu.memory_space<vmem>>)
        %get3A = arith.index_cast %add3A_109 : i32 to index
        %get3A_194 = tpu.vector_load %arg6[%get3A] {strides = array<i32>} : memref<672xi32, #tpu.memory_space<vmem>>, vector<16xi32>,
        %slice3A = vector.extract_strided_slice %get3A_194 {offsets = [0], sizes = [1], strides = [1]} : vector<16xi32> to vector<1xi32>
        %squeeze3A = vector.extract %slice3A[0] : i32 from vector<1xi32>
        %add3A_195 = arith.constant 1 : i32
        %add3A_196 = arith.addi %add3A_109, %add3A_195 : i32
        %get3A_197 = arith.index_cast %add3A_196 : i32 to index
        %get3A_198 = tpu.vector_load %arg6[%get3A_197] {strides = array<i32>} : memref<672xi32, #tpu.memory_space<vmem>>, vector<16xi32>,
        %slice3A_199 = vector.extract_strided_slice %get3A_198 {offsets = [0], sizes = [1], strides = [1]} : vector<16xi32> to vector<1xi32>
        %squeeze3A_200 = vector.extract %slice3A_199[0] : i32 from vector<1xi32>
        %add3A_201 = arith.constant 128 : i32
        %add3A_202 = arith.addi %squeeze3A, %add3A_201 : i32
        %get3A_203 = arith.index_cast %add3A_202 : i32 to index
        %get3A_204 = tpu.vector_load %arg5[%get3A_203] {strides = array<i32>} : memref<672xi32, #tpu.memory_space<vmem>>, vector<16xi32>,
        %slice3A_205 = vector.extract_strided_slice %get3A_204 {offsets = [0], sizes = [1], strides = [1]} : vector<16xi32> to vector<1xi32>
        %squeeze3A_206 = vector.extract %slice3A_205[0] : i32 from vector<1xi32>
        %shift_right_arithmetic3A = arith.constant 7 : i32
        %shift_right_arithmetic3A_207 = arith.shrsi %squeeze3A_206, %shift_right_arithmetic3A : i32
        %shift_left3A = arith.constant 7 : i32
        %shift_left3A_208 = arith.shli %shift_right_arithmetic3A_207, %shift_left3A : i32
        %sub3A_209 = arith.subi %squeeze3A_200, %squeeze3A : i32
        %while3A_210 = arith.constant 0 : i32
        %while3A_211 = arith.constant 0 : i32
        %while3A_212 = arith.subi %sub3A_209, %while3A_211 : i32
        %while3A_213 = arith.addi %while3A_211, %while3A_212 : i32
        %while3A_214 = arith.constant 1 : i32
        %while3A_215 = arith.divsi %while3A_212, %while3A_214 : i32
        %while3A_216 = arith.muli %while3A_215, %while3A_214 : i32
        %while3A_217 = arith.addi %while3A_211, %while3A_216 : i32
        %while3A_218 = arith.constant 1 : i32
        scf.for %while3A_220 = %while3A_211 to %while3A_217 step %while3A_218  : i32 {
          %add3A_221 = arith.addi %squeeze3A, %while3A_220 : i32
          %add3A_222 = arith.constant 128 : i32
          %add3A_223 = arith.addi %add3A_221, %add3A_222 : i32
          %get3A_224 = arith.index_cast %add3A_223 : i32 to index
          %get3A_225 = tpu.vector_load %arg5[%get3A_224] {strides = array<i32>} : memref<672xi32, #tpu.memory_space<vmem>>, vector<16xi32>,
          %slice3A_226 = vector.extract_strided_slice %get3A_225 {offsets = [0], sizes = [1], strides = [1]} : vector<16xi32> to vector<1xi32>
          %squeeze3A_227 = vector.extract %slice3A_226[0] : i32 from vector<1xi32>
          %sub3A_228 = arith.subi %squeeze3A_227, %shift_left3A_208 : i32
          %broadcast_in_dim3A_229 = vector.broadcast %sub3A_228 : i32 to vector<16xi32>
          %iota3A_230 = tpu.iota {dimensions = array<i32: 0>} : vector<16xi32>
          %add3A_231 = arith.constant 0 : i32
          %add3A_232 = vector.broadcast %add3A_231 : i32 to vector<16xi32>
          %add3A_233 = arith.addi %iota3A_230, %add3A_232 : vector<16xi32>
          %gather3A = arith.constant 2 : i32
          %gather3A_234 = arith.constant 0 : i32
          %gather3A_235 = arith.constant 0 : i32
          %gather3A_236 = tpu.memref_slice %arg7[%gather3A, %gather3A_234, %gather3A_235] : memref<8x64x128xf32, #tpu.memory_space<vmem>> -> memref<1x64x128xf32, #tpu.memory_space<vmem>>
          %gather3A_237 = tpu.memref_squeeze %gather3A_236 : memref<1x64x128xf32, #tpu.memory_space<vmem>> -> memref<64x128xf32, #tpu.memory_space<vmem>>
          %gather3A_238 = tpu.vector_load_idx %gather3A_237[%add3A_233, %broadcast_in_dim3A_229] : memref<64x128xf32, #tpu.memory_space<vmem>>[vector<16xi32>, vector<16xi32>], vector<16xf32>,
          %mul3A_239 = arith.constant 64 : i32
          %mul3A_240 = arith.muli %add3A_221, %mul3A_239 : i32
          %add3A_241 = arith.constant 0 : i32
          %add3A_242 = arith.addi %mul3A_240, %add3A_241 : i32
          %swap3A_243 = arith.index_cast %add3A_242 : i32 to index
          %swap3A_244 = tpu.vector_load %arg8[%swap3A_243] {strides = array<i32>} : memref<32768xf32, #tpu.memory_space<vmem>>, vector<16xf32>,
          tpu.vector_store %arg8[%swap3A_243], %gather3A_238 {strides = array<i32>} : memref<32768xf32, #tpu.memory_space<vmem>>, vector<16xf32>,
          %iota3A_245 = tpu.iota {dimensions = array<i32: 0>} : vector<16xi32>
          %add3A_246 = arith.constant 16 : i32
          %add3A_247 = vector.broadcast %add3A_246 : i32 to vector<16xi32>
          %add3A_248 = arith.addi %iota3A_245, %add3A_247 : vector<16xi32>
          %gather3A_249 = arith.constant 2 : i32
          %gather3A_250 = arith.constant 0 : i32
          %gather3A_251 = arith.constant 0 : i32
          %gather3A_252 = tpu.memref_slice %arg7[%gather3A_249, %gather3A_250, %gather3A_251] : memref<8x64x128xf32, #tpu.memory_space<vmem>> -> memref<1x64x128xf32, #tpu.memory_space<vmem>>
          %gather3A_253 = tpu.memref_squeeze %gather3A_252 : memref<1x64x128xf32, #tpu.memory_space<vmem>> -> memref<64x128xf32, #tpu.memory_space<vmem>>
          %gather3A_254 = tpu.vector_load_idx %gather3A_253[%add3A_248, %broadcast_in_dim3A_229] : memref<64x128xf32, #tpu.memory_space<vmem>>[vector<16xi32>, vector<16xi32>], vector<16xf32>,
          %mul3A_255 = arith.constant 64 : i32
          %mul3A_256 = arith.muli %add3A_221, %mul3A_255 : i32
          %add3A_257 = arith.constant 16 : i32
          %add3A_258 = arith.addi %mul3A_256, %add3A_257 : i32
          %swap3A_259 = arith.index_cast %add3A_258 : i32 to index
          %swap3A_260 = tpu.vector_load %arg8[%swap3A_259] {strides = array<i32>} : memref<32768xf32, #tpu.memory_space<vmem>>, vector<16xf32>,
          tpu.vector_store %arg8[%swap3A_259], %gather3A_254 {strides = array<i32>} : memref<32768xf32, #tpu.memory_space<vmem>>, vector<16xf32>,
          %iota3A_261 = tpu.iota {dimensions = array<i32: 0>} : vector<16xi32>
          %add3A_262 = arith.constant 32 : i32
          %add3A_263 = vector.broadcast %add3A_262 : i32 to vector<16xi32>
          %add3A_264 = arith.addi %iota3A_261, %add3A_263 : vector<16xi32>
          %gather3A_265 = arith.constant 2 : i32
          %gather3A_266 = arith.constant 0 : i32
          %gather3A_267 = arith.constant 0 : i32
          %gather3A_268 = tpu.memref_slice %arg7[%gather3A_265, %gather3A_266, %gather3A_267] : memref<8x64x128xf32, #tpu.memory_space<vmem>> -> memref<1x64x128xf32, #tpu.memory_space<vmem>>
          %gather3A_269 = tpu.memref_squeeze %gather3A_268 : memref<1x64x128xf32, #tpu.memory_space<vmem>> -> memref<64x128xf32, #tpu.memory_space<vmem>>
          %gather3A_270 = tpu.vector_load_idx %gather3A_269[%add3A_264, %broadcast_in_dim3A_229] : memref<64x128xf32, #tpu.memory_space<vmem>>[vector<16xi32>, vector<16xi32>], vector<16xf32>,
          %mul3A_271 = arith.constant 64 : i32
          %mul3A_272 = arith.muli %add3A_221, %mul3A_271 : i32
          %add3A_273 = arith.constant 32 : i32
          %add3A_274 = arith.addi %mul3A_272, %add3A_273 : i32
          %swap3A_275 = arith.index_cast %add3A_274 : i32 to index
          %swap3A_276 = tpu.vector_load %arg8[%swap3A_275] {strides = array<i32>} : memref<32768xf32, #tpu.memory_space<vmem>>, vector<16xf32>,
          tpu.vector_store %arg8[%swap3A_275], %gather3A_270 {strides = array<i32>} : memref<32768xf32, #tpu.memory_space<vmem>>, vector<16xf32>,
          %iota3A_277 = tpu.iota {dimensions = array<i32: 0>} : vector<16xi32>
          %add3A_278 = arith.constant 48 : i32
          %add3A_279 = vector.broadcast %add3A_278 : i32 to vector<16xi32>
          %add3A_280 = arith.addi %iota3A_277, %add3A_279 : vector<16xi32>
          %gather3A_281 = arith.constant 2 : i32
          %gather3A_282 = arith.constant 0 : i32
          %gather3A_283 = arith.constant 0 : i32
          %gather3A_284 = tpu.memref_slice %arg7[%gather3A_281, %gather3A_282, %gather3A_283] : memref<8x64x128xf32, #tpu.memory_space<vmem>> -> memref<1x64x128xf32, #tpu.memory_space<vmem>>
          %gather3A_285 = tpu.memref_squeeze %gather3A_284 : memref<1x64x128xf32, #tpu.memory_space<vmem>> -> memref<64x128xf32, #tpu.memory_space<vmem>>
          %gather3A_286 = tpu.vector_load_idx %gather3A_285[%add3A_280, %broadcast_in_dim3A_229] : memref<64x128xf32, #tpu.memory_space<vmem>>[vector<16xi32>, vector<16xi32>], vector<16xf32>,
          %mul3A_287 = arith.constant 64 : i32
          %mul3A_288 = arith.muli %add3A_221, %mul3A_287 : i32
          %add3A_289 = arith.constant 48 : i32
          %add3A_290 = arith.addi %mul3A_288, %add3A_289 : i32
          %swap3A_291 = arith.index_cast %add3A_290 : i32 to index
          %swap3A_292 = tpu.vector_load %arg8[%swap3A_291] {strides = array<i32>} : memref<32768xf32, #tpu.memory_space<vmem>>, vector<16xf32>,
          tpu.vector_store %arg8[%swap3A_291], %gather3A_286 {strides = array<i32>} : memref<32768xf32, #tpu.memory_space<vmem>>, vector<16xf32>,
        }
        %while3A_219 = arith.constant 1 : i32
        scf.for %while3A_220 = %while3A_217 to %while3A_213 step %while3A_219  : i32 {
          %add3A_221 = arith.addi %squeeze3A, %while3A_220 : i32
          %add3A_222 = arith.constant 128 : i32
          %add3A_223 = arith.addi %add3A_221, %add3A_222 : i32
          %get3A_224 = arith.index_cast %add3A_223 : i32 to index
          %get3A_225 = tpu.vector_load %arg5[%get3A_224] {strides = array<i32>} : memref<672xi32, #tpu.memory_space<vmem>>, vector<16xi32>,
          %slice3A_226 = vector.extract_strided_slice %get3A_225 {offsets = [0], sizes = [1], strides = [1]} : vector<16xi32> to vector<1xi32>
          %squeeze3A_227 = vector.extract %slice3A_226[0] : i32 from vector<1xi32>
          %sub3A_228 = arith.subi %squeeze3A_227, %shift_left3A_208 : i32
          %broadcast_in_dim3A_229 = vector.broadcast %sub3A_228 : i32 to vector<16xi32>
          %iota3A_230 = tpu.iota {dimensions = array<i32: 0>} : vector<16xi32>
          %add3A_231 = arith.constant 0 : i32
          %add3A_232 = vector.broadcast %add3A_231 : i32 to vector<16xi32>
          %add3A_233 = arith.addi %iota3A_230, %add3A_232 : vector<16xi32>
          %gather3A = arith.constant 2 : i32
          %gather3A_234 = arith.constant 0 : i32
          %gather3A_235 = arith.constant 0 : i32
          %gather3A_236 = tpu.memref_slice %arg7[%gather3A, %gather3A_234, %gather3A_235] : memref<8x64x128xf32, #tpu.memory_space<vmem>> -> memref<1x64x128xf32, #tpu.memory_space<vmem>>
          %gather3A_237 = tpu.memref_squeeze %gather3A_236 : memref<1x64x128xf32, #tpu.memory_space<vmem>> -> memref<64x128xf32, #tpu.memory_space<vmem>>
          %gather3A_238 = tpu.vector_load_idx %gather3A_237[%add3A_233, %broadcast_in_dim3A_229] : memref<64x128xf32, #tpu.memory_space<vmem>>[vector<16xi32>, vector<16xi32>], vector<16xf32>,
          %mul3A_239 = arith.constant 64 : i32
          %mul3A_240 = arith.muli %add3A_221, %mul3A_239 : i32
          %add3A_241 = arith.constant 0 : i32
          %add3A_242 = arith.addi %mul3A_240, %add3A_241 : i32
          %swap3A_243 = arith.index_cast %add3A_242 : i32 to index
          %swap3A_244 = tpu.vector_load %arg8[%swap3A_243] {strides = array<i32>} : memref<32768xf32, #tpu.memory_space<vmem>>, vector<16xf32>,
          tpu.vector_store %arg8[%swap3A_243], %gather3A_238 {strides = array<i32>} : memref<32768xf32, #tpu.memory_space<vmem>>, vector<16xf32>,
          %iota3A_245 = tpu.iota {dimensions = array<i32: 0>} : vector<16xi32>
          %add3A_246 = arith.constant 16 : i32
          %add3A_247 = vector.broadcast %add3A_246 : i32 to vector<16xi32>
          %add3A_248 = arith.addi %iota3A_245, %add3A_247 : vector<16xi32>
          %gather3A_249 = arith.constant 2 : i32
          %gather3A_250 = arith.constant 0 : i32
          %gather3A_251 = arith.constant 0 : i32
          %gather3A_252 = tpu.memref_slice %arg7[%gather3A_249, %gather3A_250, %gather3A_251] : memref<8x64x128xf32, #tpu.memory_space<vmem>> -> memref<1x64x128xf32, #tpu.memory_space<vmem>>
          %gather3A_253 = tpu.memref_squeeze %gather3A_252 : memref<1x64x128xf32, #tpu.memory_space<vmem>> -> memref<64x128xf32, #tpu.memory_space<vmem>>
          %gather3A_254 = tpu.vector_load_idx %gather3A_253[%add3A_248, %broadcast_in_dim3A_229] : memref<64x128xf32, #tpu.memory_space<vmem>>[vector<16xi32>, vector<16xi32>], vector<16xf32>,
          %mul3A_255 = arith.constant 64 : i32
          %mul3A_256 = arith.muli %add3A_221, %mul3A_255 : i32
          %add3A_257 = arith.constant 16 : i32
          %add3A_258 = arith.addi %mul3A_256, %add3A_257 : i32
          %swap3A_259 = arith.index_cast %add3A_258 : i32 to index
          %swap3A_260 = tpu.vector_load %arg8[%swap3A_259] {strides = array<i32>} : memref<32768xf32, #tpu.memory_space<vmem>>, vector<16xf32>,
          tpu.vector_store %arg8[%swap3A_259], %gather3A_254 {strides = array<i32>} : memref<32768xf32, #tpu.memory_space<vmem>>, vector<16xf32>,
          %iota3A_261 = tpu.iota {dimensions = array<i32: 0>} : vector<16xi32>
          %add3A_262 = arith.constant 32 : i32
          %add3A_263 = vector.broadcast %add3A_262 : i32 to vector<16xi32>
          %add3A_264 = arith.addi %iota3A_261, %add3A_263 : vector<16xi32>
          %gather3A_265 = arith.constant 2 : i32
          %gather3A_266 = arith.constant 0 : i32
          %gather3A_267 = arith.constant 0 : i32
          %gather3A_268 = tpu.memref_slice %arg7[%gather3A_265, %gather3A_266, %gather3A_267] : memref<8x64x128xf32, #tpu.memory_space<vmem>> -> memref<1x64x128xf32, #tpu.memory_space<vmem>>
          %gather3A_269 = tpu.memref_squeeze %gather3A_268 : memref<1x64x128xf32, #tpu.memory_space<vmem>> -> memref<64x128xf32, #tpu.memory_space<vmem>>
          %gather3A_270 = tpu.vector_load_idx %gather3A_269[%add3A_264, %broadcast_in_dim3A_229] : memref<64x128xf32, #tpu.memory_space<vmem>>[vector<16xi32>, vector<16xi32>], vector<16xf32>,
          %mul3A_271 = arith.constant 64 : i32
          %mul3A_272 = arith.muli %add3A_221, %mul3A_271 : i32
          %add3A_273 = arith.constant 32 : i32
          %add3A_274 = arith.addi %mul3A_272, %add3A_273 : i32
          %swap3A_275 = arith.index_cast %add3A_274 : i32 to index
          %swap3A_276 = tpu.vector_load %arg8[%swap3A_275] {strides = array<i32>} : memref<32768xf32, #tpu.memory_space<vmem>>, vector<16xf32>,
          tpu.vector_store %arg8[%swap3A_275], %gather3A_270 {strides = array<i32>} : memref<32768xf32, #tpu.memory_space<vmem>>, vector<16xf32>,
          %iota3A_277 = tpu.iota {dimensions = array<i32: 0>} : vector<16xi32>
          %add3A_278 = arith.constant 48 : i32
          %add3A_279 = vector.broadcast %add3A_278 : i32 to vector<16xi32>
          %add3A_280 = arith.addi %iota3A_277, %add3A_279 : vector<16xi32>
          %gather3A_281 = arith.constant 2 : i32
          %gather3A_282 = arith.constant 0 : i32
          %gather3A_283 = arith.constant 0 : i32
          %gather3A_284 = tpu.memref_slice %arg7[%gather3A_281, %gather3A_282, %gather3A_283] : memref<8x64x128xf32, #tpu.memory_space<vmem>> -> memref<1x64x128xf32, #tpu.memory_space<vmem>>
          %gather3A_285 = tpu.memref_squeeze %gather3A_284 : memref<1x64x128xf32, #tpu.memory_space<vmem>> -> memref<64x128xf32, #tpu.memory_space<vmem>>
          %gather3A_286 = tpu.vector_load_idx %gather3A_285[%add3A_280, %broadcast_in_dim3A_229] : memref<64x128xf32, #tpu.memory_space<vmem>>[vector<16xi32>, vector<16xi32>], vector<16xf32>,
          %mul3A_287 = arith.constant 64 : i32
          %mul3A_288 = arith.muli %add3A_221, %mul3A_287 : i32
          %add3A_289 = arith.constant 48 : i32
          %add3A_290 = arith.addi %mul3A_288, %add3A_289 : i32
          %swap3A_291 = arith.index_cast %add3A_290 : i32 to index
          %swap3A_292 = tpu.vector_load %arg8[%swap3A_291] {strides = array<i32>} : memref<32768xf32, #tpu.memory_space<vmem>>, vector<16xf32>,
          tpu.vector_store %arg8[%swap3A_291], %gather3A_286 {strides = array<i32>} : memref<32768xf32, #tpu.memory_space<vmem>>, vector<16xf32>,
        }
      } else {
      }
      %add3A_114 = arith.constant 8 : i32
      %add3A_115 = arith.addi %add3A_109, %add3A_114 : i32
      %lt3A_116 = arith.cmpi slt, %add3A_115, %scan3A_7 : i32
      %convert_element_type3A_117 = arith.extui %lt3A_116 : i1 to i32
      %cond3A_118 = arith.constant 0 : i32
      %cond3A_119 = arith.cmpi ne, %convert_element_type3A_117, %cond3A_118 : i32
      scf.if %cond3A_119 {
        %get3A = arith.index_cast %add3A_115 : i32 to index
        %get3A_180 = tpu.vector_load %arg6[%get3A] {strides = array<i32>} : memref<672xi32, #tpu.memory_space<vmem>>, vector<16xi32>,
        %slice3A = vector.extract_strided_slice %get3A_180 {offsets = [0], sizes = [1], strides = [1]} : vector<16xi32> to vector<1xi32>
        %squeeze3A = vector.extract %slice3A[0] : i32 from vector<1xi32>
        %add3A_181 = arith.constant 128 : i32
        %add3A_182 = arith.addi %squeeze3A, %add3A_181 : i32
        %get3A_183 = arith.index_cast %add3A_182 : i32 to index
        %get3A_184 = tpu.vector_load %arg5[%get3A_183] {strides = array<i32>} : memref<672xi32, #tpu.memory_space<vmem>>, vector<16xi32>,
        %slice3A_185 = vector.extract_strided_slice %get3A_184 {offsets = [0], sizes = [1], strides = [1]} : vector<16xi32> to vector<1xi32>
        %squeeze3A_186 = vector.extract %slice3A_185[0] : i32 from vector<1xi32>
        %shift_right_arithmetic3A = arith.constant 7 : i32
        %shift_right_arithmetic3A_187 = arith.shrsi %squeeze3A_186, %shift_right_arithmetic3A : i32
        %shift_left3A = arith.constant 7 : i32
        %shift_left3A_188 = arith.shli %shift_right_arithmetic3A_187, %shift_left3A : i32
        %multiple_of3A = tpu.assume_multiple %shift_left3A_188, 128 : i32
        %dma_start3A = arith.constant 2 : i32
        %dma_start3A_189 = arith.constant 0 : i32
        %dma_start3A_190 = arith.constant 0 : i32
        %dma_start3A_191 = tpu.memref_slice %arg7[%dma_start3A, %dma_start3A_189, %dma_start3A_190] : memref<8x64x128xf32, #tpu.memory_space<vmem>> -> memref<1x64x128xf32, #tpu.memory_space<vmem>>
        %dma_start3A_192 = tpu.memref_squeeze %dma_start3A_191 : memref<1x64x128xf32, #tpu.memory_space<vmem>> -> memref<64x128xf32, #tpu.memory_space<vmem>>
        %dma_start3A_193 = arith.constant 0 : i32
        %dma_start3A_194 = tpu.memref_slice %arg2[%dma_start3A_193, %multiple_of3A] : memref<64x1000000xf32, #tpu.memory_space<hbm>> -> memref<64x128xf32, #tpu.memory_space<hbm>>
        %dma_start3A_195 = arith.constant 0 : i32
        %dma_start3A_196 = arith.constant 0 : i32
        %dma_start3A_197 = tpu.memref_slice %arg7[%dma_start3A, %dma_start3A_195, %dma_start3A_196] : memref<8x64x128xf32, #tpu.memory_space<vmem>> -> memref<1x64x128xf32, #tpu.memory_space<vmem>>
        %dma_start3A_198 = tpu.memref_squeeze %dma_start3A_197 : memref<1x64x128xf32, #tpu.memory_space<vmem>> -> memref<64x128xf32, #tpu.memory_space<vmem>>
        %dma_start3A_199 = arith.constant 0 : i32
        %dma_start3A_200 = tpu.memref_slice %arg2[%dma_start3A_199, %multiple_of3A] : memref<64x1000000xf32, #tpu.memory_space<hbm>> -> memref<64x128xf32, #tpu.memory_space<hbm>>
        tpu.enqueue_dma source(%dma_start3A_200 : memref<64x128xf32, #tpu.memory_space<hbm>>) target(%dma_start3A_198 : memref<64x128xf32, #tpu.memory_space<vmem>>) target_semaphore(%arg11 : memref<!tpu.dma_semaphore, #tpu.memory_space<semaphore_mem>>)
      } else {
      }
      %add3A_120 = arith.constant 3 : i32
      %add3A_121 = arith.addi %mul3A_84, %add3A_120 : i32
      %lt3A_122 = arith.cmpi slt, %add3A_121, %scan3A_7 : i32
      %convert_element_type3A_123 = arith.extui %lt3A_122 : i1 to i32
      %cond3A_124 = arith.constant 0 : i32
      %cond3A_125 = arith.cmpi ne, %convert_element_type3A_123, %cond3A_124 : i32
      scf.if %cond3A_125 {
        %dma_wait3A = arith.constant 3 : i32
        %dma_wait3A_180 = arith.constant 0 : i32
        %dma_wait3A_181 = arith.constant 0 : i32
        %dma_wait3A_182 = tpu.memref_slice %arg7[%dma_wait3A, %dma_wait3A_180, %dma_wait3A_181] : memref<8x64x128xf32, #tpu.memory_space<vmem>> -> memref<1x64x128xf32, #tpu.memory_space<vmem>>
        %dma_wait3A_183 = tpu.memref_squeeze %dma_wait3A_182 : memref<1x64x128xf32, #tpu.memory_space<vmem>> -> memref<64x128xf32, #tpu.memory_space<vmem>>
        %dma_wait3A_184 = arith.constant 0 : i32
        %dma_wait3A_185 = arith.constant 0 : i32
        %dma_wait3A_186 = tpu.memref_slice %arg2[%dma_wait3A_184, %dma_wait3A_185] : memref<64x1000000xf32, #tpu.memory_space<hbm>> -> memref<64x128xf32, #tpu.memory_space<hbm>>
        %dma_wait3A_187 = arith.constant 0 : i32
        %dma_wait3A_188 = arith.constant 0 : i32
        %dma_wait3A_189 = tpu.memref_slice %arg7[%dma_wait3A, %dma_wait3A_187, %dma_wait3A_188] : memref<8x64x128xf32, #tpu.memory_space<vmem>> -> memref<1x64x128xf32, #tpu.memory_space<vmem>>
        %dma_wait3A_190 = tpu.memref_squeeze %dma_wait3A_189 : memref<1x64x128xf32, #tpu.memory_space<vmem>> -> memref<64x128xf32, #tpu.memory_space<vmem>>
        %dma_wait3A_191 = arith.constant 0 : i32
        %dma_wait3A_192 = arith.constant 0 : i32
        %dma_wait3A_193 = tpu.memref_slice %arg2[%dma_wait3A_191, %dma_wait3A_192] : memref<64x1000000xf32, #tpu.memory_space<hbm>> -> memref<64x128xf32, #tpu.memory_space<hbm>>
        tpu.wait_dma2 semaphore(%arg12 : memref<!tpu.dma_semaphore, #tpu.memory_space<semaphore_mem>>) src(%dma_wait3A_193 : memref<64x128xf32, #tpu.memory_space<hbm>>) dst(%dma_wait3A_190 : memref<64x128xf32, #tpu.memory_space<vmem>>)
        %get3A = arith.index_cast %add3A_121 : i32 to index
        %get3A_194 = tpu.vector_load %arg6[%get3A] {strides = array<i32>} : memref<672xi32, #tpu.memory_space<vmem>>, vector<16xi32>,
        %slice3A = vector.extract_strided_slice %get3A_194 {offsets = [0], sizes = [1], strides = [1]} : vector<16xi32> to vector<1xi32>
        %squeeze3A = vector.extract %slice3A[0] : i32 from vector<1xi32>
        %add3A_195 = arith.constant 1 : i32
        %add3A_196 = arith.addi %add3A_121, %add3A_195 : i32
        %get3A_197 = arith.index_cast %add3A_196 : i32 to index
        %get3A_198 = tpu.vector_load %arg6[%get3A_197] {strides = array<i32>} : memref<672xi32, #tpu.memory_space<vmem>>, vector<16xi32>,
        %slice3A_199 = vector.extract_strided_slice %get3A_198 {offsets = [0], sizes = [1], strides = [1]} : vector<16xi32> to vector<1xi32>
        %squeeze3A_200 = vector.extract %slice3A_199[0] : i32 from vector<1xi32>
        %add3A_201 = arith.constant 128 : i32
        %add3A_202 = arith.addi %squeeze3A, %add3A_201 : i32
        %get3A_203 = arith.index_cast %add3A_202 : i32 to index
        %get3A_204 = tpu.vector_load %arg5[%get3A_203] {strides = array<i32>} : memref<672xi32, #tpu.memory_space<vmem>>, vector<16xi32>,
        %slice3A_205 = vector.extract_strided_slice %get3A_204 {offsets = [0], sizes = [1], strides = [1]} : vector<16xi32> to vector<1xi32>
        %squeeze3A_206 = vector.extract %slice3A_205[0] : i32 from vector<1xi32>
        %shift_right_arithmetic3A = arith.constant 7 : i32
        %shift_right_arithmetic3A_207 = arith.shrsi %squeeze3A_206, %shift_right_arithmetic3A : i32
        %shift_left3A = arith.constant 7 : i32
        %shift_left3A_208 = arith.shli %shift_right_arithmetic3A_207, %shift_left3A : i32
        %sub3A_209 = arith.subi %squeeze3A_200, %squeeze3A : i32
        %while3A_210 = arith.constant 0 : i32
        %while3A_211 = arith.constant 0 : i32
        %while3A_212 = arith.subi %sub3A_209, %while3A_211 : i32
        %while3A_213 = arith.addi %while3A_211, %while3A_212 : i32
        %while3A_214 = arith.constant 1 : i32
        %while3A_215 = arith.divsi %while3A_212, %while3A_214 : i32
        %while3A_216 = arith.muli %while3A_215, %while3A_214 : i32
        %while3A_217 = arith.addi %while3A_211, %while3A_216 : i32
        %while3A_218 = arith.constant 1 : i32
        scf.for %while3A_220 = %while3A_211 to %while3A_217 step %while3A_218  : i32 {
          %add3A_221 = arith.addi %squeeze3A, %while3A_220 : i32
          %add3A_222 = arith.constant 128 : i32
          %add3A_223 = arith.addi %add3A_221, %add3A_222 : i32
          %get3A_224 = arith.index_cast %add3A_223 : i32 to index
          %get3A_225 = tpu.vector_load %arg5[%get3A_224] {strides = array<i32>} : memref<672xi32, #tpu.memory_space<vmem>>, vector<16xi32>,
          %slice3A_226 = vector.extract_strided_slice %get3A_225 {offsets = [0], sizes = [1], strides = [1]} : vector<16xi32> to vector<1xi32>
          %squeeze3A_227 = vector.extract %slice3A_226[0] : i32 from vector<1xi32>
          %sub3A_228 = arith.subi %squeeze3A_227, %shift_left3A_208 : i32
          %broadcast_in_dim3A_229 = vector.broadcast %sub3A_228 : i32 to vector<16xi32>
          %iota3A_230 = tpu.iota {dimensions = array<i32: 0>} : vector<16xi32>
          %add3A_231 = arith.constant 0 : i32
          %add3A_232 = vector.broadcast %add3A_231 : i32 to vector<16xi32>
          %add3A_233 = arith.addi %iota3A_230, %add3A_232 : vector<16xi32>
          %gather3A = arith.constant 3 : i32
          %gather3A_234 = arith.constant 0 : i32
          %gather3A_235 = arith.constant 0 : i32
          %gather3A_236 = tpu.memref_slice %arg7[%gather3A, %gather3A_234, %gather3A_235] : memref<8x64x128xf32, #tpu.memory_space<vmem>> -> memref<1x64x128xf32, #tpu.memory_space<vmem>>
          %gather3A_237 = tpu.memref_squeeze %gather3A_236 : memref<1x64x128xf32, #tpu.memory_space<vmem>> -> memref<64x128xf32, #tpu.memory_space<vmem>>
          %gather3A_238 = tpu.vector_load_idx %gather3A_237[%add3A_233, %broadcast_in_dim3A_229] : memref<64x128xf32, #tpu.memory_space<vmem>>[vector<16xi32>, vector<16xi32>], vector<16xf32>,
          %mul3A_239 = arith.constant 64 : i32
          %mul3A_240 = arith.muli %add3A_221, %mul3A_239 : i32
          %add3A_241 = arith.constant 0 : i32
          %add3A_242 = arith.addi %mul3A_240, %add3A_241 : i32
          %swap3A_243 = arith.index_cast %add3A_242 : i32 to index
          %swap3A_244 = tpu.vector_load %arg8[%swap3A_243] {strides = array<i32>} : memref<32768xf32, #tpu.memory_space<vmem>>, vector<16xf32>,
          tpu.vector_store %arg8[%swap3A_243], %gather3A_238 {strides = array<i32>} : memref<32768xf32, #tpu.memory_space<vmem>>, vector<16xf32>,
          %iota3A_245 = tpu.iota {dimensions = array<i32: 0>} : vector<16xi32>
          %add3A_246 = arith.constant 16 : i32
          %add3A_247 = vector.broadcast %add3A_246 : i32 to vector<16xi32>
          %add3A_248 = arith.addi %iota3A_245, %add3A_247 : vector<16xi32>
          %gather3A_249 = arith.constant 3 : i32
          %gather3A_250 = arith.constant 0 : i32
          %gather3A_251 = arith.constant 0 : i32
          %gather3A_252 = tpu.memref_slice %arg7[%gather3A_249, %gather3A_250, %gather3A_251] : memref<8x64x128xf32, #tpu.memory_space<vmem>> -> memref<1x64x128xf32, #tpu.memory_space<vmem>>
          %gather3A_253 = tpu.memref_squeeze %gather3A_252 : memref<1x64x128xf32, #tpu.memory_space<vmem>> -> memref<64x128xf32, #tpu.memory_space<vmem>>
          %gather3A_254 = tpu.vector_load_idx %gather3A_253[%add3A_248, %broadcast_in_dim3A_229] : memref<64x128xf32, #tpu.memory_space<vmem>>[vector<16xi32>, vector<16xi32>], vector<16xf32>,
          %mul3A_255 = arith.constant 64 : i32
          %mul3A_256 = arith.muli %add3A_221, %mul3A_255 : i32
          %add3A_257 = arith.constant 16 : i32
          %add3A_258 = arith.addi %mul3A_256, %add3A_257 : i32
          %swap3A_259 = arith.index_cast %add3A_258 : i32 to index
          %swap3A_260 = tpu.vector_load %arg8[%swap3A_259] {strides = array<i32>} : memref<32768xf32, #tpu.memory_space<vmem>>, vector<16xf32>,
          tpu.vector_store %arg8[%swap3A_259], %gather3A_254 {strides = array<i32>} : memref<32768xf32, #tpu.memory_space<vmem>>, vector<16xf32>,
          %iota3A_261 = tpu.iota {dimensions = array<i32: 0>} : vector<16xi32>
          %add3A_262 = arith.constant 32 : i32
          %add3A_263 = vector.broadcast %add3A_262 : i32 to vector<16xi32>
          %add3A_264 = arith.addi %iota3A_261, %add3A_263 : vector<16xi32>
          %gather3A_265 = arith.constant 3 : i32
          %gather3A_266 = arith.constant 0 : i32
          %gather3A_267 = arith.constant 0 : i32
          %gather3A_268 = tpu.memref_slice %arg7[%gather3A_265, %gather3A_266, %gather3A_267] : memref<8x64x128xf32, #tpu.memory_space<vmem>> -> memref<1x64x128xf32, #tpu.memory_space<vmem>>
          %gather3A_269 = tpu.memref_squeeze %gather3A_268 : memref<1x64x128xf32, #tpu.memory_space<vmem>> -> memref<64x128xf32, #tpu.memory_space<vmem>>
          %gather3A_270 = tpu.vector_load_idx %gather3A_269[%add3A_264, %broadcast_in_dim3A_229] : memref<64x128xf32, #tpu.memory_space<vmem>>[vector<16xi32>, vector<16xi32>], vector<16xf32>,
          %mul3A_271 = arith.constant 64 : i32
          %mul3A_272 = arith.muli %add3A_221, %mul3A_271 : i32
          %add3A_273 = arith.constant 32 : i32
          %add3A_274 = arith.addi %mul3A_272, %add3A_273 : i32
          %swap3A_275 = arith.index_cast %add3A_274 : i32 to index
          %swap3A_276 = tpu.vector_load %arg8[%swap3A_275] {strides = array<i32>} : memref<32768xf32, #tpu.memory_space<vmem>>, vector<16xf32>,
          tpu.vector_store %arg8[%swap3A_275], %gather3A_270 {strides = array<i32>} : memref<32768xf32, #tpu.memory_space<vmem>>, vector<16xf32>,
          %iota3A_277 = tpu.iota {dimensions = array<i32: 0>} : vector<16xi32>
          %add3A_278 = arith.constant 48 : i32
          %add3A_279 = vector.broadcast %add3A_278 : i32 to vector<16xi32>
          %add3A_280 = arith.addi %iota3A_277, %add3A_279 : vector<16xi32>
          %gather3A_281 = arith.constant 3 : i32
          %gather3A_282 = arith.constant 0 : i32
          %gather3A_283 = arith.constant 0 : i32
          %gather3A_284 = tpu.memref_slice %arg7[%gather3A_281, %gather3A_282, %gather3A_283] : memref<8x64x128xf32, #tpu.memory_space<vmem>> -> memref<1x64x128xf32, #tpu.memory_space<vmem>>
          %gather3A_285 = tpu.memref_squeeze %gather3A_284 : memref<1x64x128xf32, #tpu.memory_space<vmem>> -> memref<64x128xf32, #tpu.memory_space<vmem>>
          %gather3A_286 = tpu.vector_load_idx %gather3A_285[%add3A_280, %broadcast_in_dim3A_229] : memref<64x128xf32, #tpu.memory_space<vmem>>[vector<16xi32>, vector<16xi32>], vector<16xf32>,
          %mul3A_287 = arith.constant 64 : i32
          %mul3A_288 = arith.muli %add3A_221, %mul3A_287 : i32
          %add3A_289 = arith.constant 48 : i32
          %add3A_290 = arith.addi %mul3A_288, %add3A_289 : i32
          %swap3A_291 = arith.index_cast %add3A_290 : i32 to index
          %swap3A_292 = tpu.vector_load %arg8[%swap3A_291] {strides = array<i32>} : memref<32768xf32, #tpu.memory_space<vmem>>, vector<16xf32>,
          tpu.vector_store %arg8[%swap3A_291], %gather3A_286 {strides = array<i32>} : memref<32768xf32, #tpu.memory_space<vmem>>, vector<16xf32>,
        }
        %while3A_219 = arith.constant 1 : i32
        scf.for %while3A_220 = %while3A_217 to %while3A_213 step %while3A_219  : i32 {
          %add3A_221 = arith.addi %squeeze3A, %while3A_220 : i32
          %add3A_222 = arith.constant 128 : i32
          %add3A_223 = arith.addi %add3A_221, %add3A_222 : i32
          %get3A_224 = arith.index_cast %add3A_223 : i32 to index
          %get3A_225 = tpu.vector_load %arg5[%get3A_224] {strides = array<i32>} : memref<672xi32, #tpu.memory_space<vmem>>, vector<16xi32>,
          %slice3A_226 = vector.extract_strided_slice %get3A_225 {offsets = [0], sizes = [1], strides = [1]} : vector<16xi32> to vector<1xi32>
          %squeeze3A_227 = vector.extract %slice3A_226[0] : i32 from vector<1xi32>
          %sub3A_228 = arith.subi %squeeze3A_227, %shift_left3A_208 : i32
          %broadcast_in_dim3A_229 = vector.broadcast %sub3A_228 : i32 to vector<16xi32>
          %iota3A_230 = tpu.iota {dimensions = array<i32: 0>} : vector<16xi32>
          %add3A_231 = arith.constant 0 : i32
          %add3A_232 = vector.broadcast %add3A_231 : i32 to vector<16xi32>
          %add3A_233 = arith.addi %iota3A_230, %add3A_232 : vector<16xi32>
          %gather3A = arith.constant 3 : i32
          %gather3A_234 = arith.constant 0 : i32
          %gather3A_235 = arith.constant 0 : i32
          %gather3A_236 = tpu.memref_slice %arg7[%gather3A, %gather3A_234, %gather3A_235] : memref<8x64x128xf32, #tpu.memory_space<vmem>> -> memref<1x64x128xf32, #tpu.memory_space<vmem>>
          %gather3A_237 = tpu.memref_squeeze %gather3A_236 : memref<1x64x128xf32, #tpu.memory_space<vmem>> -> memref<64x128xf32, #tpu.memory_space<vmem>>
          %gather3A_238 = tpu.vector_load_idx %gather3A_237[%add3A_233, %broadcast_in_dim3A_229] : memref<64x128xf32, #tpu.memory_space<vmem>>[vector<16xi32>, vector<16xi32>], vector<16xf32>,
          %mul3A_239 = arith.constant 64 : i32
          %mul3A_240 = arith.muli %add3A_221, %mul3A_239 : i32
          %add3A_241 = arith.constant 0 : i32
          %add3A_242 = arith.addi %mul3A_240, %add3A_241 : i32
          %swap3A_243 = arith.index_cast %add3A_242 : i32 to index
          %swap3A_244 = tpu.vector_load %arg8[%swap3A_243] {strides = array<i32>} : memref<32768xf32, #tpu.memory_space<vmem>>, vector<16xf32>,
          tpu.vector_store %arg8[%swap3A_243], %gather3A_238 {strides = array<i32>} : memref<32768xf32, #tpu.memory_space<vmem>>, vector<16xf32>,
          %iota3A_245 = tpu.iota {dimensions = array<i32: 0>} : vector<16xi32>
          %add3A_246 = arith.constant 16 : i32
          %add3A_247 = vector.broadcast %add3A_246 : i32 to vector<16xi32>
          %add3A_248 = arith.addi %iota3A_245, %add3A_247 : vector<16xi32>
          %gather3A_249 = arith.constant 3 : i32
          %gather3A_250 = arith.constant 0 : i32
          %gather3A_251 = arith.constant 0 : i32
          %gather3A_252 = tpu.memref_slice %arg7[%gather3A_249, %gather3A_250, %gather3A_251] : memref<8x64x128xf32, #tpu.memory_space<vmem>> -> memref<1x64x128xf32, #tpu.memory_space<vmem>>
          %gather3A_253 = tpu.memref_squeeze %gather3A_252 : memref<1x64x128xf32, #tpu.memory_space<vmem>> -> memref<64x128xf32, #tpu.memory_space<vmem>>
          %gather3A_254 = tpu.vector_load_idx %gather3A_253[%add3A_248, %broadcast_in_dim3A_229] : memref<64x128xf32, #tpu.memory_space<vmem>>[vector<16xi32>, vector<16xi32>], vector<16xf32>,
          %mul3A_255 = arith.constant 64 : i32
          %mul3A_256 = arith.muli %add3A_221, %mul3A_255 : i32
          %add3A_257 = arith.constant 16 : i32
          %add3A_258 = arith.addi %mul3A_256, %add3A_257 : i32
          %swap3A_259 = arith.index_cast %add3A_258 : i32 to index
          %swap3A_260 = tpu.vector_load %arg8[%swap3A_259] {strides = array<i32>} : memref<32768xf32, #tpu.memory_space<vmem>>, vector<16xf32>,
          tpu.vector_store %arg8[%swap3A_259], %gather3A_254 {strides = array<i32>} : memref<32768xf32, #tpu.memory_space<vmem>>, vector<16xf32>,
          %iota3A_261 = tpu.iota {dimensions = array<i32: 0>} : vector<16xi32>
          %add3A_262 = arith.constant 32 : i32
          %add3A_263 = vector.broadcast %add3A_262 : i32 to vector<16xi32>
          %add3A_264 = arith.addi %iota3A_261, %add3A_263 : vector<16xi32>
          %gather3A_265 = arith.constant 3 : i32
          %gather3A_266 = arith.constant 0 : i32
          %gather3A_267 = arith.constant 0 : i32
          %gather3A_268 = tpu.memref_slice %arg7[%gather3A_265, %gather3A_266, %gather3A_267] : memref<8x64x128xf32, #tpu.memory_space<vmem>> -> memref<1x64x128xf32, #tpu.memory_space<vmem>>
          %gather3A_269 = tpu.memref_squeeze %gather3A_268 : memref<1x64x128xf32, #tpu.memory_space<vmem>> -> memref<64x128xf32, #tpu.memory_space<vmem>>
          %gather3A_270 = tpu.vector_load_idx %gather3A_269[%add3A_264, %broadcast_in_dim3A_229] : memref<64x128xf32, #tpu.memory_space<vmem>>[vector<16xi32>, vector<16xi32>], vector<16xf32>,
          %mul3A_271 = arith.constant 64 : i32
          %mul3A_272 = arith.muli %add3A_221, %mul3A_271 : i32
          %add3A_273 = arith.constant 32 : i32
          %add3A_274 = arith.addi %mul3A_272, %add3A_273 : i32
          %swap3A_275 = arith.index_cast %add3A_274 : i32 to index
          %swap3A_276 = tpu.vector_load %arg8[%swap3A_275] {strides = array<i32>} : memref<32768xf32, #tpu.memory_space<vmem>>, vector<16xf32>,
          tpu.vector_store %arg8[%swap3A_275], %gather3A_270 {strides = array<i32>} : memref<32768xf32, #tpu.memory_space<vmem>>, vector<16xf32>,
          %iota3A_277 = tpu.iota {dimensions = array<i32: 0>} : vector<16xi32>
          %add3A_278 = arith.constant 48 : i32
          %add3A_279 = vector.broadcast %add3A_278 : i32 to vector<16xi32>
          %add3A_280 = arith.addi %iota3A_277, %add3A_279 : vector<16xi32>
          %gather3A_281 = arith.constant 3 : i32
          %gather3A_282 = arith.constant 0 : i32
          %gather3A_283 = arith.constant 0 : i32
          %gather3A_284 = tpu.memref_slice %arg7[%gather3A_281, %gather3A_282, %gather3A_283] : memref<8x64x128xf32, #tpu.memory_space<vmem>> -> memref<1x64x128xf32, #tpu.memory_space<vmem>>
          %gather3A_285 = tpu.memref_squeeze %gather3A_284 : memref<1x64x128xf32, #tpu.memory_space<vmem>> -> memref<64x128xf32, #tpu.memory_space<vmem>>
          %gather3A_286 = tpu.vector_load_idx %gather3A_285[%add3A_280, %broadcast_in_dim3A_229] : memref<64x128xf32, #tpu.memory_space<vmem>>[vector<16xi32>, vector<16xi32>], vector<16xf32>,
          %mul3A_287 = arith.constant 64 : i32
          %mul3A_288 = arith.muli %add3A_221, %mul3A_287 : i32
          %add3A_289 = arith.constant 48 : i32
          %add3A_290 = arith.addi %mul3A_288, %add3A_289 : i32
          %swap3A_291 = arith.index_cast %add3A_290 : i32 to index
          %swap3A_292 = tpu.vector_load %arg8[%swap3A_291] {strides = array<i32>} : memref<32768xf32, #tpu.memory_space<vmem>>, vector<16xf32>,
          tpu.vector_store %arg8[%swap3A_291], %gather3A_286 {strides = array<i32>} : memref<32768xf32, #tpu.memory_space<vmem>>, vector<16xf32>,
        }
      } else {
      }
      %add3A_126 = arith.constant 8 : i32
      %add3A_127 = arith.addi %add3A_121, %add3A_126 : i32
      %lt3A_128 = arith.cmpi slt, %add3A_127, %scan3A_7 : i32
      %convert_element_type3A_129 = arith.extui %lt3A_128 : i1 to i32
      %cond3A_130 = arith.constant 0 : i32
      %cond3A_131 = arith.cmpi ne, %convert_element_type3A_129, %cond3A_130 : i32
      scf.if %cond3A_131 {
        %get3A = arith.index_cast %add3A_127 : i32 to index
        %get3A_180 = tpu.vector_load %arg6[%get3A] {strides = array<i32>} : memref<672xi32, #tpu.memory_space<vmem>>, vector<16xi32>,
        %slice3A = vector.extract_strided_slice %get3A_180 {offsets = [0], sizes = [1], strides = [1]} : vector<16xi32> to vector<1xi32>
        %squeeze3A = vector.extract %slice3A[0] : i32 from vector<1xi32>
        %add3A_181 = arith.constant 128 : i32
        %add3A_182 = arith.addi %squeeze3A, %add3A_181 : i32
        %get3A_183 = arith.index_cast %add3A_182 : i32 to index
        %get3A_184 = tpu.vector_load %arg5[%get3A_183] {strides = array<i32>} : memref<672xi32, #tpu.memory_space<vmem>>, vector<16xi32>,
        %slice3A_185 = vector.extract_strided_slice %get3A_184 {offsets = [0], sizes = [1], strides = [1]} : vector<16xi32> to vector<1xi32>
        %squeeze3A_186 = vector.extract %slice3A_185[0] : i32 from vector<1xi32>
        %shift_right_arithmetic3A = arith.constant 7 : i32
        %shift_right_arithmetic3A_187 = arith.shrsi %squeeze3A_186, %shift_right_arithmetic3A : i32
        %shift_left3A = arith.constant 7 : i32
        %shift_left3A_188 = arith.shli %shift_right_arithmetic3A_187, %shift_left3A : i32
        %multiple_of3A = tpu.assume_multiple %shift_left3A_188, 128 : i32
        %dma_start3A = arith.constant 3 : i32
        %dma_start3A_189 = arith.constant 0 : i32
        %dma_start3A_190 = arith.constant 0 : i32
        %dma_start3A_191 = tpu.memref_slice %arg7[%dma_start3A, %dma_start3A_189, %dma_start3A_190] : memref<8x64x128xf32, #tpu.memory_space<vmem>> -> memref<1x64x128xf32, #tpu.memory_space<vmem>>
        %dma_start3A_192 = tpu.memref_squeeze %dma_start3A_191 : memref<1x64x128xf32, #tpu.memory_space<vmem>> -> memref<64x128xf32, #tpu.memory_space<vmem>>
        %dma_start3A_193 = arith.constant 0 : i32
        %dma_start3A_194 = tpu.memref_slice %arg2[%dma_start3A_193, %multiple_of3A] : memref<64x1000000xf32, #tpu.memory_space<hbm>> -> memref<64x128xf32, #tpu.memory_space<hbm>>
        %dma_start3A_195 = arith.constant 0 : i32
        %dma_start3A_196 = arith.constant 0 : i32
        %dma_start3A_197 = tpu.memref_slice %arg7[%dma_start3A, %dma_start3A_195, %dma_start3A_196] : memref<8x64x128xf32, #tpu.memory_space<vmem>> -> memref<1x64x128xf32, #tpu.memory_space<vmem>>
        %dma_start3A_198 = tpu.memref_squeeze %dma_start3A_197 : memref<1x64x128xf32, #tpu.memory_space<vmem>> -> memref<64x128xf32, #tpu.memory_space<vmem>>
        %dma_start3A_199 = arith.constant 0 : i32
        %dma_start3A_200 = tpu.memref_slice %arg2[%dma_start3A_199, %multiple_of3A] : memref<64x1000000xf32, #tpu.memory_space<hbm>> -> memref<64x128xf32, #tpu.memory_space<hbm>>
        tpu.enqueue_dma source(%dma_start3A_200 : memref<64x128xf32, #tpu.memory_space<hbm>>) target(%dma_start3A_198 : memref<64x128xf32, #tpu.memory_space<vmem>>) target_semaphore(%arg12 : memref<!tpu.dma_semaphore, #tpu.memory_space<semaphore_mem>>)
      } else {
      }
      %add3A_132 = arith.constant 4 : i32
      %add3A_133 = arith.addi %mul3A_84, %add3A_132 : i32
      %lt3A_134 = arith.cmpi slt, %add3A_133, %scan3A_7 : i32
      %convert_element_type3A_135 = arith.extui %lt3A_134 : i1 to i32
      %cond3A_136 = arith.constant 0 : i32
      %cond3A_137 = arith.cmpi ne, %convert_element_type3A_135, %cond3A_136 : i32
      scf.if %cond3A_137 {
        %dma_wait3A = arith.constant 4 : i32
        %dma_wait3A_180 = arith.constant 0 : i32
        %dma_wait3A_181 = arith.constant 0 : i32
        %dma_wait3A_182 = tpu.memref_slice %arg7[%dma_wait3A, %dma_wait3A_180, %dma_wait3A_181] : memref<8x64x128xf32, #tpu.memory_space<vmem>> -> memref<1x64x128xf32, #tpu.memory_space<vmem>>
        %dma_wait3A_183 = tpu.memref_squeeze %dma_wait3A_182 : memref<1x64x128xf32, #tpu.memory_space<vmem>> -> memref<64x128xf32, #tpu.memory_space<vmem>>
        %dma_wait3A_184 = arith.constant 0 : i32
        %dma_wait3A_185 = arith.constant 0 : i32
        %dma_wait3A_186 = tpu.memref_slice %arg2[%dma_wait3A_184, %dma_wait3A_185] : memref<64x1000000xf32, #tpu.memory_space<hbm>> -> memref<64x128xf32, #tpu.memory_space<hbm>>
        %dma_wait3A_187 = arith.constant 0 : i32
        %dma_wait3A_188 = arith.constant 0 : i32
        %dma_wait3A_189 = tpu.memref_slice %arg7[%dma_wait3A, %dma_wait3A_187, %dma_wait3A_188] : memref<8x64x128xf32, #tpu.memory_space<vmem>> -> memref<1x64x128xf32, #tpu.memory_space<vmem>>
        %dma_wait3A_190 = tpu.memref_squeeze %dma_wait3A_189 : memref<1x64x128xf32, #tpu.memory_space<vmem>> -> memref<64x128xf32, #tpu.memory_space<vmem>>
        %dma_wait3A_191 = arith.constant 0 : i32
        %dma_wait3A_192 = arith.constant 0 : i32
        %dma_wait3A_193 = tpu.memref_slice %arg2[%dma_wait3A_191, %dma_wait3A_192] : memref<64x1000000xf32, #tpu.memory_space<hbm>> -> memref<64x128xf32, #tpu.memory_space<hbm>>
        tpu.wait_dma2 semaphore(%arg13 : memref<!tpu.dma_semaphore, #tpu.memory_space<semaphore_mem>>) src(%dma_wait3A_193 : memref<64x128xf32, #tpu.memory_space<hbm>>) dst(%dma_wait3A_190 : memref<64x128xf32, #tpu.memory_space<vmem>>)
        %get3A = arith.index_cast %add3A_133 : i32 to index
        %get3A_194 = tpu.vector_load %arg6[%get3A] {strides = array<i32>} : memref<672xi32, #tpu.memory_space<vmem>>, vector<16xi32>,
        %slice3A = vector.extract_strided_slice %get3A_194 {offsets = [0], sizes = [1], strides = [1]} : vector<16xi32> to vector<1xi32>
        %squeeze3A = vector.extract %slice3A[0] : i32 from vector<1xi32>
        %add3A_195 = arith.constant 1 : i32
        %add3A_196 = arith.addi %add3A_133, %add3A_195 : i32
        %get3A_197 = arith.index_cast %add3A_196 : i32 to index
        %get3A_198 = tpu.vector_load %arg6[%get3A_197] {strides = array<i32>} : memref<672xi32, #tpu.memory_space<vmem>>, vector<16xi32>,
        %slice3A_199 = vector.extract_strided_slice %get3A_198 {offsets = [0], sizes = [1], strides = [1]} : vector<16xi32> to vector<1xi32>
        %squeeze3A_200 = vector.extract %slice3A_199[0] : i32 from vector<1xi32>
        %add3A_201 = arith.constant 128 : i32
        %add3A_202 = arith.addi %squeeze3A, %add3A_201 : i32
        %get3A_203 = arith.index_cast %add3A_202 : i32 to index
        %get3A_204 = tpu.vector_load %arg5[%get3A_203] {strides = array<i32>} : memref<672xi32, #tpu.memory_space<vmem>>, vector<16xi32>,
        %slice3A_205 = vector.extract_strided_slice %get3A_204 {offsets = [0], sizes = [1], strides = [1]} : vector<16xi32> to vector<1xi32>
        %squeeze3A_206 = vector.extract %slice3A_205[0] : i32 from vector<1xi32>
        %shift_right_arithmetic3A = arith.constant 7 : i32
        %shift_right_arithmetic3A_207 = arith.shrsi %squeeze3A_206, %shift_right_arithmetic3A : i32
        %shift_left3A = arith.constant 7 : i32
        %shift_left3A_208 = arith.shli %shift_right_arithmetic3A_207, %shift_left3A : i32
        %sub3A_209 = arith.subi %squeeze3A_200, %squeeze3A : i32
        %while3A_210 = arith.constant 0 : i32
        %while3A_211 = arith.constant 0 : i32
        %while3A_212 = arith.subi %sub3A_209, %while3A_211 : i32
        %while3A_213 = arith.addi %while3A_211, %while3A_212 : i32
        %while3A_214 = arith.constant 1 : i32
        %while3A_215 = arith.divsi %while3A_212, %while3A_214 : i32
        %while3A_216 = arith.muli %while3A_215, %while3A_214 : i32
        %while3A_217 = arith.addi %while3A_211, %while3A_216 : i32
        %while3A_218 = arith.constant 1 : i32
        scf.for %while3A_220 = %while3A_211 to %while3A_217 step %while3A_218  : i32 {
          %add3A_221 = arith.addi %squeeze3A, %while3A_220 : i32
          %add3A_222 = arith.constant 128 : i32
          %add3A_223 = arith.addi %add3A_221, %add3A_222 : i32
          %get3A_224 = arith.index_cast %add3A_223 : i32 to index
          %get3A_225 = tpu.vector_load %arg5[%get3A_224] {strides = array<i32>} : memref<672xi32, #tpu.memory_space<vmem>>, vector<16xi32>,
          %slice3A_226 = vector.extract_strided_slice %get3A_225 {offsets = [0], sizes = [1], strides = [1]} : vector<16xi32> to vector<1xi32>
          %squeeze3A_227 = vector.extract %slice3A_226[0] : i32 from vector<1xi32>
          %sub3A_228 = arith.subi %squeeze3A_227, %shift_left3A_208 : i32
          %broadcast_in_dim3A_229 = vector.broadcast %sub3A_228 : i32 to vector<16xi32>
          %iota3A_230 = tpu.iota {dimensions = array<i32: 0>} : vector<16xi32>
          %add3A_231 = arith.constant 0 : i32
          %add3A_232 = vector.broadcast %add3A_231 : i32 to vector<16xi32>
          %add3A_233 = arith.addi %iota3A_230, %add3A_232 : vector<16xi32>
          %gather3A = arith.constant 4 : i32
          %gather3A_234 = arith.constant 0 : i32
          %gather3A_235 = arith.constant 0 : i32
          %gather3A_236 = tpu.memref_slice %arg7[%gather3A, %gather3A_234, %gather3A_235] : memref<8x64x128xf32, #tpu.memory_space<vmem>> -> memref<1x64x128xf32, #tpu.memory_space<vmem>>
          %gather3A_237 = tpu.memref_squeeze %gather3A_236 : memref<1x64x128xf32, #tpu.memory_space<vmem>> -> memref<64x128xf32, #tpu.memory_space<vmem>>
          %gather3A_238 = tpu.vector_load_idx %gather3A_237[%add3A_233, %broadcast_in_dim3A_229] : memref<64x128xf32, #tpu.memory_space<vmem>>[vector<16xi32>, vector<16xi32>], vector<16xf32>,
          %mul3A_239 = arith.constant 64 : i32
          %mul3A_240 = arith.muli %add3A_221, %mul3A_239 : i32
          %add3A_241 = arith.constant 0 : i32
          %add3A_242 = arith.addi %mul3A_240, %add3A_241 : i32
          %swap3A_243 = arith.index_cast %add3A_242 : i32 to index
          %swap3A_244 = tpu.vector_load %arg8[%swap3A_243] {strides = array<i32>} : memref<32768xf32, #tpu.memory_space<vmem>>, vector<16xf32>,
          tpu.vector_store %arg8[%swap3A_243], %gather3A_238 {strides = array<i32>} : memref<32768xf32, #tpu.memory_space<vmem>>, vector<16xf32>,
          %iota3A_245 = tpu.iota {dimensions = array<i32: 0>} : vector<16xi32>
          %add3A_246 = arith.constant 16 : i32
          %add3A_247 = vector.broadcast %add3A_246 : i32 to vector<16xi32>
          %add3A_248 = arith.addi %iota3A_245, %add3A_247 : vector<16xi32>
          %gather3A_249 = arith.constant 4 : i32
          %gather3A_250 = arith.constant 0 : i32
          %gather3A_251 = arith.constant 0 : i32
          %gather3A_252 = tpu.memref_slice %arg7[%gather3A_249, %gather3A_250, %gather3A_251] : memref<8x64x128xf32, #tpu.memory_space<vmem>> -> memref<1x64x128xf32, #tpu.memory_space<vmem>>
          %gather3A_253 = tpu.memref_squeeze %gather3A_252 : memref<1x64x128xf32, #tpu.memory_space<vmem>> -> memref<64x128xf32, #tpu.memory_space<vmem>>
          %gather3A_254 = tpu.vector_load_idx %gather3A_253[%add3A_248, %broadcast_in_dim3A_229] : memref<64x128xf32, #tpu.memory_space<vmem>>[vector<16xi32>, vector<16xi32>], vector<16xf32>,
          %mul3A_255 = arith.constant 64 : i32
          %mul3A_256 = arith.muli %add3A_221, %mul3A_255 : i32
          %add3A_257 = arith.constant 16 : i32
          %add3A_258 = arith.addi %mul3A_256, %add3A_257 : i32
          %swap3A_259 = arith.index_cast %add3A_258 : i32 to index
          %swap3A_260 = tpu.vector_load %arg8[%swap3A_259] {strides = array<i32>} : memref<32768xf32, #tpu.memory_space<vmem>>, vector<16xf32>,
          tpu.vector_store %arg8[%swap3A_259], %gather3A_254 {strides = array<i32>} : memref<32768xf32, #tpu.memory_space<vmem>>, vector<16xf32>,
          %iota3A_261 = tpu.iota {dimensions = array<i32: 0>} : vector<16xi32>
          %add3A_262 = arith.constant 32 : i32
          %add3A_263 = vector.broadcast %add3A_262 : i32 to vector<16xi32>
          %add3A_264 = arith.addi %iota3A_261, %add3A_263 : vector<16xi32>
          %gather3A_265 = arith.constant 4 : i32
          %gather3A_266 = arith.constant 0 : i32
          %gather3A_267 = arith.constant 0 : i32
          %gather3A_268 = tpu.memref_slice %arg7[%gather3A_265, %gather3A_266, %gather3A_267] : memref<8x64x128xf32, #tpu.memory_space<vmem>> -> memref<1x64x128xf32, #tpu.memory_space<vmem>>
          %gather3A_269 = tpu.memref_squeeze %gather3A_268 : memref<1x64x128xf32, #tpu.memory_space<vmem>> -> memref<64x128xf32, #tpu.memory_space<vmem>>
          %gather3A_270 = tpu.vector_load_idx %gather3A_269[%add3A_264, %broadcast_in_dim3A_229] : memref<64x128xf32, #tpu.memory_space<vmem>>[vector<16xi32>, vector<16xi32>], vector<16xf32>,
          %mul3A_271 = arith.constant 64 : i32
          %mul3A_272 = arith.muli %add3A_221, %mul3A_271 : i32
          %add3A_273 = arith.constant 32 : i32
          %add3A_274 = arith.addi %mul3A_272, %add3A_273 : i32
          %swap3A_275 = arith.index_cast %add3A_274 : i32 to index
          %swap3A_276 = tpu.vector_load %arg8[%swap3A_275] {strides = array<i32>} : memref<32768xf32, #tpu.memory_space<vmem>>, vector<16xf32>,
          tpu.vector_store %arg8[%swap3A_275], %gather3A_270 {strides = array<i32>} : memref<32768xf32, #tpu.memory_space<vmem>>, vector<16xf32>,
          %iota3A_277 = tpu.iota {dimensions = array<i32: 0>} : vector<16xi32>
          %add3A_278 = arith.constant 48 : i32
          %add3A_279 = vector.broadcast %add3A_278 : i32 to vector<16xi32>
          %add3A_280 = arith.addi %iota3A_277, %add3A_279 : vector<16xi32>
          %gather3A_281 = arith.constant 4 : i32
          %gather3A_282 = arith.constant 0 : i32
          %gather3A_283 = arith.constant 0 : i32
          %gather3A_284 = tpu.memref_slice %arg7[%gather3A_281, %gather3A_282, %gather3A_283] : memref<8x64x128xf32, #tpu.memory_space<vmem>> -> memref<1x64x128xf32, #tpu.memory_space<vmem>>
          %gather3A_285 = tpu.memref_squeeze %gather3A_284 : memref<1x64x128xf32, #tpu.memory_space<vmem>> -> memref<64x128xf32, #tpu.memory_space<vmem>>
          %gather3A_286 = tpu.vector_load_idx %gather3A_285[%add3A_280, %broadcast_in_dim3A_229] : memref<64x128xf32, #tpu.memory_space<vmem>>[vector<16xi32>, vector<16xi32>], vector<16xf32>,
          %mul3A_287 = arith.constant 64 : i32
          %mul3A_288 = arith.muli %add3A_221, %mul3A_287 : i32
          %add3A_289 = arith.constant 48 : i32
          %add3A_290 = arith.addi %mul3A_288, %add3A_289 : i32
          %swap3A_291 = arith.index_cast %add3A_290 : i32 to index
          %swap3A_292 = tpu.vector_load %arg8[%swap3A_291] {strides = array<i32>} : memref<32768xf32, #tpu.memory_space<vmem>>, vector<16xf32>,
          tpu.vector_store %arg8[%swap3A_291], %gather3A_286 {strides = array<i32>} : memref<32768xf32, #tpu.memory_space<vmem>>, vector<16xf32>,
        }
        %while3A_219 = arith.constant 1 : i32
        scf.for %while3A_220 = %while3A_217 to %while3A_213 step %while3A_219  : i32 {
          %add3A_221 = arith.addi %squeeze3A, %while3A_220 : i32
          %add3A_222 = arith.constant 128 : i32
          %add3A_223 = arith.addi %add3A_221, %add3A_222 : i32
          %get3A_224 = arith.index_cast %add3A_223 : i32 to index
          %get3A_225 = tpu.vector_load %arg5[%get3A_224] {strides = array<i32>} : memref<672xi32, #tpu.memory_space<vmem>>, vector<16xi32>,
          %slice3A_226 = vector.extract_strided_slice %get3A_225 {offsets = [0], sizes = [1], strides = [1]} : vector<16xi32> to vector<1xi32>
          %squeeze3A_227 = vector.extract %slice3A_226[0] : i32 from vector<1xi32>
          %sub3A_228 = arith.subi %squeeze3A_227, %shift_left3A_208 : i32
          %broadcast_in_dim3A_229 = vector.broadcast %sub3A_228 : i32 to vector<16xi32>
          %iota3A_230 = tpu.iota {dimensions = array<i32: 0>} : vector<16xi32>
          %add3A_231 = arith.constant 0 : i32
          %add3A_232 = vector.broadcast %add3A_231 : i32 to vector<16xi32>
          %add3A_233 = arith.addi %iota3A_230, %add3A_232 : vector<16xi32>
          %gather3A = arith.constant 4 : i32
          %gather3A_234 = arith.constant 0 : i32
          %gather3A_235 = arith.constant 0 : i32
          %gather3A_236 = tpu.memref_slice %arg7[%gather3A, %gather3A_234, %gather3A_235] : memref<8x64x128xf32, #tpu.memory_space<vmem>> -> memref<1x64x128xf32, #tpu.memory_space<vmem>>
          %gather3A_237 = tpu.memref_squeeze %gather3A_236 : memref<1x64x128xf32, #tpu.memory_space<vmem>> -> memref<64x128xf32, #tpu.memory_space<vmem>>
          %gather3A_238 = tpu.vector_load_idx %gather3A_237[%add3A_233, %broadcast_in_dim3A_229] : memref<64x128xf32, #tpu.memory_space<vmem>>[vector<16xi32>, vector<16xi32>], vector<16xf32>,
          %mul3A_239 = arith.constant 64 : i32
          %mul3A_240 = arith.muli %add3A_221, %mul3A_239 : i32
          %add3A_241 = arith.constant 0 : i32
          %add3A_242 = arith.addi %mul3A_240, %add3A_241 : i32
          %swap3A_243 = arith.index_cast %add3A_242 : i32 to index
          %swap3A_244 = tpu.vector_load %arg8[%swap3A_243] {strides = array<i32>} : memref<32768xf32, #tpu.memory_space<vmem>>, vector<16xf32>,
          tpu.vector_store %arg8[%swap3A_243], %gather3A_238 {strides = array<i32>} : memref<32768xf32, #tpu.memory_space<vmem>>, vector<16xf32>,
          %iota3A_245 = tpu.iota {dimensions = array<i32: 0>} : vector<16xi32>
          %add3A_246 = arith.constant 16 : i32
          %add3A_247 = vector.broadcast %add3A_246 : i32 to vector<16xi32>
          %add3A_248 = arith.addi %iota3A_245, %add3A_247 : vector<16xi32>
          %gather3A_249 = arith.constant 4 : i32
          %gather3A_250 = arith.constant 0 : i32
          %gather3A_251 = arith.constant 0 : i32
          %gather3A_252 = tpu.memref_slice %arg7[%gather3A_249, %gather3A_250, %gather3A_251] : memref<8x64x128xf32, #tpu.memory_space<vmem>> -> memref<1x64x128xf32, #tpu.memory_space<vmem>>
          %gather3A_253 = tpu.memref_squeeze %gather3A_252 : memref<1x64x128xf32, #tpu.memory_space<vmem>> -> memref<64x128xf32, #tpu.memory_space<vmem>>
          %gather3A_254 = tpu.vector_load_idx %gather3A_253[%add3A_248, %broadcast_in_dim3A_229] : memref<64x128xf32, #tpu.memory_space<vmem>>[vector<16xi32>, vector<16xi32>], vector<16xf32>,
          %mul3A_255 = arith.constant 64 : i32
          %mul3A_256 = arith.muli %add3A_221, %mul3A_255 : i32
          %add3A_257 = arith.constant 16 : i32
          %add3A_258 = arith.addi %mul3A_256, %add3A_257 : i32
          %swap3A_259 = arith.index_cast %add3A_258 : i32 to index
          %swap3A_260 = tpu.vector_load %arg8[%swap3A_259] {strides = array<i32>} : memref<32768xf32, #tpu.memory_space<vmem>>, vector<16xf32>,
          tpu.vector_store %arg8[%swap3A_259], %gather3A_254 {strides = array<i32>} : memref<32768xf32, #tpu.memory_space<vmem>>, vector<16xf32>,
          %iota3A_261 = tpu.iota {dimensions = array<i32: 0>} : vector<16xi32>
          %add3A_262 = arith.constant 32 : i32
          %add3A_263 = vector.broadcast %add3A_262 : i32 to vector<16xi32>
          %add3A_264 = arith.addi %iota3A_261, %add3A_263 : vector<16xi32>
          %gather3A_265 = arith.constant 4 : i32
          %gather3A_266 = arith.constant 0 : i32
          %gather3A_267 = arith.constant 0 : i32
          %gather3A_268 = tpu.memref_slice %arg7[%gather3A_265, %gather3A_266, %gather3A_267] : memref<8x64x128xf32, #tpu.memory_space<vmem>> -> memref<1x64x128xf32, #tpu.memory_space<vmem>>
          %gather3A_269 = tpu.memref_squeeze %gather3A_268 : memref<1x64x128xf32, #tpu.memory_space<vmem>> -> memref<64x128xf32, #tpu.memory_space<vmem>>
          %gather3A_270 = tpu.vector_load_idx %gather3A_269[%add3A_264, %broadcast_in_dim3A_229] : memref<64x128xf32, #tpu.memory_space<vmem>>[vector<16xi32>, vector<16xi32>], vector<16xf32>,
          %mul3A_271 = arith.constant 64 : i32
          %mul3A_272 = arith.muli %add3A_221, %mul3A_271 : i32
          %add3A_273 = arith.constant 32 : i32
          %add3A_274 = arith.addi %mul3A_272, %add3A_273 : i32
          %swap3A_275 = arith.index_cast %add3A_274 : i32 to index
          %swap3A_276 = tpu.vector_load %arg8[%swap3A_275] {strides = array<i32>} : memref<32768xf32, #tpu.memory_space<vmem>>, vector<16xf32>,
          tpu.vector_store %arg8[%swap3A_275], %gather3A_270 {strides = array<i32>} : memref<32768xf32, #tpu.memory_space<vmem>>, vector<16xf32>,
          %iota3A_277 = tpu.iota {dimensions = array<i32: 0>} : vector<16xi32>
          %add3A_278 = arith.constant 48 : i32
          %add3A_279 = vector.broadcast %add3A_278 : i32 to vector<16xi32>
          %add3A_280 = arith.addi %iota3A_277, %add3A_279 : vector<16xi32>
          %gather3A_281 = arith.constant 4 : i32
          %gather3A_282 = arith.constant 0 : i32
          %gather3A_283 = arith.constant 0 : i32
          %gather3A_284 = tpu.memref_slice %arg7[%gather3A_281, %gather3A_282, %gather3A_283] : memref<8x64x128xf32, #tpu.memory_space<vmem>> -> memref<1x64x128xf32, #tpu.memory_space<vmem>>
          %gather3A_285 = tpu.memref_squeeze %gather3A_284 : memref<1x64x128xf32, #tpu.memory_space<vmem>> -> memref<64x128xf32, #tpu.memory_space<vmem>>
          %gather3A_286 = tpu.vector_load_idx %gather3A_285[%add3A_280, %broadcast_in_dim3A_229] : memref<64x128xf32, #tpu.memory_space<vmem>>[vector<16xi32>, vector<16xi32>], vector<16xf32>,
          %mul3A_287 = arith.constant 64 : i32
          %mul3A_288 = arith.muli %add3A_221, %mul3A_287 : i32
          %add3A_289 = arith.constant 48 : i32
          %add3A_290 = arith.addi %mul3A_288, %add3A_289 : i32
          %swap3A_291 = arith.index_cast %add3A_290 : i32 to index
          %swap3A_292 = tpu.vector_load %arg8[%swap3A_291] {strides = array<i32>} : memref<32768xf32, #tpu.memory_space<vmem>>, vector<16xf32>,
          tpu.vector_store %arg8[%swap3A_291], %gather3A_286 {strides = array<i32>} : memref<32768xf32, #tpu.memory_space<vmem>>, vector<16xf32>,
        }
      } else {
      }
      %add3A_138 = arith.constant 8 : i32
      %add3A_139 = arith.addi %add3A_133, %add3A_138 : i32
      %lt3A_140 = arith.cmpi slt, %add3A_139, %scan3A_7 : i32
      %convert_element_type3A_141 = arith.extui %lt3A_140 : i1 to i32
      %cond3A_142 = arith.constant 0 : i32
      %cond3A_143 = arith.cmpi ne, %convert_element_type3A_141, %cond3A_142 : i32
      scf.if %cond3A_143 {
        %get3A = arith.index_cast %add3A_139 : i32 to index
        %get3A_180 = tpu.vector_load %arg6[%get3A] {strides = array<i32>} : memref<672xi32, #tpu.memory_space<vmem>>, vector<16xi32>,
        %slice3A = vector.extract_strided_slice %get3A_180 {offsets = [0], sizes = [1], strides = [1]} : vector<16xi32> to vector<1xi32>
        %squeeze3A = vector.extract %slice3A[0] : i32 from vector<1xi32>
        %add3A_181 = arith.constant 128 : i32
        %add3A_182 = arith.addi %squeeze3A, %add3A_181 : i32
        %get3A_183 = arith.index_cast %add3A_182 : i32 to index
        %get3A_184 = tpu.vector_load %arg5[%get3A_183] {strides = array<i32>} : memref<672xi32, #tpu.memory_space<vmem>>, vector<16xi32>,
        %slice3A_185 = vector.extract_strided_slice %get3A_184 {offsets = [0], sizes = [1], strides = [1]} : vector<16xi32> to vector<1xi32>
        %squeeze3A_186 = vector.extract %slice3A_185[0] : i32 from vector<1xi32>
        %shift_right_arithmetic3A = arith.constant 7 : i32
        %shift_right_arithmetic3A_187 = arith.shrsi %squeeze3A_186, %shift_right_arithmetic3A : i32
        %shift_left3A = arith.constant 7 : i32
        %shift_left3A_188 = arith.shli %shift_right_arithmetic3A_187, %shift_left3A : i32
        %multiple_of3A = tpu.assume_multiple %shift_left3A_188, 128 : i32
        %dma_start3A = arith.constant 4 : i32
        %dma_start3A_189 = arith.constant 0 : i32
        %dma_start3A_190 = arith.constant 0 : i32
        %dma_start3A_191 = tpu.memref_slice %arg7[%dma_start3A, %dma_start3A_189, %dma_start3A_190] : memref<8x64x128xf32, #tpu.memory_space<vmem>> -> memref<1x64x128xf32, #tpu.memory_space<vmem>>
        %dma_start3A_192 = tpu.memref_squeeze %dma_start3A_191 : memref<1x64x128xf32, #tpu.memory_space<vmem>> -> memref<64x128xf32, #tpu.memory_space<vmem>>
        %dma_start3A_193 = arith.constant 0 : i32
        %dma_start3A_194 = tpu.memref_slice %arg2[%dma_start3A_193, %multiple_of3A] : memref<64x1000000xf32, #tpu.memory_space<hbm>> -> memref<64x128xf32, #tpu.memory_space<hbm>>
        %dma_start3A_195 = arith.constant 0 : i32
        %dma_start3A_196 = arith.constant 0 : i32
        %dma_start3A_197 = tpu.memref_slice %arg7[%dma_start3A, %dma_start3A_195, %dma_start3A_196] : memref<8x64x128xf32, #tpu.memory_space<vmem>> -> memref<1x64x128xf32, #tpu.memory_space<vmem>>
        %dma_start3A_198 = tpu.memref_squeeze %dma_start3A_197 : memref<1x64x128xf32, #tpu.memory_space<vmem>> -> memref<64x128xf32, #tpu.memory_space<vmem>>
        %dma_start3A_199 = arith.constant 0 : i32
        %dma_start3A_200 = tpu.memref_slice %arg2[%dma_start3A_199, %multiple_of3A] : memref<64x1000000xf32, #tpu.memory_space<hbm>> -> memref<64x128xf32, #tpu.memory_space<hbm>>
        tpu.enqueue_dma source(%dma_start3A_200 : memref<64x128xf32, #tpu.memory_space<hbm>>) target(%dma_start3A_198 : memref<64x128xf32, #tpu.memory_space<vmem>>) target_semaphore(%arg13 : memref<!tpu.dma_semaphore, #tpu.memory_space<semaphore_mem>>)
      } else {
      }
      %add3A_144 = arith.constant 5 : i32
      %add3A_145 = arith.addi %mul3A_84, %add3A_144 : i32
      %lt3A_146 = arith.cmpi slt, %add3A_145, %scan3A_7 : i32
      %convert_element_type3A_147 = arith.extui %lt3A_146 : i1 to i32
      %cond3A_148 = arith.constant 0 : i32
      %cond3A_149 = arith.cmpi ne, %convert_element_type3A_147, %cond3A_148 : i32
      scf.if %cond3A_149 {
        %dma_wait3A = arith.constant 5 : i32
        %dma_wait3A_180 = arith.constant 0 : i32
        %dma_wait3A_181 = arith.constant 0 : i32
        %dma_wait3A_182 = tpu.memref_slice %arg7[%dma_wait3A, %dma_wait3A_180, %dma_wait3A_181] : memref<8x64x128xf32, #tpu.memory_space<vmem>> -> memref<1x64x128xf32, #tpu.memory_space<vmem>>
        %dma_wait3A_183 = tpu.memref_squeeze %dma_wait3A_182 : memref<1x64x128xf32, #tpu.memory_space<vmem>> -> memref<64x128xf32, #tpu.memory_space<vmem>>
        %dma_wait3A_184 = arith.constant 0 : i32
        %dma_wait3A_185 = arith.constant 0 : i32
        %dma_wait3A_186 = tpu.memref_slice %arg2[%dma_wait3A_184, %dma_wait3A_185] : memref<64x1000000xf32, #tpu.memory_space<hbm>> -> memref<64x128xf32, #tpu.memory_space<hbm>>
        %dma_wait3A_187 = arith.constant 0 : i32
        %dma_wait3A_188 = arith.constant 0 : i32
        %dma_wait3A_189 = tpu.memref_slice %arg7[%dma_wait3A, %dma_wait3A_187, %dma_wait3A_188] : memref<8x64x128xf32, #tpu.memory_space<vmem>> -> memref<1x64x128xf32, #tpu.memory_space<vmem>>
        %dma_wait3A_190 = tpu.memref_squeeze %dma_wait3A_189 : memref<1x64x128xf32, #tpu.memory_space<vmem>> -> memref<64x128xf32, #tpu.memory_space<vmem>>
        %dma_wait3A_191 = arith.constant 0 : i32
        %dma_wait3A_192 = arith.constant 0 : i32
        %dma_wait3A_193 = tpu.memref_slice %arg2[%dma_wait3A_191, %dma_wait3A_192] : memref<64x1000000xf32, #tpu.memory_space<hbm>> -> memref<64x128xf32, #tpu.memory_space<hbm>>
        tpu.wait_dma2 semaphore(%arg14 : memref<!tpu.dma_semaphore, #tpu.memory_space<semaphore_mem>>) src(%dma_wait3A_193 : memref<64x128xf32, #tpu.memory_space<hbm>>) dst(%dma_wait3A_190 : memref<64x128xf32, #tpu.memory_space<vmem>>)
        %get3A = arith.index_cast %add3A_145 : i32 to index
        %get3A_194 = tpu.vector_load %arg6[%get3A] {strides = array<i32>} : memref<672xi32, #tpu.memory_space<vmem>>, vector<16xi32>,
        %slice3A = vector.extract_strided_slice %get3A_194 {offsets = [0], sizes = [1], strides = [1]} : vector<16xi32> to vector<1xi32>
        %squeeze3A = vector.extract %slice3A[0] : i32 from vector<1xi32>
        %add3A_195 = arith.constant 1 : i32
        %add3A_196 = arith.addi %add3A_145, %add3A_195 : i32
        %get3A_197 = arith.index_cast %add3A_196 : i32 to index
        %get3A_198 = tpu.vector_load %arg6[%get3A_197] {strides = array<i32>} : memref<672xi32, #tpu.memory_space<vmem>>, vector<16xi32>,
        %slice3A_199 = vector.extract_strided_slice %get3A_198 {offsets = [0], sizes = [1], strides = [1]} : vector<16xi32> to vector<1xi32>
        %squeeze3A_200 = vector.extract %slice3A_199[0] : i32 from vector<1xi32>
        %add3A_201 = arith.constant 128 : i32
        %add3A_202 = arith.addi %squeeze3A, %add3A_201 : i32
        %get3A_203 = arith.index_cast %add3A_202 : i32 to index
        %get3A_204 = tpu.vector_load %arg5[%get3A_203] {strides = array<i32>} : memref<672xi32, #tpu.memory_space<vmem>>, vector<16xi32>,
        %slice3A_205 = vector.extract_strided_slice %get3A_204 {offsets = [0], sizes = [1], strides = [1]} : vector<16xi32> to vector<1xi32>
        %squeeze3A_206 = vector.extract %slice3A_205[0] : i32 from vector<1xi32>
        %shift_right_arithmetic3A = arith.constant 7 : i32
        %shift_right_arithmetic3A_207 = arith.shrsi %squeeze3A_206, %shift_right_arithmetic3A : i32
        %shift_left3A = arith.constant 7 : i32
        %shift_left3A_208 = arith.shli %shift_right_arithmetic3A_207, %shift_left3A : i32
        %sub3A_209 = arith.subi %squeeze3A_200, %squeeze3A : i32
        %while3A_210 = arith.constant 0 : i32
        %while3A_211 = arith.constant 0 : i32
        %while3A_212 = arith.subi %sub3A_209, %while3A_211 : i32
        %while3A_213 = arith.addi %while3A_211, %while3A_212 : i32
        %while3A_214 = arith.constant 1 : i32
        %while3A_215 = arith.divsi %while3A_212, %while3A_214 : i32
        %while3A_216 = arith.muli %while3A_215, %while3A_214 : i32
        %while3A_217 = arith.addi %while3A_211, %while3A_216 : i32
        %while3A_218 = arith.constant 1 : i32
        scf.for %while3A_220 = %while3A_211 to %while3A_217 step %while3A_218  : i32 {
          %add3A_221 = arith.addi %squeeze3A, %while3A_220 : i32
          %add3A_222 = arith.constant 128 : i32
          %add3A_223 = arith.addi %add3A_221, %add3A_222 : i32
          %get3A_224 = arith.index_cast %add3A_223 : i32 to index
          %get3A_225 = tpu.vector_load %arg5[%get3A_224] {strides = array<i32>} : memref<672xi32, #tpu.memory_space<vmem>>, vector<16xi32>,
          %slice3A_226 = vector.extract_strided_slice %get3A_225 {offsets = [0], sizes = [1], strides = [1]} : vector<16xi32> to vector<1xi32>
          %squeeze3A_227 = vector.extract %slice3A_226[0] : i32 from vector<1xi32>
          %sub3A_228 = arith.subi %squeeze3A_227, %shift_left3A_208 : i32
          %broadcast_in_dim3A_229 = vector.broadcast %sub3A_228 : i32 to vector<16xi32>
          %iota3A_230 = tpu.iota {dimensions = array<i32: 0>} : vector<16xi32>
          %add3A_231 = arith.constant 0 : i32
          %add3A_232 = vector.broadcast %add3A_231 : i32 to vector<16xi32>
          %add3A_233 = arith.addi %iota3A_230, %add3A_232 : vector<16xi32>
          %gather3A = arith.constant 5 : i32
          %gather3A_234 = arith.constant 0 : i32
          %gather3A_235 = arith.constant 0 : i32
          %gather3A_236 = tpu.memref_slice %arg7[%gather3A, %gather3A_234, %gather3A_235] : memref<8x64x128xf32, #tpu.memory_space<vmem>> -> memref<1x64x128xf32, #tpu.memory_space<vmem>>
          %gather3A_237 = tpu.memref_squeeze %gather3A_236 : memref<1x64x128xf32, #tpu.memory_space<vmem>> -> memref<64x128xf32, #tpu.memory_space<vmem>>
          %gather3A_238 = tpu.vector_load_idx %gather3A_237[%add3A_233, %broadcast_in_dim3A_229] : memref<64x128xf32, #tpu.memory_space<vmem>>[vector<16xi32>, vector<16xi32>], vector<16xf32>,
          %mul3A_239 = arith.constant 64 : i32
          %mul3A_240 = arith.muli %add3A_221, %mul3A_239 : i32
          %add3A_241 = arith.constant 0 : i32
          %add3A_242 = arith.addi %mul3A_240, %add3A_241 : i32
          %swap3A_243 = arith.index_cast %add3A_242 : i32 to index
          %swap3A_244 = tpu.vector_load %arg8[%swap3A_243] {strides = array<i32>} : memref<32768xf32, #tpu.memory_space<vmem>>, vector<16xf32>,
          tpu.vector_store %arg8[%swap3A_243], %gather3A_238 {strides = array<i32>} : memref<32768xf32, #tpu.memory_space<vmem>>, vector<16xf32>,
          %iota3A_245 = tpu.iota {dimensions = array<i32: 0>} : vector<16xi32>
          %add3A_246 = arith.constant 16 : i32
          %add3A_247 = vector.broadcast %add3A_246 : i32 to vector<16xi32>
          %add3A_248 = arith.addi %iota3A_245, %add3A_247 : vector<16xi32>
          %gather3A_249 = arith.constant 5 : i32
          %gather3A_250 = arith.constant 0 : i32
          %gather3A_251 = arith.constant 0 : i32
          %gather3A_252 = tpu.memref_slice %arg7[%gather3A_249, %gather3A_250, %gather3A_251] : memref<8x64x128xf32, #tpu.memory_space<vmem>> -> memref<1x64x128xf32, #tpu.memory_space<vmem>>
          %gather3A_253 = tpu.memref_squeeze %gather3A_252 : memref<1x64x128xf32, #tpu.memory_space<vmem>> -> memref<64x128xf32, #tpu.memory_space<vmem>>
          %gather3A_254 = tpu.vector_load_idx %gather3A_253[%add3A_248, %broadcast_in_dim3A_229] : memref<64x128xf32, #tpu.memory_space<vmem>>[vector<16xi32>, vector<16xi32>], vector<16xf32>,
          %mul3A_255 = arith.constant 64 : i32
          %mul3A_256 = arith.muli %add3A_221, %mul3A_255 : i32
          %add3A_257 = arith.constant 16 : i32
          %add3A_258 = arith.addi %mul3A_256, %add3A_257 : i32
          %swap3A_259 = arith.index_cast %add3A_258 : i32 to index
          %swap3A_260 = tpu.vector_load %arg8[%swap3A_259] {strides = array<i32>} : memref<32768xf32, #tpu.memory_space<vmem>>, vector<16xf32>,
          tpu.vector_store %arg8[%swap3A_259], %gather3A_254 {strides = array<i32>} : memref<32768xf32, #tpu.memory_space<vmem>>, vector<16xf32>,
          %iota3A_261 = tpu.iota {dimensions = array<i32: 0>} : vector<16xi32>
          %add3A_262 = arith.constant 32 : i32
          %add3A_263 = vector.broadcast %add3A_262 : i32 to vector<16xi32>
          %add3A_264 = arith.addi %iota3A_261, %add3A_263 : vector<16xi32>
          %gather3A_265 = arith.constant 5 : i32
          %gather3A_266 = arith.constant 0 : i32
          %gather3A_267 = arith.constant 0 : i32
          %gather3A_268 = tpu.memref_slice %arg7[%gather3A_265, %gather3A_266, %gather3A_267] : memref<8x64x128xf32, #tpu.memory_space<vmem>> -> memref<1x64x128xf32, #tpu.memory_space<vmem>>
          %gather3A_269 = tpu.memref_squeeze %gather3A_268 : memref<1x64x128xf32, #tpu.memory_space<vmem>> -> memref<64x128xf32, #tpu.memory_space<vmem>>
          %gather3A_270 = tpu.vector_load_idx %gather3A_269[%add3A_264, %broadcast_in_dim3A_229] : memref<64x128xf32, #tpu.memory_space<vmem>>[vector<16xi32>, vector<16xi32>], vector<16xf32>,
          %mul3A_271 = arith.constant 64 : i32
          %mul3A_272 = arith.muli %add3A_221, %mul3A_271 : i32
          %add3A_273 = arith.constant 32 : i32
          %add3A_274 = arith.addi %mul3A_272, %add3A_273 : i32
          %swap3A_275 = arith.index_cast %add3A_274 : i32 to index
          %swap3A_276 = tpu.vector_load %arg8[%swap3A_275] {strides = array<i32>} : memref<32768xf32, #tpu.memory_space<vmem>>, vector<16xf32>,
          tpu.vector_store %arg8[%swap3A_275], %gather3A_270 {strides = array<i32>} : memref<32768xf32, #tpu.memory_space<vmem>>, vector<16xf32>,
          %iota3A_277 = tpu.iota {dimensions = array<i32: 0>} : vector<16xi32>
          %add3A_278 = arith.constant 48 : i32
          %add3A_279 = vector.broadcast %add3A_278 : i32 to vector<16xi32>
          %add3A_280 = arith.addi %iota3A_277, %add3A_279 : vector<16xi32>
          %gather3A_281 = arith.constant 5 : i32
          %gather3A_282 = arith.constant 0 : i32
          %gather3A_283 = arith.constant 0 : i32
          %gather3A_284 = tpu.memref_slice %arg7[%gather3A_281, %gather3A_282, %gather3A_283] : memref<8x64x128xf32, #tpu.memory_space<vmem>> -> memref<1x64x128xf32, #tpu.memory_space<vmem>>
          %gather3A_285 = tpu.memref_squeeze %gather3A_284 : memref<1x64x128xf32, #tpu.memory_space<vmem>> -> memref<64x128xf32, #tpu.memory_space<vmem>>
          %gather3A_286 = tpu.vector_load_idx %gather3A_285[%add3A_280, %broadcast_in_dim3A_229] : memref<64x128xf32, #tpu.memory_space<vmem>>[vector<16xi32>, vector<16xi32>], vector<16xf32>,
          %mul3A_287 = arith.constant 64 : i32
          %mul3A_288 = arith.muli %add3A_221, %mul3A_287 : i32
          %add3A_289 = arith.constant 48 : i32
          %add3A_290 = arith.addi %mul3A_288, %add3A_289 : i32
          %swap3A_291 = arith.index_cast %add3A_290 : i32 to index
          %swap3A_292 = tpu.vector_load %arg8[%swap3A_291] {strides = array<i32>} : memref<32768xf32, #tpu.memory_space<vmem>>, vector<16xf32>,
          tpu.vector_store %arg8[%swap3A_291], %gather3A_286 {strides = array<i32>} : memref<32768xf32, #tpu.memory_space<vmem>>, vector<16xf32>,
        }
        %while3A_219 = arith.constant 1 : i32
        scf.for %while3A_220 = %while3A_217 to %while3A_213 step %while3A_219  : i32 {
          %add3A_221 = arith.addi %squeeze3A, %while3A_220 : i32
          %add3A_222 = arith.constant 128 : i32
          %add3A_223 = arith.addi %add3A_221, %add3A_222 : i32
          %get3A_224 = arith.index_cast %add3A_223 : i32 to index
          %get3A_225 = tpu.vector_load %arg5[%get3A_224] {strides = array<i32>} : memref<672xi32, #tpu.memory_space<vmem>>, vector<16xi32>,
          %slice3A_226 = vector.extract_strided_slice %get3A_225 {offsets = [0], sizes = [1], strides = [1]} : vector<16xi32> to vector<1xi32>
          %squeeze3A_227 = vector.extract %slice3A_226[0] : i32 from vector<1xi32>
          %sub3A_228 = arith.subi %squeeze3A_227, %shift_left3A_208 : i32
          %broadcast_in_dim3A_229 = vector.broadcast %sub3A_228 : i32 to vector<16xi32>
          %iota3A_230 = tpu.iota {dimensions = array<i32: 0>} : vector<16xi32>
          %add3A_231 = arith.constant 0 : i32
          %add3A_232 = vector.broadcast %add3A_231 : i32 to vector<16xi32>
          %add3A_233 = arith.addi %iota3A_230, %add3A_232 : vector<16xi32>
          %gather3A = arith.constant 5 : i32
          %gather3A_234 = arith.constant 0 : i32
          %gather3A_235 = arith.constant 0 : i32
          %gather3A_236 = tpu.memref_slice %arg7[%gather3A, %gather3A_234, %gather3A_235] : memref<8x64x128xf32, #tpu.memory_space<vmem>> -> memref<1x64x128xf32, #tpu.memory_space<vmem>>
          %gather3A_237 = tpu.memref_squeeze %gather3A_236 : memref<1x64x128xf32, #tpu.memory_space<vmem>> -> memref<64x128xf32, #tpu.memory_space<vmem>>
          %gather3A_238 = tpu.vector_load_idx %gather3A_237[%add3A_233, %broadcast_in_dim3A_229] : memref<64x128xf32, #tpu.memory_space<vmem>>[vector<16xi32>, vector<16xi32>], vector<16xf32>,
          %mul3A_239 = arith.constant 64 : i32
          %mul3A_240 = arith.muli %add3A_221, %mul3A_239 : i32
          %add3A_241 = arith.constant 0 : i32
          %add3A_242 = arith.addi %mul3A_240, %add3A_241 : i32
          %swap3A_243 = arith.index_cast %add3A_242 : i32 to index
          %swap3A_244 = tpu.vector_load %arg8[%swap3A_243] {strides = array<i32>} : memref<32768xf32, #tpu.memory_space<vmem>>, vector<16xf32>,
          tpu.vector_store %arg8[%swap3A_243], %gather3A_238 {strides = array<i32>} : memref<32768xf32, #tpu.memory_space<vmem>>, vector<16xf32>,
          %iota3A_245 = tpu.iota {dimensions = array<i32: 0>} : vector<16xi32>
          %add3A_246 = arith.constant 16 : i32
          %add3A_247 = vector.broadcast %add3A_246 : i32 to vector<16xi32>
          %add3A_248 = arith.addi %iota3A_245, %add3A_247 : vector<16xi32>
          %gather3A_249 = arith.constant 5 : i32
          %gather3A_250 = arith.constant 0 : i32
          %gather3A_251 = arith.constant 0 : i32
          %gather3A_252 = tpu.memref_slice %arg7[%gather3A_249, %gather3A_250, %gather3A_251] : memref<8x64x128xf32, #tpu.memory_space<vmem>> -> memref<1x64x128xf32, #tpu.memory_space<vmem>>
          %gather3A_253 = tpu.memref_squeeze %gather3A_252 : memref<1x64x128xf32, #tpu.memory_space<vmem>> -> memref<64x128xf32, #tpu.memory_space<vmem>>
          %gather3A_254 = tpu.vector_load_idx %gather3A_253[%add3A_248, %broadcast_in_dim3A_229] : memref<64x128xf32, #tpu.memory_space<vmem>>[vector<16xi32>, vector<16xi32>], vector<16xf32>,
          %mul3A_255 = arith.constant 64 : i32
          %mul3A_256 = arith.muli %add3A_221, %mul3A_255 : i32
          %add3A_257 = arith.constant 16 : i32
          %add3A_258 = arith.addi %mul3A_256, %add3A_257 : i32
          %swap3A_259 = arith.index_cast %add3A_258 : i32 to index
          %swap3A_260 = tpu.vector_load %arg8[%swap3A_259] {strides = array<i32>} : memref<32768xf32, #tpu.memory_space<vmem>>, vector<16xf32>,
          tpu.vector_store %arg8[%swap3A_259], %gather3A_254 {strides = array<i32>} : memref<32768xf32, #tpu.memory_space<vmem>>, vector<16xf32>,
          %iota3A_261 = tpu.iota {dimensions = array<i32: 0>} : vector<16xi32>
          %add3A_262 = arith.constant 32 : i32
          %add3A_263 = vector.broadcast %add3A_262 : i32 to vector<16xi32>
          %add3A_264 = arith.addi %iota3A_261, %add3A_263 : vector<16xi32>
          %gather3A_265 = arith.constant 5 : i32
          %gather3A_266 = arith.constant 0 : i32
          %gather3A_267 = arith.constant 0 : i32
          %gather3A_268 = tpu.memref_slice %arg7[%gather3A_265, %gather3A_266, %gather3A_267] : memref<8x64x128xf32, #tpu.memory_space<vmem>> -> memref<1x64x128xf32, #tpu.memory_space<vmem>>
          %gather3A_269 = tpu.memref_squeeze %gather3A_268 : memref<1x64x128xf32, #tpu.memory_space<vmem>> -> memref<64x128xf32, #tpu.memory_space<vmem>>
          %gather3A_270 = tpu.vector_load_idx %gather3A_269[%add3A_264, %broadcast_in_dim3A_229] : memref<64x128xf32, #tpu.memory_space<vmem>>[vector<16xi32>, vector<16xi32>], vector<16xf32>,
          %mul3A_271 = arith.constant 64 : i32
          %mul3A_272 = arith.muli %add3A_221, %mul3A_271 : i32
          %add3A_273 = arith.constant 32 : i32
          %add3A_274 = arith.addi %mul3A_272, %add3A_273 : i32
          %swap3A_275 = arith.index_cast %add3A_274 : i32 to index
          %swap3A_276 = tpu.vector_load %arg8[%swap3A_275] {strides = array<i32>} : memref<32768xf32, #tpu.memory_space<vmem>>, vector<16xf32>,
          tpu.vector_store %arg8[%swap3A_275], %gather3A_270 {strides = array<i32>} : memref<32768xf32, #tpu.memory_space<vmem>>, vector<16xf32>,
          %iota3A_277 = tpu.iota {dimensions = array<i32: 0>} : vector<16xi32>
          %add3A_278 = arith.constant 48 : i32
          %add3A_279 = vector.broadcast %add3A_278 : i32 to vector<16xi32>
          %add3A_280 = arith.addi %iota3A_277, %add3A_279 : vector<16xi32>
          %gather3A_281 = arith.constant 5 : i32
          %gather3A_282 = arith.constant 0 : i32
          %gather3A_283 = arith.constant 0 : i32
          %gather3A_284 = tpu.memref_slice %arg7[%gather3A_281, %gather3A_282, %gather3A_283] : memref<8x64x128xf32, #tpu.memory_space<vmem>> -> memref<1x64x128xf32, #tpu.memory_space<vmem>>
          %gather3A_285 = tpu.memref_squeeze %gather3A_284 : memref<1x64x128xf32, #tpu.memory_space<vmem>> -> memref<64x128xf32, #tpu.memory_space<vmem>>
          %gather3A_286 = tpu.vector_load_idx %gather3A_285[%add3A_280, %broadcast_in_dim3A_229] : memref<64x128xf32, #tpu.memory_space<vmem>>[vector<16xi32>, vector<16xi32>], vector<16xf32>,
          %mul3A_287 = arith.constant 64 : i32
          %mul3A_288 = arith.muli %add3A_221, %mul3A_287 : i32
          %add3A_289 = arith.constant 48 : i32
          %add3A_290 = arith.addi %mul3A_288, %add3A_289 : i32
          %swap3A_291 = arith.index_cast %add3A_290 : i32 to index
          %swap3A_292 = tpu.vector_load %arg8[%swap3A_291] {strides = array<i32>} : memref<32768xf32, #tpu.memory_space<vmem>>, vector<16xf32>,
          tpu.vector_store %arg8[%swap3A_291], %gather3A_286 {strides = array<i32>} : memref<32768xf32, #tpu.memory_space<vmem>>, vector<16xf32>,
        }
      } else {
      }
      %add3A_150 = arith.constant 8 : i32
      %add3A_151 = arith.addi %add3A_145, %add3A_150 : i32
      %lt3A_152 = arith.cmpi slt, %add3A_151, %scan3A_7 : i32
      %convert_element_type3A_153 = arith.extui %lt3A_152 : i1 to i32
      %cond3A_154 = arith.constant 0 : i32
      %cond3A_155 = arith.cmpi ne, %convert_element_type3A_153, %cond3A_154 : i32
      scf.if %cond3A_155 {
        %get3A = arith.index_cast %add3A_151 : i32 to index
        %get3A_180 = tpu.vector_load %arg6[%get3A] {strides = array<i32>} : memref<672xi32, #tpu.memory_space<vmem>>, vector<16xi32>,
        %slice3A = vector.extract_strided_slice %get3A_180 {offsets = [0], sizes = [1], strides = [1]} : vector<16xi32> to vector<1xi32>
        %squeeze3A = vector.extract %slice3A[0] : i32 from vector<1xi32>
        %add3A_181 = arith.constant 128 : i32
        %add3A_182 = arith.addi %squeeze3A, %add3A_181 : i32
        %get3A_183 = arith.index_cast %add3A_182 : i32 to index
        %get3A_184 = tpu.vector_load %arg5[%get3A_183] {strides = array<i32>} : memref<672xi32, #tpu.memory_space<vmem>>, vector<16xi32>,
        %slice3A_185 = vector.extract_strided_slice %get3A_184 {offsets = [0], sizes = [1], strides = [1]} : vector<16xi32> to vector<1xi32>
        %squeeze3A_186 = vector.extract %slice3A_185[0] : i32 from vector<1xi32>
        %shift_right_arithmetic3A = arith.constant 7 : i32
        %shift_right_arithmetic3A_187 = arith.shrsi %squeeze3A_186, %shift_right_arithmetic3A : i32
        %shift_left3A = arith.constant 7 : i32
        %shift_left3A_188 = arith.shli %shift_right_arithmetic3A_187, %shift_left3A : i32
        %multiple_of3A = tpu.assume_multiple %shift_left3A_188, 128 : i32
        %dma_start3A = arith.constant 5 : i32
        %dma_start3A_189 = arith.constant 0 : i32
        %dma_start3A_190 = arith.constant 0 : i32
        %dma_start3A_191 = tpu.memref_slice %arg7[%dma_start3A, %dma_start3A_189, %dma_start3A_190] : memref<8x64x128xf32, #tpu.memory_space<vmem>> -> memref<1x64x128xf32, #tpu.memory_space<vmem>>
        %dma_start3A_192 = tpu.memref_squeeze %dma_start3A_191 : memref<1x64x128xf32, #tpu.memory_space<vmem>> -> memref<64x128xf32, #tpu.memory_space<vmem>>
        %dma_start3A_193 = arith.constant 0 : i32
        %dma_start3A_194 = tpu.memref_slice %arg2[%dma_start3A_193, %multiple_of3A] : memref<64x1000000xf32, #tpu.memory_space<hbm>> -> memref<64x128xf32, #tpu.memory_space<hbm>>
        %dma_start3A_195 = arith.constant 0 : i32
        %dma_start3A_196 = arith.constant 0 : i32
        %dma_start3A_197 = tpu.memref_slice %arg7[%dma_start3A, %dma_start3A_195, %dma_start3A_196] : memref<8x64x128xf32, #tpu.memory_space<vmem>> -> memref<1x64x128xf32, #tpu.memory_space<vmem>>
        %dma_start3A_198 = tpu.memref_squeeze %dma_start3A_197 : memref<1x64x128xf32, #tpu.memory_space<vmem>> -> memref<64x128xf32, #tpu.memory_space<vmem>>
        %dma_start3A_199 = arith.constant 0 : i32
        %dma_start3A_200 = tpu.memref_slice %arg2[%dma_start3A_199, %multiple_of3A] : memref<64x1000000xf32, #tpu.memory_space<hbm>> -> memref<64x128xf32, #tpu.memory_space<hbm>>
        tpu.enqueue_dma source(%dma_start3A_200 : memref<64x128xf32, #tpu.memory_space<hbm>>) target(%dma_start3A_198 : memref<64x128xf32, #tpu.memory_space<vmem>>) target_semaphore(%arg14 : memref<!tpu.dma_semaphore, #tpu.memory_space<semaphore_mem>>)
      } else {
      }
      %add3A_156 = arith.constant 6 : i32
      %add3A_157 = arith.addi %mul3A_84, %add3A_156 : i32
      %lt3A_158 = arith.cmpi slt, %add3A_157, %scan3A_7 : i32
      %convert_element_type3A_159 = arith.extui %lt3A_158 : i1 to i32
      %cond3A_160 = arith.constant 0 : i32
      %cond3A_161 = arith.cmpi ne, %convert_element_type3A_159, %cond3A_160 : i32
      scf.if %cond3A_161 {
        %dma_wait3A = arith.constant 6 : i32
        %dma_wait3A_180 = arith.constant 0 : i32
        %dma_wait3A_181 = arith.constant 0 : i32
        %dma_wait3A_182 = tpu.memref_slice %arg7[%dma_wait3A, %dma_wait3A_180, %dma_wait3A_181] : memref<8x64x128xf32, #tpu.memory_space<vmem>> -> memref<1x64x128xf32, #tpu.memory_space<vmem>>
        %dma_wait3A_183 = tpu.memref_squeeze %dma_wait3A_182 : memref<1x64x128xf32, #tpu.memory_space<vmem>> -> memref<64x128xf32, #tpu.memory_space<vmem>>
        %dma_wait3A_184 = arith.constant 0 : i32
        %dma_wait3A_185 = arith.constant 0 : i32
        %dma_wait3A_186 = tpu.memref_slice %arg2[%dma_wait3A_184, %dma_wait3A_185] : memref<64x1000000xf32, #tpu.memory_space<hbm>> -> memref<64x128xf32, #tpu.memory_space<hbm>>
        %dma_wait3A_187 = arith.constant 0 : i32
        %dma_wait3A_188 = arith.constant 0 : i32
        %dma_wait3A_189 = tpu.memref_slice %arg7[%dma_wait3A, %dma_wait3A_187, %dma_wait3A_188] : memref<8x64x128xf32, #tpu.memory_space<vmem>> -> memref<1x64x128xf32, #tpu.memory_space<vmem>>
        %dma_wait3A_190 = tpu.memref_squeeze %dma_wait3A_189 : memref<1x64x128xf32, #tpu.memory_space<vmem>> -> memref<64x128xf32, #tpu.memory_space<vmem>>
        %dma_wait3A_191 = arith.constant 0 : i32
        %dma_wait3A_192 = arith.constant 0 : i32
        %dma_wait3A_193 = tpu.memref_slice %arg2[%dma_wait3A_191, %dma_wait3A_192] : memref<64x1000000xf32, #tpu.memory_space<hbm>> -> memref<64x128xf32, #tpu.memory_space<hbm>>
        tpu.wait_dma2 semaphore(%arg15 : memref<!tpu.dma_semaphore, #tpu.memory_space<semaphore_mem>>) src(%dma_wait3A_193 : memref<64x128xf32, #tpu.memory_space<hbm>>) dst(%dma_wait3A_190 : memref<64x128xf32, #tpu.memory_space<vmem>>)
        %get3A = arith.index_cast %add3A_157 : i32 to index
        %get3A_194 = tpu.vector_load %arg6[%get3A] {strides = array<i32>} : memref<672xi32, #tpu.memory_space<vmem>>, vector<16xi32>,
        %slice3A = vector.extract_strided_slice %get3A_194 {offsets = [0], sizes = [1], strides = [1]} : vector<16xi32> to vector<1xi32>
        %squeeze3A = vector.extract %slice3A[0] : i32 from vector<1xi32>
        %add3A_195 = arith.constant 1 : i32
        %add3A_196 = arith.addi %add3A_157, %add3A_195 : i32
        %get3A_197 = arith.index_cast %add3A_196 : i32 to index
        %get3A_198 = tpu.vector_load %arg6[%get3A_197] {strides = array<i32>} : memref<672xi32, #tpu.memory_space<vmem>>, vector<16xi32>,
        %slice3A_199 = vector.extract_strided_slice %get3A_198 {offsets = [0], sizes = [1], strides = [1]} : vector<16xi32> to vector<1xi32>
        %squeeze3A_200 = vector.extract %slice3A_199[0] : i32 from vector<1xi32>
        %add3A_201 = arith.constant 128 : i32
        %add3A_202 = arith.addi %squeeze3A, %add3A_201 : i32
        %get3A_203 = arith.index_cast %add3A_202 : i32 to index
        %get3A_204 = tpu.vector_load %arg5[%get3A_203] {strides = array<i32>} : memref<672xi32, #tpu.memory_space<vmem>>, vector<16xi32>,
        %slice3A_205 = vector.extract_strided_slice %get3A_204 {offsets = [0], sizes = [1], strides = [1]} : vector<16xi32> to vector<1xi32>
        %squeeze3A_206 = vector.extract %slice3A_205[0] : i32 from vector<1xi32>
        %shift_right_arithmetic3A = arith.constant 7 : i32
        %shift_right_arithmetic3A_207 = arith.shrsi %squeeze3A_206, %shift_right_arithmetic3A : i32
        %shift_left3A = arith.constant 7 : i32
        %shift_left3A_208 = arith.shli %shift_right_arithmetic3A_207, %shift_left3A : i32
        %sub3A_209 = arith.subi %squeeze3A_200, %squeeze3A : i32
        %while3A_210 = arith.constant 0 : i32
        %while3A_211 = arith.constant 0 : i32
        %while3A_212 = arith.subi %sub3A_209, %while3A_211 : i32
        %while3A_213 = arith.addi %while3A_211, %while3A_212 : i32
        %while3A_214 = arith.constant 1 : i32
        %while3A_215 = arith.divsi %while3A_212, %while3A_214 : i32
        %while3A_216 = arith.muli %while3A_215, %while3A_214 : i32
        %while3A_217 = arith.addi %while3A_211, %while3A_216 : i32
        %while3A_218 = arith.constant 1 : i32
        scf.for %while3A_220 = %while3A_211 to %while3A_217 step %while3A_218  : i32 {
          %add3A_221 = arith.addi %squeeze3A, %while3A_220 : i32
          %add3A_222 = arith.constant 128 : i32
          %add3A_223 = arith.addi %add3A_221, %add3A_222 : i32
          %get3A_224 = arith.index_cast %add3A_223 : i32 to index
          %get3A_225 = tpu.vector_load %arg5[%get3A_224] {strides = array<i32>} : memref<672xi32, #tpu.memory_space<vmem>>, vector<16xi32>,
          %slice3A_226 = vector.extract_strided_slice %get3A_225 {offsets = [0], sizes = [1], strides = [1]} : vector<16xi32> to vector<1xi32>
          %squeeze3A_227 = vector.extract %slice3A_226[0] : i32 from vector<1xi32>
          %sub3A_228 = arith.subi %squeeze3A_227, %shift_left3A_208 : i32
          %broadcast_in_dim3A_229 = vector.broadcast %sub3A_228 : i32 to vector<16xi32>
          %iota3A_230 = tpu.iota {dimensions = array<i32: 0>} : vector<16xi32>
          %add3A_231 = arith.constant 0 : i32
          %add3A_232 = vector.broadcast %add3A_231 : i32 to vector<16xi32>
          %add3A_233 = arith.addi %iota3A_230, %add3A_232 : vector<16xi32>
          %gather3A = arith.constant 6 : i32
          %gather3A_234 = arith.constant 0 : i32
          %gather3A_235 = arith.constant 0 : i32
          %gather3A_236 = tpu.memref_slice %arg7[%gather3A, %gather3A_234, %gather3A_235] : memref<8x64x128xf32, #tpu.memory_space<vmem>> -> memref<1x64x128xf32, #tpu.memory_space<vmem>>
          %gather3A_237 = tpu.memref_squeeze %gather3A_236 : memref<1x64x128xf32, #tpu.memory_space<vmem>> -> memref<64x128xf32, #tpu.memory_space<vmem>>
          %gather3A_238 = tpu.vector_load_idx %gather3A_237[%add3A_233, %broadcast_in_dim3A_229] : memref<64x128xf32, #tpu.memory_space<vmem>>[vector<16xi32>, vector<16xi32>], vector<16xf32>,
          %mul3A_239 = arith.constant 64 : i32
          %mul3A_240 = arith.muli %add3A_221, %mul3A_239 : i32
          %add3A_241 = arith.constant 0 : i32
          %add3A_242 = arith.addi %mul3A_240, %add3A_241 : i32
          %swap3A_243 = arith.index_cast %add3A_242 : i32 to index
          %swap3A_244 = tpu.vector_load %arg8[%swap3A_243] {strides = array<i32>} : memref<32768xf32, #tpu.memory_space<vmem>>, vector<16xf32>,
          tpu.vector_store %arg8[%swap3A_243], %gather3A_238 {strides = array<i32>} : memref<32768xf32, #tpu.memory_space<vmem>>, vector<16xf32>,
          %iota3A_245 = tpu.iota {dimensions = array<i32: 0>} : vector<16xi32>
          %add3A_246 = arith.constant 16 : i32
          %add3A_247 = vector.broadcast %add3A_246 : i32 to vector<16xi32>
          %add3A_248 = arith.addi %iota3A_245, %add3A_247 : vector<16xi32>
          %gather3A_249 = arith.constant 6 : i32
          %gather3A_250 = arith.constant 0 : i32
          %gather3A_251 = arith.constant 0 : i32
          %gather3A_252 = tpu.memref_slice %arg7[%gather3A_249, %gather3A_250, %gather3A_251] : memref<8x64x128xf32, #tpu.memory_space<vmem>> -> memref<1x64x128xf32, #tpu.memory_space<vmem>>
          %gather3A_253 = tpu.memref_squeeze %gather3A_252 : memref<1x64x128xf32, #tpu.memory_space<vmem>> -> memref<64x128xf32, #tpu.memory_space<vmem>>
          %gather3A_254 = tpu.vector_load_idx %gather3A_253[%add3A_248, %broadcast_in_dim3A_229] : memref<64x128xf32, #tpu.memory_space<vmem>>[vector<16xi32>, vector<16xi32>], vector<16xf32>,
          %mul3A_255 = arith.constant 64 : i32
          %mul3A_256 = arith.muli %add3A_221, %mul3A_255 : i32
          %add3A_257 = arith.constant 16 : i32
          %add3A_258 = arith.addi %mul3A_256, %add3A_257 : i32
          %swap3A_259 = arith.index_cast %add3A_258 : i32 to index
          %swap3A_260 = tpu.vector_load %arg8[%swap3A_259] {strides = array<i32>} : memref<32768xf32, #tpu.memory_space<vmem>>, vector<16xf32>,
          tpu.vector_store %arg8[%swap3A_259], %gather3A_254 {strides = array<i32>} : memref<32768xf32, #tpu.memory_space<vmem>>, vector<16xf32>,
          %iota3A_261 = tpu.iota {dimensions = array<i32: 0>} : vector<16xi32>
          %add3A_262 = arith.constant 32 : i32
          %add3A_263 = vector.broadcast %add3A_262 : i32 to vector<16xi32>
          %add3A_264 = arith.addi %iota3A_261, %add3A_263 : vector<16xi32>
          %gather3A_265 = arith.constant 6 : i32
          %gather3A_266 = arith.constant 0 : i32
          %gather3A_267 = arith.constant 0 : i32
          %gather3A_268 = tpu.memref_slice %arg7[%gather3A_265, %gather3A_266, %gather3A_267] : memref<8x64x128xf32, #tpu.memory_space<vmem>> -> memref<1x64x128xf32, #tpu.memory_space<vmem>>
          %gather3A_269 = tpu.memref_squeeze %gather3A_268 : memref<1x64x128xf32, #tpu.memory_space<vmem>> -> memref<64x128xf32, #tpu.memory_space<vmem>>
          %gather3A_270 = tpu.vector_load_idx %gather3A_269[%add3A_264, %broadcast_in_dim3A_229] : memref<64x128xf32, #tpu.memory_space<vmem>>[vector<16xi32>, vector<16xi32>], vector<16xf32>,
          %mul3A_271 = arith.constant 64 : i32
          %mul3A_272 = arith.muli %add3A_221, %mul3A_271 : i32
          %add3A_273 = arith.constant 32 : i32
          %add3A_274 = arith.addi %mul3A_272, %add3A_273 : i32
          %swap3A_275 = arith.index_cast %add3A_274 : i32 to index
          %swap3A_276 = tpu.vector_load %arg8[%swap3A_275] {strides = array<i32>} : memref<32768xf32, #tpu.memory_space<vmem>>, vector<16xf32>,
          tpu.vector_store %arg8[%swap3A_275], %gather3A_270 {strides = array<i32>} : memref<32768xf32, #tpu.memory_space<vmem>>, vector<16xf32>,
          %iota3A_277 = tpu.iota {dimensions = array<i32: 0>} : vector<16xi32>
          %add3A_278 = arith.constant 48 : i32
          %add3A_279 = vector.broadcast %add3A_278 : i32 to vector<16xi32>
          %add3A_280 = arith.addi %iota3A_277, %add3A_279 : vector<16xi32>
          %gather3A_281 = arith.constant 6 : i32
          %gather3A_282 = arith.constant 0 : i32
          %gather3A_283 = arith.constant 0 : i32
          %gather3A_284 = tpu.memref_slice %arg7[%gather3A_281, %gather3A_282, %gather3A_283] : memref<8x64x128xf32, #tpu.memory_space<vmem>> -> memref<1x64x128xf32, #tpu.memory_space<vmem>>
          %gather3A_285 = tpu.memref_squeeze %gather3A_284 : memref<1x64x128xf32, #tpu.memory_space<vmem>> -> memref<64x128xf32, #tpu.memory_space<vmem>>
          %gather3A_286 = tpu.vector_load_idx %gather3A_285[%add3A_280, %broadcast_in_dim3A_229] : memref<64x128xf32, #tpu.memory_space<vmem>>[vector<16xi32>, vector<16xi32>], vector<16xf32>,
          %mul3A_287 = arith.constant 64 : i32
          %mul3A_288 = arith.muli %add3A_221, %mul3A_287 : i32
          %add3A_289 = arith.constant 48 : i32
          %add3A_290 = arith.addi %mul3A_288, %add3A_289 : i32
          %swap3A_291 = arith.index_cast %add3A_290 : i32 to index
          %swap3A_292 = tpu.vector_load %arg8[%swap3A_291] {strides = array<i32>} : memref<32768xf32, #tpu.memory_space<vmem>>, vector<16xf32>,
          tpu.vector_store %arg8[%swap3A_291], %gather3A_286 {strides = array<i32>} : memref<32768xf32, #tpu.memory_space<vmem>>, vector<16xf32>,
        }
        %while3A_219 = arith.constant 1 : i32
        scf.for %while3A_220 = %while3A_217 to %while3A_213 step %while3A_219  : i32 {
          %add3A_221 = arith.addi %squeeze3A, %while3A_220 : i32
          %add3A_222 = arith.constant 128 : i32
          %add3A_223 = arith.addi %add3A_221, %add3A_222 : i32
          %get3A_224 = arith.index_cast %add3A_223 : i32 to index
          %get3A_225 = tpu.vector_load %arg5[%get3A_224] {strides = array<i32>} : memref<672xi32, #tpu.memory_space<vmem>>, vector<16xi32>,
          %slice3A_226 = vector.extract_strided_slice %get3A_225 {offsets = [0], sizes = [1], strides = [1]} : vector<16xi32> to vector<1xi32>
          %squeeze3A_227 = vector.extract %slice3A_226[0] : i32 from vector<1xi32>
          %sub3A_228 = arith.subi %squeeze3A_227, %shift_left3A_208 : i32
          %broadcast_in_dim3A_229 = vector.broadcast %sub3A_228 : i32 to vector<16xi32>
          %iota3A_230 = tpu.iota {dimensions = array<i32: 0>} : vector<16xi32>
          %add3A_231 = arith.constant 0 : i32
          %add3A_232 = vector.broadcast %add3A_231 : i32 to vector<16xi32>
          %add3A_233 = arith.addi %iota3A_230, %add3A_232 : vector<16xi32>
          %gather3A = arith.constant 6 : i32
          %gather3A_234 = arith.constant 0 : i32
          %gather3A_235 = arith.constant 0 : i32
          %gather3A_236 = tpu.memref_slice %arg7[%gather3A, %gather3A_234, %gather3A_235] : memref<8x64x128xf32, #tpu.memory_space<vmem>> -> memref<1x64x128xf32, #tpu.memory_space<vmem>>
          %gather3A_237 = tpu.memref_squeeze %gather3A_236 : memref<1x64x128xf32, #tpu.memory_space<vmem>> -> memref<64x128xf32, #tpu.memory_space<vmem>>
          %gather3A_238 = tpu.vector_load_idx %gather3A_237[%add3A_233, %broadcast_in_dim3A_229] : memref<64x128xf32, #tpu.memory_space<vmem>>[vector<16xi32>, vector<16xi32>], vector<16xf32>,
          %mul3A_239 = arith.constant 64 : i32
          %mul3A_240 = arith.muli %add3A_221, %mul3A_239 : i32
          %add3A_241 = arith.constant 0 : i32
          %add3A_242 = arith.addi %mul3A_240, %add3A_241 : i32
          %swap3A_243 = arith.index_cast %add3A_242 : i32 to index
          %swap3A_244 = tpu.vector_load %arg8[%swap3A_243] {strides = array<i32>} : memref<32768xf32, #tpu.memory_space<vmem>>, vector<16xf32>,
          tpu.vector_store %arg8[%swap3A_243], %gather3A_238 {strides = array<i32>} : memref<32768xf32, #tpu.memory_space<vmem>>, vector<16xf32>,
          %iota3A_245 = tpu.iota {dimensions = array<i32: 0>} : vector<16xi32>
          %add3A_246 = arith.constant 16 : i32
          %add3A_247 = vector.broadcast %add3A_246 : i32 to vector<16xi32>
          %add3A_248 = arith.addi %iota3A_245, %add3A_247 : vector<16xi32>
          %gather3A_249 = arith.constant 6 : i32
          %gather3A_250 = arith.constant 0 : i32
          %gather3A_251 = arith.constant 0 : i32
          %gather3A_252 = tpu.memref_slice %arg7[%gather3A_249, %gather3A_250, %gather3A_251] : memref<8x64x128xf32, #tpu.memory_space<vmem>> -> memref<1x64x128xf32, #tpu.memory_space<vmem>>
          %gather3A_253 = tpu.memref_squeeze %gather3A_252 : memref<1x64x128xf32, #tpu.memory_space<vmem>> -> memref<64x128xf32, #tpu.memory_space<vmem>>
          %gather3A_254 = tpu.vector_load_idx %gather3A_253[%add3A_248, %broadcast_in_dim3A_229] : memref<64x128xf32, #tpu.memory_space<vmem>>[vector<16xi32>, vector<16xi32>], vector<16xf32>,
          %mul3A_255 = arith.constant 64 : i32
          %mul3A_256 = arith.muli %add3A_221, %mul3A_255 : i32
          %add3A_257 = arith.constant 16 : i32
          %add3A_258 = arith.addi %mul3A_256, %add3A_257 : i32
          %swap3A_259 = arith.index_cast %add3A_258 : i32 to index
          %swap3A_260 = tpu.vector_load %arg8[%swap3A_259] {strides = array<i32>} : memref<32768xf32, #tpu.memory_space<vmem>>, vector<16xf32>,
          tpu.vector_store %arg8[%swap3A_259], %gather3A_254 {strides = array<i32>} : memref<32768xf32, #tpu.memory_space<vmem>>, vector<16xf32>,
          %iota3A_261 = tpu.iota {dimensions = array<i32: 0>} : vector<16xi32>
          %add3A_262 = arith.constant 32 : i32
          %add3A_263 = vector.broadcast %add3A_262 : i32 to vector<16xi32>
          %add3A_264 = arith.addi %iota3A_261, %add3A_263 : vector<16xi32>
          %gather3A_265 = arith.constant 6 : i32
          %gather3A_266 = arith.constant 0 : i32
          %gather3A_267 = arith.constant 0 : i32
          %gather3A_268 = tpu.memref_slice %arg7[%gather3A_265, %gather3A_266, %gather3A_267] : memref<8x64x128xf32, #tpu.memory_space<vmem>> -> memref<1x64x128xf32, #tpu.memory_space<vmem>>
          %gather3A_269 = tpu.memref_squeeze %gather3A_268 : memref<1x64x128xf32, #tpu.memory_space<vmem>> -> memref<64x128xf32, #tpu.memory_space<vmem>>
          %gather3A_270 = tpu.vector_load_idx %gather3A_269[%add3A_264, %broadcast_in_dim3A_229] : memref<64x128xf32, #tpu.memory_space<vmem>>[vector<16xi32>, vector<16xi32>], vector<16xf32>,
          %mul3A_271 = arith.constant 64 : i32
          %mul3A_272 = arith.muli %add3A_221, %mul3A_271 : i32
          %add3A_273 = arith.constant 32 : i32
          %add3A_274 = arith.addi %mul3A_272, %add3A_273 : i32
          %swap3A_275 = arith.index_cast %add3A_274 : i32 to index
          %swap3A_276 = tpu.vector_load %arg8[%swap3A_275] {strides = array<i32>} : memref<32768xf32, #tpu.memory_space<vmem>>, vector<16xf32>,
          tpu.vector_store %arg8[%swap3A_275], %gather3A_270 {strides = array<i32>} : memref<32768xf32, #tpu.memory_space<vmem>>, vector<16xf32>,
          %iota3A_277 = tpu.iota {dimensions = array<i32: 0>} : vector<16xi32>
          %add3A_278 = arith.constant 48 : i32
          %add3A_279 = vector.broadcast %add3A_278 : i32 to vector<16xi32>
          %add3A_280 = arith.addi %iota3A_277, %add3A_279 : vector<16xi32>
          %gather3A_281 = arith.constant 6 : i32
          %gather3A_282 = arith.constant 0 : i32
          %gather3A_283 = arith.constant 0 : i32
          %gather3A_284 = tpu.memref_slice %arg7[%gather3A_281, %gather3A_282, %gather3A_283] : memref<8x64x128xf32, #tpu.memory_space<vmem>> -> memref<1x64x128xf32, #tpu.memory_space<vmem>>
          %gather3A_285 = tpu.memref_squeeze %gather3A_284 : memref<1x64x128xf32, #tpu.memory_space<vmem>> -> memref<64x128xf32, #tpu.memory_space<vmem>>
          %gather3A_286 = tpu.vector_load_idx %gather3A_285[%add3A_280, %broadcast_in_dim3A_229] : memref<64x128xf32, #tpu.memory_space<vmem>>[vector<16xi32>, vector<16xi32>], vector<16xf32>,
          %mul3A_287 = arith.constant 64 : i32
          %mul3A_288 = arith.muli %add3A_221, %mul3A_287 : i32
          %add3A_289 = arith.constant 48 : i32
          %add3A_290 = arith.addi %mul3A_288, %add3A_289 : i32
          %swap3A_291 = arith.index_cast %add3A_290 : i32 to index
          %swap3A_292 = tpu.vector_load %arg8[%swap3A_291] {strides = array<i32>} : memref<32768xf32, #tpu.memory_space<vmem>>, vector<16xf32>,
          tpu.vector_store %arg8[%swap3A_291], %gather3A_286 {strides = array<i32>} : memref<32768xf32, #tpu.memory_space<vmem>>, vector<16xf32>,
        }
      } else {
      }
      %add3A_162 = arith.constant 8 : i32
      %add3A_163 = arith.addi %add3A_157, %add3A_162 : i32
      %lt3A_164 = arith.cmpi slt, %add3A_163, %scan3A_7 : i32
      %convert_element_type3A_165 = arith.extui %lt3A_164 : i1 to i32
      %cond3A_166 = arith.constant 0 : i32
      %cond3A_167 = arith.cmpi ne, %convert_element_type3A_165, %cond3A_166 : i32
      scf.if %cond3A_167 {
        %get3A = arith.index_cast %add3A_163 : i32 to index
        %get3A_180 = tpu.vector_load %arg6[%get3A] {strides = array<i32>} : memref<672xi32, #tpu.memory_space<vmem>>, vector<16xi32>,
        %slice3A = vector.extract_strided_slice %get3A_180 {offsets = [0], sizes = [1], strides = [1]} : vector<16xi32> to vector<1xi32>
        %squeeze3A = vector.extract %slice3A[0] : i32 from vector<1xi32>
        %add3A_181 = arith.constant 128 : i32
        %add3A_182 = arith.addi %squeeze3A, %add3A_181 : i32
        %get3A_183 = arith.index_cast %add3A_182 : i32 to index
        %get3A_184 = tpu.vector_load %arg5[%get3A_183] {strides = array<i32>} : memref<672xi32, #tpu.memory_space<vmem>>, vector<16xi32>,
        %slice3A_185 = vector.extract_strided_slice %get3A_184 {offsets = [0], sizes = [1], strides = [1]} : vector<16xi32> to vector<1xi32>
        %squeeze3A_186 = vector.extract %slice3A_185[0] : i32 from vector<1xi32>
        %shift_right_arithmetic3A = arith.constant 7 : i32
        %shift_right_arithmetic3A_187 = arith.shrsi %squeeze3A_186, %shift_right_arithmetic3A : i32
        %shift_left3A = arith.constant 7 : i32
        %shift_left3A_188 = arith.shli %shift_right_arithmetic3A_187, %shift_left3A : i32
        %multiple_of3A = tpu.assume_multiple %shift_left3A_188, 128 : i32
        %dma_start3A = arith.constant 6 : i32
        %dma_start3A_189 = arith.constant 0 : i32
        %dma_start3A_190 = arith.constant 0 : i32
        %dma_start3A_191 = tpu.memref_slice %arg7[%dma_start3A, %dma_start3A_189, %dma_start3A_190] : memref<8x64x128xf32, #tpu.memory_space<vmem>> -> memref<1x64x128xf32, #tpu.memory_space<vmem>>
        %dma_start3A_192 = tpu.memref_squeeze %dma_start3A_191 : memref<1x64x128xf32, #tpu.memory_space<vmem>> -> memref<64x128xf32, #tpu.memory_space<vmem>>
        %dma_start3A_193 = arith.constant 0 : i32
        %dma_start3A_194 = tpu.memref_slice %arg2[%dma_start3A_193, %multiple_of3A] : memref<64x1000000xf32, #tpu.memory_space<hbm>> -> memref<64x128xf32, #tpu.memory_space<hbm>>
        %dma_start3A_195 = arith.constant 0 : i32
        %dma_start3A_196 = arith.constant 0 : i32
        %dma_start3A_197 = tpu.memref_slice %arg7[%dma_start3A, %dma_start3A_195, %dma_start3A_196] : memref<8x64x128xf32, #tpu.memory_space<vmem>> -> memref<1x64x128xf32, #tpu.memory_space<vmem>>
        %dma_start3A_198 = tpu.memref_squeeze %dma_start3A_197 : memref<1x64x128xf32, #tpu.memory_space<vmem>> -> memref<64x128xf32, #tpu.memory_space<vmem>>
        %dma_start3A_199 = arith.constant 0 : i32
        %dma_start3A_200 = tpu.memref_slice %arg2[%dma_start3A_199, %multiple_of3A] : memref<64x1000000xf32, #tpu.memory_space<hbm>> -> memref<64x128xf32, #tpu.memory_space<hbm>>
        tpu.enqueue_dma source(%dma_start3A_200 : memref<64x128xf32, #tpu.memory_space<hbm>>) target(%dma_start3A_198 : memref<64x128xf32, #tpu.memory_space<vmem>>) target_semaphore(%arg15 : memref<!tpu.dma_semaphore, #tpu.memory_space<semaphore_mem>>)
      } else {
      }
      %add3A_168 = arith.constant 7 : i32
      %add3A_169 = arith.addi %mul3A_84, %add3A_168 : i32
      %lt3A_170 = arith.cmpi slt, %add3A_169, %scan3A_7 : i32
      %convert_element_type3A_171 = arith.extui %lt3A_170 : i1 to i32
      %cond3A_172 = arith.constant 0 : i32
      %cond3A_173 = arith.cmpi ne, %convert_element_type3A_171, %cond3A_172 : i32
      scf.if %cond3A_173 {
        %dma_wait3A = arith.constant 7 : i32
        %dma_wait3A_180 = arith.constant 0 : i32
        %dma_wait3A_181 = arith.constant 0 : i32
        %dma_wait3A_182 = tpu.memref_slice %arg7[%dma_wait3A, %dma_wait3A_180, %dma_wait3A_181] : memref<8x64x128xf32, #tpu.memory_space<vmem>> -> memref<1x64x128xf32, #tpu.memory_space<vmem>>
        %dma_wait3A_183 = tpu.memref_squeeze %dma_wait3A_182 : memref<1x64x128xf32, #tpu.memory_space<vmem>> -> memref<64x128xf32, #tpu.memory_space<vmem>>
        %dma_wait3A_184 = arith.constant 0 : i32
        %dma_wait3A_185 = arith.constant 0 : i32
        %dma_wait3A_186 = tpu.memref_slice %arg2[%dma_wait3A_184, %dma_wait3A_185] : memref<64x1000000xf32, #tpu.memory_space<hbm>> -> memref<64x128xf32, #tpu.memory_space<hbm>>
        %dma_wait3A_187 = arith.constant 0 : i32
        %dma_wait3A_188 = arith.constant 0 : i32
        %dma_wait3A_189 = tpu.memref_slice %arg7[%dma_wait3A, %dma_wait3A_187, %dma_wait3A_188] : memref<8x64x128xf32, #tpu.memory_space<vmem>> -> memref<1x64x128xf32, #tpu.memory_space<vmem>>
        %dma_wait3A_190 = tpu.memref_squeeze %dma_wait3A_189 : memref<1x64x128xf32, #tpu.memory_space<vmem>> -> memref<64x128xf32, #tpu.memory_space<vmem>>
        %dma_wait3A_191 = arith.constant 0 : i32
        %dma_wait3A_192 = arith.constant 0 : i32
        %dma_wait3A_193 = tpu.memref_slice %arg2[%dma_wait3A_191, %dma_wait3A_192] : memref<64x1000000xf32, #tpu.memory_space<hbm>> -> memref<64x128xf32, #tpu.memory_space<hbm>>
        tpu.wait_dma2 semaphore(%arg16 : memref<!tpu.dma_semaphore, #tpu.memory_space<semaphore_mem>>) src(%dma_wait3A_193 : memref<64x128xf32, #tpu.memory_space<hbm>>) dst(%dma_wait3A_190 : memref<64x128xf32, #tpu.memory_space<vmem>>)
        %get3A = arith.index_cast %add3A_169 : i32 to index
        %get3A_194 = tpu.vector_load %arg6[%get3A] {strides = array<i32>} : memref<672xi32, #tpu.memory_space<vmem>>, vector<16xi32>,
        %slice3A = vector.extract_strided_slice %get3A_194 {offsets = [0], sizes = [1], strides = [1]} : vector<16xi32> to vector<1xi32>
        %squeeze3A = vector.extract %slice3A[0] : i32 from vector<1xi32>
        %add3A_195 = arith.constant 1 : i32
        %add3A_196 = arith.addi %add3A_169, %add3A_195 : i32
        %get3A_197 = arith.index_cast %add3A_196 : i32 to index
        %get3A_198 = tpu.vector_load %arg6[%get3A_197] {strides = array<i32>} : memref<672xi32, #tpu.memory_space<vmem>>, vector<16xi32>,
        %slice3A_199 = vector.extract_strided_slice %get3A_198 {offsets = [0], sizes = [1], strides = [1]} : vector<16xi32> to vector<1xi32>
        %squeeze3A_200 = vector.extract %slice3A_199[0] : i32 from vector<1xi32>
        %add3A_201 = arith.constant 128 : i32
        %add3A_202 = arith.addi %squeeze3A, %add3A_201 : i32
        %get3A_203 = arith.index_cast %add3A_202 : i32 to index
        %get3A_204 = tpu.vector_load %arg5[%get3A_203] {strides = array<i32>} : memref<672xi32, #tpu.memory_space<vmem>>, vector<16xi32>,
        %slice3A_205 = vector.extract_strided_slice %get3A_204 {offsets = [0], sizes = [1], strides = [1]} : vector<16xi32> to vector<1xi32>
        %squeeze3A_206 = vector.extract %slice3A_205[0] : i32 from vector<1xi32>
        %shift_right_arithmetic3A = arith.constant 7 : i32
        %shift_right_arithmetic3A_207 = arith.shrsi %squeeze3A_206, %shift_right_arithmetic3A : i32
        %shift_left3A = arith.constant 7 : i32
        %shift_left3A_208 = arith.shli %shift_right_arithmetic3A_207, %shift_left3A : i32
        %sub3A_209 = arith.subi %squeeze3A_200, %squeeze3A : i32
        %while3A_210 = arith.constant 0 : i32
        %while3A_211 = arith.constant 0 : i32
        %while3A_212 = arith.subi %sub3A_209, %while3A_211 : i32
        %while3A_213 = arith.addi %while3A_211, %while3A_212 : i32
        %while3A_214 = arith.constant 1 : i32
        %while3A_215 = arith.divsi %while3A_212, %while3A_214 : i32
        %while3A_216 = arith.muli %while3A_215, %while3A_214 : i32
        %while3A_217 = arith.addi %while3A_211, %while3A_216 : i32
        %while3A_218 = arith.constant 1 : i32
        scf.for %while3A_220 = %while3A_211 to %while3A_217 step %while3A_218  : i32 {
          %add3A_221 = arith.addi %squeeze3A, %while3A_220 : i32
          %add3A_222 = arith.constant 128 : i32
          %add3A_223 = arith.addi %add3A_221, %add3A_222 : i32
          %get3A_224 = arith.index_cast %add3A_223 : i32 to index
          %get3A_225 = tpu.vector_load %arg5[%get3A_224] {strides = array<i32>} : memref<672xi32, #tpu.memory_space<vmem>>, vector<16xi32>,
          %slice3A_226 = vector.extract_strided_slice %get3A_225 {offsets = [0], sizes = [1], strides = [1]} : vector<16xi32> to vector<1xi32>
          %squeeze3A_227 = vector.extract %slice3A_226[0] : i32 from vector<1xi32>
          %sub3A_228 = arith.subi %squeeze3A_227, %shift_left3A_208 : i32
          %broadcast_in_dim3A_229 = vector.broadcast %sub3A_228 : i32 to vector<16xi32>
          %iota3A_230 = tpu.iota {dimensions = array<i32: 0>} : vector<16xi32>
          %add3A_231 = arith.constant 0 : i32
          %add3A_232 = vector.broadcast %add3A_231 : i32 to vector<16xi32>
          %add3A_233 = arith.addi %iota3A_230, %add3A_232 : vector<16xi32>
          %gather3A = arith.constant 7 : i32
          %gather3A_234 = arith.constant 0 : i32
          %gather3A_235 = arith.constant 0 : i32
          %gather3A_236 = tpu.memref_slice %arg7[%gather3A, %gather3A_234, %gather3A_235] : memref<8x64x128xf32, #tpu.memory_space<vmem>> -> memref<1x64x128xf32, #tpu.memory_space<vmem>>
          %gather3A_237 = tpu.memref_squeeze %gather3A_236 : memref<1x64x128xf32, #tpu.memory_space<vmem>> -> memref<64x128xf32, #tpu.memory_space<vmem>>
          %gather3A_238 = tpu.vector_load_idx %gather3A_237[%add3A_233, %broadcast_in_dim3A_229] : memref<64x128xf32, #tpu.memory_space<vmem>>[vector<16xi32>, vector<16xi32>], vector<16xf32>,
          %mul3A_239 = arith.constant 64 : i32
          %mul3A_240 = arith.muli %add3A_221, %mul3A_239 : i32
          %add3A_241 = arith.constant 0 : i32
          %add3A_242 = arith.addi %mul3A_240, %add3A_241 : i32
          %swap3A_243 = arith.index_cast %add3A_242 : i32 to index
          %swap3A_244 = tpu.vector_load %arg8[%swap3A_243] {strides = array<i32>} : memref<32768xf32, #tpu.memory_space<vmem>>, vector<16xf32>,
          tpu.vector_store %arg8[%swap3A_243], %gather3A_238 {strides = array<i32>} : memref<32768xf32, #tpu.memory_space<vmem>>, vector<16xf32>,
          %iota3A_245 = tpu.iota {dimensions = array<i32: 0>} : vector<16xi32>
          %add3A_246 = arith.constant 16 : i32
          %add3A_247 = vector.broadcast %add3A_246 : i32 to vector<16xi32>
          %add3A_248 = arith.addi %iota3A_245, %add3A_247 : vector<16xi32>
          %gather3A_249 = arith.constant 7 : i32
          %gather3A_250 = arith.constant 0 : i32
          %gather3A_251 = arith.constant 0 : i32
          %gather3A_252 = tpu.memref_slice %arg7[%gather3A_249, %gather3A_250, %gather3A_251] : memref<8x64x128xf32, #tpu.memory_space<vmem>> -> memref<1x64x128xf32, #tpu.memory_space<vmem>>
          %gather3A_253 = tpu.memref_squeeze %gather3A_252 : memref<1x64x128xf32, #tpu.memory_space<vmem>> -> memref<64x128xf32, #tpu.memory_space<vmem>>
          %gather3A_254 = tpu.vector_load_idx %gather3A_253[%add3A_248, %broadcast_in_dim3A_229] : memref<64x128xf32, #tpu.memory_space<vmem>>[vector<16xi32>, vector<16xi32>], vector<16xf32>,
          %mul3A_255 = arith.constant 64 : i32
          %mul3A_256 = arith.muli %add3A_221, %mul3A_255 : i32
          %add3A_257 = arith.constant 16 : i32
          %add3A_258 = arith.addi %mul3A_256, %add3A_257 : i32
          %swap3A_259 = arith.index_cast %add3A_258 : i32 to index
          %swap3A_260 = tpu.vector_load %arg8[%swap3A_259] {strides = array<i32>} : memref<32768xf32, #tpu.memory_space<vmem>>, vector<16xf32>,
          tpu.vector_store %arg8[%swap3A_259], %gather3A_254 {strides = array<i32>} : memref<32768xf32, #tpu.memory_space<vmem>>, vector<16xf32>,
          %iota3A_261 = tpu.iota {dimensions = array<i32: 0>} : vector<16xi32>
          %add3A_262 = arith.constant 32 : i32
          %add3A_263 = vector.broadcast %add3A_262 : i32 to vector<16xi32>
          %add3A_264 = arith.addi %iota3A_261, %add3A_263 : vector<16xi32>
          %gather3A_265 = arith.constant 7 : i32
          %gather3A_266 = arith.constant 0 : i32
          %gather3A_267 = arith.constant 0 : i32
          %gather3A_268 = tpu.memref_slice %arg7[%gather3A_265, %gather3A_266, %gather3A_267] : memref<8x64x128xf32, #tpu.memory_space<vmem>> -> memref<1x64x128xf32, #tpu.memory_space<vmem>>
          %gather3A_269 = tpu.memref_squeeze %gather3A_268 : memref<1x64x128xf32, #tpu.memory_space<vmem>> -> memref<64x128xf32, #tpu.memory_space<vmem>>
          %gather3A_270 = tpu.vector_load_idx %gather3A_269[%add3A_264, %broadcast_in_dim3A_229] : memref<64x128xf32, #tpu.memory_space<vmem>>[vector<16xi32>, vector<16xi32>], vector<16xf32>,
          %mul3A_271 = arith.constant 64 : i32
          %mul3A_272 = arith.muli %add3A_221, %mul3A_271 : i32
          %add3A_273 = arith.constant 32 : i32
          %add3A_274 = arith.addi %mul3A_272, %add3A_273 : i32
          %swap3A_275 = arith.index_cast %add3A_274 : i32 to index
          %swap3A_276 = tpu.vector_load %arg8[%swap3A_275] {strides = array<i32>} : memref<32768xf32, #tpu.memory_space<vmem>>, vector<16xf32>,
          tpu.vector_store %arg8[%swap3A_275], %gather3A_270 {strides = array<i32>} : memref<32768xf32, #tpu.memory_space<vmem>>, vector<16xf32>,
          %iota3A_277 = tpu.iota {dimensions = array<i32: 0>} : vector<16xi32>
          %add3A_278 = arith.constant 48 : i32
          %add3A_279 = vector.broadcast %add3A_278 : i32 to vector<16xi32>
          %add3A_280 = arith.addi %iota3A_277, %add3A_279 : vector<16xi32>
          %gather3A_281 = arith.constant 7 : i32
          %gather3A_282 = arith.constant 0 : i32
          %gather3A_283 = arith.constant 0 : i32
          %gather3A_284 = tpu.memref_slice %arg7[%gather3A_281, %gather3A_282, %gather3A_283] : memref<8x64x128xf32, #tpu.memory_space<vmem>> -> memref<1x64x128xf32, #tpu.memory_space<vmem>>
          %gather3A_285 = tpu.memref_squeeze %gather3A_284 : memref<1x64x128xf32, #tpu.memory_space<vmem>> -> memref<64x128xf32, #tpu.memory_space<vmem>>
          %gather3A_286 = tpu.vector_load_idx %gather3A_285[%add3A_280, %broadcast_in_dim3A_229] : memref<64x128xf32, #tpu.memory_space<vmem>>[vector<16xi32>, vector<16xi32>], vector<16xf32>,
          %mul3A_287 = arith.constant 64 : i32
          %mul3A_288 = arith.muli %add3A_221, %mul3A_287 : i32
          %add3A_289 = arith.constant 48 : i32
          %add3A_290 = arith.addi %mul3A_288, %add3A_289 : i32
          %swap3A_291 = arith.index_cast %add3A_290 : i32 to index
          %swap3A_292 = tpu.vector_load %arg8[%swap3A_291] {strides = array<i32>} : memref<32768xf32, #tpu.memory_space<vmem>>, vector<16xf32>,
          tpu.vector_store %arg8[%swap3A_291], %gather3A_286 {strides = array<i32>} : memref<32768xf32, #tpu.memory_space<vmem>>, vector<16xf32>,
        }
        %while3A_219 = arith.constant 1 : i32
        scf.for %while3A_220 = %while3A_217 to %while3A_213 step %while3A_219  : i32 {
          %add3A_221 = arith.addi %squeeze3A, %while3A_220 : i32
          %add3A_222 = arith.constant 128 : i32
          %add3A_223 = arith.addi %add3A_221, %add3A_222 : i32
          %get3A_224 = arith.index_cast %add3A_223 : i32 to index
          %get3A_225 = tpu.vector_load %arg5[%get3A_224] {strides = array<i32>} : memref<672xi32, #tpu.memory_space<vmem>>, vector<16xi32>,
          %slice3A_226 = vector.extract_strided_slice %get3A_225 {offsets = [0], sizes = [1], strides = [1]} : vector<16xi32> to vector<1xi32>
          %squeeze3A_227 = vector.extract %slice3A_226[0] : i32 from vector<1xi32>
          %sub3A_228 = arith.subi %squeeze3A_227, %shift_left3A_208 : i32
          %broadcast_in_dim3A_229 = vector.broadcast %sub3A_228 : i32 to vector<16xi32>
          %iota3A_230 = tpu.iota {dimensions = array<i32: 0>} : vector<16xi32>
          %add3A_231 = arith.constant 0 : i32
          %add3A_232 = vector.broadcast %add3A_231 : i32 to vector<16xi32>
          %add3A_233 = arith.addi %iota3A_230, %add3A_232 : vector<16xi32>
          %gather3A = arith.constant 7 : i32
          %gather3A_234 = arith.constant 0 : i32
          %gather3A_235 = arith.constant 0 : i32
          %gather3A_236 = tpu.memref_slice %arg7[%gather3A, %gather3A_234, %gather3A_235] : memref<8x64x128xf32, #tpu.memory_space<vmem>> -> memref<1x64x128xf32, #tpu.memory_space<vmem>>
          %gather3A_237 = tpu.memref_squeeze %gather3A_236 : memref<1x64x128xf32, #tpu.memory_space<vmem>> -> memref<64x128xf32, #tpu.memory_space<vmem>>
          %gather3A_238 = tpu.vector_load_idx %gather3A_237[%add3A_233, %broadcast_in_dim3A_229] : memref<64x128xf32, #tpu.memory_space<vmem>>[vector<16xi32>, vector<16xi32>], vector<16xf32>,
          %mul3A_239 = arith.constant 64 : i32
          %mul3A_240 = arith.muli %add3A_221, %mul3A_239 : i32
          %add3A_241 = arith.constant 0 : i32
          %add3A_242 = arith.addi %mul3A_240, %add3A_241 : i32
          %swap3A_243 = arith.index_cast %add3A_242 : i32 to index
          %swap3A_244 = tpu.vector_load %arg8[%swap3A_243] {strides = array<i32>} : memref<32768xf32, #tpu.memory_space<vmem>>, vector<16xf32>,
          tpu.vector_store %arg8[%swap3A_243], %gather3A_238 {strides = array<i32>} : memref<32768xf32, #tpu.memory_space<vmem>>, vector<16xf32>,
          %iota3A_245 = tpu.iota {dimensions = array<i32: 0>} : vector<16xi32>
          %add3A_246 = arith.constant 16 : i32
          %add3A_247 = vector.broadcast %add3A_246 : i32 to vector<16xi32>
          %add3A_248 = arith.addi %iota3A_245, %add3A_247 : vector<16xi32>
          %gather3A_249 = arith.constant 7 : i32
          %gather3A_250 = arith.constant 0 : i32
          %gather3A_251 = arith.constant 0 : i32
          %gather3A_252 = tpu.memref_slice %arg7[%gather3A_249, %gather3A_250, %gather3A_251] : memref<8x64x128xf32, #tpu.memory_space<vmem>> -> memref<1x64x128xf32, #tpu.memory_space<vmem>>
          %gather3A_253 = tpu.memref_squeeze %gather3A_252 : memref<1x64x128xf32, #tpu.memory_space<vmem>> -> memref<64x128xf32, #tpu.memory_space<vmem>>
          %gather3A_254 = tpu.vector_load_idx %gather3A_253[%add3A_248, %broadcast_in_dim3A_229] : memref<64x128xf32, #tpu.memory_space<vmem>>[vector<16xi32>, vector<16xi32>], vector<16xf32>,
          %mul3A_255 = arith.constant 64 : i32
          %mul3A_256 = arith.muli %add3A_221, %mul3A_255 : i32
          %add3A_257 = arith.constant 16 : i32
          %add3A_258 = arith.addi %mul3A_256, %add3A_257 : i32
          %swap3A_259 = arith.index_cast %add3A_258 : i32 to index
          %swap3A_260 = tpu.vector_load %arg8[%swap3A_259] {strides = array<i32>} : memref<32768xf32, #tpu.memory_space<vmem>>, vector<16xf32>,
          tpu.vector_store %arg8[%swap3A_259], %gather3A_254 {strides = array<i32>} : memref<32768xf32, #tpu.memory_space<vmem>>, vector<16xf32>,
          %iota3A_261 = tpu.iota {dimensions = array<i32: 0>} : vector<16xi32>
          %add3A_262 = arith.constant 32 : i32
          %add3A_263 = vector.broadcast %add3A_262 : i32 to vector<16xi32>
          %add3A_264 = arith.addi %iota3A_261, %add3A_263 : vector<16xi32>
          %gather3A_265 = arith.constant 7 : i32
          %gather3A_266 = arith.constant 0 : i32
          %gather3A_267 = arith.constant 0 : i32
          %gather3A_268 = tpu.memref_slice %arg7[%gather3A_265, %gather3A_266, %gather3A_267] : memref<8x64x128xf32, #tpu.memory_space<vmem>> -> memref<1x64x128xf32, #tpu.memory_space<vmem>>
          %gather3A_269 = tpu.memref_squeeze %gather3A_268 : memref<1x64x128xf32, #tpu.memory_space<vmem>> -> memref<64x128xf32, #tpu.memory_space<vmem>>
          %gather3A_270 = tpu.vector_load_idx %gather3A_269[%add3A_264, %broadcast_in_dim3A_229] : memref<64x128xf32, #tpu.memory_space<vmem>>[vector<16xi32>, vector<16xi32>], vector<16xf32>,
          %mul3A_271 = arith.constant 64 : i32
          %mul3A_272 = arith.muli %add3A_221, %mul3A_271 : i32
          %add3A_273 = arith.constant 32 : i32
          %add3A_274 = arith.addi %mul3A_272, %add3A_273 : i32
          %swap3A_275 = arith.index_cast %add3A_274 : i32 to index
          %swap3A_276 = tpu.vector_load %arg8[%swap3A_275] {strides = array<i32>} : memref<32768xf32, #tpu.memory_space<vmem>>, vector<16xf32>,
          tpu.vector_store %arg8[%swap3A_275], %gather3A_270 {strides = array<i32>} : memref<32768xf32, #tpu.memory_space<vmem>>, vector<16xf32>,
          %iota3A_277 = tpu.iota {dimensions = array<i32: 0>} : vector<16xi32>
          %add3A_278 = arith.constant 48 : i32
          %add3A_279 = vector.broadcast %add3A_278 : i32 to vector<16xi32>
          %add3A_280 = arith.addi %iota3A_277, %add3A_279 : vector<16xi32>
          %gather3A_281 = arith.constant 7 : i32
          %gather3A_282 = arith.constant 0 : i32
          %gather3A_283 = arith.constant 0 : i32
          %gather3A_284 = tpu.memref_slice %arg7[%gather3A_281, %gather3A_282, %gather3A_283] : memref<8x64x128xf32, #tpu.memory_space<vmem>> -> memref<1x64x128xf32, #tpu.memory_space<vmem>>
          %gather3A_285 = tpu.memref_squeeze %gather3A_284 : memref<1x64x128xf32, #tpu.memory_space<vmem>> -> memref<64x128xf32, #tpu.memory_space<vmem>>
          %gather3A_286 = tpu.vector_load_idx %gather3A_285[%add3A_280, %broadcast_in_dim3A_229] : memref<64x128xf32, #tpu.memory_space<vmem>>[vector<16xi32>, vector<16xi32>], vector<16xf32>,
          %mul3A_287 = arith.constant 64 : i32
          %mul3A_288 = arith.muli %add3A_221, %mul3A_287 : i32
          %add3A_289 = arith.constant 48 : i32
          %add3A_290 = arith.addi %mul3A_288, %add3A_289 : i32
          %swap3A_291 = arith.index_cast %add3A_290 : i32 to index
          %swap3A_292 = tpu.vector_load %arg8[%swap3A_291] {strides = array<i32>} : memref<32768xf32, #tpu.memory_space<vmem>>, vector<16xf32>,
          tpu.vector_store %arg8[%swap3A_291], %gather3A_286 {strides = array<i32>} : memref<32768xf32, #tpu.memory_space<vmem>>, vector<16xf32>,
        }
      } else {
      }
      %add3A_174 = arith.constant 8 : i32
      %add3A_175 = arith.addi %add3A_169, %add3A_174 : i32
      %lt3A_176 = arith.cmpi slt, %add3A_175, %scan3A_7 : i32
      %convert_element_type3A_177 = arith.extui %lt3A_176 : i1 to i32
      %cond3A_178 = arith.constant 0 : i32
      %cond3A_179 = arith.cmpi ne, %convert_element_type3A_177, %cond3A_178 : i32
      scf.if %cond3A_179 {
        %get3A = arith.index_cast %add3A_175 : i32 to index
        %get3A_180 = tpu.vector_load %arg6[%get3A] {strides = array<i32>} : memref<672xi32, #tpu.memory_space<vmem>>, vector<16xi32>,
        %slice3A = vector.extract_strided_slice %get3A_180 {offsets = [0], sizes = [1], strides = [1]} : vector<16xi32> to vector<1xi32>
        %squeeze3A = vector.extract %slice3A[0] : i32 from vector<1xi32>
        %add3A_181 = arith.constant 128 : i32
        %add3A_182 = arith.addi %squeeze3A, %add3A_181 : i32
        %get3A_183 = arith.index_cast %add3A_182 : i32 to index
        %get3A_184 = tpu.vector_load %arg5[%get3A_183] {strides = array<i32>} : memref<672xi32, #tpu.memory_space<vmem>>, vector<16xi32>,
        %slice3A_185 = vector.extract_strided_slice %get3A_184 {offsets = [0], sizes = [1], strides = [1]} : vector<16xi32> to vector<1xi32>
        %squeeze3A_186 = vector.extract %slice3A_185[0] : i32 from vector<1xi32>
        %shift_right_arithmetic3A = arith.constant 7 : i32
        %shift_right_arithmetic3A_187 = arith.shrsi %squeeze3A_186, %shift_right_arithmetic3A : i32
        %shift_left3A = arith.constant 7 : i32
        %shift_left3A_188 = arith.shli %shift_right_arithmetic3A_187, %shift_left3A : i32
        %multiple_of3A = tpu.assume_multiple %shift_left3A_188, 128 : i32
        %dma_start3A = arith.constant 7 : i32
        %dma_start3A_189 = arith.constant 0 : i32
        %dma_start3A_190 = arith.constant 0 : i32
        %dma_start3A_191 = tpu.memref_slice %arg7[%dma_start3A, %dma_start3A_189, %dma_start3A_190] : memref<8x64x128xf32, #tpu.memory_space<vmem>> -> memref<1x64x128xf32, #tpu.memory_space<vmem>>
        %dma_start3A_192 = tpu.memref_squeeze %dma_start3A_191 : memref<1x64x128xf32, #tpu.memory_space<vmem>> -> memref<64x128xf32, #tpu.memory_space<vmem>>
        %dma_start3A_193 = arith.constant 0 : i32
        %dma_start3A_194 = tpu.memref_slice %arg2[%dma_start3A_193, %multiple_of3A] : memref<64x1000000xf32, #tpu.memory_space<hbm>> -> memref<64x128xf32, #tpu.memory_space<hbm>>
        %dma_start3A_195 = arith.constant 0 : i32
        %dma_start3A_196 = arith.constant 0 : i32
        %dma_start3A_197 = tpu.memref_slice %arg7[%dma_start3A, %dma_start3A_195, %dma_start3A_196] : memref<8x64x128xf32, #tpu.memory_space<vmem>> -> memref<1x64x128xf32, #tpu.memory_space<vmem>>
        %dma_start3A_198 = tpu.memref_squeeze %dma_start3A_197 : memref<1x64x128xf32, #tpu.memory_space<vmem>> -> memref<64x128xf32, #tpu.memory_space<vmem>>
        %dma_start3A_199 = arith.constant 0 : i32
        %dma_start3A_200 = tpu.memref_slice %arg2[%dma_start3A_199, %multiple_of3A] : memref<64x1000000xf32, #tpu.memory_space<hbm>> -> memref<64x128xf32, #tpu.memory_space<hbm>>
        tpu.enqueue_dma source(%dma_start3A_200 : memref<64x128xf32, #tpu.memory_space<hbm>>) target(%dma_start3A_198 : memref<64x128xf32, #tpu.memory_space<vmem>>) target_semaphore(%arg16 : memref<!tpu.dma_semaphore, #tpu.memory_space<semaphore_mem>>)
      } else {
      }
    }
    %mul3A_80 = arith.constant 32768 : i32
    %mul3A_81 = arith.muli %add3A, %mul3A_80 : i32
    "tpu.region"() ({
      %run_scoped3A = tpu.sem_alloc : memref<!tpu.dma_semaphore, #tpu.memory_space<semaphore_mem>>
      %dma_start3A = tpu.memref_slice %arg4[%mul3A_81] : memref<1048576xf32, #tpu.memory_space<hbm>> -> memref<32768xf32, #tpu.memory_space<hbm>>
      %dma_start3A_82 = tpu.memref_slice %arg4[%mul3A_81] : memref<1048576xf32, #tpu.memory_space<hbm>> -> memref<32768xf32, #tpu.memory_space<hbm>>
      tpu.enqueue_dma source(%arg8 : memref<32768xf32, #tpu.memory_space<vmem>>) target(%dma_start3A_82 : memref<32768xf32, #tpu.memory_space<hbm>>) target_semaphore(%run_scoped3A : memref<!tpu.dma_semaphore, #tpu.memory_space<semaphore_mem>>)
      %dma_wait3A = tpu.memref_slice %arg4[%mul3A_81] : memref<1048576xf32, #tpu.memory_space<hbm>> -> memref<32768xf32, #tpu.memory_space<hbm>>
      %dma_wait3A_83 = tpu.memref_slice %arg4[%mul3A_81] : memref<1048576xf32, #tpu.memory_space<hbm>> -> memref<32768xf32, #tpu.memory_space<hbm>>
      tpu.wait_dma2 semaphore(%run_scoped3A : memref<!tpu.dma_semaphore, #tpu.memory_space<semaphore_mem>>) src(%arg8 : memref<32768xf32, #tpu.memory_space<vmem>>) dst(%dma_wait3A_83 : memref<32768xf32, #tpu.memory_space<hbm>>)
      tpu.yield
    }) : () -> ()
    return
  }
}

</mosaic_0001>

<sc_bundles>
// kernel: gather_offload_async_start
scs
__scs_entry_jumppad:
0x0: {  	(pc) =	sbr.rel $0x88, $3  }
0x1: {  	(tag) =	ssettag $0x0;
	lr =	simm.s32 $0x1  }
0x2: {  	[smem:$0x3F9F] =	sst lr;
	_ =	strace $0xD0000000  }
0x3: {  	_ = 	snop  }
0x4: {  	_ = 	snop  }
0x5: {  	_ = 	snop  }
0x6: {  	_ = 	snop  }
0x7: {  	_ = 	snop  }
__scs_overlays_trampoline_lowered:
0x8: {  	[smem:$0x3FAE] =	sst s0  }
0x9: {  	[smem:$0x3FAF] =	sst s1  }
0xa: {  	[smem:$0x3FB0] =	sst s2  }
0xb: {  	[smem:$0x3FB1] =	sst s3  }
0xc: {  	[smem:$0x3FB2] =	sst s4  }
0xd: {  	[smem:$0x3FB3] =	sst s5  }
0xe: {  	[smem:$0x3FB4] =	sst s6  }
0xf: {  	[smem:$0x3FB5] =	sst s7  }
0x10: {  	[smem:$0x3FB6] =	sst s8  }
0x11: {  	[smem:$0x3FB7] =	sst s9;
	s0 =	simm.s32 @!p0 $0x0  }
0x12: {  	s1 =	sld [smem:$0x3F9D];
	s0 =	simm.s32 @p0 $0x1  }
0x13: {  	[smem:$0x3FB8] =	sst s0;
	s0 =	simm.s32 @!p1 $0x0  }
0x14: {  	s2 =	sld [smem:$0x3F9C];
	s0 =	simm.s32 @p1 $0x1  }
0x15: {  	[smem:$0x3FB9] =	sst s0;
	s0 =	simm.s32 @!p2 $0x0  }
0x16: {  	s3 =	sld [smem:$0x3FDB];
	s0 =	simm.s32 @p2 $0x1  }
0x17: {  	s4 =	simm.s32 $0x1BF5;
	[smem:$0x3FBB] =	sst s0  }
0x18: {  	s0 =	sld [smem:$0x3F9E];
	_ =	swait.ge [sflag:s4], $0x0  }
0x19: {  	s7 =	sld [smem:$0x3F9F]  }
0x1a: {  	s8 =	sadd.s32 $0xFFFFE003, lr  }
0x1b: {  	s9 =	sadd.s32 $0xFFFFFEF7, lr;
	s5 =	simm.s32 $0xFFFFFFFF;
	p2 =	slt.u32 s8, $0xFFFFF086  }
0x1c: {  	p1 =	slt.u32 s9, $0xF7A;
	s5 =	simm.s32 @!p2 $0x0  }
0x1d: {  	s5 =	simm.s32 @p1 $0x1;
	p0 =	seq.s32 s7, s2  }
0x1e: {  	s7 =	smul.u32 @!p0 $0xF7A, s2;
	p2 =	seq.s32 @!p0 s5, $0x0  }
0x1f: {  	s9 =	smul.u32 $0xF7A, s1;
	s8 =	simm.s32 @!p0 $0x1BF5;
	p2 =	por !p2, p0  }
0x20: {  	[sflag:s8] =	ssyncset.s32 @!p0 $0xFFFFF086;
	s6 =	sadd.s32 @!p0 s3, s7;
	s7 =	simm.s32 @!p0 $0x108  }
0x21: {  	s3 =	sadd.s32 s3, s9;
	s6 =	sadd.s32 @!p0 $0x88, s6;
	s7 =	simm.s32 @p2 $0x1082  }
0x22: {  	[simem:s7], [sflag:s8] =	dma.local @!p0 [hbm:s6], $0xF7A  }
0x23: {  	s9 =	sor.u32 $0xD0000000, s2;
	s6 =	simm.s32 $0x108;
	_ =	swait.ge @!p0 [sflag:s8], $0x0  }
0x24: {  	s3 =	sadd.s32 $0x88, s3;
	s6 =	simm.s32 @!p1 $0x1082;
	[sflag:s4] =	ssyncset.s32 $0xFFFFF086  }
0x25: {  	[simem:s6], [sflag:s4] =	dma.local [hbm:s3], $0xF7A  }
0x26: {  	[smem:$0x3F9F] =	sst s1;
	(tag) =	ssettag s2;
	_ =	strace s9  }
0x27: {  	s1 =	sld [smem:$0x3FAF]  }
0x28: {  	s2 =	sld [smem:$0x3FB0]  }
0x29: {  	s4 =	sld [smem:$0x3FB2]  }
0x2a: {  	p0 =	seq.s32 s5, $0x0;
	s5 =	sld [smem:$0x3FB3]  }
0x2b: {  	s6 =	sld [smem:$0x3FB4]  }
0x2c: {  	s7 =	sld [smem:$0x3FB5]  }
0x2d: {  	s3 =	simm.s32 $0x108;
	s8 =	sld [smem:$0x3FB6]  }
0x2e: {  	s3 =	simm.s32 @!p0 $0x1082;
	s9 =	sld [smem:$0x3FB7]  }
0x2f: {  	lr =	sadd.s32 s0, s3;
	s0 =	sld [smem:$0x3FAE]  }
0x30: {  	s3 =	sld [smem:$0x3FB1]  }
0x31: {  	[smem:$0x3FBA] =	sst s10  }
0x32: {  	s10 =	sld [smem:$0x3FB8];
	_ =	sdelay $0x3  }
0x33: {  	p0 =	seq.s32 s10, $0x1;
	s10 =	sld [smem:$0x3FBA];
	_ =	sdelay $0x3  }
0x34: {  	[smem:$0x3FBA] =	sst s10  }
0x35: {  	s10 =	sld [smem:$0x3FB9];
	_ =	sdelay $0x3  }
0x36: {  	p1 =	seq.s32 s10, $0x1;
	s10 =	sld [smem:$0x3FBA];
	_ =	sdelay $0x3  }
0x37: {  	[smem:$0x3FBA] =	sst s10  }
0x38: {  	s10 =	sld [smem:$0x3FBB]  }
0x39: {  	_ = 	snop;
	(pc) =	sbr.ind lr, $3  }
0x3a: {  	_ = 	snop  }
0x3b: {  	_ = 	snop  }
0x3c: {  	p2 =	seq.s32 s10, $0x1;
	s10 =	sld [smem:$0x3FBA]  }
0x3d: {  	_ =	shalt  }
0x3e: {  	_ =	shalt  }
0x3f: {  	_ =	shalt  }
0x40: {  	_ =	shalt  }
0x41: {  	_ =	shalt  }
0x42: {  	_ =	shalt  }
0x43: {  	_ =	shalt  }
0x44: {  	_ =	shalt  }
0x45: {  	_ =	shalt  }
0x46: {  	_ =	shalt  }
0x47: {  	_ =	shalt  }
0x48: {  	_ =	shalt  }
0x49: {  	_ =	shalt  }
0x4a: {  	_ =	shalt  }
0x4b: {  	_ =	shalt  }
0x4c: {  	_ =	shalt  }
0x4d: {  	_ =	shalt  }
0x4e: {  	_ =	shalt  }
0x4f: {  	_ =	shalt  }
0x50: {  	_ =	shalt  }
0x51: {  	_ =	shalt  }
0x52: {  	_ =	shalt  }
0x53: {  	_ =	shalt  }
0x54: {  	_ =	shalt  }
0x55: {  	_ =	shalt  }
0x56: {  	_ =	shalt  }
0x57: {  	_ =	shalt  }
0x58: {  	_ =	shalt  }
0x59: {  	_ =	shalt  }
0x5a: {  	_ =	shalt  }
0x5b: {  	_ =	shalt  }
0x5c: {  	_ =	shalt  }
0x5d: {  	_ =	shalt  }
0x5e: {  	_ =	shalt  }
0x5f: {  	_ =	shalt  }
0x60: {  	_ =	shalt  }
0x61: {  	_ =	shalt  }
0x62: {  	_ =	shalt  }
0x63: {  	_ =	shalt  }
0x64: {  	_ =	shalt  }
0x65: {  	_ =	shalt  }
0x66: {  	_ =	shalt  }
0x67: {  	_ =	shalt  }
0x68: {  	_ =	shalt  }
0x69: {  	_ =	shalt  }
0x6a: {  	_ =	shalt  }
0x6b: {  	_ =	shalt  }
0x6c: {  	_ =	shalt  }
0x6d: {  	_ =	shalt  }
0x6e: {  	_ =	shalt  }
0x6f: {  	_ =	shalt  }
0x70: {  	_ =	shalt  }
0x71: {  	_ =	shalt  }
0x72: {  	_ =	shalt  }
0x73: {  	_ =	shalt  }
0x74: {  	_ =	shalt  }
0x75: {  	_ =	shalt  }
0x76: {  	_ =	shalt  }
0x77: {  	_ =	shalt  }
0x78: {  	_ =	shalt  }
0x79: {  	_ =	shalt  }
0x7a: {  	_ =	shalt  }
0x7b: {  	_ =	shalt  }
0x7c: {  	_ =	shalt  }
0x7d: {  	_ =	shalt  }
0x7e: {  	_ =	shalt  }
0x7f: {  	_ =	shalt  }
0x80: {  	_ =	shalt  }
0x81: {  	_ =	shalt  }
0x82: {  	_ =	shalt  }
0x83: {  	_ =	shalt  }
0x84: {  	_ =	shalt  }
0x85: {  	_ =	shalt  }
0x86: {  	_ =	shalt  }
0x87: {  	_ =	shalt  }
.Lfunc_end0:
.L_simem_size_0:
called_computation_lowered:
.L_overlay_start_0:
0x88: {  	s2 =	sld [smem:$0x3FD9]  }
0x89: {  	s3 =	sld [smem:$0x3FFE];
	_ =	sdelay $0x1  }
0x8a: {  	s1 =	srdreg.scid  }
0x8b: {  	s0 =	sand.u32 $0x1, s1  }
0x8c: {  	s16 =	sshll.u32 s0, $0xA;
	s2 =	sadd.s32 s3, s2  }
0x8d: {  	s2 =	sadd.s32 s2, s16  }
0x8e: {  	[smem:$0x3FC6] =	sst s2  }
0x8f: {  	_ = 	snop  }
0x90: {  	(tm) =	ssettm $0x1  }
0x91: {  	s17 =	sld [smem:$0x3FFB];
	_ =	sdelay $0x3  }
0x92: {  	_ =	strace s17  }
0x93: {  	s2 =	sld [smem:$0x3FFC];
	_ =	sdelay $0x3  }
0x94: {  	_ =	strace s2  }
0x95: {  	s2 =	sld [smem:$0x3FFD];
	_ =	sdelay $0x3  }
0x96: {  	_ =	strace s2  }
0x97: {  	_ =	strace $0x8FFFFFFF  }
0x98: {  	s18 =	sld [smem:$0x3FDB];
	_ =	sdelay $0x1  }
0x99: {  	s19 =	simm.s32 $_scs_section_size  }
0x9a: {  	s4 =	simm.s32 $_size__tile_overlayer_lowered;
	s5 =	simm.s32 $_tile_overlayer_lowered  }
0x9b: {  	s22 =	simm.s32 $0x1BFF;
	s21 =	sshll.u32 s5, $0x1;
	s2 =	sadd.s32 s19, s18  }
0x9c: {  	s6 =	simm.s32 $0x0;
	s20 =	sshll.u32 s4, $0x1;
	s4 =	sadd.s32 s21, s2  }
0x9d: {  	[timem:s6], [sflag:s22] =	dma.local [hbm:s4], s20  }
0x9e: {  	_ =	swait.ge [sflag:s22], s20  }
0x9f: {  	s3 =	ssub.s32 $0x0, s20;
	[sflag:s22] =	ssyncset.done $0x0  }
0xa0: {  	[sflag:s22] =	ssyncadd.s32 s3;
	_ =	sdelay $0x1  }
0xa1: {  	s23 =	simm.s32 $0x1B8B  }
0xa2: {  	_ =	swait.ge [sflag:s23], $0x1  }
0xa3: {  	[sflag:s23] =	ssyncset.done $0x0  }
0xa4: {  	s25 =	simm.s32 $0x1B8E;
	s24 =	sld [smem:$0x3FFE];
	[sflag:s23] =	ssyncadd.s32 $0xFFFFFFFF  }
0xa5: {  	s26 =	simm.s32 $execute0_lowered;
	[smem:$0x3FD2] =	sst s25  }
0xa6: {  	s4 =	sshll.u32 s26, $0x1;
	_ =	strace $0x80000049;
	[dreg:$0x1] =	wrdreg $0xFFFFFFFF  }
0xa7: {  	s28 =	simm.s32 $_size_execute0_lowered;
	s2 =	sadd.s32 s2, s4;
	[dreg:$0x0] =	wrdreg $0x0  }
0xa8: {  	s4 =	sshll.u32 s28, $0x1;
	[dreg:$0x2] =	wrdreg s2  }
0xa9: {  	[dreg:$0x3] =	wrdreg s4  }
0xaa: {  	[dreg:$0x4] =	wrdreg $0xC0  }
0xab: {  	_ =	task [dreg:s6], $0x5FFFF  }
0xac: {  	[dreg:$0x1] =	wrdreg $0xFFFFFFFF  }
0xad: {  	[dreg:$0x0] =	wrdreg $0x60  }
0xae: {  	[dreg:$0x2] =	wrdreg s24  }
0xaf: {  	[dreg:$0x3] =	wrdreg $0x9  }
0xb0: {  	_ =	task.clear_ibuf [dreg:s6], $0x4FFFF;
	_ =	strace $0x90000049  }
0xb1: {  	s29 =	simm.s32 $0x9;
	_ =	strace $0x8000004B  }
0xb2: {  	_ =	swait.ge [sflag:s29], $0x1  }
0xb3: {  	[sflag:s29] =	ssyncadd.s32 $0xFFFFFFFF  }
0xb4: {  	_ =	strace $0x9000004B  }
0xb5: {  	_ =	sfence  }
0xb6: {  	s30 =	sld [smem:$0x0];
	_ =	sdelay $0x2  }
0xb7: {  	s31 =	sshll.u32 s1, $0xD;
	s1 =	sshrl.u32 s1, $0x2  }
0xb8: {  	s3 =	sand.u32 $0x4000, s31;
	s1 =	sadd.s32 s1, s30  }
0xb9: {  	s0 =	sor.u32 s3, s0;
	s1 =	sshll.u32 s1, $0x11  }
0xba: {  	s0 =	sor.u32 s1, s0  }
0xbb: {  	s0 =	sadd.s32 $0x8F2B, s0  }
0xbc: {  	[sflag:s0] =	ssyncadd.remote.s32 $0x1  }
0xbd: {  	_ =	sfence.sel $0xFFFF  }
0xbe: {  	[dreg:$0x0] =	wrdreg $0xFFFFFFFF;
	(pc) =	sbr.abs _section_cstart, $3  }
0xbf: {  	[dreg:$0x1] =	wrdreg $0xFFFFFFFF  }
0xc0: {  	_ =	task.clear_ibuf [dreg:s6], $0x2FFFF;
	_ =	strace $0x9FFFFFFF  }
0xc1: {  	(tm) =	ssettm $0x7FFFFFFF  }
tec
execute0_lowered:
.L_overlay_start_1:
0x0: {  	(tag) =	ssettag $0x1  }
0x1: {  	s2 =	rddreg [dreg:$0x0]  }
0x2: {  	s0 =	rddreg [dreg:$0x1]  }
0x3: {  	s1 =	srdreg.scid;
	_ =	strace $0x8000004A;
	s4 =	simm.s32 $0x1  }
0x4: {  	s9 =	simm.s32 $0x3;
	s11 =	simm.s32 $0x0;
	s5 =	sshll.u32 s1, $0x4  }
.Ltmp0:
0x5: {  	s1 =	stileid.u32;
	s5 =	sand.u32 $0x10, s5;
	(pc) =	sbr.rel .LBB2_1-.Ltmp0, $4  }
0x6: {  	p0 =	por $0x0, $0x0;
	s3 =	sadd.s32 $0x800, s2;
	s6 =	sor.u32 s1, s5  }
0x7: {  	[sflag:s4] =	ssyncpa.u1 $0x0;
	s5 =	simm.s32 $0x2;
	s6 =	sshll.u32 s6, $0x9  }
0x8: {  	s7 =	sadd.s32 $0x40800, s2;
	[sflag:s5] =	ssyncpa.u1 $0x0;
	s8 =	sadd.s32 $0x200, s6  }
0x9: {  	vm0 =	vmmov $0xff;
	vm1 =	vcmask $0x3F20;
	[sflag:s9] =	ssyncpa.u1 $0x0;
	s10 =	smov.u32 s6;
	s9 =	simm.s32 $0x0  }
.LBB2_7:
0xa: {  	p1 =	slt.u32 s9, $0x2;
	s11 =	sadd.s32 $0x100, s10  }
0xb: {  	s13 =	smov.u32 s6;
	s9 =	sadd.s32 $0x1, s9;
	p2 =	slt.s32 s11, s8  }
0xc: {  	s13 =	smov.u32 @p2 s11;
	p2 =	sne.s32 s9, $0x4  }
.Ltmp1:
0xd: {  	_ = 	snop;
	(pc) =	sbr.rel @!p2 .LBB2_8-.Ltmp1, $4  }
0xe: {  	s12 =	simm.s32 @!p1 $0x3  }
0xf: {  	_ =	swait.ge @!p1 [sflag:s12], $0x8000  }
0x10: {  	p0 =	por !p0, !p0;
	[sflag:s12] =	ssyncset.done @!p1 $0x0  }
0x11: {  	s11 =	smov.u32 s10;
	s10 =	smov.u32 s13;
	[sflag:s12] =	ssyncadd.s32 @!p1 $0xFFFF8000  }
.LBB2_1:
0x12: {  	p1 =	sgt.u32 s9, $0x1  }
0x13: {  	s12 =	sshll.u32 @!p1 s9, $0x8;
	s13 =	sshrl.u32 @!p1 s10, $0x3  }
0x14: {  	s14 =	sand.u32 @!p1 $0x7, s10;
	s12 =	sxor.u32 @!p1 $0x100, s12;
	s13 =	sadd.s32 @!p1 s2, s13  }
0x15: {  	[tilespmem:s12], [sflag:$0x2] =	stream.linear.gather @!p1 [hbm4b:s13+s14], $0x100, $0x38;
	[tilespmem:$0x10200] =	vst v63  }
0x16: {  	p1 =	seq.s32 s9, $0x0  }
0x17: {  	p2 =	seq.s32 @!p1 s9, $0x3  }
0x18: {  	p1 =	por p1, p2  }
.Ltmp2:
0x19: {  	_ = 	snop;
	(pc) =	sbr.rel @p1 .LBB2_7-.Ltmp2, $1  }
0x1a: {  	_ =	sdelay $0x3  }
0x1b: {  	s12 =	simm.s32 $0x1  }
0x1c: {  	_ =	swait.ge [sflag:s5], $0x100;
	s12 =	simm.s32 @!p0 $0x0  }
0x1d: {  	[sflag:s5] =	ssyncset.done $0x0;
	s14 =	sshll.u32 s12, $0x8  }
0x1e: {  	[sflag:s5] =	ssyncadd.s32 $0xFFFFFF00;
	s13 =	sadd.s32 $0x0, s14  }
0x1f: {  	v0 =	vld.msk [tilespmem:s13+$0x0 ss:$0x1], $0xffff;
	_ =	sdelay $0x4  }
0x20: {  	vm2 =	vgt.s32 v0, $0x0  }
0x21: {  	v0 =	vnsel vm2, $0x0, v0  }
0x22: {  	v0 =	vmin.u32 v0, $0x3FFF  }
0x23: {  	v0 =	vshll.u32 v0, $0x4;
	_ =	sdelay $0x2  }
0x24: {  	s12 =	sshll.u32 s12, $0xF  }
0x25: {  	s12 =	sor.u32 $0x200, s12  }
0x26: {  	[tilespmem:s12], [sflag:$0x1] =	stream.indirect_vreg.gather [hbm:s3], $0x80, v0, vm0, $0x38;
	[tilespmem:$0x10200] =	vst v63  }
0x27: {  	s15 =	sadd.s32 $0x10, s14;
	s13 =	sadd.s32 $0x400, s12  }
0x28: {  	[tilespmem:s13], [sflag:$0x1] =	stream.indirect_vreg.gather [hbm:s3], $0x80, v0, vm1, $0x38;
	[tilespmem:$0x10200] =	vst v63  }
0x29: {  	s16 =	simm.s32 $0x80;
	v0 =	vld.msk [tilespmem:s15+$0x0 ss:$0x1], $0xffff;
	s15 =	smov.u32 s12  }
.LBB2_3:
0x2a: {  	p1 =	sne.s32 s16, $0x3C0;
	_ =	sdelay $0x4  }
0x2b: {  	vm2 =	vgt.s32 v0, $0x0  }
0x2c: {  	v0 =	vnsel vm2, $0x0, v0  }
0x2d: {  	v0 =	vmin.u32 v0, $0x3FFF  }
0x2e: {  	v0 =	vshll.u32 v0, $0x4;
	_ =	sdelay $0x3  }
.Ltmp3:
0x2f: {  	s17 =	sshra.s32 s16, $0x2;
	s15 =	sadd.s32 $0x800, s15;
	(pc) =	sbr.rel @p1 .LBB2_3-.Ltmp3, $4  }
0x30: {  	[tilespmem:s15], [sflag:$0x1] =	stream.indirect_vreg.gather [hbm:s3], $0x80, v0, vm0, $0x38;
	[tilespmem:$0x10200] =	vst v63  }
0x31: {  	s17 =	sadd.s32 s17, s14;
	s18 =	sadd.s32 $0x400, s15  }
0x32: {  	[tilespmem:s18], [sflag:$0x1] =	stream.indirect_vreg.gather [hbm:s3], $0x80, v0, vm1, $0x38;
	[tilespmem:$0x10200] =	vst v63  }
0x33: {  	s16 =	sadd.s32 $0x40, s16;
	v0 =	vld.msk [tilespmem:s17+$0x0 ss:$0x1], $0xffff  }
0x34: {  	_ =	sdelay $0x3  }
0x35: {  	vm2 =	vgt.s32 v0, $0x0  }
0x36: {  	v0 =	vnsel vm2, $0x0, v0  }
0x37: {  	v0 =	vmin.u32 v0, $0x3FFF  }
0x38: {  	v0 =	vshll.u32 v0, $0x4;
	_ =	sdelay $0x3  }
0x39: {  	s14 =	sadd.s32 $0x800, s15  }
0x3a: {  	[tilespmem:s14], [sflag:$0x1] =	stream.indirect_vreg.gather [hbm:s3], $0x80, v0, vm0, $0x38;
	[tilespmem:$0x10200] =	vst v63  }
0x3b: {  	s14 =	sadd.s32 $0x400, s14  }
0x3c: {  	[tilespmem:s14], [sflag:$0x1] =	stream.indirect_vreg.gather [hbm:s3], $0x80, v0, vm1, $0x38;
	[tilespmem:$0x10200] =	vst v63  }
0x3d: {  	s11 =	sshll.u32 s11, $0x4;
	_ =	swait.ge [sflag:s4], $0x8000  }
0x3e: {  	s11 =	sadd.s32 s11, s7;
	[sflag:s4] =	ssyncset.done $0x0  }
0x3f: {  	s15 =	sadd.s32 $0x0, s11;
	s14 =	simm.s32 $0x80;
	[sflag:s4] =	ssyncadd.s32 $0xFFFF8000  }
.LBB2_5:
0x40: {  	[hbm:s15] =	stream.linear.scatter [tilespmem:s12], [sflag:$0x3], $0x400, $0x38;
	[tilespmem:$0x10200] =	vst v63  }
0x41: {  	s15 =	smov.u32 s14;
	s12 =	smov.u32 s13;
	p1 =	sne.s32 s14, $0xF80  }
.Ltmp4:
0x42: {  	s14 =	sadd.s32 $0x80, s14;
	(pc) =	sbr.rel @p1 .LBB2_5-.Ltmp4, $2  }
0x43: {  	_ =	sdelay $0x2  }
0x44: {  	s13 =	sadd.s32 $0x400, s13;
	s15 =	sadd.s32 s15, s11  }
.Ltmp5:
0x45: {  	(pc) =	sbr.rel .LBB2_7-.Ltmp5, $2  }
0x46: {  	_ =	sdelay $0x2  }
0x47: {  	[hbm:s15] =	stream.linear.scatter [tilespmem:s12], [sflag:$0x3], $0x400, $0x38;
	[tilespmem:$0x10200] =	vst v63  }
.LBB2_8:
0x48: {  	_ =	sfence.sel $0x180000  }
0x49: {  	s2 =	simm.s32 $0x2;
	[bflag:$0x0] =	sbarrier.arrive $0xFFFF  }
0x4a: {  	s30 =	simm.s32 $0x3;
	[sflag:s2] =	ssyncpa.u1 $0x1  }
0x4b: {  	s31 =	simm.s32 $0x1;
	[sflag:s30] =	ssyncpa.u1 $0x1  }
0x4c: {  	[sflag:s31] =	ssyncpa.u1 $0x1  }
0x4d: {  	p0 =	sne.s32 s1, $0x0;
	_ =	strace $0x9000004A  }
0x4e: {  	s0 =	sadd.s32 @!p0 $0x100000, s0;
	[bflag:$0x2] =	sbarrier.arrive $0xFFFF  }
0x4f: {  	[sflag:s0] =	ssyncadd.tile.s32 @!p0 $0x1;
	_ =	shalt  }
.Lfunc_end2:
_tile_overlayer_lowered:
.L_overlay_start_2:
0x50: {  	(tag) =	ssettag $0x2  }
0x51: {  	s0 =	rddreg [dreg:$0x0];
	s2 =	stileid.u32  }
0x52: {  	s1 =	rddreg [dreg:$0x1];
	p0 =	sne.s32 s2, $0x0  }
0x53: {  	s3 =	rddreg [dreg:$0x2];
	[bflag:$0x3] =	sbarrier.arrive $0xFFFF;
	s2 =	simm.s32 @!p0 $0x1C01  }
0x54: {  	[timem:s3], [sflag:s2] =	dma.local @!p0 [hbm:s0], s1  }
0x55: {  	s0 =	simm.s32 @!p0 $0x1  }
0x56: {  	_ =	swait.ge @!p0 [sflag:s0], s1  }
0x57: {  	s1 =	ssub.s32 @!p0 $0x0, s1;
	[sflag:s0] =	ssyncset.done @!p0 $0x0  }
0x58: {  	[sflag:s0] =	ssyncadd.s32 @!p0 s1  }
0x59: {  	[bflag:$0x3] =	sbarrier.arrive $0xFFFF  }
0x5a: {  	_ =	shalt  }

// kernel: kernel.3.cloned.1.call-start
scs
__scs_entry_jumppad:
0x0: {  	(pc) =	sbr.rel $0x88, $3  }
0x1: {  	(tag) =	ssettag $0x0;
	lr =	simm.s32 $0x1  }
0x2: {  	[smem:$0x3F9F] =	sst lr;
	_ =	strace $0xD0000000  }
0x3: {  	_ = 	snop  }
0x4: {  	_ = 	snop  }
0x5: {  	_ = 	snop  }
0x6: {  	_ = 	snop  }
0x7: {  	_ = 	snop  }
__scs_overlays_trampoline_lowered:
0x8: {  	[smem:$0x3FAE] =	sst s0  }
0x9: {  	[smem:$0x3FAF] =	sst s1  }
0xa: {  	[smem:$0x3FB0] =	sst s2  }
0xb: {  	[smem:$0x3FB1] =	sst s3  }
0xc: {  	[smem:$0x3FB2] =	sst s4  }
0xd: {  	[smem:$0x3FB3] =	sst s5  }
0xe: {  	[smem:$0x3FB4] =	sst s6  }
0xf: {  	[smem:$0x3FB5] =	sst s7  }
0x10: {  	[smem:$0x3FB6] =	sst s8  }
0x11: {  	[smem:$0x3FB7] =	sst s9;
	s0 =	simm.s32 @!p0 $0x0  }
0x12: {  	s1 =	sld [smem:$0x3F9D];
	s0 =	simm.s32 @p0 $0x1  }
0x13: {  	[smem:$0x3FB8] =	sst s0;
	s0 =	simm.s32 @!p1 $0x0  }
0x14: {  	s2 =	sld [smem:$0x3F9C];
	s0 =	simm.s32 @p1 $0x1  }
0x15: {  	[smem:$0x3FB9] =	sst s0;
	s0 =	simm.s32 @!p2 $0x0  }
0x16: {  	s3 =	sld [smem:$0x3FDB];
	s0 =	simm.s32 @p2 $0x1  }
0x17: {  	s4 =	simm.s32 $0x1BF5;
	[smem:$0x3FBB] =	sst s0  }
0x18: {  	s0 =	sld [smem:$0x3F9E];
	_ =	swait.ge [sflag:s4], $0x0  }
0x19: {  	s7 =	sld [smem:$0x3F9F]  }
0x1a: {  	s8 =	sadd.s32 $0xFFFFE003, lr  }
0x1b: {  	s9 =	sadd.s32 $0xFFFFFEF7, lr;
	s5 =	simm.s32 $0xFFFFFFFF;
	p2 =	slt.u32 s8, $0xFFFFF086  }
0x1c: {  	p1 =	slt.u32 s9, $0xF7A;
	s5 =	simm.s32 @!p2 $0x0  }
0x1d: {  	s5 =	simm.s32 @p1 $0x1;
	p0 =	seq.s32 s7, s2  }
0x1e: {  	s7 =	smul.u32 @!p0 $0xF7A, s2;
	p2 =	seq.s32 @!p0 s5, $0x0  }
0x1f: {  	s9 =	smul.u32 $0xF7A, s1;
	s8 =	simm.s32 @!p0 $0x1BF5;
	p2 =	por !p2, p0  }
0x20: {  	[sflag:s8] =	ssyncset.s32 @!p0 $0xFFFFF086;
	s6 =	sadd.s32 @!p0 s3, s7;
	s7 =	simm.s32 @!p0 $0x108  }
0x21: {  	s3 =	sadd.s32 s3, s9;
	s6 =	sadd.s32 @!p0 $0x88, s6;
	s7 =	simm.s32 @p2 $0x1082  }
0x22: {  	[simem:s7], [sflag:s8] =	dma.local @!p0 [hbm:s6], $0xF7A  }
0x23: {  	s9 =	sor.u32 $0xD0000000, s2;
	s6 =	simm.s32 $0x108;
	_ =	swait.ge @!p0 [sflag:s8], $0x0  }
0x24: {  	s3 =	sadd.s32 $0x88, s3;
	s6 =	simm.s32 @!p1 $0x1082;
	[sflag:s4] =	ssyncset.s32 $0xFFFFF086  }
0x25: {  	[simem:s6], [sflag:s4] =	dma.local [hbm:s3], $0xF7A  }
0x26: {  	[smem:$0x3F9F] =	sst s1;
	(tag) =	ssettag s2;
	_ =	strace s9  }
0x27: {  	s1 =	sld [smem:$0x3FAF]  }
0x28: {  	s2 =	sld [smem:$0x3FB0]  }
0x29: {  	s4 =	sld [smem:$0x3FB2]  }
0x2a: {  	p0 =	seq.s32 s5, $0x0;
	s5 =	sld [smem:$0x3FB3]  }
0x2b: {  	s6 =	sld [smem:$0x3FB4]  }
0x2c: {  	s7 =	sld [smem:$0x3FB5]  }
0x2d: {  	s3 =	simm.s32 $0x108;
	s8 =	sld [smem:$0x3FB6]  }
0x2e: {  	s3 =	simm.s32 @!p0 $0x1082;
	s9 =	sld [smem:$0x3FB7]  }
0x2f: {  	lr =	sadd.s32 s0, s3;
	s0 =	sld [smem:$0x3FAE]  }
0x30: {  	s3 =	sld [smem:$0x3FB1]  }
0x31: {  	[smem:$0x3FBA] =	sst s10  }
0x32: {  	s10 =	sld [smem:$0x3FB8];
	_ =	sdelay $0x3  }
0x33: {  	p0 =	seq.s32 s10, $0x1;
	s10 =	sld [smem:$0x3FBA];
	_ =	sdelay $0x3  }
0x34: {  	[smem:$0x3FBA] =	sst s10  }
0x35: {  	s10 =	sld [smem:$0x3FB9];
	_ =	sdelay $0x3  }
0x36: {  	p1 =	seq.s32 s10, $0x1;
	s10 =	sld [smem:$0x3FBA];
	_ =	sdelay $0x3  }
0x37: {  	[smem:$0x3FBA] =	sst s10  }
0x38: {  	s10 =	sld [smem:$0x3FBB]  }
0x39: {  	_ = 	snop;
	(pc) =	sbr.ind lr, $3  }
0x3a: {  	_ = 	snop  }
0x3b: {  	_ = 	snop  }
0x3c: {  	p2 =	seq.s32 s10, $0x1;
	s10 =	sld [smem:$0x3FBA]  }
0x3d: {  	_ =	shalt  }
0x3e: {  	_ =	shalt  }
0x3f: {  	_ =	shalt  }
0x40: {  	_ =	shalt  }
0x41: {  	_ =	shalt  }
0x42: {  	_ =	shalt  }
0x43: {  	_ =	shalt  }
0x44: {  	_ =	shalt  }
0x45: {  	_ =	shalt  }
0x46: {  	_ =	shalt  }
0x47: {  	_ =	shalt  }
0x48: {  	_ =	shalt  }
0x49: {  	_ =	shalt  }
0x4a: {  	_ =	shalt  }
0x4b: {  	_ =	shalt  }
0x4c: {  	_ =	shalt  }
0x4d: {  	_ =	shalt  }
0x4e: {  	_ =	shalt  }
0x4f: {  	_ =	shalt  }
0x50: {  	_ =	shalt  }
0x51: {  	_ =	shalt  }
0x52: {  	_ =	shalt  }
0x53: {  	_ =	shalt  }
0x54: {  	_ =	shalt  }
0x55: {  	_ =	shalt  }
0x56: {  	_ =	shalt  }
0x57: {  	_ =	shalt  }
0x58: {  	_ =	shalt  }
0x59: {  	_ =	shalt  }
0x5a: {  	_ =	shalt  }
0x5b: {  	_ =	shalt  }
0x5c: {  	_ =	shalt  }
0x5d: {  	_ =	shalt  }
0x5e: {  	_ =	shalt  }
0x5f: {  	_ =	shalt  }
0x60: {  	_ =	shalt  }
0x61: {  	_ =	shalt  }
0x62: {  	_ =	shalt  }
0x63: {  	_ =	shalt  }
0x64: {  	_ =	shalt  }
0x65: {  	_ =	shalt  }
0x66: {  	_ =	shalt  }
0x67: {  	_ =	shalt  }
0x68: {  	_ =	shalt  }
0x69: {  	_ =	shalt  }
0x6a: {  	_ =	shalt  }
0x6b: {  	_ =	shalt  }
0x6c: {  	_ =	shalt  }
0x6d: {  	_ =	shalt  }
0x6e: {  	_ =	shalt  }
0x6f: {  	_ =	shalt  }
0x70: {  	_ =	shalt  }
0x71: {  	_ =	shalt  }
0x72: {  	_ =	shalt  }
0x73: {  	_ =	shalt  }
0x74: {  	_ =	shalt  }
0x75: {  	_ =	shalt  }
0x76: {  	_ =	shalt  }
0x77: {  	_ =	shalt  }
0x78: {  	_ =	shalt  }
0x79: {  	_ =	shalt  }
0x7a: {  	_ =	shalt  }
0x7b: {  	_ =	shalt  }
0x7c: {  	_ =	shalt  }
0x7d: {  	_ =	shalt  }
0x7e: {  	_ =	shalt  }
0x7f: {  	_ =	shalt  }
0x80: {  	_ =	shalt  }
0x81: {  	_ =	shalt  }
0x82: {  	_ =	shalt  }
0x83: {  	_ =	shalt  }
0x84: {  	_ =	shalt  }
0x85: {  	_ =	shalt  }
0x86: {  	_ =	shalt  }
0x87: {  	_ =	shalt  }
.Lfunc_end0:
.L_simem_size_0:
called_computation.1_lowered:
.L_overlay_start_0:
0x88: {  	s2 =	sld [smem:$0x3FD9]  }
0x89: {  	s3 =	sld [smem:$0x3FFE];
	_ =	sdelay $0x1  }
0x8a: {  	s1 =	srdreg.scid  }
0x8b: {  	s0 =	sand.u32 $0x1, s1  }
0x8c: {  	s17 =	sshll.u32 s0, $0xA;
	s2 =	sadd.s32 s3, s2  }
0x8d: {  	s2 =	sadd.s32 s2, s17  }
0x8e: {  	[smem:$0x3FC6] =	sst s2  }
0x8f: {  	_ = 	snop  }
0x90: {  	s2 =	sld [smem:$0x3FC8]  }
0x91: {  	s18 =	sld [smem:$0x3FD0];
	(tm) =	ssettm $0x1  }
0x92: {  	s4 =	sld [smem:$0x3FFB];
	_ =	sdelay $0x3  }
0x93: {  	_ =	strace s4  }
0x94: {  	s4 =	sld [smem:$0x3FFC];
	_ =	sdelay $0x3  }
0x95: {  	_ =	strace s4  }
0x96: {  	s4 =	sld [smem:$0x3FFD];
	_ =	sdelay $0x3  }
0x97: {  	_ =	strace s4  }
0x98: {  	_ =	strace $0x8FFFFFFF  }
0x99: {  	s19 =	sld [smem:$0x3FDB];
	_ =	sdelay $0x1  }
0x9a: {  	s5 =	simm.s32 $_scs_section_size  }
0x9b: {  	s6 =	simm.s32 $_size__tile_overlayer_lowered;
	s7 =	simm.s32 $_tile_overlayer_lowered  }
0x9c: {  	s22 =	simm.s32 $0x1BFF;
	s21 =	sshll.u32 s7, $0x1;
	s4 =	sadd.s32 s5, s19  }
0x9d: {  	s8 =	simm.s32 $0x0;
	s20 =	sshll.u32 s6, $0x1;
	s6 =	sadd.s32 s21, s4  }
0x9e: {  	[timem:s8], [sflag:s22] =	dma.local [hbm:s6], s20  }
0x9f: {  	_ =	swait.ge [sflag:s22], s20  }
0xa0: {  	s5 =	ssub.s32 $0x0, s20;
	[sflag:s22] =	ssyncset.done $0x0  }
0xa1: {  	[sflag:s22] =	ssyncadd.s32 s5;
	_ =	sdelay $0x1  }
0xa2: {  	s23 =	simm.s32 $0x1B8B  }
0xa3: {  	_ =	swait.ge [sflag:s23], $0x1  }
0xa4: {  	[sflag:s23] =	ssyncset.done $0x0  }
0xa5: {  	s25 =	simm.s32 $0x1B8E;
	s24 =	sld [smem:$0x3FFE];
	[sflag:s23] =	ssyncadd.s32 $0xFFFFFFFF  }
0xa6: {  	s26 =	simm.s32 $execute0_lowered;
	[smem:$0x3FD2] =	sst s25  }
0xa7: {  	s6 =	sshll.u32 s26, $0x1;
	_ =	strace $0x80000046;
	[dreg:$0x1] =	wrdreg $0xFFFFFFFF  }
0xa8: {  	s28 =	simm.s32 $_size_execute0_lowered;
	s4 =	sadd.s32 s4, s6;
	[dreg:$0x0] =	wrdreg $0x0  }
0xa9: {  	s6 =	sshll.u32 s28, $0x1;
	[dreg:$0x2] =	wrdreg s4  }
0xaa: {  	[dreg:$0x3] =	wrdreg s6  }
0xab: {  	[dreg:$0x4] =	wrdreg $0xC0  }
0xac: {  	_ =	task [dreg:s8], $0x5FFFF  }
0xad: {  	[dreg:$0x1] =	wrdreg $0xFFFFFFFF  }
0xae: {  	[dreg:$0x0] =	wrdreg $0x60  }
0xaf: {  	[dreg:$0x2] =	wrdreg s2  }
0xb0: {  	[dreg:$0x3] =	wrdreg s24  }
0xb1: {  	[dreg:$0x4] =	wrdreg s18  }
0xb2: {  	[dreg:$0x5] =	wrdreg $0x9  }
0xb3: {  	_ =	task.clear_ibuf [dreg:s8], $0x6FFFF;
	_ =	strace $0x90000046  }
0xb4: {  	s29 =	simm.s32 $0x9;
	_ =	strace $0x80000048  }
0xb5: {  	_ =	swait.ge [sflag:s29], $0x1  }
0xb6: {  	[sflag:s29] =	ssyncadd.s32 $0xFFFFFFFF  }
0xb7: {  	_ =	strace $0x90000048  }
0xb8: {  	_ =	sfence  }
0xb9: {  	s30 =	sld [smem:$0x0];
	_ =	sdelay $0x2  }
0xba: {  	s31 =	sshll.u32 s1, $0xD;
	s1 =	sshrl.u32 s1, $0x2  }
0xbb: {  	s3 =	sand.u32 $0x4000, s31;
	s1 =	sadd.s32 s1, s30  }
0xbc: {  	s0 =	sor.u32 s3, s0;
	s1 =	sshll.u32 s1, $0x11  }
0xbd: {  	s0 =	sor.u32 s1, s0  }
0xbe: {  	s0 =	sadd.s32 $0x8F2B, s0  }
0xbf: {  	[sflag:s0] =	ssyncadd.remote.s32 $0x1  }
0xc0: {  	_ =	sfence.sel $0xFFFF  }
0xc1: {  	[dreg:$0x0] =	wrdreg $0xFFFFFFFF;
	(pc) =	sbr.abs _section_cstart, $3  }
0xc2: {  	[dreg:$0x1] =	wrdreg $0xFFFFFFFF  }
0xc3: {  	_ =	task.clear_ibuf [dreg:s8], $0x2FFFF;
	_ =	strace $0x9FFFFFFF  }
0xc4: {  	(tm) =	ssettm $0x7FFFFFFF  }
0xc5: {  	_ =	shalt  }
tec
execute0_lowered:
.L_overlay_start_1:
0x0: {  	(tag) =	ssettag $0x1  }
0x1: {  	s1 =	rddreg [dreg:$0x0]  }
0x2: {  	s4 =	rddreg [dreg:$0x1]  }
0x3: {  	s5 =	rddreg [dreg:$0x2];
	s3 =	simm.s32 $0x0  }
0x4: {  	s2 =	stileid.u32;
	s6 =	srdreg.scid;
	s10 =	simm.s32 $0x300  }
0x5: {  	s11 =	simm.s32 $0x7A1400;
	s12 =	simm.s32 $0x8600;
	s13 =	simm.s32 $0x600  }
0x6: {  	s14 =	simm.s32 $0x2600;
	s15 =	simm.s32 $0x4600;
	s16 =	simm.s32 $0x6600  }
0x7: {  	s17 =	simm.s32 $0xA600;
	s18 =	simm.s32 $0xC600;
	s19 =	simm.s32 $0xE600  }
0x8: {  	s20 =	simm.s32 $0x10600;
	s21 =	simm.s32 $0x0;
	[smem:$0x7FF] =	sst s3  }
0x9: {  	s6 =	sand.u32 $0x1, s6;
	s7 =	sshll.u32 s2, $0x1;
	s8 =	sshll.u32 s2, $0x7  }
0xa: {  	_ =	strace $0x80000047;
	s7 =	sor.u32 s6, s7;
	s8 =	sand.u32 $0x600, s8  }
.Ltmp0:
0xb: {  	s6 =	ssub.s32 $0x2, s6;
	s9 =	sshll.u32 s7, $0x4;
	(pc) =	sbr.rel .LBB2_1-.Ltmp0, $4  }
0xc: {  	v0 =	vlaneseq.u32;
	s4 =	sadd.s32 s8, s4;
	s31 =	sshrl.u32 s6, $0x1;
	s7 =	sshll.u32 s7, $0xC  }
0xd: {  	v1 =	vmul.u32 $0x80, v0;
	s8 =	simm.s32 $0x80;
	s9 =	sand.u32 $0x70, s9;
	s6 =	ssub.s32 s6, s31  }
0xe: {  	v2 =	vimm.s32 $0xFFFFFFFF;
	v3 =	vimm.s32 $0x200;
	s5 =	sadd.s32 s5, s7;
	s7 =	simm.s32 $0x400;
	s4 =	sadd.s32 s9, s4  }
0xf: {  	v4 =	vor.u32 $0x800, v1;
	v5 =	vor.u32 $0x1000, v1;
	v6 =	vor.u32 $0x1800, v1;
	s6 =	smax.u32 s6, $0x1;
	s9 =	simm.s32 $0x9;
	s4 =	sadd.s32 $0x800, s4  }
.LBB2_39:
0x10: {  	s21 =	sadd.s32 $0x1, s21  }
0x11: {  	p0 =	sne.s32 s21, s6  }
.Ltmp1:
0x12: {  	_ = 	snop;
	(pc) =	sbr.rel @!p0 .LBB2_40-.Ltmp1, $4  }
0x13: {  	[hbm4b:s5+s3] =	stream.linear.scatter [tilespmem:s20], [sflag:$0x9], $0x8000, $0x38;
	[tilespmem:$0x18600] =	vst v63  }
0x14: {  	_ =	swait.ge [sflag:s9], $0x8000  }
0x15: {  	[sflag:s9] =	ssyncset.done $0x0  }
0x16: {  	[sflag:s9] =	ssyncadd.s32 $0xFFFF8000  }
.LBB2_1:
0x17: {  	[tilespmem:s8], [sflag:$0x9] =	stream.strided.gather [hbm4b:s4+s8], $0x200, s7, s8, $0x38;
	[tilespmem:$0x18600] =	vst v63  }
0x18: {  	_ =	swait.ge [sflag:s9], $0x200  }
0x19: {  	[sflag:s9] =	ssyncset.done $0x0  }
0x1a: {  	[sflag:s9] =	ssyncadd.s32 $0xFFFFFE00  }
0x1b: {  	s22 =	simm.s32 $0x7F;
	[tilespmem:$0x70] =	vst v2  }
0x1c: {  	s23 =	sand.u32 $0x1F0, s3;
	v7 =	vld [tilespmem:s22+$0x0]  }
0x1d: {  	v8 =	vld [tilespmem:s23+$0x80];
	_ =	sdelay $0x4  }
0x1e: {  	v7 =	vxor.u32 v8, v7  }
0x1f: {  	vm0 =	vgt.u32 v7, $0x7F  }
0x20: {  	v7 =	vmpcnt.ones.xlane vm0;
	_ =	sdelay $0x1  }
0x21: {  	(v2sf) =	vpush v7, $0x0;
	_ =	sdelay $0x3  }
0x22: {  	v8 =	vor.u32 s3, v0  }
0x23: {  	s24 =	simm.s32 $0x8F;
	s23 =	simm.s32 $0x10;
	[tilespmem:s3+$0x300] =	vst.msk vm0, v8  }
0x24: {  	s25 =	simm.s32 $0x20;
	s22 =	simm.s32 $0x0;
	s26 =	sand.u32 $0x1F0, s23;
	v7 =	vld [tilespmem:s24+$0x0]  }
.LBB2_2:
0x25: {  	p0 =	sne.s32 s25, $0x1F0;
	v8 =	vld [tilespmem:s26+$0x80];
	_ =	sdelay $0x4  }
0x26: {  	v7 =	vxor.u32 v8, v7  }
0x27: {  	vm0 =	vgt.u32 v7, $0x7F  }
0x28: {  	v7 =	vmpcnt.ones.xlane vm0  }
0x29: {  	s26 =	spop (v2sf)  }
0x2a: {  	v8 =	vor.u32 s23, v0;
	s23 =	smov.u32 s25;
	(v2sf) =	vpush v7, $0x0;
	s22 =	sadd.s32 s22, s26  }
0x2b: {  	[tilespmem:s22+$0x300] =	vst.msk vm0, v8  }
.Ltmp2:
0x2c: {  	(pc) =	sbr.rel @p0 .LBB2_2-.Ltmp2, $3  }
0x2d: {  	_ =	sdelay $0x1  }
0x2e: {  	s24 =	sadd.s32 $0x10, s24  }
0x2f: {  	s25 =	sadd.s32 $0x10, s25;
	s26 =	sand.u32 $0x1F0, s23;
	v7 =	vld [tilespmem:s24+$0x0]  }
0x30: {  	v8 =	vld [tilespmem:s26+$0x80];
	_ =	sdelay $0x4  }
0x31: {  	v7 =	vxor.u32 v8, v7  }
0x32: {  	vm0 =	vgt.u32 v7, $0x7F  }
0x33: {  	v7 =	vmpcnt.ones.xlane vm0;
	_ =	sdelay $0x1  }
0x34: {  	(v2sf) =	vpush v7, $0x0;
	_ =	sdelay $0xd  }
0x35: {  	s24 =	spop (v2sf)  }
0x36: {  	s24 =	sadd.s32 s22, s24;
	s31 =	spop (v2sf)  }
0x37: {  	s22 =	sadd.s32 s24, s31  }
0x38: {  	v7 =	vmov s22;
	_ =	sdelay $0x2  }
0x39: {  	v8 =	vor.u32 s23, v0  }
0x3a: {  	[tilespmem:s24+$0x300] =	vst.msk vm0, v8  }
0x3b: {  	p0 =	slt.s32 s22, $0x1;
	[tilespmem:v7+s10+$0x0] =	vst.idx.msk $0x1, v3  }
0x3c: {  	v7 =	vld @!p0 [tilespmem:$0x300];
	_ =	sdelay $0x4  }
0x3d: {  	(v2sf) =	vpush @!p0 v7, $0x0;
	_ =	sdelay $0xe  }
0x3e: {  	s23 =	spop @!p0 (v2sf)  }
0x3f: {  	v7 =	vld @!p0 [tilespmem:s23+$0x80];
	_ =	sdelay $0x4  }
0x40: {  	(v2sf) =	vpush @!p0 v7, $0x0;
	_ =	sdelay $0xe  }
0x41: {  	s24 =	simm.s32 @!p0 $0x400;
	s23 =	spop @!p0 (v2sf)  }
0x42: {  	s25 =	simm.s32 @!p0 $0x7A1400;
	s23 =	sand.u32 @!p0 $0xFFFFF80, s23  }
0x43: {  	s26 =	simm.s32 @!p0 $0x600;
	p1 =	seq.s32 @!p0 s22, $0x1;
	s23 =	sadd.s32 @!p0 s1, s23  }
0x44: {  	[tilespmem:s26], [sflag:$0x1] =	stream.strided.gather @!p0 [hbm4b:s23+s24], $0x2000, s25, s24, $0x38;
	[tilespmem:$0x18600] =	vst v63  }
0x45: {  	p0 =	por p0, p1  }
0x46: {  	v7 =	vld @!p0 [tilespmem:$0x301];
	_ =	sdelay $0x4  }
0x47: {  	(v2sf) =	vpush @!p0 v7, $0x0;
	_ =	sdelay $0xe  }
0x48: {  	s23 =	spop @!p0 (v2sf)  }
0x49: {  	v7 =	vld @!p0 [tilespmem:s23+$0x80];
	_ =	sdelay $0x4  }
0x4a: {  	(v2sf) =	vpush @!p0 v7, $0x0;
	_ =	sdelay $0xe  }
0x4b: {  	s24 =	simm.s32 @!p0 $0x400;
	s23 =	spop @!p0 (v2sf)  }
0x4c: {  	s25 =	simm.s32 @!p0 $0x7A1400;
	s23 =	sand.u32 @!p0 $0xFFFFF80, s23  }
0x4d: {  	s26 =	simm.s32 @!p0 $0x2600;
	p1 =	slt.u32 @!p0 s22, $0x3;
	s23 =	sadd.s32 @!p0 s1, s23  }
0x4e: {  	[tilespmem:s26], [sflag:$0x2] =	stream.strided.gather @!p0 [hbm4b:s23+s24], $0x2000, s25, s24, $0x38;
	[tilespmem:$0x18600] =	vst v63  }
0x4f: {  	p0 =	por p0, p1  }
0x50: {  	v7 =	vld @!p0 [tilespmem:$0x302];
	_ =	sdelay $0x4  }
0x51: {  	(v2sf) =	vpush @!p0 v7, $0x0;
	_ =	sdelay $0xe  }
0x52: {  	s23 =	spop @!p0 (v2sf)  }
0x53: {  	v7 =	vld @!p0 [tilespmem:s23+$0x80];
	_ =	sdelay $0x4  }
0x54: {  	(v2sf) =	vpush @!p0 v7, $0x0;
	_ =	sdelay $0xe  }
0x55: {  	s24 =	simm.s32 @!p0 $0x400;
	s23 =	spop @!p0 (v2sf)  }
0x56: {  	s25 =	simm.s32 @!p0 $0x7A1400;
	s23 =	sand.u32 @!p0 $0xFFFFF80, s23  }
0x57: {  	s26 =	simm.s32 @!p0 $0x4600;
	p1 =	seq.s32 @!p0 s22, $0x3;
	s23 =	sadd.s32 @!p0 s1, s23  }
0x58: {  	[tilespmem:s26], [sflag:$0x3] =	stream.strided.gather @!p0 [hbm4b:s23+s24], $0x2000, s25, s24, $0x38;
	[tilespmem:$0x18600] =	vst v63  }
0x59: {  	p0 =	por p0, p1  }
0x5a: {  	v7 =	vld @!p0 [tilespmem:$0x303];
	_ =	sdelay $0x4  }
0x5b: {  	(v2sf) =	vpush @!p0 v7, $0x0;
	_ =	sdelay $0xe  }
0x5c: {  	s23 =	spop @!p0 (v2sf)  }
0x5d: {  	v7 =	vld @!p0 [tilespmem:s23+$0x80];
	_ =	sdelay $0x4  }
0x5e: {  	(v2sf) =	vpush @!p0 v7, $0x0;
	_ =	sdelay $0xe  }
0x5f: {  	s24 =	simm.s32 @!p0 $0x400;
	s23 =	spop @!p0 (v2sf)  }
0x60: {  	s25 =	simm.s32 @!p0 $0x7A1400;
	s23 =	sand.u32 @!p0 $0xFFFFF80, s23  }
0x61: {  	s26 =	simm.s32 @!p0 $0x6600;
	p1 =	slt.u32 @!p0 s22, $0x5;
	s23 =	sadd.s32 @!p0 s1, s23  }
0x62: {  	[tilespmem:s26], [sflag:$0x4] =	stream.strided.gather @!p0 [hbm4b:s23+s24], $0x2000, s25, s24, $0x38;
	[tilespmem:$0x18600] =	vst v63  }
0x63: {  	p0 =	por p0, p1  }
.Ltmp3:
0x64: {  	_ = 	snop;
	(pc) =	sbr.rel @p0 .LBB2_5-.Ltmp3, $1  }
0x65: {  	_ =	sdelay $0x3  }
0x66: {  	v7 =	vld [tilespmem:$0x304];
	_ =	sdelay $0x4  }
0x67: {  	(v2sf) =	vpush v7, $0x0;
	_ =	sdelay $0xe  }
0x68: {  	s23 =	spop (v2sf)  }
0x69: {  	v7 =	vld [tilespmem:s23+$0x80];
	_ =	sdelay $0x4  }
0x6a: {  	(v2sf) =	vpush v7, $0x0;
	_ =	sdelay $0xe  }
0x6b: {  	s31 =	spop (v2sf)  }
0x6c: {  	s23 =	sand.u32 $0xFFFFF80, s31  }
0x6d: {  	p0 =	seq.s32 s22, $0x5;
	s23 =	sadd.s32 s1, s23  }
0x6e: {  	[tilespmem:s12], [sflag:$0x5] =	stream.strided.gather [hbm4b:s23+s7], $0x2000, s11, s7, $0x38;
	[tilespmem:$0x18600] =	vst v63  }
0x6f: {  	v7 =	vld @!p0 [tilespmem:$0x305];
	_ =	sdelay $0x4  }
0x70: {  	(v2sf) =	vpush @!p0 v7, $0x0;
	_ =	sdelay $0xe  }
0x71: {  	s23 =	spop @!p0 (v2sf)  }
0x72: {  	v7 =	vld @!p0 [tilespmem:s23+$0x80];
	_ =	sdelay $0x4  }
0x73: {  	(v2sf) =	vpush @!p0 v7, $0x0;
	_ =	sdelay $0xe  }
0x74: {  	s24 =	simm.s32 @!p0 $0x400;
	s23 =	spop @!p0 (v2sf)  }
0x75: {  	s25 =	simm.s32 @!p0 $0x7A1400;
	p1 =	slt.u32 @!p0 s22, $0x7;
	s23 =	sand.u32 @!p0 $0xFFFFF80, s23  }
0x76: {  	s26 =	simm.s32 @!p0 $0xA600;
	p2 =	por p1, p0;
	s23 =	sadd.s32 @!p0 s1, s23  }
0x77: {  	[tilespmem:s26], [sflag:$0x6] =	stream.strided.gather @!p0 [hbm4b:s23+s24], $0x2000, s25, s24, $0x38;
	[tilespmem:$0x18600] =	vst v63  }
0x78: {  	v7 =	vld @!p2 [tilespmem:$0x306];
	_ =	sdelay $0x4  }
0x79: {  	(v2sf) =	vpush @!p2 v7, $0x0;
	_ =	sdelay $0xe  }
0x7a: {  	s23 =	spop @!p2 (v2sf)  }
0x7b: {  	v7 =	vld @!p2 [tilespmem:s23+$0x80];
	_ =	sdelay $0x4  }
0x7c: {  	(v2sf) =	vpush @!p2 v7, $0x0;
	_ =	sdelay $0xe  }
0x7d: {  	s23 =	spop @!p2 (v2sf)  }
0x7e: {  	s24 =	simm.s32 @!p2 $0x400;
	s23 =	sand.u32 @!p2 $0xFFFFF80, s23  }
0x7f: {  	s25 =	simm.s32 @!p2 $0x7A1400;
	s26 =	simm.s32 @!p2 $0xC600;
	s23 =	sadd.s32 @!p2 s1, s23  }
0x80: {  	[tilespmem:s26], [sflag:$0x7] =	stream.strided.gather @!p2 [hbm4b:s23+s24], $0x2000, s25, s24, $0x38;
	[tilespmem:$0x18600] =	vst v63  }
0x81: {  	p2 =	seq.s32 @!p2 s22, $0x7  }
0x82: {  	p1 =	por @!p0 p2, p1  }
0x83: {  	p0 =	por p1, p0  }
0x84: {  	v7 =	vld @!p0 [tilespmem:$0x307];
	_ =	sdelay $0x4  }
0x85: {  	(v2sf) =	vpush @!p0 v7, $0x0;
	_ =	sdelay $0xe  }
0x86: {  	s23 =	spop @!p0 (v2sf)  }
0x87: {  	v7 =	vld @!p0 [tilespmem:s23+$0x80];
	_ =	sdelay $0x4  }
0x88: {  	(v2sf) =	vpush @!p0 v7, $0x0;
	_ =	sdelay $0xe  }
0x89: {  	s23 =	spop @!p0 (v2sf)  }
0x8a: {  	s24 =	simm.s32 @!p0 $0x400;
	s23 =	sand.u32 @!p0 $0xFFFFF80, s23  }
0x8b: {  	s25 =	simm.s32 @!p0 $0x7A1400;
	s26 =	simm.s32 @!p0 $0xE600;
	s23 =	sadd.s32 @!p0 s1, s23  }
0x8c: {  	[tilespmem:s26], [sflag:$0x8] =	stream.strided.gather @!p0 [hbm4b:s23+s24], $0x2000, s25, s24, $0x38;
	[tilespmem:$0x18600] =	vst v63  }
.LBB2_5:
0x8d: {  	s23 =	sadd.s32 $0x7, s22  }
0x8e: {  	s24 =	sand.u32 $0x7, s23  }
0x8f: {  	s25 =	sshra.s32 s23, $0x1F;
	p0 =	slt.s32 s23, $0x1;
	p1 =	sne.s32 s24, $0x0  }
0x90: {  	s31 =	sshrl.u32 s25, $0x1D;
	p0 =	por !p0, !p1  }
0x91: {  	s24 =	simm.s32 $0x1;
	s23 =	sadd.s32 s31, s23;
	p0 =	por !p0, !p0  }
0x92: {  	s23 =	sshra.s32 s23, $0x3;
	s24 =	simm.s32 @!p0 $0x0  }
0x93: {  	s23 =	ssub.s32 s23, s24  }
0x94: {  	p0 =	slt.s32 s23, $0x1  }
.Ltmp4:
0x95: {  	_ = 	snop;
	(pc) =	sbr.rel @!p0 .LBB2_6-.Ltmp4, $4  }
.Ltmp5:
0x96: {  	_ = 	snop;
	(pc) =	sbr.rel @p0 .LBB2_39-.Ltmp5, $4  }
0x97: {  	_ = 	snop  }
0x98: {  	_ = 	snop  }
0x99: {  	s24 =	simm.s32 $0x0  }
0x9a: {  	_ = 	snop  }
.LBB2_37:
0x9b: {  	[tilespmem:s29+$0x10] =	vst v7  }
.LBB2_38:
0x9c: {  	s0 =	sadd.s32 $0xF, s25  }
0x9d: {  	p0 =	sge.s32 s0, s22  }
0x9e: {  	v7 =	vld @!p0 [tilespmem:s0+$0x300];
	_ =	sdelay $0x4  }
0x9f: {  	(v2sf) =	vpush @!p0 v7, $0x0;
	_ =	sdelay $0xe  }
0xa0: {  	s0 =	spop @!p0 (v2sf)  }
0xa1: {  	v7 =	vld @!p0 [tilespmem:s0+$0x80];
	_ =	sdelay $0x4  }
0xa2: {  	(v2sf) =	vpush @!p0 v7, $0x0;
	_ =	sdelay $0xe  }
0xa3: {  	s0 =	spop @!p0 (v2sf)  }
0xa4: {  	s24 =	sadd.s32 $0x1, s24;
	s25 =	simm.s32 @!p0 $0x400;
	s0 =	sand.u32 @!p0 $0xFFFFF80, s0  }
0xa5: {  	s26 =	simm.s32 @!p0 $0x7A1400;
	s28 =	simm.s32 @!p0 $0xE600;
	s0 =	sadd.s32 @!p0 s1, s0  }
0xa6: {  	[tilespmem:s28], [sflag:$0x8] =	stream.strided.gather @!p0 [hbm4b:s0+s25], $0x2000, s26, s25, $0x38;
	[tilespmem:$0x18600] =	vst v63  }
0xa7: {  	p0 =	sne.s32 s24, s23  }
.Ltmp6:
0xa8: {  	_ = 	snop;
	(pc) =	sbr.rel @!p0 .LBB2_39-.Ltmp6, $1  }
0xa9: {  	_ =	sdelay $0x3  }
.LBB2_6:
0xaa: {  	s25 =	sshll.u32 s24, $0x3  }
0xab: {  	p0 =	sge.s32 s25, s22  }
0xac: {  	s26 =	simm.s32 @!p0 $0x1  }
0xad: {  	_ =	swait.ge @!p0 [sflag:s26], $0x2000  }
0xae: {  	[sflag:s26] =	ssyncset.done @!p0 $0x0  }
0xaf: {  	[sflag:s26] =	ssyncadd.s32 @!p0 $0xFFFFE000  }
0xb0: {  	v7 =	vld @!p0 [tilespmem:s25+$0x300];
	_ =	sdelay $0x4  }
0xb1: {  	(v2sf) =	vpush @!p0 v7, $0x0;
	_ =	sdelay $0x9  }
0xb2: {  	v7 =	vld @!p0 [tilespmem:s25+$0x301];
	_ =	sdelay $0x4  }
0xb3: {  	s30 =	spop @!p0 (v2sf);
	(v2sf) =	vpush @!p0 v7, $0x0;
	_ =	sdelay $0x2  }
0xb4: {  	v8 =	vld @!p0 [tilespmem:s30+$0x80];
	_ =	sdelay $0x4  }
0xb5: {  	(v2sf) =	vpush @!p0 v8, $0x0;
	_ =	sdelay $0x6  }
0xb6: {  	s26 =	spop @!p0 (v2sf)  }
0xb7: {  	s28 =	ssub.s32 @!p0 s26, s30  }
0xb8: {  	p1 =	slt.s32 @!p0 s28, $0x1  }
0xb9: {  	p1 =	por p0, p1  }
.Ltmp7:
0xba: {  	_ = 	snop;
	(pc) =	sbr.rel @p1 .LBB2_10-.Ltmp7, $2  }
0xbb: {  	_ =	sdelay $0x2  }
0xbc: {  	s28 =	spop @!p0 (v2sf)  }
0xbd: {  	v7 =	vld [tilespmem:s30+$0x80];
	_ =	sdelay $0x4  }
0xbe: {  	(v2sf) =	vpush v7, $0x0;
	_ =	sdelay $0xe  }
0xbf: {  	s28 =	sand.u32 @!p0 $0xFFFFFF80, s28;
	s29 =	spop (v2sf)  }
0xc0: {  	s31 =	ssub.s32 s29, s28  }
0xc1: {  	v7 =	vadd.s32 s31, v1;
	_ =	sdelay $0x4  }
0xc2: {  	v7 =	vld.idx.msk [tilespmem:v7+s13+$0x0], $0xffff  }
0xc3: {  	v8 =	vadd.s32 s31, v4  }
0xc4: {  	s29 =	sshll.u32 s30, $0x8  }
0xc5: {  	s29 =	sshra.s32 s29, $0x2  }
0xc6: {  	s29 =	sadd.s32 $0x10620, s29  }
0xc7: {  	[tilespmem:s29+$0xFFFFFFE0] =	vst v7  }
0xc8: {  	v7 =	vld.idx.msk [tilespmem:v8+s13+$0x0], $0xffff  }
0xc9: {  	v8 =	vadd.s32 s31, v5;
	_ =	sdelay $0x3  }
0xca: {  	[tilespmem:s29+$0xFFFFFFF0] =	vst v7  }
0xcb: {  	s30 =	sadd.s32 $0x1, s30;
	v7 =	vld.idx.msk [tilespmem:v8+s13+$0x0], $0xffff  }
0xcc: {  	p0 =	sne.s32 s26, s30;
	v8 =	vadd.s32 s31, v6  }
.Ltmp8:
0xcd: {  	_ = 	snop;
	(pc) =	sbr.rel @!p0 .LBB2_9-.Ltmp8, $3  }
0xce: {  	_ =	sdelay $0x1  }
0xcf: {  	[tilespmem:s29+$0x0] =	vst v7  }
0xd0: {  	v7 =	vld.idx.msk [tilespmem:v8+s13+$0x0], $0xffff  }
.LBB2_8:
0xd1: {  	_ =	sdelay $0x3  }
0xd2: {  	s31 =	smov.u32 s30;
	s30 =	sadd.s32 $0x1, s30;
	[tilespmem:s29+$0x10] =	vst v7;
	s29 =	sadd.s32 $0x40, s29  }
0xd3: {  	p0 =	sne.s32 s26, s30;
	v7 =	vld [tilespmem:s31+$0x80];
	_ =	sdelay $0x4  }
0xd4: {  	(v2sf) =	vpush v7, $0x0;
	_ =	sdelay $0xe  }
0xd5: {  	s31 =	spop (v2sf)  }
0xd6: {  	s31 =	ssub.s32 s31, s28  }
0xd7: {  	v7 =	vadd.s32 s31, v1;
	_ =	sdelay $0x4  }
0xd8: {  	v7 =	vld.idx.msk [tilespmem:v7+s13+$0x0], $0xffff;
	_ =	sdelay $0x1  }
0xd9: {  	v8 =	vadd.s32 s31, v4;
	_ =	sdelay $0x3  }
0xda: {  	[tilespmem:s29+$0xFFFFFFE0] =	vst v7  }
0xdb: {  	v7 =	vld.idx.msk [tilespmem:v8+s13+$0x0], $0xffff;
	_ =	sdelay $0x1  }
0xdc: {  	v8 =	vadd.s32 s31, v5;
	_ =	sdelay $0x3  }
0xdd: {  	[tilespmem:s29+$0xFFFFFFF0] =	vst v7  }
0xde: {  	v7 =	vld.idx.msk [tilespmem:v8+s13+$0x0], $0xffff;
	_ =	sdelay $0x1  }
0xdf: {  	v8 =	vadd.s32 s31, v6  }
.Ltmp9:
0xe0: {  	(pc) =	sbr.rel @p0 .LBB2_8-.Ltmp9, $3  }
0xe1: {  	_ =	sdelay $0x1  }
0xe2: {  	[tilespmem:s29+$0x0] =	vst v7  }
0xe3: {  	v7 =	vld.idx.msk [tilespmem:v8+s13+$0x0], $0xffff  }
.LBB2_9:
0xe4: {  	_ =	sdelay $0x3  }
0xe5: {  	[tilespmem:s29+$0x10] =	vst v7  }
.LBB2_10:
0xe6: {  	s26 =	sadd.s32 $0x8, s25  }
0xe7: {  	p0 =	sge.s32 s26, s22  }
0xe8: {  	v7 =	vld @!p0 [tilespmem:s26+$0x300];
	_ =	sdelay $0x4  }
0xe9: {  	(v2sf) =	vpush @!p0 v7, $0x0;
	_ =	sdelay $0xe  }
0xea: {  	s28 =	spop @!p0 (v2sf)  }
0xeb: {  	v7 =	vld @!p0 [tilespmem:s28+$0x80];
	_ =	sdelay $0x4  }
0xec: {  	(v2sf) =	vpush @!p0 v7, $0x0;
	_ =	sdelay $0xe  }
0xed: {  	s28 =	spop @!p0 (v2sf)  }
0xee: {  	s29 =	simm.s32 @!p0 $0x400;
	s28 =	sand.u32 @!p0 $0xFFFFF80, s28  }
0xef: {  	s30 =	simm.s32 @!p0 $0x7A1400;
	s31 =	simm.s32 @!p0 $0x600;
	s28 =	sadd.s32 @!p0 s1, s28  }
0xf0: {  	[tilespmem:s31], [sflag:$0x1] =	stream.strided.gather @!p0 [hbm4b:s28+s29], $0x2000, s30, s29, $0x38;
	[tilespmem:$0x18600] =	vst v63  }
0xf1: {  	s28 =	sor.u32 $0x1, s25  }
0xf2: {  	p0 =	sge.s32 s28, s22  }
0xf3: {  	s29 =	simm.s32 @!p0 $0x2  }
0xf4: {  	_ =	swait.ge @!p0 [sflag:s29], $0x2000  }
0xf5: {  	[sflag:s29] =	ssyncset.done @!p0 $0x0  }
0xf6: {  	[sflag:s29] =	ssyncadd.s32 @!p0 $0xFFFFE000  }
0xf7: {  	v7 =	vld @!p0 [tilespmem:s28+$0x300];
	_ =	sdelay $0x4  }
0xf8: {  	(v2sf) =	vpush @!p0 v7, $0x0;
	_ =	sdelay $0x9  }
0xf9: {  	v7 =	vld @!p0 [tilespmem:s25+$0x302];
	_ =	sdelay $0x4  }
0xfa: {  	s31 =	spop @!p0 (v2sf);
	(v2sf) =	vpush @!p0 v7, $0x0;
	_ =	sdelay $0x2  }
0xfb: {  	v8 =	vld @!p0 [tilespmem:s31+$0x80];
	_ =	sdelay $0x4  }
0xfc: {  	(v2sf) =	vpush @!p0 v8, $0x0;
	_ =	sdelay $0x6  }
0xfd: {  	s28 =	spop @!p0 (v2sf)  }
0xfe: {  	s29 =	ssub.s32 @!p0 s28, s31  }
0xff: {  	p1 =	slt.s32 @!p0 s29, $0x1  }
0x100: {  	p1 =	por p0, p1  }
.Ltmp10:
0x101: {  	_ = 	snop;
	(pc) =	sbr.rel @p1 .LBB2_14-.Ltmp10, $2  }
0x102: {  	_ =	sdelay $0x2  }
0x103: {  	s29 =	spop @!p0 (v2sf)  }
0x104: {  	v7 =	vld [tilespmem:s31+$0x80];
	_ =	sdelay $0x4  }
0x105: {  	(v2sf) =	vpush v7, $0x0;
	_ =	sdelay $0xe  }
0x106: {  	s29 =	sand.u32 @!p0 $0xFFFFFF80, s29;
	s30 =	spop (v2sf)  }
0x107: {  	s0 =	ssub.s32 s30, s29  }
0x108: {  	v7 =	vadd.s32 s0, v1;
	_ =	sdelay $0x4  }
0x109: {  	v7 =	vld.idx.msk [tilespmem:v7+s14+$0x0], $0xffff  }
0x10a: {  	v8 =	vadd.s32 s0, v4  }
0x10b: {  	s30 =	sshll.u32 s31, $0x8  }
0x10c: {  	s30 =	sshra.s32 s30, $0x2  }
0x10d: {  	s30 =	sadd.s32 $0x10620, s30  }
0x10e: {  	[tilespmem:s30+$0xFFFFFFE0] =	vst v7  }
0x10f: {  	v7 =	vld.idx.msk [tilespmem:v8+s14+$0x0], $0xffff  }
0x110: {  	v8 =	vadd.s32 s0, v5;
	_ =	sdelay $0x3  }
0x111: {  	[tilespmem:s30+$0xFFFFFFF0] =	vst v7  }
0x112: {  	s31 =	sadd.s32 $0x1, s31;
	v7 =	vld.idx.msk [tilespmem:v8+s14+$0x0], $0xffff  }
0x113: {  	p0 =	sne.s32 s28, s31;
	v8 =	vadd.s32 s0, v6  }
.Ltmp11:
0x114: {  	_ = 	snop;
	(pc) =	sbr.rel @!p0 .LBB2_13-.Ltmp11, $3  }
0x115: {  	_ =	sdelay $0x1  }
0x116: {  	[tilespmem:s30+$0x0] =	vst v7  }
0x117: {  	v7 =	vld.idx.msk [tilespmem:v8+s14+$0x0], $0xffff  }
.LBB2_12:
0x118: {  	_ =	sdelay $0x3  }
0x119: {  	s0 =	smov.u32 s31;
	s31 =	sadd.s32 $0x1, s31;
	[tilespmem:s30+$0x10] =	vst v7;
	s30 =	sadd.s32 $0x40, s30  }
0x11a: {  	p0 =	sne.s32 s28, s31;
	v7 =	vld [tilespmem:s0+$0x80];
	_ =	sdelay $0x4  }
0x11b: {  	(v2sf) =	vpush v7, $0x0;
	_ =	sdelay $0xe  }
0x11c: {  	s0 =	spop (v2sf)  }
0x11d: {  	s0 =	ssub.s32 s0, s29  }
0x11e: {  	v7 =	vadd.s32 s0, v1;
	_ =	sdelay $0x4  }
0x11f: {  	v7 =	vld.idx.msk [tilespmem:v7+s14+$0x0], $0xffff;
	_ =	sdelay $0x1  }
0x120: {  	v8 =	vadd.s32 s0, v4;
	_ =	sdelay $0x3  }
0x121: {  	[tilespmem:s30+$0xFFFFFFE0] =	vst v7  }
0x122: {  	v7 =	vld.idx.msk [tilespmem:v8+s14+$0x0], $0xffff;
	_ =	sdelay $0x1  }
0x123: {  	v8 =	vadd.s32 s0, v5;
	_ =	sdelay $0x3  }
0x124: {  	[tilespmem:s30+$0xFFFFFFF0] =	vst v7  }
0x125: {  	v7 =	vld.idx.msk [tilespmem:v8+s14+$0x0], $0xffff;
	_ =	sdelay $0x1  }
0x126: {  	v8 =	vadd.s32 s0, v6  }
.Ltmp12:
0x127: {  	(pc) =	sbr.rel @p0 .LBB2_12-.Ltmp12, $3  }
0x128: {  	_ =	sdelay $0x1  }
0x129: {  	[tilespmem:s30+$0x0] =	vst v7  }
0x12a: {  	v7 =	vld.idx.msk [tilespmem:v8+s14+$0x0], $0xffff  }
.LBB2_13:
0x12b: {  	_ =	sdelay $0x3  }
0x12c: {  	[tilespmem:s30+$0x10] =	vst v7  }
.LBB2_14:
0x12d: {  	s0 =	sadd.s32 $0x9, s25  }
0x12e: {  	p0 =	sge.s32 s0, s22  }
0x12f: {  	v7 =	vld @!p0 [tilespmem:s0+$0x300];
	_ =	sdelay $0x4  }
0x130: {  	(v2sf) =	vpush @!p0 v7, $0x0;
	_ =	sdelay $0xe  }
0x131: {  	s0 =	spop @!p0 (v2sf)  }
0x132: {  	v7 =	vld @!p0 [tilespmem:s0+$0x80];
	_ =	sdelay $0x4  }
0x133: {  	(v2sf) =	vpush @!p0 v7, $0x0;
	_ =	sdelay $0xe  }
0x134: {  	s0 =	spop @!p0 (v2sf)  }
0x135: {  	s28 =	simm.s32 @!p0 $0x400;
	s0 =	sand.u32 @!p0 $0xFFFFF80, s0  }
0x136: {  	s29 =	simm.s32 @!p0 $0x7A1400;
	s30 =	simm.s32 @!p0 $0x2600;
	s0 =	sadd.s32 @!p0 s1, s0  }
0x137: {  	[tilespmem:s30], [sflag:$0x2] =	stream.strided.gather @!p0 [hbm4b:s0+s28], $0x2000, s29, s28, $0x38;
	[tilespmem:$0x18600] =	vst v63  }
0x138: {  	s0 =	sor.u32 $0x2, s25  }
0x139: {  	p0 =	sge.s32 s0, s22  }
0x13a: {  	s28 =	simm.s32 @!p0 $0x3  }
0x13b: {  	_ =	swait.ge @!p0 [sflag:s28], $0x2000  }
0x13c: {  	[sflag:s28] =	ssyncset.done @!p0 $0x0  }
0x13d: {  	[sflag:s28] =	ssyncadd.s32 @!p0 $0xFFFFE000  }
0x13e: {  	v7 =	vld @!p0 [tilespmem:s0+$0x300];
	_ =	sdelay $0x4  }
0x13f: {  	(v2sf) =	vpush @!p0 v7, $0x0;
	_ =	sdelay $0x9  }
0x140: {  	v7 =	vld @!p0 [tilespmem:s25+$0x303];
	_ =	sdelay $0x4  }
0x141: {  	s31 =	spop @!p0 (v2sf);
	(v2sf) =	vpush @!p0 v7, $0x0;
	_ =	sdelay $0x2  }
0x142: {  	v8 =	vld @!p0 [tilespmem:s31+$0x80];
	_ =	sdelay $0x4  }
0x143: {  	(v2sf) =	vpush @!p0 v8, $0x0;
	_ =	sdelay $0x6  }
0x144: {  	s28 =	spop @!p0 (v2sf)  }
0x145: {  	s0 =	ssub.s32 @!p0 s28, s31  }
0x146: {  	p1 =	slt.s32 @!p0 s0, $0x1  }
0x147: {  	p1 =	por p0, p1  }
.Ltmp13:
0x148: {  	_ = 	snop;
	(pc) =	sbr.rel @p1 .LBB2_18-.Ltmp13, $2  }
0x149: {  	_ =	sdelay $0x2  }
0x14a: {  	s29 =	spop @!p0 (v2sf)  }
0x14b: {  	v7 =	vld [tilespmem:s31+$0x80];
	_ =	sdelay $0x4  }
0x14c: {  	(v2sf) =	vpush v7, $0x0;
	_ =	sdelay $0xe  }
0x14d: {  	s29 =	sand.u32 @!p0 $0xFFFFFF80, s29;
	s0 =	spop (v2sf)  }
0x14e: {  	s0 =	ssub.s32 s0, s29  }
0x14f: {  	v7 =	vadd.s32 s0, v1;
	_ =	sdelay $0x4  }
0x150: {  	v7 =	vld.idx.msk [tilespmem:v7+s15+$0x0], $0xffff  }
0x151: {  	v8 =	vadd.s32 s0, v4  }
0x152: {  	s30 =	sshll.u32 s31, $0x8  }
0x153: {  	s30 =	sshra.s32 s30, $0x2  }
0x154: {  	s30 =	sadd.s32 $0x10620, s30  }
0x155: {  	[tilespmem:s30+$0xFFFFFFE0] =	vst v7  }
0x156: {  	v7 =	vld.idx.msk [tilespmem:v8+s15+$0x0], $0xffff  }
0x157: {  	v8 =	vadd.s32 s0, v5;
	_ =	sdelay $0x3  }
0x158: {  	[tilespmem:s30+$0xFFFFFFF0] =	vst v7  }
0x159: {  	s31 =	sadd.s32 $0x1, s31;
	v7 =	vld.idx.msk [tilespmem:v8+s15+$0x0], $0xffff  }
0x15a: {  	p0 =	sne.s32 s28, s31;
	v8 =	vadd.s32 s0, v6  }
.Ltmp14:
0x15b: {  	_ = 	snop;
	(pc) =	sbr.rel @!p0 .LBB2_17-.Ltmp14, $3  }
0x15c: {  	_ =	sdelay $0x1  }
0x15d: {  	[tilespmem:s30+$0x0] =	vst v7  }
0x15e: {  	v7 =	vld.idx.msk [tilespmem:v8+s15+$0x0], $0xffff  }
.LBB2_16:
0x15f: {  	_ =	sdelay $0x3  }
0x160: {  	s0 =	smov.u32 s31;
	s31 =	sadd.s32 $0x1, s31;
	[tilespmem:s30+$0x10] =	vst v7;
	s30 =	sadd.s32 $0x40, s30  }
0x161: {  	p0 =	sne.s32 s28, s31;
	v7 =	vld [tilespmem:s0+$0x80];
	_ =	sdelay $0x4  }
0x162: {  	(v2sf) =	vpush v7, $0x0;
	_ =	sdelay $0xe  }
0x163: {  	s0 =	spop (v2sf)  }
0x164: {  	s0 =	ssub.s32 s0, s29  }
0x165: {  	v7 =	vadd.s32 s0, v1;
	_ =	sdelay $0x4  }
0x166: {  	v7 =	vld.idx.msk [tilespmem:v7+s15+$0x0], $0xffff;
	_ =	sdelay $0x1  }
0x167: {  	v8 =	vadd.s32 s0, v4;
	_ =	sdelay $0x3  }
0x168: {  	[tilespmem:s30+$0xFFFFFFE0] =	vst v7  }
0x169: {  	v7 =	vld.idx.msk [tilespmem:v8+s15+$0x0], $0xffff;
	_ =	sdelay $0x1  }
0x16a: {  	v8 =	vadd.s32 s0, v5;
	_ =	sdelay $0x3  }
0x16b: {  	[tilespmem:s30+$0xFFFFFFF0] =	vst v7  }
0x16c: {  	v7 =	vld.idx.msk [tilespmem:v8+s15+$0x0], $0xffff;
	_ =	sdelay $0x1  }
0x16d: {  	v8 =	vadd.s32 s0, v6  }
.Ltmp15:
0x16e: {  	(pc) =	sbr.rel @p0 .LBB2_16-.Ltmp15, $3  }
0x16f: {  	_ =	sdelay $0x1  }
0x170: {  	[tilespmem:s30+$0x0] =	vst v7  }
0x171: {  	v7 =	vld.idx.msk [tilespmem:v8+s15+$0x0], $0xffff  }
.LBB2_17:
0x172: {  	_ =	sdelay $0x3  }
0x173: {  	[tilespmem:s30+$0x10] =	vst v7  }
.LBB2_18:
0x174: {  	s0 =	sadd.s32 $0xA, s25  }
0x175: {  	p0 =	sge.s32 s0, s22  }
0x176: {  	v7 =	vld @!p0 [tilespmem:s0+$0x300];
	_ =	sdelay $0x4  }
0x177: {  	(v2sf) =	vpush @!p0 v7, $0x0;
	_ =	sdelay $0xe  }
0x178: {  	s0 =	spop @!p0 (v2sf)  }
0x179: {  	v7 =	vld @!p0 [tilespmem:s0+$0x80];
	_ =	sdelay $0x4  }
0x17a: {  	(v2sf) =	vpush @!p0 v7, $0x0;
	_ =	sdelay $0xe  }
0x17b: {  	s0 =	spop @!p0 (v2sf)  }
0x17c: {  	s28 =	simm.s32 @!p0 $0x400;
	s0 =	sand.u32 @!p0 $0xFFFFF80, s0  }
0x17d: {  	s29 =	simm.s32 @!p0 $0x7A1400;
	s30 =	simm.s32 @!p0 $0x4600;
	s0 =	sadd.s32 @!p0 s1, s0  }
0x17e: {  	[tilespmem:s30], [sflag:$0x3] =	stream.strided.gather @!p0 [hbm4b:s0+s28], $0x2000, s29, s28, $0x38;
	[tilespmem:$0x18600] =	vst v63  }
0x17f: {  	s0 =	sor.u32 $0x3, s25  }
0x180: {  	p0 =	sge.s32 s0, s22  }
0x181: {  	s28 =	simm.s32 @!p0 $0x4  }
0x182: {  	_ =	swait.ge @!p0 [sflag:s28], $0x2000  }
0x183: {  	[sflag:s28] =	ssyncset.done @!p0 $0x0  }
0x184: {  	[sflag:s28] =	ssyncadd.s32 @!p0 $0xFFFFE000  }
0x185: {  	v7 =	vld @!p0 [tilespmem:s0+$0x300];
	_ =	sdelay $0x4  }
0x186: {  	(v2sf) =	vpush @!p0 v7, $0x0;
	_ =	sdelay $0x9  }
0x187: {  	v7 =	vld @!p0 [tilespmem:s25+$0x304];
	_ =	sdelay $0x4  }
0x188: {  	s31 =	spop @!p0 (v2sf);
	(v2sf) =	vpush @!p0 v7, $0x0;
	_ =	sdelay $0x2  }
0x189: {  	v8 =	vld @!p0 [tilespmem:s31+$0x80];
	_ =	sdelay $0x4  }
0x18a: {  	(v2sf) =	vpush @!p0 v8, $0x0;
	_ =	sdelay $0x6  }
0x18b: {  	s28 =	spop @!p0 (v2sf)  }
0x18c: {  	s0 =	ssub.s32 @!p0 s28, s31  }
0x18d: {  	p1 =	slt.s32 @!p0 s0, $0x1  }
0x18e: {  	p1 =	por p0, p1  }
.Ltmp16:
0x18f: {  	_ = 	snop;
	(pc) =	sbr.rel @p1 .LBB2_22-.Ltmp16, $2  }
0x190: {  	_ =	sdelay $0x2  }
0x191: {  	s29 =	spop @!p0 (v2sf)  }
0x192: {  	v7 =	vld [tilespmem:s31+$0x80];
	_ =	sdelay $0x4  }
0x193: {  	(v2sf) =	vpush v7, $0x0;
	_ =	sdelay $0xe  }
0x194: {  	s29 =	sand.u32 @!p0 $0xFFFFFF80, s29;
	s0 =	spop (v2sf)  }
0x195: {  	s0 =	ssub.s32 s0, s29  }
0x196: {  	v7 =	vadd.s32 s0, v1;
	_ =	sdelay $0x4  }
0x197: {  	v7 =	vld.idx.msk [tilespmem:v7+s16+$0x0], $0xffff  }
0x198: {  	v8 =	vadd.s32 s0, v4  }
0x199: {  	s30 =	sshll.u32 s31, $0x8  }
0x19a: {  	s30 =	sshra.s32 s30, $0x2  }
0x19b: {  	s30 =	sadd.s32 $0x10620, s30  }
0x19c: {  	[tilespmem:s30+$0xFFFFFFE0] =	vst v7  }
0x19d: {  	v7 =	vld.idx.msk [tilespmem:v8+s16+$0x0], $0xffff  }
0x19e: {  	v8 =	vadd.s32 s0, v5;
	_ =	sdelay $0x3  }
0x19f: {  	[tilespmem:s30+$0xFFFFFFF0] =	vst v7  }
0x1a0: {  	s31 =	sadd.s32 $0x1, s31;
	v7 =	vld.idx.msk [tilespmem:v8+s16+$0x0], $0xffff  }
0x1a1: {  	p0 =	sne.s32 s28, s31;
	v8 =	vadd.s32 s0, v6  }
.Ltmp17:
0x1a2: {  	_ = 	snop;
	(pc) =	sbr.rel @!p0 .LBB2_21-.Ltmp17, $3  }
0x1a3: {  	_ =	sdelay $0x1  }
0x1a4: {  	[tilespmem:s30+$0x0] =	vst v7  }
0x1a5: {  	v7 =	vld.idx.msk [tilespmem:v8+s16+$0x0], $0xffff  }
.LBB2_20:
0x1a6: {  	_ =	sdelay $0x3  }
0x1a7: {  	s0 =	smov.u32 s31;
	s31 =	sadd.s32 $0x1, s31;
	[tilespmem:s30+$0x10] =	vst v7;
	s30 =	sadd.s32 $0x40, s30  }
0x1a8: {  	p0 =	sne.s32 s28, s31;
	v7 =	vld [tilespmem:s0+$0x80];
	_ =	sdelay $0x4  }
0x1a9: {  	(v2sf) =	vpush v7, $0x0;
	_ =	sdelay $0xe  }
0x1aa: {  	s0 =	spop (v2sf)  }
0x1ab: {  	s0 =	ssub.s32 s0, s29  }
0x1ac: {  	v7 =	vadd.s32 s0, v1;
	_ =	sdelay $0x4  }
0x1ad: {  	v7 =	vld.idx.msk [tilespmem:v7+s16+$0x0], $0xffff;
	_ =	sdelay $0x1  }
0x1ae: {  	v8 =	vadd.s32 s0, v4;
	_ =	sdelay $0x3  }
0x1af: {  	[tilespmem:s30+$0xFFFFFFE0] =	vst v7  }
0x1b0: {  	v7 =	vld.idx.msk [tilespmem:v8+s16+$0x0], $0xffff;
	_ =	sdelay $0x1  }
0x1b1: {  	v8 =	vadd.s32 s0, v5;
	_ =	sdelay $0x3  }
0x1b2: {  	[tilespmem:s30+$0xFFFFFFF0] =	vst v7  }
0x1b3: {  	v7 =	vld.idx.msk [tilespmem:v8+s16+$0x0], $0xffff;
	_ =	sdelay $0x1  }
0x1b4: {  	v8 =	vadd.s32 s0, v6  }
.Ltmp18:
0x1b5: {  	(pc) =	sbr.rel @p0 .LBB2_20-.Ltmp18, $3  }
0x1b6: {  	_ =	sdelay $0x1  }
0x1b7: {  	[tilespmem:s30+$0x0] =	vst v7  }
0x1b8: {  	v7 =	vld.idx.msk [tilespmem:v8+s16+$0x0], $0xffff  }
.LBB2_21:
0x1b9: {  	_ =	sdelay $0x3  }
0x1ba: {  	[tilespmem:s30+$0x10] =	vst v7  }
.LBB2_22:
0x1bb: {  	s0 =	sadd.s32 $0xB, s25  }
0x1bc: {  	p0 =	sge.s32 s0, s22  }
0x1bd: {  	v7 =	vld @!p0 [tilespmem:s0+$0x300];
	_ =	sdelay $0x4  }
0x1be: {  	(v2sf) =	vpush @!p0 v7, $0x0;
	_ =	sdelay $0xe  }
0x1bf: {  	s0 =	spop @!p0 (v2sf)  }
0x1c0: {  	v7 =	vld @!p0 [tilespmem:s0+$0x80];
	_ =	sdelay $0x4  }
0x1c1: {  	(v2sf) =	vpush @!p0 v7, $0x0;
	_ =	sdelay $0xe  }
0x1c2: {  	s0 =	spop @!p0 (v2sf)  }
0x1c3: {  	s28 =	simm.s32 @!p0 $0x400;
	s0 =	sand.u32 @!p0 $0xFFFFF80, s0  }
0x1c4: {  	s29 =	simm.s32 @!p0 $0x7A1400;
	s30 =	simm.s32 @!p0 $0x6600;
	s0 =	sadd.s32 @!p0 s1, s0  }
0x1c5: {  	[tilespmem:s30], [sflag:$0x4] =	stream.strided.gather @!p0 [hbm4b:s0+s28], $0x2000, s29, s28, $0x38;
	[tilespmem:$0x18600] =	vst v63  }
0x1c6: {  	s0 =	sor.u32 $0x4, s25  }
0x1c7: {  	p0 =	sge.s32 s0, s22  }
0x1c8: {  	s28 =	simm.s32 @!p0 $0x5  }
0x1c9: {  	_ =	swait.ge @!p0 [sflag:s28], $0x2000  }
0x1ca: {  	[sflag:s28] =	ssyncset.done @!p0 $0x0  }
0x1cb: {  	[sflag:s28] =	ssyncadd.s32 @!p0 $0xFFFFE000  }
0x1cc: {  	v7 =	vld @!p0 [tilespmem:s0+$0x300];
	_ =	sdelay $0x4  }
0x1cd: {  	(v2sf) =	vpush @!p0 v7, $0x0;
	_ =	sdelay $0x9  }
0x1ce: {  	v7 =	vld @!p0 [tilespmem:s25+$0x305];
	_ =	sdelay $0x4  }
0x1cf: {  	s31 =	spop @!p0 (v2sf);
	(v2sf) =	vpush @!p0 v7, $0x0;
	_ =	sdelay $0x2  }
0x1d0: {  	v8 =	vld @!p0 [tilespmem:s31+$0x80];
	_ =	sdelay $0x4  }
0x1d1: {  	(v2sf) =	vpush @!p0 v8, $0x0;
	_ =	sdelay $0x6  }
0x1d2: {  	s28 =	spop @!p0 (v2sf)  }
0x1d3: {  	s0 =	ssub.s32 @!p0 s28, s31  }
0x1d4: {  	p1 =	slt.s32 @!p0 s0, $0x1  }
0x1d5: {  	p1 =	por p0, p1  }
.Ltmp19:
0x1d6: {  	_ = 	snop;
	(pc) =	sbr.rel @p1 .LBB2_26-.Ltmp19, $2  }
0x1d7: {  	_ =	sdelay $0x2  }
0x1d8: {  	s29 =	spop @!p0 (v2sf)  }
0x1d9: {  	v7 =	vld [tilespmem:s31+$0x80];
	_ =	sdelay $0x4  }
0x1da: {  	(v2sf) =	vpush v7, $0x0;
	_ =	sdelay $0xe  }
0x1db: {  	s29 =	sand.u32 @!p0 $0xFFFFFF80, s29;
	s0 =	spop (v2sf)  }
0x1dc: {  	s0 =	ssub.s32 s0, s29  }
0x1dd: {  	v7 =	vadd.s32 s0, v1;
	_ =	sdelay $0x4  }
0x1de: {  	v7 =	vld.idx.msk [tilespmem:v7+s12+$0x0], $0xffff  }
0x1df: {  	v8 =	vadd.s32 s0, v4  }
0x1e0: {  	s30 =	sshll.u32 s31, $0x8  }
0x1e1: {  	s30 =	sshra.s32 s30, $0x2  }
0x1e2: {  	s30 =	sadd.s32 $0x10620, s30  }
0x1e3: {  	[tilespmem:s30+$0xFFFFFFE0] =	vst v7  }
0x1e4: {  	v7 =	vld.idx.msk [tilespmem:v8+s12+$0x0], $0xffff  }
0x1e5: {  	v8 =	vadd.s32 s0, v5;
	_ =	sdelay $0x3  }
0x1e6: {  	[tilespmem:s30+$0xFFFFFFF0] =	vst v7  }
0x1e7: {  	s31 =	sadd.s32 $0x1, s31;
	v7 =	vld.idx.msk [tilespmem:v8+s12+$0x0], $0xffff  }
0x1e8: {  	p0 =	sne.s32 s28, s31;
	v8 =	vadd.s32 s0, v6  }
.Ltmp20:
0x1e9: {  	_ = 	snop;
	(pc) =	sbr.rel @!p0 .LBB2_25-.Ltmp20, $3  }
0x1ea: {  	_ =	sdelay $0x1  }
0x1eb: {  	[tilespmem:s30+$0x0] =	vst v7  }
0x1ec: {  	v7 =	vld.idx.msk [tilespmem:v8+s12+$0x0], $0xffff  }
.LBB2_24:
0x1ed: {  	_ =	sdelay $0x3  }
0x1ee: {  	s0 =	smov.u32 s31;
	s31 =	sadd.s32 $0x1, s31;
	[tilespmem:s30+$0x10] =	vst v7;
	s30 =	sadd.s32 $0x40, s30  }
0x1ef: {  	p0 =	sne.s32 s28, s31;
	v7 =	vld [tilespmem:s0+$0x80];
	_ =	sdelay $0x4  }
0x1f0: {  	(v2sf) =	vpush v7, $0x0;
	_ =	sdelay $0xe  }
0x1f1: {  	s0 =	spop (v2sf)  }
0x1f2: {  	s0 =	ssub.s32 s0, s29  }
0x1f3: {  	v7 =	vadd.s32 s0, v1;
	_ =	sdelay $0x4  }
0x1f4: {  	v7 =	vld.idx.msk [tilespmem:v7+s12+$0x0], $0xffff;
	_ =	sdelay $0x1  }
0x1f5: {  	v8 =	vadd.s32 s0, v4;
	_ =	sdelay $0x3  }
0x1f6: {  	[tilespmem:s30+$0xFFFFFFE0] =	vst v7  }
0x1f7: {  	v7 =	vld.idx.msk [tilespmem:v8+s12+$0x0], $0xffff;
	_ =	sdelay $0x1  }
0x1f8: {  	v8 =	vadd.s32 s0, v5;
	_ =	sdelay $0x3  }
0x1f9: {  	[tilespmem:s30+$0xFFFFFFF0] =	vst v7  }
0x1fa: {  	v7 =	vld.idx.msk [tilespmem:v8+s12+$0x0], $0xffff;
	_ =	sdelay $0x1  }
0x1fb: {  	v8 =	vadd.s32 s0, v6  }
.Ltmp21:
0x1fc: {  	(pc) =	sbr.rel @p0 .LBB2_24-.Ltmp21, $3  }
0x1fd: {  	_ =	sdelay $0x1  }
0x1fe: {  	[tilespmem:s30+$0x0] =	vst v7  }
0x1ff: {  	v7 =	vld.idx.msk [tilespmem:v8+s12+$0x0], $0xffff  }
.LBB2_25:
0x200: {  	_ =	sdelay $0x3  }
0x201: {  	[tilespmem:s30+$0x10] =	vst v7  }
.LBB2_26:
0x202: {  	s0 =	sadd.s32 $0xC, s25  }
0x203: {  	p0 =	sge.s32 s0, s22  }
0x204: {  	v7 =	vld @!p0 [tilespmem:s0+$0x300];
	_ =	sdelay $0x4  }
0x205: {  	(v2sf) =	vpush @!p0 v7, $0x0;
	_ =	sdelay $0xe  }
0x206: {  	s0 =	spop @!p0 (v2sf)  }
0x207: {  	v7 =	vld @!p0 [tilespmem:s0+$0x80];
	_ =	sdelay $0x4  }
0x208: {  	(v2sf) =	vpush @!p0 v7, $0x0;
	_ =	sdelay $0xe  }
0x209: {  	s0 =	spop @!p0 (v2sf)  }
0x20a: {  	s28 =	simm.s32 @!p0 $0x400;
	s0 =	sand.u32 @!p0 $0xFFFFF80, s0  }
0x20b: {  	s29 =	simm.s32 @!p0 $0x7A1400;
	s30 =	simm.s32 @!p0 $0x8600;
	s0 =	sadd.s32 @!p0 s1, s0  }
0x20c: {  	[tilespmem:s30], [sflag:$0x5] =	stream.strided.gather @!p0 [hbm4b:s0+s28], $0x2000, s29, s28, $0x38;
	[tilespmem:$0x18600] =	vst v63  }
0x20d: {  	s0 =	sor.u32 $0x5, s25  }
0x20e: {  	p0 =	sge.s32 s0, s22  }
0x20f: {  	s28 =	simm.s32 @!p0 $0x6  }
0x210: {  	_ =	swait.ge @!p0 [sflag:s28], $0x2000  }
0x211: {  	[sflag:s28] =	ssyncset.done @!p0 $0x0  }
0x212: {  	[sflag:s28] =	ssyncadd.s32 @!p0 $0xFFFFE000  }
0x213: {  	v7 =	vld @!p0 [tilespmem:s0+$0x300];
	_ =	sdelay $0x4  }
0x214: {  	(v2sf) =	vpush @!p0 v7, $0x0;
	_ =	sdelay $0x9  }
0x215: {  	v7 =	vld @!p0 [tilespmem:s25+$0x306];
	_ =	sdelay $0x4  }
0x216: {  	s31 =	spop @!p0 (v2sf);
	(v2sf) =	vpush @!p0 v7, $0x0;
	_ =	sdelay $0x2  }
0x217: {  	v8 =	vld @!p0 [tilespmem:s31+$0x80];
	_ =	sdelay $0x4  }
0x218: {  	(v2sf) =	vpush @!p0 v8, $0x0;
	_ =	sdelay $0x6  }
0x219: {  	s28 =	spop @!p0 (v2sf)  }
0x21a: {  	s0 =	ssub.s32 @!p0 s28, s31  }
0x21b: {  	p1 =	slt.s32 @!p0 s0, $0x1  }
0x21c: {  	p1 =	por p0, p1  }
.Ltmp22:
0x21d: {  	_ = 	snop;
	(pc) =	sbr.rel @p1 .LBB2_30-.Ltmp22, $2  }
0x21e: {  	_ =	sdelay $0x2  }
0x21f: {  	s29 =	spop @!p0 (v2sf)  }
0x220: {  	v7 =	vld [tilespmem:s31+$0x80];
	_ =	sdelay $0x4  }
0x221: {  	(v2sf) =	vpush v7, $0x0;
	_ =	sdelay $0xe  }
0x222: {  	s29 =	sand.u32 @!p0 $0xFFFFFF80, s29;
	s0 =	spop (v2sf)  }
0x223: {  	s0 =	ssub.s32 s0, s29  }
0x224: {  	v7 =	vadd.s32 s0, v1;
	_ =	sdelay $0x4  }
0x225: {  	v7 =	vld.idx.msk [tilespmem:v7+s17+$0x0], $0xffff  }
0x226: {  	v8 =	vadd.s32 s0, v4  }
0x227: {  	s30 =	sshll.u32 s31, $0x8  }
0x228: {  	s30 =	sshra.s32 s30, $0x2  }
0x229: {  	s30 =	sadd.s32 $0x10620, s30  }
0x22a: {  	[tilespmem:s30+$0xFFFFFFE0] =	vst v7  }
0x22b: {  	v7 =	vld.idx.msk [tilespmem:v8+s17+$0x0], $0xffff  }
0x22c: {  	v8 =	vadd.s32 s0, v5;
	_ =	sdelay $0x3  }
0x22d: {  	[tilespmem:s30+$0xFFFFFFF0] =	vst v7  }
0x22e: {  	s31 =	sadd.s32 $0x1, s31;
	v7 =	vld.idx.msk [tilespmem:v8+s17+$0x0], $0xffff  }
0x22f: {  	p0 =	sne.s32 s28, s31;
	v8 =	vadd.s32 s0, v6  }
.Ltmp23:
0x230: {  	_ = 	snop;
	(pc) =	sbr.rel @!p0 .LBB2_29-.Ltmp23, $3  }
0x231: {  	_ =	sdelay $0x1  }
0x232: {  	[tilespmem:s30+$0x0] =	vst v7  }
0x233: {  	v7 =	vld.idx.msk [tilespmem:v8+s17+$0x0], $0xffff  }
.LBB2_28:
0x234: {  	_ =	sdelay $0x3  }
0x235: {  	s0 =	smov.u32 s31;
	s31 =	sadd.s32 $0x1, s31;
	[tilespmem:s30+$0x10] =	vst v7;
	s30 =	sadd.s32 $0x40, s30  }
0x236: {  	p0 =	sne.s32 s28, s31;
	v7 =	vld [tilespmem:s0+$0x80];
	_ =	sdelay $0x4  }
0x237: {  	(v2sf) =	vpush v7, $0x0;
	_ =	sdelay $0xe  }
0x238: {  	s0 =	spop (v2sf)  }
0x239: {  	s0 =	ssub.s32 s0, s29  }
0x23a: {  	v7 =	vadd.s32 s0, v1;
	_ =	sdelay $0x4  }
0x23b: {  	v7 =	vld.idx.msk [tilespmem:v7+s17+$0x0], $0xffff;
	_ =	sdelay $0x1  }
0x23c: {  	v8 =	vadd.s32 s0, v4;
	_ =	sdelay $0x3  }
0x23d: {  	[tilespmem:s30+$0xFFFFFFE0] =	vst v7  }
0x23e: {  	v7 =	vld.idx.msk [tilespmem:v8+s17+$0x0], $0xffff;
	_ =	sdelay $0x1  }
0x23f: {  	v8 =	vadd.s32 s0, v5;
	_ =	sdelay $0x3  }
0x240: {  	[tilespmem:s30+$0xFFFFFFF0] =	vst v7  }
0x241: {  	v7 =	vld.idx.msk [tilespmem:v8+s17+$0x0], $0xffff;
	_ =	sdelay $0x1  }
0x242: {  	v8 =	vadd.s32 s0, v6  }
.Ltmp24:
0x243: {  	(pc) =	sbr.rel @p0 .LBB2_28-.Ltmp24, $3  }
0x244: {  	_ =	sdelay $0x1  }
0x245: {  	[tilespmem:s30+$0x0] =	vst v7  }
0x246: {  	v7 =	vld.idx.msk [tilespmem:v8+s17+$0x0], $0xffff  }
.LBB2_29:
0x247: {  	_ =	sdelay $0x3  }
0x248: {  	[tilespmem:s30+$0x10] =	vst v7  }
.LBB2_30:
0x249: {  	s0 =	sadd.s32 $0xD, s25  }
0x24a: {  	p0 =	sge.s32 s0, s22  }
0x24b: {  	v7 =	vld @!p0 [tilespmem:s0+$0x300];
	_ =	sdelay $0x4  }
0x24c: {  	(v2sf) =	vpush @!p0 v7, $0x0;
	_ =	sdelay $0xe  }
0x24d: {  	s0 =	spop @!p0 (v2sf)  }
0x24e: {  	v7 =	vld @!p0 [tilespmem:s0+$0x80];
	_ =	sdelay $0x4  }
0x24f: {  	(v2sf) =	vpush @!p0 v7, $0x0;
	_ =	sdelay $0xe  }
0x250: {  	s0 =	spop @!p0 (v2sf)  }
0x251: {  	s28 =	simm.s32 @!p0 $0x400;
	s0 =	sand.u32 @!p0 $0xFFFFF80, s0  }
0x252: {  	s29 =	simm.s32 @!p0 $0x7A1400;
	s30 =	simm.s32 @!p0 $0xA600;
	s0 =	sadd.s32 @!p0 s1, s0  }
0x253: {  	[tilespmem:s30], [sflag:$0x6] =	stream.strided.gather @!p0 [hbm4b:s0+s28], $0x2000, s29, s28, $0x38;
	[tilespmem:$0x18600] =	vst v63  }
0x254: {  	s0 =	sor.u32 $0x6, s25  }
0x255: {  	p0 =	sge.s32 s0, s22  }
0x256: {  	s28 =	simm.s32 @!p0 $0x7  }
0x257: {  	_ =	swait.ge @!p0 [sflag:s28], $0x2000  }
0x258: {  	[sflag:s28] =	ssyncset.done @!p0 $0x0  }
0x259: {  	[sflag:s28] =	ssyncadd.s32 @!p0 $0xFFFFE000  }
0x25a: {  	v7 =	vld @!p0 [tilespmem:s0+$0x300];
	_ =	sdelay $0x4  }
0x25b: {  	(v2sf) =	vpush @!p0 v7, $0x0;
	_ =	sdelay $0x9  }
0x25c: {  	v7 =	vld @!p0 [tilespmem:s25+$0x307];
	_ =	sdelay $0x4  }
0x25d: {  	s31 =	spop @!p0 (v2sf);
	(v2sf) =	vpush @!p0 v7, $0x0;
	_ =	sdelay $0x2  }
0x25e: {  	v8 =	vld @!p0 [tilespmem:s31+$0x80];
	_ =	sdelay $0x4  }
0x25f: {  	(v2sf) =	vpush @!p0 v8, $0x0;
	_ =	sdelay $0x6  }
0x260: {  	s28 =	spop @!p0 (v2sf)  }
0x261: {  	s0 =	ssub.s32 @!p0 s28, s31  }
0x262: {  	p1 =	slt.s32 @!p0 s0, $0x1  }
0x263: {  	p1 =	por p0, p1  }
.Ltmp25:
0x264: {  	_ = 	snop;
	(pc) =	sbr.rel @p1 .LBB2_34-.Ltmp25, $2  }
0x265: {  	_ =	sdelay $0x2  }
0x266: {  	s29 =	spop @!p0 (v2sf)  }
0x267: {  	v7 =	vld [tilespmem:s31+$0x80];
	_ =	sdelay $0x4  }
0x268: {  	(v2sf) =	vpush v7, $0x0;
	_ =	sdelay $0xe  }
0x269: {  	s29 =	sand.u32 @!p0 $0xFFFFFF80, s29;
	s0 =	spop (v2sf)  }
0x26a: {  	s0 =	ssub.s32 s0, s29  }
0x26b: {  	v7 =	vadd.s32 s0, v1;
	_ =	sdelay $0x4  }
0x26c: {  	v7 =	vld.idx.msk [tilespmem:v7+s18+$0x0], $0xffff  }
0x26d: {  	v8 =	vadd.s32 s0, v4  }
0x26e: {  	s30 =	sshll.u32 s31, $0x8  }
0x26f: {  	s30 =	sshra.s32 s30, $0x2  }
0x270: {  	s30 =	sadd.s32 $0x10620, s30  }
0x271: {  	[tilespmem:s30+$0xFFFFFFE0] =	vst v7  }
0x272: {  	v7 =	vld.idx.msk [tilespmem:v8+s18+$0x0], $0xffff  }
0x273: {  	v8 =	vadd.s32 s0, v5;
	_ =	sdelay $0x3  }
0x274: {  	[tilespmem:s30+$0xFFFFFFF0] =	vst v7  }
0x275: {  	s31 =	sadd.s32 $0x1, s31;
	v7 =	vld.idx.msk [tilespmem:v8+s18+$0x0], $0xffff  }
0x276: {  	p0 =	sne.s32 s28, s31;
	v8 =	vadd.s32 s0, v6  }
.Ltmp26:
0x277: {  	_ = 	snop;
	(pc) =	sbr.rel @!p0 .LBB2_33-.Ltmp26, $3  }
0x278: {  	_ =	sdelay $0x1  }
0x279: {  	[tilespmem:s30+$0x0] =	vst v7  }
0x27a: {  	v7 =	vld.idx.msk [tilespmem:v8+s18+$0x0], $0xffff  }
.LBB2_32:
0x27b: {  	_ =	sdelay $0x3  }
0x27c: {  	s0 =	smov.u32 s31;
	s31 =	sadd.s32 $0x1, s31;
	[tilespmem:s30+$0x10] =	vst v7;
	s30 =	sadd.s32 $0x40, s30  }
0x27d: {  	p0 =	sne.s32 s28, s31;
	v7 =	vld [tilespmem:s0+$0x80];
	_ =	sdelay $0x4  }
0x27e: {  	(v2sf) =	vpush v7, $0x0;
	_ =	sdelay $0xe  }
0x27f: {  	s0 =	spop (v2sf)  }
0x280: {  	s0 =	ssub.s32 s0, s29  }
0x281: {  	v7 =	vadd.s32 s0, v1;
	_ =	sdelay $0x4  }
0x282: {  	v7 =	vld.idx.msk [tilespmem:v7+s18+$0x0], $0xffff;
	_ =	sdelay $0x1  }
0x283: {  	v8 =	vadd.s32 s0, v4;
	_ =	sdelay $0x3  }
0x284: {  	[tilespmem:s30+$0xFFFFFFE0] =	vst v7  }
0x285: {  	v7 =	vld.idx.msk [tilespmem:v8+s18+$0x0], $0xffff;
	_ =	sdelay $0x1  }
0x286: {  	v8 =	vadd.s32 s0, v5;
	_ =	sdelay $0x3  }
0x287: {  	[tilespmem:s30+$0xFFFFFFF0] =	vst v7  }
0x288: {  	v7 =	vld.idx.msk [tilespmem:v8+s18+$0x0], $0xffff;
	_ =	sdelay $0x1  }
0x289: {  	v8 =	vadd.s32 s0, v6  }
.Ltmp27:
0x28a: {  	(pc) =	sbr.rel @p0 .LBB2_32-.Ltmp27, $3  }
0x28b: {  	_ =	sdelay $0x1  }
0x28c: {  	[tilespmem:s30+$0x0] =	vst v7  }
0x28d: {  	v7 =	vld.idx.msk [tilespmem:v8+s18+$0x0], $0xffff  }
.LBB2_33:
0x28e: {  	_ =	sdelay $0x3  }
0x28f: {  	[tilespmem:s30+$0x10] =	vst v7  }
.LBB2_34:
0x290: {  	s0 =	sadd.s32 $0xE, s25  }
0x291: {  	p0 =	sge.s32 s0, s22  }
0x292: {  	v7 =	vld @!p0 [tilespmem:s0+$0x300];
	_ =	sdelay $0x4  }
0x293: {  	(v2sf) =	vpush @!p0 v7, $0x0;
	_ =	sdelay $0xe  }
0x294: {  	s0 =	spop @!p0 (v2sf)  }
0x295: {  	v7 =	vld @!p0 [tilespmem:s0+$0x80];
	_ =	sdelay $0x4  }
0x296: {  	(v2sf) =	vpush @!p0 v7, $0x0;
	_ =	sdelay $0xe  }
0x297: {  	s0 =	spop @!p0 (v2sf)  }
0x298: {  	s31 =	sor.u32 $0x7, s25;
	s28 =	simm.s32 @!p0 $0x400;
	s0 =	sand.u32 @!p0 $0xFFFFF80, s0  }
0x299: {  	s29 =	simm.s32 @!p0 $0x7A1400;
	s30 =	simm.s32 @!p0 $0xC600;
	s0 =	sadd.s32 @!p0 s1, s0  }
0x29a: {  	[tilespmem:s30], [sflag:$0x7] =	stream.strided.gather @!p0 [hbm4b:s0+s28], $0x2000, s29, s28, $0x38;
	[tilespmem:$0x18600] =	vst v63  }
0x29b: {  	p0 =	sge.s32 s31, s22  }
0x29c: {  	s0 =	simm.s32 @!p0 $0x8  }
0x29d: {  	_ =	swait.ge @!p0 [sflag:s0], $0x2000  }
0x29e: {  	[sflag:s0] =	ssyncset.done @!p0 $0x0  }
0x29f: {  	[sflag:s0] =	ssyncadd.s32 @!p0 $0xFFFFE000  }
0x2a0: {  	v7 =	vld @!p0 [tilespmem:s25+$0x307];
	_ =	sdelay $0x4  }
0x2a1: {  	(v2sf) =	vpush @!p0 v7, $0x0;
	_ =	sdelay $0x9  }
0x2a2: {  	v7 =	vld @!p0 [tilespmem:s26+$0x300];
	_ =	sdelay $0x4  }
0x2a3: {  	s30 =	spop @!p0 (v2sf);
	(v2sf) =	vpush @!p0 v7, $0x0;
	_ =	sdelay $0x2  }
0x2a4: {  	v8 =	vld @!p0 [tilespmem:s30+$0x80];
	_ =	sdelay $0x4  }
0x2a5: {  	(v2sf) =	vpush @!p0 v8, $0x0;
	_ =	sdelay $0x6  }
0x2a6: {  	s26 =	spop @!p0 (v2sf)  }
0x2a7: {  	s0 =	ssub.s32 @!p0 s26, s30  }
0x2a8: {  	p1 =	slt.s32 @!p0 s0, $0x1  }
0x2a9: {  	p1 =	por p0, p1  }
.Ltmp28:
0x2aa: {  	_ = 	snop;
	(pc) =	sbr.rel @p1 .LBB2_38-.Ltmp28, $2  }
0x2ab: {  	_ =	sdelay $0x2  }
0x2ac: {  	s28 =	spop @!p0 (v2sf)  }
0x2ad: {  	v7 =	vld [tilespmem:s30+$0x80];
	_ =	sdelay $0x4  }
0x2ae: {  	(v2sf) =	vpush v7, $0x0;
	_ =	sdelay $0xe  }
0x2af: {  	s28 =	sand.u32 @!p0 $0xFFFFFF80, s28;
	s0 =	spop (v2sf)  }
0x2b0: {  	s0 =	ssub.s32 s0, s28  }
0x2b1: {  	v7 =	vadd.s32 s0, v1;
	_ =	sdelay $0x4  }
0x2b2: {  	v7 =	vld.idx.msk [tilespmem:v7+s19+$0x0], $0xffff  }
0x2b3: {  	v8 =	vadd.s32 s0, v4  }
0x2b4: {  	s29 =	sshll.u32 s30, $0x8  }
0x2b5: {  	s29 =	sshra.s32 s29, $0x2  }
0x2b6: {  	s29 =	sadd.s32 $0x10620, s29  }
0x2b7: {  	[tilespmem:s29+$0xFFFFFFE0] =	vst v7  }
0x2b8: {  	v7 =	vld.idx.msk [tilespmem:v8+s19+$0x0], $0xffff  }
0x2b9: {  	v8 =	vadd.s32 s0, v5;
	_ =	sdelay $0x3  }
0x2ba: {  	[tilespmem:s29+$0xFFFFFFF0] =	vst v7  }
0x2bb: {  	v7 =	vld.idx.msk [tilespmem:v8+s19+$0x0], $0xffff  }
0x2bc: {  	v8 =	vadd.s32 s0, v6;
	_ =	sdelay $0x2  }
0x2bd: {  	s30 =	sadd.s32 $0x1, s30  }
0x2be: {  	p0 =	sne.s32 s26, s30;
	[tilespmem:s29+$0x0] =	vst v7  }
.Ltmp29:
0x2bf: {  	v7 =	vld.idx.msk [tilespmem:v8+s19+$0x0], $0xffff;
	(pc) =	sbr.rel @!p0 .LBB2_37-.Ltmp29, $1  }
0x2c0: {  	_ =	sdelay $0x3  }
.LBB2_36:
0x2c1: {  	[tilespmem:s29+$0x10] =	vst v7;
	s29 =	sadd.s32 $0x40, s29;
	s0 =	smov.u32 s30;
	s30 =	sadd.s32 $0x1, s30  }
0x2c2: {  	v7 =	vld [tilespmem:s0+$0x80];
	p0 =	sne.s32 s26, s30;
	_ =	sdelay $0x4  }
0x2c3: {  	(v2sf) =	vpush v7, $0x0;
	_ =	sdelay $0xe  }
0x2c4: {  	s0 =	spop (v2sf)  }
0x2c5: {  	s0 =	ssub.s32 s0, s28  }
0x2c6: {  	v7 =	vadd.s32 s0, v1;
	_ =	sdelay $0x4  }
0x2c7: {  	v7 =	vld.idx.msk [tilespmem:v7+s19+$0x0], $0xffff;
	_ =	sdelay $0x1  }
0x2c8: {  	v8 =	vadd.s32 s0, v4;
	_ =	sdelay $0x3  }
0x2c9: {  	[tilespmem:s29+$0xFFFFFFE0] =	vst v7  }
0x2ca: {  	v7 =	vld.idx.msk [tilespmem:v8+s19+$0x0], $0xffff;
	_ =	sdelay $0x1  }
0x2cb: {  	v8 =	vadd.s32 s0, v5;
	_ =	sdelay $0x3  }
0x2cc: {  	[tilespmem:s29+$0xFFFFFFF0] =	vst v7  }
0x2cd: {  	v7 =	vld.idx.msk [tilespmem:v8+s19+$0x0], $0xffff;
	_ =	sdelay $0x1  }
0x2ce: {  	v8 =	vadd.s32 s0, v6  }
.Ltmp30:
0x2cf: {  	(pc) =	sbr.rel @p0 .LBB2_36-.Ltmp30, $3  }
0x2d0: {  	_ =	sdelay $0x1  }
0x2d1: {  	[tilespmem:s29+$0x0] =	vst v7  }
0x2d2: {  	v7 =	vld.idx.msk [tilespmem:v8+s19+$0x0], $0xffff  }
.Ltmp31:
0x2d3: {  	_ = 	snop;
	(pc) =	sbr.rel .LBB2_37-.Ltmp31, $1  }
0x2d4: {  	_ =	sdelay $0x3  }
.LBB2_40:
0x2d5: {  	_ =	sfence.sel $0x180000  }
0x2d6: {  	[bflag:$0x0] =	sbarrier.arrive $0xFFFF  }
0x2d7: {  	_ =	strace $0x90000047  }
0x2d8: {  	[bflag:$0x2] =	sbarrier.arrive $0xFFFF  }
0x2d9: {  	p0 =	sne.s32 s2, $0x0;
	s0 =	rddreg [dreg:$0x3]  }
0x2da: {  	s0 =	sadd.s32 @!p0 $0x100000, s0  }
0x2db: {  	[sflag:s0] =	ssyncadd.tile.s32 @!p0 $0x1;
	_ =	shalt  }
.Lfunc_end2:
_tile_overlayer_lowered:
.L_overlay_start_2:
0x2dc: {  	(tag) =	ssettag $0x2  }
0x2dd: {  	s0 =	rddreg [dreg:$0x0];
	s2 =	stileid.u32  }
0x2de: {  	s1 =	rddreg [dreg:$0x1];
	p0 =	sne.s32 s2, $0x0  }
0x2df: {  	s3 =	rddreg [dreg:$0x2];
	[bflag:$0x3] =	sbarrier.arrive $0xFFFF;
	s2 =	simm.s32 @!p0 $0x1C09  }
0x2e0: {  	[timem:s3], [sflag:s2] =	dma.local @!p0 [hbm:s0], s1  }
0x2e1: {  	s0 =	simm.s32 @!p0 $0x9  }
0x2e2: {  	_ =	swait.ge @!p0 [sflag:s0], s1  }
0x2e3: {  	s1 =	ssub.s32 @!p0 $0x0, s1;
	[sflag:s0] =	ssyncset.done @!p0 $0x0  }
0x2e4: {  	[sflag:s0] =	ssyncadd.s32 @!p0 s1  }
0x2e5: {  	[bflag:$0x3] =	sbarrier.arrive $0xFFFF  }
0x2e6: {  	_ =	shalt  }

</sc_bundles>
